<compile_context>
chip_gen: v7x
topology: tpu7x:2x2x1
jax: 0.10.2.dev20260603
libtpu: 0.0.44.dev20260713+nightly
codegen_flags: <defaults>
</compile_context>

<pallas_src>
import functools

import jax
import jax.numpy as jnp
from jax import lax
from jax.experimental import pallas as pl
from jax.experimental.pallas import tpu as pltpu
from jax.experimental.pallas import tpu_sc as plsc

_C = 19
_B, _H, _W = 8, 512, 512
_N = _B * _H * _W
_K = int(0.2 * _N)
_NC, _NS, _L = 2, 16, 16
_NW = _NC * _NS
_PT = _N // _NW

_BA = 1024
_BB = 2048


_BH = 128


def _ce_body(lg_ref, tg_ref, out_f_ref, out_i_ref):
    x = lg_ref[0]
    t = tg_ref[0]
    m = jnp.max(x, axis=0)
    s = jnp.sum(jnp.exp(x - m[None]), axis=0)
    cls = lax.broadcasted_iota(jnp.int32, x.shape, 0)
    xt = jnp.sum(jnp.where(cls == t[None], x, 0.0), axis=0)
    loss = jnp.maximum(m + jnp.log(s) - xt, 0.0)
    out_f_ref[...] = loss.reshape(_BH * _W)
    bits = lax.bitcast_convert_type(loss, jnp.int32)
    out_i_ref[...] = ((bits & jnp.int32(-1024)) | t).reshape(_BH * _W)


def _ce_losses(logits, targets):
    flat = pl.BlockSpec((_BH * _W,), lambda b, h: (b * (_H // _BH) + h,))
    return pl.pallas_call(
        _ce_body,
        grid=(_B, _H // _BH),
        in_specs=[
            pl.BlockSpec((1, _C, _BH, _W), lambda b, h: (b, 0, h, 0)),
            pl.BlockSpec((1, _BH, _W), lambda b, h: (b, h, 0)),
        ],
        out_specs=[flat, flat],
        out_shape=[
            jax.ShapeDtypeStruct((_N,), jnp.float32),
            jax.ShapeDtypeStruct((_N,), jnp.int32),
        ],
    )(logits, targets)



_MESH = plsc.VectorSubcoreMesh(core_axis_name="c", subcore_axis_name="s")


def _wid():
    return lax.axis_index("s") * _NC + lax.axis_index("c")


def _zero(ref, n, dtype):
    z = jnp.zeros((_L,), dtype)

    @plsc.parallel_loop(0, n // _L, 1, unroll=8)
    def body(j):
        ref[pl.ds(j * _L, _L)] = z


def _reduce_rows(hist_hbm, buf_v, acc_v, nbins):
    rows = 8
    _zero(acc_v, nbins, jnp.int32)

    def chunk(ci, _):
        src = hist_hbm.at[pl.ds(pl.multiple_of(ci * (rows * nbins), 8),
                                rows * nbins)]
        pltpu.sync_copy(src, buf_v.at[pl.ds(0, rows * nbins)])

        @plsc.parallel_loop(0, nbins // _L, 1, unroll=4)
        def jbody(j):
            acc = acc_v[pl.ds(j * _L, _L)]
            for rr in range(rows):
                acc = acc + buf_v[pl.ds(rr * nbins + j * _L, _L)]
            acc_v[pl.ds(j * _L, _L)] = acc
        return 0

    lax.fori_loop(0, _NW // rows, chunk, 0)


def _find_kth(acc_v, nbins, kk):
    nch = nbins // _L
    lane = lax.iota(jnp.int32, _L)

    def body(i, carry):
        found, bfound, above, cum = carry
        j = nch - 1 - i
        v = acc_v[pl.ds(j * _L, _L)]
        rv = lax.rev(v, (0,))
        cs = plsc.cumsum(rv)
        tot = jnp.max(cs)
        hit = (cum + cs) >= kk
        anyhit = jnp.max(hit.astype(jnp.int32)) > 0
        ps = jnp.max(plsc.all_reduce_ffs(hit))
        bin_here = j * _L + (_L - 1) - ps
        above_here = cum + jnp.sum(jnp.where(lane < ps, rv, 0))
        take = jnp.logical_and(anyhit, found == 0)
        return (jnp.where(take, 1, found),
                jnp.where(take, bin_here, bfound),
                jnp.where(take, above_here, above),
                cum + tot)

    _, b, above, _ = lax.fori_loop(0, nch, body, (0, 0, 0, 0))
    return b, above


def _lane_reduce_store(tbl_v, red_v, nbins):

    @plsc.parallel_loop(0, nbins // _L, 1, unroll=4)
    def rbody(j):
        acc = tbl_v[pl.ds(j * _L, _L)]
        for l in range(1, _L):
            acc = acc + tbl_v[pl.ds(l * nbins + j * _L, _L)]
        red_v[pl.ds(j * _L, _L)] = acc



@functools.partial(
    pl.kernel,
    out_type=jax.ShapeDtypeStruct((_NW * _BA,), jnp.int32),
    mesh=_MESH,
    compiler_params=pltpu.CompilerParams(needs_layout_passes=False),
    scratch_types=[
        pltpu.VMEM((_PT,), jnp.int32),
        pltpu.VMEM((_L * _BA,), jnp.int32),
        pltpu.VMEM((_BA,), jnp.int32),
        pltpu.SemaphoreType.DMA,
    ],
)
def _hist_a(bits_hbm, out_hbm, data_v, tbl_v, red_v, dsem):
    wid = _wid()
    cp = pltpu.async_copy(
        bits_hbm.at[pl.ds(pl.multiple_of(wid * _PT, 8), _PT)], data_v, dsem)
    _zero(tbl_v, _L * _BA, jnp.int32)
    cp.wait()
    lb = lax.iota(jnp.int32, _L) * _BA
    ones = jnp.ones((_L,), jnp.int32)

    @plsc.parallel_loop(0, _PT // _L, 1, unroll=8)
    def body(i):
        bits = data_v[pl.ds(i * _L, _L)]
        plsc.addupdate_scatter(tbl_v, [lb + (bits >> 21)], ones)

    _lane_reduce_store(tbl_v, red_v, _BA)
    pltpu.sync_copy(red_v,
                    out_hbm.at[pl.ds(pl.multiple_of(wid * _BA, 8), _BA)])


@functools.partial(
    pl.kernel,
    out_type=jax.ShapeDtypeStruct((_NW * _BB,), jnp.int32),
    mesh=_MESH,
    compiler_params=pltpu.CompilerParams(needs_layout_passes=False),
    scratch_types=[
        pltpu.VMEM((_PT,), jnp.int32),
        pltpu.VMEM((_L * _BB,), jnp.int32),
        pltpu.VMEM((_BB,), jnp.int32),
        pltpu.VMEM((8 * _BA,), jnp.int32),
        pltpu.VMEM((_BA,), jnp.int32),
        pltpu.SemaphoreType.DMA,
    ],
)
def _hist_b(bits_hbm, ha_hbm, out_hbm, data_v, tbl_v, red_v, buf_v, acca_v,
            dsem):
    wid = _wid()
    cp = pltpu.async_copy(
        bits_hbm.at[pl.ds(pl.multiple_of(wid * _PT, 8), _PT)], data_v, dsem)
    _reduce_rows(ha_hbm, buf_v, acca_v, _BA)
    ba, _ = _find_kth(acca_v, _BA, _K)
    _zero(tbl_v, _L * _BB, jnp.int32)
    cp.wait()
    lb = lax.iota(jnp.int32, _L) * _BB
    ones = jnp.ones((_L,), jnp.int32)

    @plsc.parallel_loop(0, _PT // _L, 1, unroll=8)
    def body(i):
        bits = data_v[pl.ds(i * _L, _L)]
        m = (bits >> 21) == ba
        plsc.addupdate_scatter(tbl_v, [lb + ((bits >> 10) & 0x7FF)], ones,
                               mask=m)

    _lane_reduce_store(tbl_v, red_v, _BB)
    pltpu.sync_copy(red_v,
                    out_hbm.at[pl.ds(pl.multiple_of(wid * _BB, 8), _BB)])


_CH = 16384


@functools.partial(
    pl.kernel,
    out_type=jax.ShapeDtypeStruct((_NW * 128,), jnp.float32),
    mesh=_MESH,
    compiler_params=pltpu.CompilerParams(needs_layout_passes=False),
    scratch_types=[
        pltpu.VMEM((_CH,), jnp.int32),
        pltpu.VMEM((_CH,), jnp.int32),
        pltpu.VMEM((_CH,), jnp.float32),
        pltpu.VMEM((_CH,), jnp.float32),
        pltpu.VMEM((4 * _L * 32,), jnp.float32),
        pltpu.VMEM((128,), jnp.float32),
        pltpu.VMEM((8 * _BB,), jnp.int32),
        pltpu.VMEM((_BA,), jnp.int32),
        pltpu.VMEM((_BB,), jnp.int32),
        pltpu.SemaphoreType.DMA,
    ],
)
def _stats(loss_hbm, bits_hbm, ha_hbm, hb_hbm, out_hbm,
           bi0_v, bi1_v, lo0_v, lo1_v, tbl_v, stg_v, buf_v,
           acca_v, accb_v, sem):
    wid = _wid()
    nch = _PT // _CH
    bi = (bi0_v, bi1_v)
    lo = (lo0_v, lo1_v)

    def start(c, b):
        base = pl.multiple_of(wid * _PT + c * _CH, 8)
        return (pltpu.async_copy(bits_hbm.at[pl.ds(base, _CH)], bi[b], sem),
                pltpu.async_copy(loss_hbm.at[pl.ds(base, _CH)], lo[b], sem))

    hs = start(0, 0)
    _reduce_rows(ha_hbm, buf_v, acca_v, _BA)
    ba, above_a = _find_kth(acca_v, _BA, _K)
    _reduce_rows(hb_hbm, buf_v, accb_v, _BB)
    bb, _ = _find_kth(accb_v, _BB, _K - above_a)
    pfx = ba * _BB + bb

    _zero(tbl_v, 4 * _L * 32, jnp.float32)
    lane32 = lax.iota(jnp.int32, _L) * 32
    onesf = jnp.ones((_L,), jnp.float32)

    for c in range(nch):
        for h in hs:
            h.wait()
        if c + 1 < nch:
            hs = start(c + 1, (c + 1) % 2)
        bb_v, ll_v = bi[c % 2], lo[c % 2]

        @plsc.parallel_loop(0, _CH // _L, 1, unroll=8)
        def body(i, bb_v=bb_v, ll_v=ll_v):
            bits = bb_v[pl.ds(i * _L, _L)]
            v = ll_v[pl.ds(i * _L, _L)]
            t = bits & 31
            hi = bits >> 10
            mg = hi > pfx
            ma = hi >= pfx
            idx = lane32 + t
            off1 = jnp.where(mg, 0, 3 * _L * 32)
            off2 = jnp.where(mg, _L * 32, 2 * _L * 32)
            plsc.addupdate_scatter(tbl_v, [idx + off1], onesf, mask=ma)
            plsc.addupdate_scatter(tbl_v, [idx + off2], v, mask=ma)

    for r, so in ((0, 0), (1, 32), (3, 64), (2, 96)):
        def rbody(j, _, r=r, so=so):
            acc = tbl_v[pl.ds(r * _L * 32 + j * _L, _L)]
            for l in range(1, _L):
                acc = acc + tbl_v[pl.ds(r * _L * 32 + l * 32 + j * _L, _L)]
            stg_v[pl.ds(so + j * _L, _L)] = acc
            return 0

        lax.fori_loop(0, 2, rbody, 0)
    pltpu.sync_copy(stg_v,
                    out_hbm.at[pl.ds(pl.multiple_of(wid * 128, 8), 128)])



def _comb_body(st_ref, out_ref):
    x = st_ref[...]
    cnt = jnp.sum(x[:, 0:32], axis=0)
    s = jnp.sum(x[:, 32:64], axis=0)
    t = jnp.sum(x[:, 64:96], axis=0)
    stie = jnp.sum(x[:, 96:128], axis=0)
    r = _K - jnp.sum(cnt)
    ii = lax.broadcasted_iota(jnp.int32, (32, 32), 0)
    jj = lax.broadcasted_iota(jnp.int32, (32, 32), 1)
    pre = jnp.sum(jnp.where(ii < jj, t[:, None], 0.0), axis=0)
    a = jnp.clip(r - pre, 0.0, t)
    cnt_tot = cnt + a
    s_tot = s + a * (stie / jnp.maximum(t, 1.0))
    contrib = s_tot * lax.rsqrt(cnt_tot + 1e-8)
    out_ref[...] = jnp.reshape(jnp.sum(contrib) * (1.0 / _K ** 0.5), (1, 1))


def _combine(stats):
    return pl.pallas_call(
        _comb_body,
        in_specs=[pl.BlockSpec((_NW, 128), lambda: (0, 0))],
        out_shape=jax.ShapeDtypeStruct((1, 1), jnp.float32),
    )(stats)



def kernel(logits, targets):
    loss_f, loss_i = _ce_losses(logits, targets)
    ha = _hist_a(loss_i)
    hb = _hist_b(loss_i, ha)
    st = _stats(loss_f, loss_i, ha, hb)
    return _combine(st.reshape(_NW, 128)).reshape(())

# --- scband reference (transcript-rebuilt; emitter-appended) ---
"""Pipeline reference for scband-dy-celoss-22359599743166 (READ-ONLY COPY).

The authoritative reference and input builder live on the scoring server;
editing this copy changes nothing except your own understanding.
"""

import jax, jax.numpy as jnp
import numpy as np

NUM_CLASSES = 19
HARD_PCT = 0.2
OMEGA = 0.5
IGNORE_INDEX = -1


def setup_inputs(seed: int = 0):
    key = jax.random.key(seed)
    k1, k2 = jax.random.split(key)
    logits = jax.random.normal(k1, (8, NUM_CLASSES, 512, 512), dtype=jnp.float32)
    targets = jax.random.randint(k2, (8, 512, 512), 0, NUM_CLASSES, dtype=jnp.int32)
    return {"logits": logits, "targets": targets}


def reference(logits, targets):
    B, C, H, W = logits.shape
    # per-pixel cross entropy with reduction='none'
    logp = jax.nn.log_softmax(logits, axis=1)
    flat_logp = jnp.transpose(logp, (0, 2, 3, 1)).reshape(-1, C)
    flat_targets = jnp.reshape(targets, (-1,))
    safe_t = jnp.where(flat_targets == IGNORE_INDEX, 0, flat_targets)
    per_pixel = -jnp.take_along_axis(flat_logp, safe_t[:, None], axis=1)[:, 0]
    per_pixel = jnp.where(flat_targets == IGNORE_INDEX, 0.0, per_pixel)
    valid_mask = flat_targets != IGNORE_INDEX
    n_valid = flat_targets.shape[0]
    num_hard = int(HARD_PCT * n_valid)
    if num_hard == 0:
        return jnp.asarray(0.0, dtype=jnp.float32)
    masked_loss = jnp.where(valid_mask, per_pixel, -jnp.inf)
    hard_losses, hard_indices = jax.lax.top_k(masked_loss, num_hard)
    hard_targets = flat_targets[hard_indices]
    f_H = float(num_hard)
    class_counts = jnp.bincount(hard_targets, length=NUM_CLASSES).astype(jnp.float32)
    f_c = class_counts + 1e-08
    class_weights = 1.0 / f_c ** (1.0 - OMEGA)
    volume_weight = 1.0 / f_H ** OMEGA
    weighted_losses = class_weights[hard_targets] * hard_losses
    dyce_loss = volume_weight * jnp.sum(weighted_losses)
    return dyce_loss

if __name__ == "__main__":
    import jax
    _d = setup_inputs()
    print(jax.jit(kernel)(*tuple(_d.values())))

</pallas_src>

<mosaic_0001>
#map = affine_map<(d0, d1) -> (0)>
module attributes {stable_mosaic.version = 14 : i64} {
  func.func @_stats(%arg0: i32, %arg1: i32, %arg2: memref<2097152xf32, #tpu.memory_space<hbm>>, %arg3: memref<2097152xi32, #tpu.memory_space<hbm>>, %arg4: memref<32768xi32, #tpu.memory_space<hbm>>, %arg5: memref<65536xi32, #tpu.memory_space<hbm>>, %arg6: memref<4096xf32, #tpu.memory_space<hbm>>, %arg7: memref<16384xi32, #tpu.memory_space<vmem>>, %arg8: memref<16384xi32, #tpu.memory_space<vmem>>, %arg9: memref<16384xf32, #tpu.memory_space<vmem>>, %arg10: memref<16384xf32, #tpu.memory_space<vmem>>, %arg11: memref<2048xf32, #tpu.memory_space<vmem>>, %arg12: memref<128xf32, #tpu.memory_space<vmem>>, %arg13: memref<16384xi32, #tpu.memory_space<vmem>>, %arg14: memref<1024xi32, #tpu.memory_space<vmem>>, %arg15: memref<2048xi32, #tpu.memory_space<vmem>>, %arg16: memref<!tpu.dma_semaphore, #tpu.memory_space<semaphore_mem>>) attributes {dimension_semantics = [#tpu.dimension_semantics<core_parallel>, #tpu.dimension_semantics<subcore_parallel>], iteration_bounds = array<i64: 2, 16>, scalar_prefetch = 0 : i64, scratch_operands = 10 : i64, tpu.core_type = #tpu.core_type<sc_vector_subcore>, window_params = [{transform_indices = #map}, {transform_indices = #map}, {transform_indices = #map}, {transform_indices = #map}, {transform_indices = #map}]} {
    %mul3A = arith.constant 2 : i32
    %mul3A_0 = arith.muli %arg1, %mul3A : i32
    %add3A = arith.addi %mul3A_0, %arg0 : i32
    %mul3A_1 = arith.constant 65536 : i32
    %mul3A_2 = arith.muli %add3A, %mul3A_1 : i32
    %add3A_3 = arith.constant 0 : i32
    %add3A_4 = arith.addi %mul3A_2, %add3A_3 : i32
    %multiple_of3A = tpu.assume_multiple %add3A_4, 8 : i32
    %dma_start3A = tpu.memref_slice %arg3[%multiple_of3A] : memref<2097152xi32, #tpu.memory_space<hbm>> -> memref<16384xi32, #tpu.memory_space<hbm>>
    %dma_start3A_5 = tpu.memref_slice %arg3[%multiple_of3A] : memref<2097152xi32, #tpu.memory_space<hbm>> -> memref<16384xi32, #tpu.memory_space<hbm>>
    tpu.enqueue_dma source(%dma_start3A_5 : memref<16384xi32, #tpu.memory_space<hbm>>) target(%arg7 : memref<16384xi32, #tpu.memory_space<vmem>>) target_semaphore(%arg16 : memref<!tpu.dma_semaphore, #tpu.memory_space<semaphore_mem>>)
    %dma_start3A_6 = tpu.memref_slice %arg2[%multiple_of3A] : memref<2097152xf32, #tpu.memory_space<hbm>> -> memref<16384xf32, #tpu.memory_space<hbm>>
    %dma_start3A_7 = tpu.memref_slice %arg2[%multiple_of3A] : memref<2097152xf32, #tpu.memory_space<hbm>> -> memref<16384xf32, #tpu.memory_space<hbm>>
    tpu.enqueue_dma source(%dma_start3A_7 : memref<16384xf32, #tpu.memory_space<hbm>>) target(%arg9 : memref<16384xf32, #tpu.memory_space<vmem>>) target_semaphore(%arg16 : memref<!tpu.dma_semaphore, #tpu.memory_space<semaphore_mem>>)
    %broadcast_in_dim3A = arith.constant 0 : i32
    %broadcast_in_dim3A_8 = vector.broadcast %broadcast_in_dim3A : i32 to vector<16xi32>
    %parallel_loop3A = arith.constant 0 : i32
    %parallel_loop3A_9 = arith.constant 64 : i32
    %parallel_loop3A_10 = arith.constant 1 : i32
    scf.for %parallel_loop3A_150 = %parallel_loop3A to %parallel_loop3A_9 step %parallel_loop3A_10  : i32 {
      %parallel_loop3A_151 = arith.constant 16 : i32
      %parallel_loop3A_152 = arith.muli %parallel_loop3A_150, %parallel_loop3A_151 : i32
      %parallel_loop3A_153 = arith.index_cast %parallel_loop3A_152 : i32 to index
      %parallel_loop3A_154 = tpu.vector_load %arg14[%parallel_loop3A_153] {strides = array<i32>} : memref<1024xi32, #tpu.memory_space<vmem>>, vector<16xi32>,
      tpu.vector_store %arg14[%parallel_loop3A_153], %broadcast_in_dim3A_8 {strides = array<i32>} : memref<1024xi32, #tpu.memory_space<vmem>>, vector<16xi32>,
    } {sc.loop_unroll_factor = 8 : i64, sc.parallel_access}
    %scan3A = arith.constant 0 : i32
    %scan3A_11 = arith.constant 0 : i32
    %scan3A_12 = arith.constant 4 : i32
    %scan3A_13 = arith.addi %scan3A_11, %scan3A_12 : i32
    %scan3A_14 = arith.constant 1 : i32
    %scan3A_15 = scf.for %scan3A_150 = %scan3A_11 to %scan3A_13 step %scan3A_14 iter_args(%scan3A_151 = %scan3A) -> (i32)  : i32 {
      %mul3A_152 = arith.constant 8192 : i32
      %mul3A_153 = arith.muli %scan3A_150, %mul3A_152 : i32
      %multiple_of3A_154 = tpu.assume_multiple %mul3A_153, 8 : i32
      "tpu.region"() ({
        %run_scoped3A = tpu.sem_alloc : memref<!tpu.dma_semaphore, #tpu.memory_space<semaphore_mem>>
        %dma_start3A_159 = arith.constant 0 : i32
        %dma_start3A_160 = tpu.memref_slice %arg13[%dma_start3A_159] : memref<16384xi32, #tpu.memory_space<vmem>> -> memref<8192xi32, #tpu.memory_space<vmem>>
        %dma_start3A_161 = tpu.memref_slice %arg4[%multiple_of3A_154] : memref<32768xi32, #tpu.memory_space<hbm>> -> memref<8192xi32, #tpu.memory_space<hbm>>
        %dma_start3A_162 = arith.constant 0 : i32
        %dma_start3A_163 = tpu.memref_slice %arg13[%dma_start3A_162] : memref<16384xi32, #tpu.memory_space<vmem>> -> memref<8192xi32, #tpu.memory_space<vmem>>
        %dma_start3A_164 = tpu.memref_slice %arg4[%multiple_of3A_154] : memref<32768xi32, #tpu.memory_space<hbm>> -> memref<8192xi32, #tpu.memory_space<hbm>>
        tpu.enqueue_dma source(%dma_start3A_164 : memref<8192xi32, #tpu.memory_space<hbm>>) target(%dma_start3A_163 : memref<8192xi32, #tpu.memory_space<vmem>>) target_semaphore(%run_scoped3A : memref<!tpu.dma_semaphore, #tpu.memory_space<semaphore_mem>>)
        %dma_wait3A_165 = arith.constant 0 : i32
        %dma_wait3A_166 = tpu.memref_slice %arg13[%dma_wait3A_165] : memref<16384xi32, #tpu.memory_space<vmem>> -> memref<8192xi32, #tpu.memory_space<vmem>>
        %dma_wait3A_167 = tpu.memref_slice %arg4[%multiple_of3A_154] : memref<32768xi32, #tpu.memory_space<hbm>> -> memref<8192xi32, #tpu.memory_space<hbm>>
        %dma_wait3A_168 = arith.constant 0 : i32
        %dma_wait3A_169 = tpu.memref_slice %arg13[%dma_wait3A_168] : memref<16384xi32, #tpu.memory_space<vmem>> -> memref<8192xi32, #tpu.memory_space<vmem>>
        %dma_wait3A_170 = tpu.memref_slice %arg4[%multiple_of3A_154] : memref<32768xi32, #tpu.memory_space<hbm>> -> memref<8192xi32, #tpu.memory_space<hbm>>
        tpu.wait_dma2 semaphore(%run_scoped3A : memref<!tpu.dma_semaphore, #tpu.memory_space<semaphore_mem>>) src(%dma_wait3A_170 : memref<8192xi32, #tpu.memory_space<hbm>>) dst(%dma_wait3A_169 : memref<8192xi32, #tpu.memory_space<vmem>>)
        tpu.yield
      }) : () -> ()
      %parallel_loop3A_155 = arith.constant 0 : i32
      %parallel_loop3A_156 = arith.constant 64 : i32
      %parallel_loop3A_157 = arith.constant 1 : i32
      scf.for %parallel_loop3A_159 = %parallel_loop3A_155 to %parallel_loop3A_156 step %parallel_loop3A_157  : i32 {
        %parallel_loop3A_160 = arith.constant 16 : i32
        %parallel_loop3A_161 = arith.muli %parallel_loop3A_159, %parallel_loop3A_160 : i32
        %parallel_loop3A_162 = arith.index_cast %parallel_loop3A_161 : i32 to index
        %parallel_loop3A_163 = tpu.vector_load %arg14[%parallel_loop3A_162] {strides = array<i32>} : memref<1024xi32, #tpu.memory_space<vmem>>, vector<16xi32>,
        %parallel_loop3A_164 = arith.constant 16 : i32
        %parallel_loop3A_165 = arith.muli %parallel_loop3A_159, %parallel_loop3A_164 : i32
        %parallel_loop3A_166 = arith.constant 0 : i32
        %parallel_loop3A_167 = arith.addi %parallel_loop3A_166, %parallel_loop3A_165 : i32
        %parallel_loop3A_168 = arith.index_cast %parallel_loop3A_167 : i32 to index
        %parallel_loop3A_169 = tpu.vector_load %arg13[%parallel_loop3A_168] {strides = array<i32>} : memref<16384xi32, #tpu.memory_space<vmem>>, vector<16xi32>,
        %parallel_loop3A_170 = arith.addi %parallel_loop3A_163, %parallel_loop3A_169 : vector<16xi32>
        %parallel_loop3A_171 = arith.constant 16 : i32
        %parallel_loop3A_172 = arith.muli %parallel_loop3A_159, %parallel_loop3A_171 : i32
        %parallel_loop3A_173 = arith.constant 1024 : i32
        %parallel_loop3A_174 = arith.addi %parallel_loop3A_173, %parallel_loop3A_172 : i32
        %parallel_loop3A_175 = arith.index_cast %parallel_loop3A_174 : i32 to index
        %parallel_loop3A_176 = tpu.vector_load %arg13[%parallel_loop3A_175] {strides = array<i32>} : memref<16384xi32, #tpu.memory_space<vmem>>, vector<16xi32>,
        %parallel_loop3A_177 = arith.addi %parallel_loop3A_170, %parallel_loop3A_176 : vector<16xi32>
        %parallel_loop3A_178 = arith.constant 16 : i32
        %parallel_loop3A_179 = arith.muli %parallel_loop3A_159, %parallel_loop3A_178 : i32
        %parallel_loop3A_180 = arith.constant 2048 : i32
        %parallel_loop3A_181 = arith.addi %parallel_loop3A_180, %parallel_loop3A_179 : i32
        %parallel_loop3A_182 = arith.index_cast %parallel_loop3A_181 : i32 to index
        %parallel_loop3A_183 = tpu.vector_load %arg13[%parallel_loop3A_182] {strides = array<i32>} : memref<16384xi32, #tpu.memory_space<vmem>>, vector<16xi32>,
        %parallel_loop3A_184 = arith.addi %parallel_loop3A_177, %parallel_loop3A_183 : vector<16xi32>
        %parallel_loop3A_185 = arith.constant 16 : i32
        %parallel_loop3A_186 = arith.muli %parallel_loop3A_159, %parallel_loop3A_185 : i32
        %parallel_loop3A_187 = arith.constant 3072 : i32
        %parallel_loop3A_188 = arith.addi %parallel_loop3A_187, %parallel_loop3A_186 : i32
        %parallel_loop3A_189 = arith.index_cast %parallel_loop3A_188 : i32 to index
        %parallel_loop3A_190 = tpu.vector_load %arg13[%parallel_loop3A_189] {strides = array<i32>} : memref<16384xi32, #tpu.memory_space<vmem>>, vector<16xi32>,
        %parallel_loop3A_191 = arith.addi %parallel_loop3A_184, %parallel_loop3A_190 : vector<16xi32>
        %parallel_loop3A_192 = arith.constant 16 : i32
        %parallel_loop3A_193 = arith.muli %parallel_loop3A_159, %parallel_loop3A_192 : i32
        %parallel_loop3A_194 = arith.constant 4096 : i32
        %parallel_loop3A_195 = arith.addi %parallel_loop3A_194, %parallel_loop3A_193 : i32
        %parallel_loop3A_196 = arith.index_cast %parallel_loop3A_195 : i32 to index
        %parallel_loop3A_197 = tpu.vector_load %arg13[%parallel_loop3A_196] {strides = array<i32>} : memref<16384xi32, #tpu.memory_space<vmem>>, vector<16xi32>,
        %parallel_loop3A_198 = arith.addi %parallel_loop3A_191, %parallel_loop3A_197 : vector<16xi32>
        %parallel_loop3A_199 = arith.constant 16 : i32
        %parallel_loop3A_200 = arith.muli %parallel_loop3A_159, %parallel_loop3A_199 : i32
        %parallel_loop3A_201 = arith.constant 5120 : i32
        %parallel_loop3A_202 = arith.addi %parallel_loop3A_201, %parallel_loop3A_200 : i32
        %parallel_loop3A_203 = arith.index_cast %parallel_loop3A_202 : i32 to index
        %parallel_loop3A_204 = tpu.vector_load %arg13[%parallel_loop3A_203] {strides = array<i32>} : memref<16384xi32, #tpu.memory_space<vmem>>, vector<16xi32>,
        %parallel_loop3A_205 = arith.addi %parallel_loop3A_198, %parallel_loop3A_204 : vector<16xi32>
        %parallel_loop3A_206 = arith.constant 16 : i32
        %parallel_loop3A_207 = arith.muli %parallel_loop3A_159, %parallel_loop3A_206 : i32
        %parallel_loop3A_208 = arith.constant 6144 : i32
        %parallel_loop3A_209 = arith.addi %parallel_loop3A_208, %parallel_loop3A_207 : i32
        %parallel_loop3A_210 = arith.index_cast %parallel_loop3A_209 : i32 to index
        %parallel_loop3A_211 = tpu.vector_load %arg13[%parallel_loop3A_210] {strides = array<i32>} : memref<16384xi32, #tpu.memory_space<vmem>>, vector<16xi32>,
        %parallel_loop3A_212 = arith.addi %parallel_loop3A_205, %parallel_loop3A_211 : vector<16xi32>
        %parallel_loop3A_213 = arith.constant 16 : i32
        %parallel_loop3A_214 = arith.muli %parallel_loop3A_159, %parallel_loop3A_213 : i32
        %parallel_loop3A_215 = arith.constant 7168 : i32
        %parallel_loop3A_216 = arith.addi %parallel_loop3A_215, %parallel_loop3A_214 : i32
        %parallel_loop3A_217 = arith.index_cast %parallel_loop3A_216 : i32 to index
        %parallel_loop3A_218 = tpu.vector_load %arg13[%parallel_loop3A_217] {strides = array<i32>} : memref<16384xi32, #tpu.memory_space<vmem>>, vector<16xi32>,
        %parallel_loop3A_219 = arith.addi %parallel_loop3A_212, %parallel_loop3A_218 : vector<16xi32>
        %parallel_loop3A_220 = arith.constant 16 : i32
        %parallel_loop3A_221 = arith.muli %parallel_loop3A_159, %parallel_loop3A_220 : i32
        %parallel_loop3A_222 = arith.index_cast %parallel_loop3A_221 : i32 to index
        %parallel_loop3A_223 = tpu.vector_load %arg14[%parallel_loop3A_222] {strides = array<i32>} : memref<1024xi32, #tpu.memory_space<vmem>>, vector<16xi32>,
        tpu.vector_store %arg14[%parallel_loop3A_222], %parallel_loop3A_219 {strides = array<i32>} : memref<1024xi32, #tpu.memory_space<vmem>>, vector<16xi32>,
      } {sc.loop_unroll_factor = 4 : i64, sc.parallel_access}
      %scan3A_158 = arith.constant 0 : i32
      scf.yield %scan3A_158 : i32
    }
    %scan3A_16 = arith.constant 4 : i32
    %iota3A = tpu.iota {dimensions = array<i32: 0>} : vector<16xi32>
    %scan3A_17 = arith.constant 0 : i32
    %scan3A_18 = arith.constant 0 : i32
    %scan3A_19 = arith.constant 0 : i32
    %scan3A_20 = arith.constant 0 : i32
    %scan3A_21 = arith.constant 0 : i32
    %scan3A_22 = arith.constant 64 : i32
    %scan3A_23 = arith.addi %scan3A_21, %scan3A_22 : i32
    %scan3A_24 = arith.constant 1 : i32
    %scan3A_25:4 = scf.for %scan3A_150 = %scan3A_21 to %scan3A_23 step %scan3A_24 iter_args(%scan3A_151 = %scan3A_17, %scan3A_152 = %scan3A_18, %scan3A_153 = %scan3A_19, %scan3A_154 = %scan3A_20) -> (i32, i32, i32, i32)  : i32 {
      %sub3A_155 = arith.constant 63 : i32
      %sub3A_156 = arith.subi %sub3A_155, %scan3A_150 : i32
      %mul3A_157 = arith.constant 16 : i32
      %mul3A_158 = arith.muli %sub3A_156, %mul3A_157 : i32
      %get3A = arith.index_cast %mul3A_158 : i32 to index
      %get3A_159 = tpu.vector_load %arg14[%get3A] {strides = array<i32>} : memref<1024xi32, #tpu.memory_space<vmem>>, vector<16xi32>,
      %rev3A = arith.constant 15 : i32
      %rev3A_160 = vector.broadcast %rev3A : i32 to vector<16xi32>
      %rev3A_161 = tpu.iota {dimensions = array<i32: 0>} : vector<16xi32>
      %rev3A_162 = arith.subi %rev3A_160, %rev3A_161 : vector<16xi32>
      %rev3A_163 = tpu.dynamic_gather %get3A_159[%rev3A_162] in [0] : vector<16xi32>, vector<16xi32> -> vector<16xi32>
      %broadcast_in_dim3A_164 = arith.constant true
      %broadcast_in_dim3A_165 = vector.broadcast %broadcast_in_dim3A_164 : i1 to vector<16xi1>
      %masked_cumsum3A = tpu.scan <sum>, %rev3A_163 masked %broadcast_in_dim3A_165 : vector<16xi32>, vector<16xi1> -> vector<16xi32>
      %reduce_max3A = arith.constant true
      %reduce_max3A_166 = vector.broadcast %reduce_max3A : i1 to vector<16xi1>
      %reduce_max3A_167 = arith.constant -2147483648 : i32
      %reduce_max3A_168 = vector.broadcast %reduce_max3A_167 : i32 to vector<16xi32>
      %reduce_max3A_169 = arith.xori %masked_cumsum3A, %reduce_max3A_168 : vector<16xi32>
      %reduce_max3A_170 = tpu.scan <max>, %reduce_max3A_169 masked %reduce_max3A_166 : vector<16xi32>, vector<16xi1> -> vector<16xi32>
      %reduce_max3A_171 = arith.xori %reduce_max3A_170, %reduce_max3A_168 : vector<16xi32>
      %reduce_max3A_172 = vector.extract %reduce_max3A_171[15] : i32 from vector<16xi32>
      %add3A_173 = vector.broadcast %scan3A_154 : i32 to vector<16xi32>
      %add3A_174 = arith.addi %add3A_173, %masked_cumsum3A : vector<16xi32>
      %ge3A = arith.constant 419430 : i32
      %ge3A_175 = vector.broadcast %ge3A : i32 to vector<16xi32>
      %ge3A_176 = arith.cmpi sge, %add3A_174, %ge3A_175 : vector<16xi32>
      %convert_element_type3A = arith.extui %ge3A_176 : vector<16xi1> to vector<16xi32>
      %reduce_max3A_177 = arith.constant true
      %reduce_max3A_178 = vector.broadcast %reduce_max3A_177 : i1 to vector<16xi1>
      %reduce_max3A_179 = arith.constant -2147483648 : i32
      %reduce_max3A_180 = vector.broadcast %reduce_max3A_179 : i32 to vector<16xi32>
      %reduce_max3A_181 = arith.xori %convert_element_type3A, %reduce_max3A_180 : vector<16xi32>
      %reduce_max3A_182 = tpu.scan <max>, %reduce_max3A_181 masked %reduce_max3A_178 : vector<16xi32>, vector<16xi1> -> vector<16xi32>
      %reduce_max3A_183 = arith.xori %reduce_max3A_182, %reduce_max3A_180 : vector<16xi32>
      %reduce_max3A_184 = vector.extract %reduce_max3A_183[15] : i32 from vector<16xi32>
      %gt3A = arith.constant 0 : i32
      %gt3A_185 = arith.cmpi sgt, %reduce_max3A_184, %gt3A : i32
      %all_reduce_ffs3A = tpu.all_reduce %ge3A_176 {dim = 0 : i64, kind = #tpu.reduction_kind<find_first_set>} : vector<16xi1> -> vector<16xi32>
      %reduce_max3A_186 = arith.constant true
      %reduce_max3A_187 = vector.broadcast %reduce_max3A_186 : i1 to vector<16xi1>
      %reduce_max3A_188 = arith.constant -2147483648 : i32
      %reduce_max3A_189 = vector.broadcast %reduce_max3A_188 : i32 to vector<16xi32>
      %reduce_max3A_190 = arith.xori %all_reduce_ffs3A, %reduce_max3A_189 : vector<16xi32>
      %reduce_max3A_191 = tpu.scan <max>, %reduce_max3A_190 masked %reduce_max3A_187 : vector<16xi32>, vector<16xi1> -> vector<16xi32>
      %reduce_max3A_192 = arith.xori %reduce_max3A_191, %reduce_max3A_189 : vector<16xi32>
      %reduce_max3A_193 = vector.extract %reduce_max3A_192[15] : i32 from vector<16xi32>
      %mul3A_194 = arith.constant 16 : i32
      %mul3A_195 = arith.muli %sub3A_156, %mul3A_194 : i32
      %add3A_196 = arith.constant 15 : i32
      %add3A_197 = arith.addi %mul3A_195, %add3A_196 : i32
      %sub3A_198 = arith.subi %add3A_197, %reduce_max3A_193 : i32
      %lt3A = vector.broadcast %reduce_max3A_193 : i32 to vector<16xi32>
      %lt3A_199 = arith.cmpi slt, %iota3A, %lt3A : vector<16xi32>
      %jit3A = arith.constant 0 : i32
      %broadcast_in_dim3A_200 = vector.broadcast %jit3A : i32 to vector<16xi32>
      %select_n3A = arith.select %lt3A_199, %rev3A_163, %broadcast_in_dim3A_200 : vector<16xi1>, vector<16xi32>
      %reduce_sum3A = arith.constant true
      %reduce_sum3A_201 = vector.broadcast %reduce_sum3A : i1 to vector<16xi1>
      %reduce_sum3A_202 = tpu.scan <sum>, %select_n3A masked %reduce_sum3A_201 : vector<16xi32>, vector<16xi1> -> vector<16xi32>
      %reduce_sum3A_203 = vector.extract %reduce_sum3A_202[15] : i32 from vector<16xi32>
      %add3A_204 = arith.addi %scan3A_154, %reduce_sum3A_203 : i32
      %eq3A = arith.constant 0 : i32
      %eq3A_205 = arith.cmpi eq, %scan3A_151, %eq3A : i32
      %and3A = arith.andi %gt3A_185, %eq3A_205 : i1
      %jit3A_206 = arith.constant 1 : i32
      %select_n3A_207 = arith.select %and3A, %jit3A_206, %scan3A_151 : i32
      %select_n3A_208 = arith.select %and3A, %sub3A_198, %scan3A_152 : i32
      %select_n3A_209 = arith.select %and3A, %add3A_204, %scan3A_153 : i32
      %add3A_210 = arith.addi %scan3A_154, %reduce_max3A_172 : i32
      scf.yield %select_n3A_207, %select_n3A_208, %select_n3A_209, %add3A_210 : i32, i32, i32, i32
    }
    %scan3A_26 = arith.constant 64 : i32
    %broadcast_in_dim3A_27 = arith.constant 0 : i32
    %broadcast_in_dim3A_28 = vector.broadcast %broadcast_in_dim3A_27 : i32 to vector<16xi32>
    %parallel_loop3A_29 = arith.constant 0 : i32
    %parallel_loop3A_30 = arith.constant 128 : i32
    %parallel_loop3A_31 = arith.constant 1 : i32
    scf.for %parallel_loop3A_150 = %parallel_loop3A_29 to %parallel_loop3A_30 step %parallel_loop3A_31  : i32 {
      %parallel_loop3A_151 = arith.constant 16 : i32
      %parallel_loop3A_152 = arith.muli %parallel_loop3A_150, %parallel_loop3A_151 : i32
      %parallel_loop3A_153 = arith.index_cast %parallel_loop3A_152 : i32 to index
      %parallel_loop3A_154 = tpu.vector_load %arg15[%parallel_loop3A_153] {strides = array<i32>} : memref<2048xi32, #tpu.memory_space<vmem>>, vector<16xi32>,
      tpu.vector_store %arg15[%parallel_loop3A_153], %broadcast_in_dim3A_28 {strides = array<i32>} : memref<2048xi32, #tpu.memory_space<vmem>>, vector<16xi32>,
    } {sc.loop_unroll_factor = 8 : i64, sc.parallel_access}
    %scan3A_32 = arith.constant 0 : i32
    %scan3A_33 = arith.constant 0 : i32
    %scan3A_34 = arith.constant 4 : i32
    %scan3A_35 = arith.addi %scan3A_33, %scan3A_34 : i32
    %scan3A_36 = arith.constant 1 : i32
    %scan3A_37 = scf.for %scan3A_150 = %scan3A_33 to %scan3A_35 step %scan3A_36 iter_args(%scan3A_151 = %scan3A_32) -> (i32)  : i32 {
      %mul3A_152 = arith.constant 16384 : i32
      %mul3A_153 = arith.muli %scan3A_150, %mul3A_152 : i32
      %multiple_of3A_154 = tpu.assume_multiple %mul3A_153, 8 : i32
      "tpu.region"() ({
        %run_scoped3A = tpu.sem_alloc : memref<!tpu.dma_semaphore, #tpu.memory_space<semaphore_mem>>
        %dma_start3A_159 = arith.constant 0 : i32
        %dma_start3A_160 = tpu.memref_slice %arg13[%dma_start3A_159] : memref<16384xi32, #tpu.memory_space<vmem>> -> memref<16384xi32, #tpu.memory_space<vmem>>
        %dma_start3A_161 = tpu.memref_slice %arg5[%multiple_of3A_154] : memref<65536xi32, #tpu.memory_space<hbm>> -> memref<16384xi32, #tpu.memory_space<hbm>>
        %dma_start3A_162 = arith.constant 0 : i32
        %dma_start3A_163 = tpu.memref_slice %arg13[%dma_start3A_162] : memref<16384xi32, #tpu.memory_space<vmem>> -> memref<16384xi32, #tpu.memory_space<vmem>>
        %dma_start3A_164 = tpu.memref_slice %arg5[%multiple_of3A_154] : memref<65536xi32, #tpu.memory_space<hbm>> -> memref<16384xi32, #tpu.memory_space<hbm>>
        tpu.enqueue_dma source(%dma_start3A_164 : memref<16384xi32, #tpu.memory_space<hbm>>) target(%dma_start3A_163 : memref<16384xi32, #tpu.memory_space<vmem>>) target_semaphore(%run_scoped3A : memref<!tpu.dma_semaphore, #tpu.memory_space<semaphore_mem>>)
        %dma_wait3A_165 = arith.constant 0 : i32
        %dma_wait3A_166 = tpu.memref_slice %arg13[%dma_wait3A_165] : memref<16384xi32, #tpu.memory_space<vmem>> -> memref<16384xi32, #tpu.memory_space<vmem>>
        %dma_wait3A_167 = tpu.memref_slice %arg5[%multiple_of3A_154] : memref<65536xi32, #tpu.memory_space<hbm>> -> memref<16384xi32, #tpu.memory_space<hbm>>
        %dma_wait3A_168 = arith.constant 0 : i32
        %dma_wait3A_169 = tpu.memref_slice %arg13[%dma_wait3A_168] : memref<16384xi32, #tpu.memory_space<vmem>> -> memref<16384xi32, #tpu.memory_space<vmem>>
        %dma_wait3A_170 = tpu.memref_slice %arg5[%multiple_of3A_154] : memref<65536xi32, #tpu.memory_space<hbm>> -> memref<16384xi32, #tpu.memory_space<hbm>>
        tpu.wait_dma2 semaphore(%run_scoped3A : memref<!tpu.dma_semaphore, #tpu.memory_space<semaphore_mem>>) src(%dma_wait3A_170 : memref<16384xi32, #tpu.memory_space<hbm>>) dst(%dma_wait3A_169 : memref<16384xi32, #tpu.memory_space<vmem>>)
        tpu.yield
      }) : () -> ()
      %parallel_loop3A_155 = arith.constant 0 : i32
      %parallel_loop3A_156 = arith.constant 128 : i32
      %parallel_loop3A_157 = arith.constant 1 : i32
      scf.for %parallel_loop3A_159 = %parallel_loop3A_155 to %parallel_loop3A_156 step %parallel_loop3A_157  : i32 {
        %parallel_loop3A_160 = arith.constant 16 : i32
        %parallel_loop3A_161 = arith.muli %parallel_loop3A_159, %parallel_loop3A_160 : i32
        %parallel_loop3A_162 = arith.index_cast %parallel_loop3A_161 : i32 to index
        %parallel_loop3A_163 = tpu.vector_load %arg15[%parallel_loop3A_162] {strides = array<i32>} : memref<2048xi32, #tpu.memory_space<vmem>>, vector<16xi32>,
        %parallel_loop3A_164 = arith.constant 16 : i32
        %parallel_loop3A_165 = arith.muli %parallel_loop3A_159, %parallel_loop3A_164 : i32
        %parallel_loop3A_166 = arith.constant 0 : i32
        %parallel_loop3A_167 = arith.addi %parallel_loop3A_166, %parallel_loop3A_165 : i32
        %parallel_loop3A_168 = arith.index_cast %parallel_loop3A_167 : i32 to index
        %parallel_loop3A_169 = tpu.vector_load %arg13[%parallel_loop3A_168] {strides = array<i32>} : memref<16384xi32, #tpu.memory_space<vmem>>, vector<16xi32>,
        %parallel_loop3A_170 = arith.addi %parallel_loop3A_163, %parallel_loop3A_169 : vector<16xi32>
        %parallel_loop3A_171 = arith.constant 16 : i32
        %parallel_loop3A_172 = arith.muli %parallel_loop3A_159, %parallel_loop3A_171 : i32
        %parallel_loop3A_173 = arith.constant 2048 : i32
        %parallel_loop3A_174 = arith.addi %parallel_loop3A_173, %parallel_loop3A_172 : i32
        %parallel_loop3A_175 = arith.index_cast %parallel_loop3A_174 : i32 to index
        %parallel_loop3A_176 = tpu.vector_load %arg13[%parallel_loop3A_175] {strides = array<i32>} : memref<16384xi32, #tpu.memory_space<vmem>>, vector<16xi32>,
        %parallel_loop3A_177 = arith.addi %parallel_loop3A_170, %parallel_loop3A_176 : vector<16xi32>
        %parallel_loop3A_178 = arith.constant 16 : i32
        %parallel_loop3A_179 = arith.muli %parallel_loop3A_159, %parallel_loop3A_178 : i32
        %parallel_loop3A_180 = arith.constant 4096 : i32
        %parallel_loop3A_181 = arith.addi %parallel_loop3A_180, %parallel_loop3A_179 : i32
        %parallel_loop3A_182 = arith.index_cast %parallel_loop3A_181 : i32 to index
        %parallel_loop3A_183 = tpu.vector_load %arg13[%parallel_loop3A_182] {strides = array<i32>} : memref<16384xi32, #tpu.memory_space<vmem>>, vector<16xi32>,
        %parallel_loop3A_184 = arith.addi %parallel_loop3A_177, %parallel_loop3A_183 : vector<16xi32>
        %parallel_loop3A_185 = arith.constant 16 : i32
        %parallel_loop3A_186 = arith.muli %parallel_loop3A_159, %parallel_loop3A_185 : i32
        %parallel_loop3A_187 = arith.constant 6144 : i32
        %parallel_loop3A_188 = arith.addi %parallel_loop3A_187, %parallel_loop3A_186 : i32
        %parallel_loop3A_189 = arith.index_cast %parallel_loop3A_188 : i32 to index
        %parallel_loop3A_190 = tpu.vector_load %arg13[%parallel_loop3A_189] {strides = array<i32>} : memref<16384xi32, #tpu.memory_space<vmem>>, vector<16xi32>,
        %parallel_loop3A_191 = arith.addi %parallel_loop3A_184, %parallel_loop3A_190 : vector<16xi32>
        %parallel_loop3A_192 = arith.constant 16 : i32
        %parallel_loop3A_193 = arith.muli %parallel_loop3A_159, %parallel_loop3A_192 : i32
        %parallel_loop3A_194 = arith.constant 8192 : i32
        %parallel_loop3A_195 = arith.addi %parallel_loop3A_194, %parallel_loop3A_193 : i32
        %parallel_loop3A_196 = arith.index_cast %parallel_loop3A_195 : i32 to index
        %parallel_loop3A_197 = tpu.vector_load %arg13[%parallel_loop3A_196] {strides = array<i32>} : memref<16384xi32, #tpu.memory_space<vmem>>, vector<16xi32>,
        %parallel_loop3A_198 = arith.addi %parallel_loop3A_191, %parallel_loop3A_197 : vector<16xi32>
        %parallel_loop3A_199 = arith.constant 16 : i32
        %parallel_loop3A_200 = arith.muli %parallel_loop3A_159, %parallel_loop3A_199 : i32
        %parallel_loop3A_201 = arith.constant 10240 : i32
        %parallel_loop3A_202 = arith.addi %parallel_loop3A_201, %parallel_loop3A_200 : i32
        %parallel_loop3A_203 = arith.index_cast %parallel_loop3A_202 : i32 to index
        %parallel_loop3A_204 = tpu.vector_load %arg13[%parallel_loop3A_203] {strides = array<i32>} : memref<16384xi32, #tpu.memory_space<vmem>>, vector<16xi32>,
        %parallel_loop3A_205 = arith.addi %parallel_loop3A_198, %parallel_loop3A_204 : vector<16xi32>
        %parallel_loop3A_206 = arith.constant 16 : i32
        %parallel_loop3A_207 = arith.muli %parallel_loop3A_159, %parallel_loop3A_206 : i32
        %parallel_loop3A_208 = arith.constant 12288 : i32
        %parallel_loop3A_209 = arith.addi %parallel_loop3A_208, %parallel_loop3A_207 : i32
        %parallel_loop3A_210 = arith.index_cast %parallel_loop3A_209 : i32 to index
        %parallel_loop3A_211 = tpu.vector_load %arg13[%parallel_loop3A_210] {strides = array<i32>} : memref<16384xi32, #tpu.memory_space<vmem>>, vector<16xi32>,
        %parallel_loop3A_212 = arith.addi %parallel_loop3A_205, %parallel_loop3A_211 : vector<16xi32>
        %parallel_loop3A_213 = arith.constant 16 : i32
        %parallel_loop3A_214 = arith.muli %parallel_loop3A_159, %parallel_loop3A_213 : i32
        %parallel_loop3A_215 = arith.constant 14336 : i32
        %parallel_loop3A_216 = arith.addi %parallel_loop3A_215, %parallel_loop3A_214 : i32
        %parallel_loop3A_217 = arith.index_cast %parallel_loop3A_216 : i32 to index
        %parallel_loop3A_218 = tpu.vector_load %arg13[%parallel_loop3A_217] {strides = array<i32>} : memref<16384xi32, #tpu.memory_space<vmem>>, vector<16xi32>,
        %parallel_loop3A_219 = arith.addi %parallel_loop3A_212, %parallel_loop3A_218 : vector<16xi32>
        %parallel_loop3A_220 = arith.constant 16 : i32
        %parallel_loop3A_221 = arith.muli %parallel_loop3A_159, %parallel_loop3A_220 : i32
        %parallel_loop3A_222 = arith.index_cast %parallel_loop3A_221 : i32 to index
        %parallel_loop3A_223 = tpu.vector_load %arg15[%parallel_loop3A_222] {strides = array<i32>} : memref<2048xi32, #tpu.memory_space<vmem>>, vector<16xi32>,
        tpu.vector_store %arg15[%parallel_loop3A_222], %parallel_loop3A_219 {strides = array<i32>} : memref<2048xi32, #tpu.memory_space<vmem>>, vector<16xi32>,
      } {sc.loop_unroll_factor = 4 : i64, sc.parallel_access}
      %scan3A_158 = arith.constant 0 : i32
      scf.yield %scan3A_158 : i32
    }
    %scan3A_38 = arith.constant 4 : i32
    %sub3A = arith.constant 419430 : i32
    %sub3A_39 = arith.subi %sub3A, %scan3A_25#2 : i32
    %iota3A_40 = tpu.iota {dimensions = array<i32: 0>} : vector<16xi32>
    %scan3A_41 = arith.constant 0 : i32
    %scan3A_42 = arith.constant 0 : i32
    %scan3A_43 = arith.constant 0 : i32
    %scan3A_44 = arith.constant 0 : i32
    %scan3A_45 = arith.constant 0 : i32
    %scan3A_46 = arith.constant 128 : i32
    %scan3A_47 = arith.addi %scan3A_45, %scan3A_46 : i32
    %scan3A_48 = arith.constant 1 : i32
    %scan3A_49:4 = scf.for %scan3A_150 = %scan3A_45 to %scan3A_47 step %scan3A_48 iter_args(%scan3A_151 = %scan3A_41, %scan3A_152 = %scan3A_42, %scan3A_153 = %scan3A_43, %scan3A_154 = %scan3A_44) -> (i32, i32, i32, i32)  : i32 {
      %sub3A_155 = arith.constant 127 : i32
      %sub3A_156 = arith.subi %sub3A_155, %scan3A_150 : i32
      %mul3A_157 = arith.constant 16 : i32
      %mul3A_158 = arith.muli %sub3A_156, %mul3A_157 : i32
      %get3A = arith.index_cast %mul3A_158 : i32 to index
      %get3A_159 = tpu.vector_load %arg15[%get3A] {strides = array<i32>} : memref<2048xi32, #tpu.memory_space<vmem>>, vector<16xi32>,
      %rev3A = arith.constant 15 : i32
      %rev3A_160 = vector.broadcast %rev3A : i32 to vector<16xi32>
      %rev3A_161 = tpu.iota {dimensions = array<i32: 0>} : vector<16xi32>
      %rev3A_162 = arith.subi %rev3A_160, %rev3A_161 : vector<16xi32>
      %rev3A_163 = tpu.dynamic_gather %get3A_159[%rev3A_162] in [0] : vector<16xi32>, vector<16xi32> -> vector<16xi32>
      %broadcast_in_dim3A_164 = arith.constant true
      %broadcast_in_dim3A_165 = vector.broadcast %broadcast_in_dim3A_164 : i1 to vector<16xi1>
      %masked_cumsum3A = tpu.scan <sum>, %rev3A_163 masked %broadcast_in_dim3A_165 : vector<16xi32>, vector<16xi1> -> vector<16xi32>
      %reduce_max3A = arith.constant true
      %reduce_max3A_166 = vector.broadcast %reduce_max3A : i1 to vector<16xi1>
      %reduce_max3A_167 = arith.constant -2147483648 : i32
      %reduce_max3A_168 = vector.broadcast %reduce_max3A_167 : i32 to vector<16xi32>
      %reduce_max3A_169 = arith.xori %masked_cumsum3A, %reduce_max3A_168 : vector<16xi32>
      %reduce_max3A_170 = tpu.scan <max>, %reduce_max3A_169 masked %reduce_max3A_166 : vector<16xi32>, vector<16xi1> -> vector<16xi32>
      %reduce_max3A_171 = arith.xori %reduce_max3A_170, %reduce_max3A_168 : vector<16xi32>
      %reduce_max3A_172 = vector.extract %reduce_max3A_171[15] : i32 from vector<16xi32>
      %add3A_173 = vector.broadcast %scan3A_154 : i32 to vector<16xi32>
      %add3A_174 = arith.addi %add3A_173, %masked_cumsum3A : vector<16xi32>
      %ge3A = vector.broadcast %sub3A_39 : i32 to vector<16xi32>
      %ge3A_175 = arith.cmpi sge, %add3A_174, %ge3A : vector<16xi32>
      %convert_element_type3A = arith.extui %ge3A_175 : vector<16xi1> to vector<16xi32>
      %reduce_max3A_176 = arith.constant true
      %reduce_max3A_177 = vector.broadcast %reduce_max3A_176 : i1 to vector<16xi1>
      %reduce_max3A_178 = arith.constant -2147483648 : i32
      %reduce_max3A_179 = vector.broadcast %reduce_max3A_178 : i32 to vector<16xi32>
      %reduce_max3A_180 = arith.xori %convert_element_type3A, %reduce_max3A_179 : vector<16xi32>
      %reduce_max3A_181 = tpu.scan <max>, %reduce_max3A_180 masked %reduce_max3A_177 : vector<16xi32>, vector<16xi1> -> vector<16xi32>
      %reduce_max3A_182 = arith.xori %reduce_max3A_181, %reduce_max3A_179 : vector<16xi32>
      %reduce_max3A_183 = vector.extract %reduce_max3A_182[15] : i32 from vector<16xi32>
      %gt3A = arith.constant 0 : i32
      %gt3A_184 = arith.cmpi sgt, %reduce_max3A_183, %gt3A : i32
      %all_reduce_ffs3A = tpu.all_reduce %ge3A_175 {dim = 0 : i64, kind = #tpu.reduction_kind<find_first_set>} : vector<16xi1> -> vector<16xi32>
      %reduce_max3A_185 = arith.constant true
      %reduce_max3A_186 = vector.broadcast %reduce_max3A_185 : i1 to vector<16xi1>
      %reduce_max3A_187 = arith.constant -2147483648 : i32
      %reduce_max3A_188 = vector.broadcast %reduce_max3A_187 : i32 to vector<16xi32>
      %reduce_max3A_189 = arith.xori %all_reduce_ffs3A, %reduce_max3A_188 : vector<16xi32>
      %reduce_max3A_190 = tpu.scan <max>, %reduce_max3A_189 masked %reduce_max3A_186 : vector<16xi32>, vector<16xi1> -> vector<16xi32>
      %reduce_max3A_191 = arith.xori %reduce_max3A_190, %reduce_max3A_188 : vector<16xi32>
      %reduce_max3A_192 = vector.extract %reduce_max3A_191[15] : i32 from vector<16xi32>
      %mul3A_193 = arith.constant 16 : i32
      %mul3A_194 = arith.muli %sub3A_156, %mul3A_193 : i32
      %add3A_195 = arith.constant 15 : i32
      %add3A_196 = arith.addi %mul3A_194, %add3A_195 : i32
      %sub3A_197 = arith.subi %add3A_196, %reduce_max3A_192 : i32
      %lt3A = vector.broadcast %reduce_max3A_192 : i32 to vector<16xi32>
      %lt3A_198 = arith.cmpi slt, %iota3A_40, %lt3A : vector<16xi32>
      %jit3A = arith.constant 0 : i32
      %broadcast_in_dim3A_199 = vector.broadcast %jit3A : i32 to vector<16xi32>
      %select_n3A = arith.select %lt3A_198, %rev3A_163, %broadcast_in_dim3A_199 : vector<16xi1>, vector<16xi32>
      %reduce_sum3A = arith.constant true
      %reduce_sum3A_200 = vector.broadcast %reduce_sum3A : i1 to vector<16xi1>
      %reduce_sum3A_201 = tpu.scan <sum>, %select_n3A masked %reduce_sum3A_200 : vector<16xi32>, vector<16xi1> -> vector<16xi32>
      %reduce_sum3A_202 = vector.extract %reduce_sum3A_201[15] : i32 from vector<16xi32>
      %add3A_203 = arith.addi %scan3A_154, %reduce_sum3A_202 : i32
      %eq3A = arith.constant 0 : i32
      %eq3A_204 = arith.cmpi eq, %scan3A_151, %eq3A : i32
      %and3A = arith.andi %gt3A_184, %eq3A_204 : i1
      %jit3A_205 = arith.constant 1 : i32
      %select_n3A_206 = arith.select %and3A, %jit3A_205, %scan3A_151 : i32
      %select_n3A_207 = arith.select %and3A, %sub3A_197, %scan3A_152 : i32
      %select_n3A_208 = arith.select %and3A, %add3A_203, %scan3A_153 : i32
      %add3A_209 = arith.addi %scan3A_154, %reduce_max3A_172 : i32
      scf.yield %select_n3A_206, %select_n3A_207, %select_n3A_208, %add3A_209 : i32, i32, i32, i32
    }
    %scan3A_50 = arith.constant 128 : i32
    %mul3A_51 = arith.constant 2048 : i32
    %mul3A_52 = arith.muli %scan3A_25#1, %mul3A_51 : i32
    %add3A_53 = arith.addi %mul3A_52, %scan3A_49#1 : i32
    %broadcast_in_dim3A_54 = arith.constant 0.000000e+00 : f32
    %broadcast_in_dim3A_55 = vector.broadcast %broadcast_in_dim3A_54 : f32 to vector<16xf32>
    %parallel_loop3A_56 = arith.constant 0 : i32
    %parallel_loop3A_57 = arith.constant 128 : i32
    %parallel_loop3A_58 = arith.constant 1 : i32
    scf.for %parallel_loop3A_150 = %parallel_loop3A_56 to %parallel_loop3A_57 step %parallel_loop3A_58  : i32 {
      %parallel_loop3A_151 = arith.constant 16 : i32
      %parallel_loop3A_152 = arith.muli %parallel_loop3A_150, %parallel_loop3A_151 : i32
      %parallel_loop3A_153 = arith.index_cast %parallel_loop3A_152 : i32 to index
      %parallel_loop3A_154 = tpu.vector_load %arg11[%parallel_loop3A_153] {strides = array<i32>} : memref<2048xf32, #tpu.memory_space<vmem>>, vector<16xf32>,
      tpu.vector_store %arg11[%parallel_loop3A_153], %broadcast_in_dim3A_55 {strides = array<i32>} : memref<2048xf32, #tpu.memory_space<vmem>>, vector<16xf32>,
    } {sc.loop_unroll_factor = 8 : i64, sc.parallel_access}
    %iota3A_59 = tpu.iota {dimensions = array<i32: 0>} : vector<16xi32>
    %mul3A_60 = arith.constant 32 : i32
    %mul3A_61 = vector.broadcast %mul3A_60 : i32 to vector<16xi32>
    %mul3A_62 = arith.muli %iota3A_59, %mul3A_61 : vector<16xi32>
    %broadcast_in_dim3A_63 = arith.constant 1.000000e+00 : f32
    %broadcast_in_dim3A_64 = vector.broadcast %broadcast_in_dim3A_63 : f32 to vector<16xf32>
    %dma_wait3A = tpu.memref_slice %arg3[%multiple_of3A] : memref<2097152xi32, #tpu.memory_space<hbm>> -> memref<16384xi32, #tpu.memory_space<hbm>>
    %dma_wait3A_65 = tpu.memref_slice %arg3[%multiple_of3A] : memref<2097152xi32, #tpu.memory_space<hbm>> -> memref<16384xi32, #tpu.memory_space<hbm>>
    tpu.wait_dma2 semaphore(%arg16 : memref<!tpu.dma_semaphore, #tpu.memory_space<semaphore_mem>>) src(%dma_wait3A_65 : memref<16384xi32, #tpu.memory_space<hbm>>) dst(%arg7 : memref<16384xi32, #tpu.memory_space<vmem>>)
    %dma_wait3A_66 = tpu.memref_slice %arg2[%multiple_of3A] : memref<2097152xf32, #tpu.memory_space<hbm>> -> memref<16384xf32, #tpu.memory_space<hbm>>
    %dma_wait3A_67 = tpu.memref_slice %arg2[%multiple_of3A] : memref<2097152xf32, #tpu.memory_space<hbm>> -> memref<16384xf32, #tpu.memory_space<hbm>>
    tpu.wait_dma2 semaphore(%arg16 : memref<!tpu.dma_semaphore, #tpu.memory_space<semaphore_mem>>) src(%dma_wait3A_67 : memref<16384xf32, #tpu.memory_space<hbm>>) dst(%arg9 : memref<16384xf32, #tpu.memory_space<vmem>>)
    %mul3A_68 = arith.constant 65536 : i32
    %mul3A_69 = arith.muli %add3A, %mul3A_68 : i32
    %add3A_70 = arith.constant 16384 : i32
    %add3A_71 = arith.addi %mul3A_69, %add3A_70 : i32
    %multiple_of3A_72 = tpu.assume_multiple %add3A_71, 8 : i32
    %dma_start3A_73 = tpu.memref_slice %arg3[%multiple_of3A_72] : memref<2097152xi32, #tpu.memory_space<hbm>> -> memref<16384xi32, #tpu.memory_space<hbm>>
    %dma_start3A_74 = tpu.memref_slice %arg3[%multiple_of3A_72] : memref<2097152xi32, #tpu.memory_space<hbm>> -> memref<16384xi32, #tpu.memory_space<hbm>>
    tpu.enqueue_dma source(%dma_start3A_74 : memref<16384xi32, #tpu.memory_space<hbm>>) target(%arg8 : memref<16384xi32, #tpu.memory_space<vmem>>) target_semaphore(%arg16 : memref<!tpu.dma_semaphore, #tpu.memory_space<semaphore_mem>>)
    %dma_start3A_75 = tpu.memref_slice %arg2[%multiple_of3A_72] : memref<2097152xf32, #tpu.memory_space<hbm>> -> memref<16384xf32, #tpu.memory_space<hbm>>
    %dma_start3A_76 = tpu.memref_slice %arg2[%multiple_of3A_72] : memref<2097152xf32, #tpu.memory_space<hbm>> -> memref<16384xf32, #tpu.memory_space<hbm>>
    tpu.enqueue_dma source(%dma_start3A_76 : memref<16384xf32, #tpu.memory_space<hbm>>) target(%arg10 : memref<16384xf32, #tpu.memory_space<vmem>>) target_semaphore(%arg16 : memref<!tpu.dma_semaphore, #tpu.memory_space<semaphore_mem>>)
    %parallel_loop3A_77 = arith.constant 0 : i32
    %parallel_loop3A_78 = arith.constant 1024 : i32
    %parallel_loop3A_79 = arith.constant 1 : i32
    scf.for %parallel_loop3A_150 = %parallel_loop3A_77 to %parallel_loop3A_78 step %parallel_loop3A_79  : i32 {
      %parallel_loop3A_151 = arith.constant 16 : i32
      %parallel_loop3A_152 = arith.muli %parallel_loop3A_150, %parallel_loop3A_151 : i32
      %parallel_loop3A_153 = arith.index_cast %parallel_loop3A_152 : i32 to index
      %parallel_loop3A_154 = tpu.vector_load %arg7[%parallel_loop3A_153] {strides = array<i32>} : memref<16384xi32, #tpu.memory_space<vmem>>, vector<16xi32>,
      %parallel_loop3A_155 = arith.constant 16 : i32
      %parallel_loop3A_156 = arith.muli %parallel_loop3A_150, %parallel_loop3A_155 : i32
      %parallel_loop3A_157 = arith.index_cast %parallel_loop3A_156 : i32 to index
      %parallel_loop3A_158 = tpu.vector_load %arg9[%parallel_loop3A_157] {strides = array<i32>} : memref<16384xf32, #tpu.memory_space<vmem>>, vector<16xf32>,
      %parallel_loop3A_159 = arith.constant 31 : i32
      %parallel_loop3A_160 = vector.broadcast %parallel_loop3A_159 : i32 to vector<16xi32>
      %parallel_loop3A_161 = arith.andi %parallel_loop3A_154, %parallel_loop3A_160 : vector<16xi32>
      %parallel_loop3A_162 = arith.constant 10 : i32
      %parallel_loop3A_163 = vector.broadcast %parallel_loop3A_162 : i32 to vector<16xi32>
      %parallel_loop3A_164 = arith.shrsi %parallel_loop3A_154, %parallel_loop3A_163 : vector<16xi32>
      %parallel_loop3A_165 = vector.broadcast %add3A_53 : i32 to vector<16xi32>
      %parallel_loop3A_166 = arith.cmpi sgt, %parallel_loop3A_164, %parallel_loop3A_165 : vector<16xi32>
      %parallel_loop3A_167 = vector.broadcast %add3A_53 : i32 to vector<16xi32>
      %parallel_loop3A_168 = arith.cmpi sge, %parallel_loop3A_164, %parallel_loop3A_167 : vector<16xi32>
      %parallel_loop3A_169 = arith.addi %mul3A_62, %parallel_loop3A_161 : vector<16xi32>
      %parallel_loop3A_170 = arith.constant 0 : i32
      %parallel_loop3A_171 = arith.constant 1536 : i32
      %parallel_loop3A_172 = vector.broadcast %parallel_loop3A_170 : i32 to vector<16xi32>
      %parallel_loop3A_173 = vector.broadcast %parallel_loop3A_171 : i32 to vector<16xi32>
      %parallel_loop3A_174 = arith.select %parallel_loop3A_166, %parallel_loop3A_172, %parallel_loop3A_173 : vector<16xi1>, vector<16xi32>
      %parallel_loop3A_175 = arith.constant 512 : i32
      %parallel_loop3A_176 = arith.constant 1024 : i32
      %parallel_loop3A_177 = vector.broadcast %parallel_loop3A_175 : i32 to vector<16xi32>
      %parallel_loop3A_178 = vector.broadcast %parallel_loop3A_176 : i32 to vector<16xi32>
      %parallel_loop3A_179 = arith.select %parallel_loop3A_166, %parallel_loop3A_177, %parallel_loop3A_178 : vector<16xi1>, vector<16xi32>
      %parallel_loop3A_180 = arith.addi %parallel_loop3A_169, %parallel_loop3A_174 : vector<16xi32>
      tpu.vector_store_idx %arg11[%parallel_loop3A_180], %broadcast_in_dim3A_64 masked %parallel_loop3A_168 {add = true} : memref<2048xf32, #tpu.memory_space<vmem>>[vector<16xi32>], vector<16xf32>, vector<16xi1>
      %parallel_loop3A_181 = arith.addi %parallel_loop3A_169, %parallel_loop3A_179 : vector<16xi32>
      tpu.vector_store_idx %arg11[%parallel_loop3A_181], %parallel_loop3A_158 masked %parallel_loop3A_168 {add = true} : memref<2048xf32, #tpu.memory_space<vmem>>[vector<16xi32>], vector<16xf32>, vector<16xi1>
    } {sc.loop_unroll_factor = 8 : i64, sc.parallel_access}
    %dma_wait3A_80 = tpu.memref_slice %arg3[%multiple_of3A_72] : memref<2097152xi32, #tpu.memory_space<hbm>> -> memref<16384xi32, #tpu.memory_space<hbm>>
    %dma_wait3A_81 = tpu.memref_slice %arg3[%multiple_of3A_72] : memref<2097152xi32, #tpu.memory_space<hbm>> -> memref<16384xi32, #tpu.memory_space<hbm>>
    tpu.wait_dma2 semaphore(%arg16 : memref<!tpu.dma_semaphore, #tpu.memory_space<semaphore_mem>>) src(%dma_wait3A_81 : memref<16384xi32, #tpu.memory_space<hbm>>) dst(%arg8 : memref<16384xi32, #tpu.memory_space<vmem>>)
    %dma_wait3A_82 = tpu.memref_slice %arg2[%multiple_of3A_72] : memref<2097152xf32, #tpu.memory_space<hbm>> -> memref<16384xf32, #tpu.memory_space<hbm>>
    %dma_wait3A_83 = tpu.memref_slice %arg2[%multiple_of3A_72] : memref<2097152xf32, #tpu.memory_space<hbm>> -> memref<16384xf32, #tpu.memory_space<hbm>>
    tpu.wait_dma2 semaphore(%arg16 : memref<!tpu.dma_semaphore, #tpu.memory_space<semaphore_mem>>) src(%dma_wait3A_83 : memref<16384xf32, #tpu.memory_space<hbm>>) dst(%arg10 : memref<16384xf32, #tpu.memory_space<vmem>>)
    %mul3A_84 = arith.constant 65536 : i32
    %mul3A_85 = arith.muli %add3A, %mul3A_84 : i32
    %add3A_86 = arith.constant 32768 : i32
    %add3A_87 = arith.addi %mul3A_85, %add3A_86 : i32
    %multiple_of3A_88 = tpu.assume_multiple %add3A_87, 8 : i32
    %dma_start3A_89 = tpu.memref_slice %arg3[%multiple_of3A_88] : memref<2097152xi32, #tpu.memory_space<hbm>> -> memref<16384xi32, #tpu.memory_space<hbm>>
    %dma_start3A_90 = tpu.memref_slice %arg3[%multiple_of3A_88] : memref<2097152xi32, #tpu.memory_space<hbm>> -> memref<16384xi32, #tpu.memory_space<hbm>>
    tpu.enqueue_dma source(%dma_start3A_90 : memref<16384xi32, #tpu.memory_space<hbm>>) target(%arg7 : memref<16384xi32, #tpu.memory_space<vmem>>) target_semaphore(%arg16 : memref<!tpu.dma_semaphore, #tpu.memory_space<semaphore_mem>>)
    %dma_start3A_91 = tpu.memref_slice %arg2[%multiple_of3A_88] : memref<2097152xf32, #tpu.memory_space<hbm>> -> memref<16384xf32, #tpu.memory_space<hbm>>
    %dma_start3A_92 = tpu.memref_slice %arg2[%multiple_of3A_88] : memref<2097152xf32, #tpu.memory_space<hbm>> -> memref<16384xf32, #tpu.memory_space<hbm>>
    tpu.enqueue_dma source(%dma_start3A_92 : memref<16384xf32, #tpu.memory_space<hbm>>) target(%arg9 : memref<16384xf32, #tpu.memory_space<vmem>>) target_semaphore(%arg16 : memref<!tpu.dma_semaphore, #tpu.memory_space<semaphore_mem>>)
    %parallel_loop3A_93 = arith.constant 0 : i32
    %parallel_loop3A_94 = arith.constant 1024 : i32
    %parallel_loop3A_95 = arith.constant 1 : i32
    scf.for %parallel_loop3A_150 = %parallel_loop3A_93 to %parallel_loop3A_94 step %parallel_loop3A_95  : i32 {
      %parallel_loop3A_151 = arith.constant 16 : i32
      %parallel_loop3A_152 = arith.muli %parallel_loop3A_150, %parallel_loop3A_151 : i32
      %parallel_loop3A_153 = arith.index_cast %parallel_loop3A_152 : i32 to index
      %parallel_loop3A_154 = tpu.vector_load %arg8[%parallel_loop3A_153] {strides = array<i32>} : memref<16384xi32, #tpu.memory_space<vmem>>, vector<16xi32>,
      %parallel_loop3A_155 = arith.constant 16 : i32
      %parallel_loop3A_156 = arith.muli %parallel_loop3A_150, %parallel_loop3A_155 : i32
      %parallel_loop3A_157 = arith.index_cast %parallel_loop3A_156 : i32 to index
      %parallel_loop3A_158 = tpu.vector_load %arg10[%parallel_loop3A_157] {strides = array<i32>} : memref<16384xf32, #tpu.memory_space<vmem>>, vector<16xf32>,
      %parallel_loop3A_159 = arith.constant 31 : i32
      %parallel_loop3A_160 = vector.broadcast %parallel_loop3A_159 : i32 to vector<16xi32>
      %parallel_loop3A_161 = arith.andi %parallel_loop3A_154, %parallel_loop3A_160 : vector<16xi32>
      %parallel_loop3A_162 = arith.constant 10 : i32
      %parallel_loop3A_163 = vector.broadcast %parallel_loop3A_162 : i32 to vector<16xi32>
      %parallel_loop3A_164 = arith.shrsi %parallel_loop3A_154, %parallel_loop3A_163 : vector<16xi32>
      %parallel_loop3A_165 = vector.broadcast %add3A_53 : i32 to vector<16xi32>
      %parallel_loop3A_166 = arith.cmpi sgt, %parallel_loop3A_164, %parallel_loop3A_165 : vector<16xi32>
      %parallel_loop3A_167 = vector.broadcast %add3A_53 : i32 to vector<16xi32>
      %parallel_loop3A_168 = arith.cmpi sge, %parallel_loop3A_164, %parallel_loop3A_167 : vector<16xi32>
      %parallel_loop3A_169 = arith.addi %mul3A_62, %parallel_loop3A_161 : vector<16xi32>
      %parallel_loop3A_170 = arith.constant 0 : i32
      %parallel_loop3A_171 = arith.constant 1536 : i32
      %parallel_loop3A_172 = vector.broadcast %parallel_loop3A_170 : i32 to vector<16xi32>
      %parallel_loop3A_173 = vector.broadcast %parallel_loop3A_171 : i32 to vector<16xi32>
      %parallel_loop3A_174 = arith.select %parallel_loop3A_166, %parallel_loop3A_172, %parallel_loop3A_173 : vector<16xi1>, vector<16xi32>
      %parallel_loop3A_175 = arith.constant 512 : i32
      %parallel_loop3A_176 = arith.constant 1024 : i32
      %parallel_loop3A_177 = vector.broadcast %parallel_loop3A_175 : i32 to vector<16xi32>
      %parallel_loop3A_178 = vector.broadcast %parallel_loop3A_176 : i32 to vector<16xi32>
      %parallel_loop3A_179 = arith.select %parallel_loop3A_166, %parallel_loop3A_177, %parallel_loop3A_178 : vector<16xi1>, vector<16xi32>
      %parallel_loop3A_180 = arith.addi %parallel_loop3A_169, %parallel_loop3A_174 : vector<16xi32>
      tpu.vector_store_idx %arg11[%parallel_loop3A_180], %broadcast_in_dim3A_64 masked %parallel_loop3A_168 {add = true} : memref<2048xf32, #tpu.memory_space<vmem>>[vector<16xi32>], vector<16xf32>, vector<16xi1>
      %parallel_loop3A_181 = arith.addi %parallel_loop3A_169, %parallel_loop3A_179 : vector<16xi32>
      tpu.vector_store_idx %arg11[%parallel_loop3A_181], %parallel_loop3A_158 masked %parallel_loop3A_168 {add = true} : memref<2048xf32, #tpu.memory_space<vmem>>[vector<16xi32>], vector<16xf32>, vector<16xi1>
    } {sc.loop_unroll_factor = 8 : i64, sc.parallel_access}
    %dma_wait3A_96 = tpu.memref_slice %arg3[%multiple_of3A_88] : memref<2097152xi32, #tpu.memory_space<hbm>> -> memref<16384xi32, #tpu.memory_space<hbm>>
    %dma_wait3A_97 = tpu.memref_slice %arg3[%multiple_of3A_88] : memref<2097152xi32, #tpu.memory_space<hbm>> -> memref<16384xi32, #tpu.memory_space<hbm>>
    tpu.wait_dma2 semaphore(%arg16 : memref<!tpu.dma_semaphore, #tpu.memory_space<semaphore_mem>>) src(%dma_wait3A_97 : memref<16384xi32, #tpu.memory_space<hbm>>) dst(%arg7 : memref<16384xi32, #tpu.memory_space<vmem>>)
    %dma_wait3A_98 = tpu.memref_slice %arg2[%multiple_of3A_88] : memref<2097152xf32, #tpu.memory_space<hbm>> -> memref<16384xf32, #tpu.memory_space<hbm>>
    %dma_wait3A_99 = tpu.memref_slice %arg2[%multiple_of3A_88] : memref<2097152xf32, #tpu.memory_space<hbm>> -> memref<16384xf32, #tpu.memory_space<hbm>>
    tpu.wait_dma2 semaphore(%arg16 : memref<!tpu.dma_semaphore, #tpu.memory_space<semaphore_mem>>) src(%dma_wait3A_99 : memref<16384xf32, #tpu.memory_space<hbm>>) dst(%arg9 : memref<16384xf32, #tpu.memory_space<vmem>>)
    %mul3A_100 = arith.constant 65536 : i32
    %mul3A_101 = arith.muli %add3A, %mul3A_100 : i32
    %add3A_102 = arith.constant 49152 : i32
    %add3A_103 = arith.addi %mul3A_101, %add3A_102 : i32
    %multiple_of3A_104 = tpu.assume_multiple %add3A_103, 8 : i32
    %dma_start3A_105 = tpu.memref_slice %arg3[%multiple_of3A_104] : memref<2097152xi32, #tpu.memory_space<hbm>> -> memref<16384xi32, #tpu.memory_space<hbm>>
    %dma_start3A_106 = tpu.memref_slice %arg3[%multiple_of3A_104] : memref<2097152xi32, #tpu.memory_space<hbm>> -> memref<16384xi32, #tpu.memory_space<hbm>>
    tpu.enqueue_dma source(%dma_start3A_106 : memref<16384xi32, #tpu.memory_space<hbm>>) target(%arg8 : memref<16384xi32, #tpu.memory_space<vmem>>) target_semaphore(%arg16 : memref<!tpu.dma_semaphore, #tpu.memory_space<semaphore_mem>>)
    %dma_start3A_107 = tpu.memref_slice %arg2[%multiple_of3A_104] : memref<2097152xf32, #tpu.memory_space<hbm>> -> memref<16384xf32, #tpu.memory_space<hbm>>
    %dma_start3A_108 = tpu.memref_slice %arg2[%multiple_of3A_104] : memref<2097152xf32, #tpu.memory_space<hbm>> -> memref<16384xf32, #tpu.memory_space<hbm>>
    tpu.enqueue_dma source(%dma_start3A_108 : memref<16384xf32, #tpu.memory_space<hbm>>) target(%arg10 : memref<16384xf32, #tpu.memory_space<vmem>>) target_semaphore(%arg16 : memref<!tpu.dma_semaphore, #tpu.memory_space<semaphore_mem>>)
    %parallel_loop3A_109 = arith.constant 0 : i32
    %parallel_loop3A_110 = arith.constant 1024 : i32
    %parallel_loop3A_111 = arith.constant 1 : i32
    scf.for %parallel_loop3A_150 = %parallel_loop3A_109 to %parallel_loop3A_110 step %parallel_loop3A_111  : i32 {
      %parallel_loop3A_151 = arith.constant 16 : i32
      %parallel_loop3A_152 = arith.muli %parallel_loop3A_150, %parallel_loop3A_151 : i32
      %parallel_loop3A_153 = arith.index_cast %parallel_loop3A_152 : i32 to index
      %parallel_loop3A_154 = tpu.vector_load %arg7[%parallel_loop3A_153] {strides = array<i32>} : memref<16384xi32, #tpu.memory_space<vmem>>, vector<16xi32>,
      %parallel_loop3A_155 = arith.constant 16 : i32
      %parallel_loop3A_156 = arith.muli %parallel_loop3A_150, %parallel_loop3A_155 : i32
      %parallel_loop3A_157 = arith.index_cast %parallel_loop3A_156 : i32 to index
      %parallel_loop3A_158 = tpu.vector_load %arg9[%parallel_loop3A_157] {strides = array<i32>} : memref<16384xf32, #tpu.memory_space<vmem>>, vector<16xf32>,
      %parallel_loop3A_159 = arith.constant 31 : i32
      %parallel_loop3A_160 = vector.broadcast %parallel_loop3A_159 : i32 to vector<16xi32>
      %parallel_loop3A_161 = arith.andi %parallel_loop3A_154, %parallel_loop3A_160 : vector<16xi32>
      %parallel_loop3A_162 = arith.constant 10 : i32
      %parallel_loop3A_163 = vector.broadcast %parallel_loop3A_162 : i32 to vector<16xi32>
      %parallel_loop3A_164 = arith.shrsi %parallel_loop3A_154, %parallel_loop3A_163 : vector<16xi32>
      %parallel_loop3A_165 = vector.broadcast %add3A_53 : i32 to vector<16xi32>
      %parallel_loop3A_166 = arith.cmpi sgt, %parallel_loop3A_164, %parallel_loop3A_165 : vector<16xi32>
      %parallel_loop3A_167 = vector.broadcast %add3A_53 : i32 to vector<16xi32>
      %parallel_loop3A_168 = arith.cmpi sge, %parallel_loop3A_164, %parallel_loop3A_167 : vector<16xi32>
      %parallel_loop3A_169 = arith.addi %mul3A_62, %parallel_loop3A_161 : vector<16xi32>
      %parallel_loop3A_170 = arith.constant 0 : i32
      %parallel_loop3A_171 = arith.constant 1536 : i32
      %parallel_loop3A_172 = vector.broadcast %parallel_loop3A_170 : i32 to vector<16xi32>
      %parallel_loop3A_173 = vector.broadcast %parallel_loop3A_171 : i32 to vector<16xi32>
      %parallel_loop3A_174 = arith.select %parallel_loop3A_166, %parallel_loop3A_172, %parallel_loop3A_173 : vector<16xi1>, vector<16xi32>
      %parallel_loop3A_175 = arith.constant 512 : i32
      %parallel_loop3A_176 = arith.constant 1024 : i32
      %parallel_loop3A_177 = vector.broadcast %parallel_loop3A_175 : i32 to vector<16xi32>
      %parallel_loop3A_178 = vector.broadcast %parallel_loop3A_176 : i32 to vector<16xi32>
      %parallel_loop3A_179 = arith.select %parallel_loop3A_166, %parallel_loop3A_177, %parallel_loop3A_178 : vector<16xi1>, vector<16xi32>
      %parallel_loop3A_180 = arith.addi %parallel_loop3A_169, %parallel_loop3A_174 : vector<16xi32>
      tpu.vector_store_idx %arg11[%parallel_loop3A_180], %broadcast_in_dim3A_64 masked %parallel_loop3A_168 {add = true} : memref<2048xf32, #tpu.memory_space<vmem>>[vector<16xi32>], vector<16xf32>, vector<16xi1>
      %parallel_loop3A_181 = arith.addi %parallel_loop3A_169, %parallel_loop3A_179 : vector<16xi32>
      tpu.vector_store_idx %arg11[%parallel_loop3A_181], %parallel_loop3A_158 masked %parallel_loop3A_168 {add = true} : memref<2048xf32, #tpu.memory_space<vmem>>[vector<16xi32>], vector<16xf32>, vector<16xi1>
    } {sc.loop_unroll_factor = 8 : i64, sc.parallel_access}
    %dma_wait3A_112 = tpu.memref_slice %arg3[%multiple_of3A_104] : memref<2097152xi32, #tpu.memory_space<hbm>> -> memref<16384xi32, #tpu.memory_space<hbm>>
    %dma_wait3A_113 = tpu.memref_slice %arg3[%multiple_of3A_104] : memref<2097152xi32, #tpu.memory_space<hbm>> -> memref<16384xi32, #tpu.memory_space<hbm>>
    tpu.wait_dma2 semaphore(%arg16 : memref<!tpu.dma_semaphore, #tpu.memory_space<semaphore_mem>>) src(%dma_wait3A_113 : memref<16384xi32, #tpu.memory_space<hbm>>) dst(%arg8 : memref<16384xi32, #tpu.memory_space<vmem>>)
    %dma_wait3A_114 = tpu.memref_slice %arg2[%multiple_of3A_104] : memref<2097152xf32, #tpu.memory_space<hbm>> -> memref<16384xf32, #tpu.memory_space<hbm>>
    %dma_wait3A_115 = tpu.memref_slice %arg2[%multiple_of3A_104] : memref<2097152xf32, #tpu.memory_space<hbm>> -> memref<16384xf32, #tpu.memory_space<hbm>>
    tpu.wait_dma2 semaphore(%arg16 : memref<!tpu.dma_semaphore, #tpu.memory_space<semaphore_mem>>) src(%dma_wait3A_115 : memref<16384xf32, #tpu.memory_space<hbm>>) dst(%arg10 : memref<16384xf32, #tpu.memory_space<vmem>>)
    %parallel_loop3A_116 = arith.constant 0 : i32
    %parallel_loop3A_117 = arith.constant 1024 : i32
    %parallel_loop3A_118 = arith.constant 1 : i32
    scf.for %parallel_loop3A_150 = %parallel_loop3A_116 to %parallel_loop3A_117 step %parallel_loop3A_118  : i32 {
      %parallel_loop3A_151 = arith.constant 16 : i32
      %parallel_loop3A_152 = arith.muli %parallel_loop3A_150, %parallel_loop3A_151 : i32
      %parallel_loop3A_153 = arith.index_cast %parallel_loop3A_152 : i32 to index
      %parallel_loop3A_154 = tpu.vector_load %arg8[%parallel_loop3A_153] {strides = array<i32>} : memref<16384xi32, #tpu.memory_space<vmem>>, vector<16xi32>,
      %parallel_loop3A_155 = arith.constant 16 : i32
      %parallel_loop3A_156 = arith.muli %parallel_loop3A_150, %parallel_loop3A_155 : i32
      %parallel_loop3A_157 = arith.index_cast %parallel_loop3A_156 : i32 to index
      %parallel_loop3A_158 = tpu.vector_load %arg10[%parallel_loop3A_157] {strides = array<i32>} : memref<16384xf32, #tpu.memory_space<vmem>>, vector<16xf32>,
      %parallel_loop3A_159 = arith.constant 31 : i32
      %parallel_loop3A_160 = vector.broadcast %parallel_loop3A_159 : i32 to vector<16xi32>
      %parallel_loop3A_161 = arith.andi %parallel_loop3A_154, %parallel_loop3A_160 : vector<16xi32>
      %parallel_loop3A_162 = arith.constant 10 : i32
      %parallel_loop3A_163 = vector.broadcast %parallel_loop3A_162 : i32 to vector<16xi32>
      %parallel_loop3A_164 = arith.shrsi %parallel_loop3A_154, %parallel_loop3A_163 : vector<16xi32>
      %parallel_loop3A_165 = vector.broadcast %add3A_53 : i32 to vector<16xi32>
      %parallel_loop3A_166 = arith.cmpi sgt, %parallel_loop3A_164, %parallel_loop3A_165 : vector<16xi32>
      %parallel_loop3A_167 = vector.broadcast %add3A_53 : i32 to vector<16xi32>
      %parallel_loop3A_168 = arith.cmpi sge, %parallel_loop3A_164, %parallel_loop3A_167 : vector<16xi32>
      %parallel_loop3A_169 = arith.addi %mul3A_62, %parallel_loop3A_161 : vector<16xi32>
      %parallel_loop3A_170 = arith.constant 0 : i32
      %parallel_loop3A_171 = arith.constant 1536 : i32
      %parallel_loop3A_172 = vector.broadcast %parallel_loop3A_170 : i32 to vector<16xi32>
      %parallel_loop3A_173 = vector.broadcast %parallel_loop3A_171 : i32 to vector<16xi32>
      %parallel_loop3A_174 = arith.select %parallel_loop3A_166, %parallel_loop3A_172, %parallel_loop3A_173 : vector<16xi1>, vector<16xi32>
      %parallel_loop3A_175 = arith.constant 512 : i32
      %parallel_loop3A_176 = arith.constant 1024 : i32
      %parallel_loop3A_177 = vector.broadcast %parallel_loop3A_175 : i32 to vector<16xi32>
      %parallel_loop3A_178 = vector.broadcast %parallel_loop3A_176 : i32 to vector<16xi32>
      %parallel_loop3A_179 = arith.select %parallel_loop3A_166, %parallel_loop3A_177, %parallel_loop3A_178 : vector<16xi1>, vector<16xi32>
      %parallel_loop3A_180 = arith.addi %parallel_loop3A_169, %parallel_loop3A_174 : vector<16xi32>
      tpu.vector_store_idx %arg11[%parallel_loop3A_180], %broadcast_in_dim3A_64 masked %parallel_loop3A_168 {add = true} : memref<2048xf32, #tpu.memory_space<vmem>>[vector<16xi32>], vector<16xf32>, vector<16xi1>
      %parallel_loop3A_181 = arith.addi %parallel_loop3A_169, %parallel_loop3A_179 : vector<16xi32>
      tpu.vector_store_idx %arg11[%parallel_loop3A_181], %parallel_loop3A_158 masked %parallel_loop3A_168 {add = true} : memref<2048xf32, #tpu.memory_space<vmem>>[vector<16xi32>], vector<16xf32>, vector<16xi1>
    } {sc.loop_unroll_factor = 8 : i64, sc.parallel_access}
    %scan3A_119 = arith.constant 0 : i32
    %scan3A_120 = arith.constant 0 : i32
    %scan3A_121 = arith.constant 2 : i32
    %scan3A_122 = arith.addi %scan3A_120, %scan3A_121 : i32
    %scan3A_123 = arith.constant 1 : i32
    %scan3A_124 = scf.for %scan3A_150 = %scan3A_120 to %scan3A_122 step %scan3A_123 iter_args(%scan3A_151 = %scan3A_119) -> (i32)  : i32 {
      %mul3A_152 = arith.constant 16 : i32
      %mul3A_153 = arith.muli %scan3A_150, %mul3A_152 : i32
      %add3A_154 = arith.constant 0 : i32
      %add3A_155 = arith.addi %add3A_154, %mul3A_153 : i32
      %get3A = arith.index_cast %add3A_155 : i32 to index
      %get3A_156 = tpu.vector_load %arg11[%get3A] {strides = array<i32>} : memref<2048xf32, #tpu.memory_space<vmem>>, vector<16xf32>,
      %mul3A_157 = arith.constant 16 : i32
      %mul3A_158 = arith.muli %scan3A_150, %mul3A_157 : i32
      %add3A_159 = arith.constant 32 : i32
      %add3A_160 = arith.addi %add3A_159, %mul3A_158 : i32
      %get3A_161 = arith.index_cast %add3A_160 : i32 to index
      %get3A_162 = tpu.vector_load %arg11[%get3A_161] {strides = array<i32>} : memref<2048xf32, #tpu.memory_space<vmem>>, vector<16xf32>,
      %add3A_163 = arith.addf %get3A_156, %get3A_162 : vector<16xf32>
      %mul3A_164 = arith.constant 16 : i32
      %mul3A_165 = arith.muli %scan3A_150, %mul3A_164 : i32
      %add3A_166 = arith.constant 64 : i32
      %add3A_167 = arith.addi %add3A_166, %mul3A_165 : i32
      %get3A_168 = arith.index_cast %add3A_167 : i32 to index
      %get3A_169 = tpu.vector_load %arg11[%get3A_168] {strides = array<i32>} : memref<2048xf32, #tpu.memory_space<vmem>>, vector<16xf32>,
      %add3A_170 = arith.addf %add3A_163, %get3A_169 : vector<16xf32>
      %mul3A_171 = arith.constant 16 : i32
      %mul3A_172 = arith.muli %scan3A_150, %mul3A_171 : i32
      %add3A_173 = arith.constant 96 : i32
      %add3A_174 = arith.addi %add3A_173, %mul3A_172 : i32
      %get3A_175 = arith.index_cast %add3A_174 : i32 to index
      %get3A_176 = tpu.vector_load %arg11[%get3A_175] {strides = array<i32>} : memref<2048xf32, #tpu.memory_space<vmem>>, vector<16xf32>,
      %add3A_177 = arith.addf %add3A_170, %get3A_176 : vector<16xf32>
      %mul3A_178 = arith.constant 16 : i32
      %mul3A_179 = arith.muli %scan3A_150, %mul3A_178 : i32
      %add3A_180 = arith.constant 128 : i32
      %add3A_181 = arith.addi %add3A_180, %mul3A_179 : i32
      %get3A_182 = arith.index_cast %add3A_181 : i32 to index
      %get3A_183 = tpu.vector_load %arg11[%get3A_182] {strides = array<i32>} : memref<2048xf32, #tpu.memory_space<vmem>>, vector<16xf32>,
      %add3A_184 = arith.addf %add3A_177, %get3A_183 : vector<16xf32>
      %mul3A_185 = arith.constant 16 : i32
      %mul3A_186 = arith.muli %scan3A_150, %mul3A_185 : i32
      %add3A_187 = arith.constant 160 : i32
      %add3A_188 = arith.addi %add3A_187, %mul3A_186 : i32
      %get3A_189 = arith.index_cast %add3A_188 : i32 to index
      %get3A_190 = tpu.vector_load %arg11[%get3A_189] {strides = array<i32>} : memref<2048xf32, #tpu.memory_space<vmem>>, vector<16xf32>,
      %add3A_191 = arith.addf %add3A_184, %get3A_190 : vector<16xf32>
      %mul3A_192 = arith.constant 16 : i32
      %mul3A_193 = arith.muli %scan3A_150, %mul3A_192 : i32
      %add3A_194 = arith.constant 192 : i32
      %add3A_195 = arith.addi %add3A_194, %mul3A_193 : i32
      %get3A_196 = arith.index_cast %add3A_195 : i32 to index
      %get3A_197 = tpu.vector_load %arg11[%get3A_196] {strides = array<i32>} : memref<2048xf32, #tpu.memory_space<vmem>>, vector<16xf32>,
      %add3A_198 = arith.addf %add3A_191, %get3A_197 : vector<16xf32>
      %mul3A_199 = arith.constant 16 : i32
      %mul3A_200 = arith.muli %scan3A_150, %mul3A_199 : i32
      %add3A_201 = arith.constant 224 : i32
      %add3A_202 = arith.addi %add3A_201, %mul3A_200 : i32
      %get3A_203 = arith.index_cast %add3A_202 : i32 to index
      %get3A_204 = tpu.vector_load %arg11[%get3A_203] {strides = array<i32>} : memref<2048xf32, #tpu.memory_space<vmem>>, vector<16xf32>,
      %add3A_205 = arith.addf %add3A_198, %get3A_204 : vector<16xf32>
      %mul3A_206 = arith.constant 16 : i32
      %mul3A_207 = arith.muli %scan3A_150, %mul3A_206 : i32
      %add3A_208 = arith.constant 256 : i32
      %add3A_209 = arith.addi %add3A_208, %mul3A_207 : i32
      %get3A_210 = arith.index_cast %add3A_209 : i32 to index
      %get3A_211 = tpu.vector_load %arg11[%get3A_210] {strides = array<i32>} : memref<2048xf32, #tpu.memory_space<vmem>>, vector<16xf32>,
      %add3A_212 = arith.addf %add3A_205, %get3A_211 : vector<16xf32>
      %mul3A_213 = arith.constant 16 : i32
      %mul3A_214 = arith.muli %scan3A_150, %mul3A_213 : i32
      %add3A_215 = arith.constant 288 : i32
      %add3A_216 = arith.addi %add3A_215, %mul3A_214 : i32
      %get3A_217 = arith.index_cast %add3A_216 : i32 to index
      %get3A_218 = tpu.vector_load %arg11[%get3A_217] {strides = array<i32>} : memref<2048xf32, #tpu.memory_space<vmem>>, vector<16xf32>,
      %add3A_219 = arith.addf %add3A_212, %get3A_218 : vector<16xf32>
      %mul3A_220 = arith.constant 16 : i32
      %mul3A_221 = arith.muli %scan3A_150, %mul3A_220 : i32
      %add3A_222 = arith.constant 320 : i32
      %add3A_223 = arith.addi %add3A_222, %mul3A_221 : i32
      %get3A_224 = arith.index_cast %add3A_223 : i32 to index
      %get3A_225 = tpu.vector_load %arg11[%get3A_224] {strides = array<i32>} : memref<2048xf32, #tpu.memory_space<vmem>>, vector<16xf32>,
      %add3A_226 = arith.addf %add3A_219, %get3A_225 : vector<16xf32>
      %mul3A_227 = arith.constant 16 : i32
      %mul3A_228 = arith.muli %scan3A_150, %mul3A_227 : i32
      %add3A_229 = arith.constant 352 : i32
      %add3A_230 = arith.addi %add3A_229, %mul3A_228 : i32
      %get3A_231 = arith.index_cast %add3A_230 : i32 to index
      %get3A_232 = tpu.vector_load %arg11[%get3A_231] {strides = array<i32>} : memref<2048xf32, #tpu.memory_space<vmem>>, vector<16xf32>,
      %add3A_233 = arith.addf %add3A_226, %get3A_232 : vector<16xf32>
      %mul3A_234 = arith.constant 16 : i32
      %mul3A_235 = arith.muli %scan3A_150, %mul3A_234 : i32
      %add3A_236 = arith.constant 384 : i32
      %add3A_237 = arith.addi %add3A_236, %mul3A_235 : i32
      %get3A_238 = arith.index_cast %add3A_237 : i32 to index
      %get3A_239 = tpu.vector_load %arg11[%get3A_238] {strides = array<i32>} : memref<2048xf32, #tpu.memory_space<vmem>>, vector<16xf32>,
      %add3A_240 = arith.addf %add3A_233, %get3A_239 : vector<16xf32>
      %mul3A_241 = arith.constant 16 : i32
      %mul3A_242 = arith.muli %scan3A_150, %mul3A_241 : i32
      %add3A_243 = arith.constant 416 : i32
      %add3A_244 = arith.addi %add3A_243, %mul3A_242 : i32
      %get3A_245 = arith.index_cast %add3A_244 : i32 to index
      %get3A_246 = tpu.vector_load %arg11[%get3A_245] {strides = array<i32>} : memref<2048xf32, #tpu.memory_space<vmem>>, vector<16xf32>,
      %add3A_247 = arith.addf %add3A_240, %get3A_246 : vector<16xf32>
      %mul3A_248 = arith.constant 16 : i32
      %mul3A_249 = arith.muli %scan3A_150, %mul3A_248 : i32
      %add3A_250 = arith.constant 448 : i32
      %add3A_251 = arith.addi %add3A_250, %mul3A_249 : i32
      %get3A_252 = arith.index_cast %add3A_251 : i32 to index
      %get3A_253 = tpu.vector_load %arg11[%get3A_252] {strides = array<i32>} : memref<2048xf32, #tpu.memory_space<vmem>>, vector<16xf32>,
      %add3A_254 = arith.addf %add3A_247, %get3A_253 : vector<16xf32>
      %mul3A_255 = arith.constant 16 : i32
      %mul3A_256 = arith.muli %scan3A_150, %mul3A_255 : i32
      %add3A_257 = arith.constant 480 : i32
      %add3A_258 = arith.addi %add3A_257, %mul3A_256 : i32
      %get3A_259 = arith.index_cast %add3A_258 : i32 to index
      %get3A_260 = tpu.vector_load %arg11[%get3A_259] {strides = array<i32>} : memref<2048xf32, #tpu.memory_space<vmem>>, vector<16xf32>,
      %add3A_261 = arith.addf %add3A_254, %get3A_260 : vector<16xf32>
      %mul3A_262 = arith.constant 16 : i32
      %mul3A_263 = arith.muli %scan3A_150, %mul3A_262 : i32
      %add3A_264 = arith.constant 0 : i32
      %add3A_265 = arith.addi %add3A_264, %mul3A_263 : i32
      %swap3A = arith.index_cast %add3A_265 : i32 to index
      %swap3A_266 = tpu.vector_load %arg12[%swap3A] {strides = array<i32>} : memref<128xf32, #tpu.memory_space<vmem>>, vector<16xf32>,
      tpu.vector_store %arg12[%swap3A], %add3A_261 {strides = array<i32>} : memref<128xf32, #tpu.memory_space<vmem>>, vector<16xf32>,
      %scan3A_267 = arith.constant 0 : i32
      scf.yield %scan3A_267 : i32
    }
    %scan3A_125 = arith.constant 2 : i32
    %scan3A_126 = arith.constant 0 : i32
    %scan3A_127 = arith.constant 0 : i32
    %scan3A_128 = arith.constant 2 : i32
    %scan3A_129 = arith.addi %scan3A_127, %scan3A_128 : i32
    %scan3A_130 = arith.constant 1 : i32
    %scan3A_131 = scf.for %scan3A_150 = %scan3A_127 to %scan3A_129 step %scan3A_130 iter_args(%scan3A_151 = %scan3A_126) -> (i32)  : i32 {
      %mul3A_152 = arith.constant 16 : i32
      %mul3A_153 = arith.muli %scan3A_150, %mul3A_152 : i32
      %add3A_154 = arith.constant 512 : i32
      %add3A_155 = arith.addi %add3A_154, %mul3A_153 : i32
      %get3A = arith.index_cast %add3A_155 : i32 to index
      %get3A_156 = tpu.vector_load %arg11[%get3A] {strides = array<i32>} : memref<2048xf32, #tpu.memory_space<vmem>>, vector<16xf32>,
      %mul3A_157 = arith.constant 16 : i32
      %mul3A_158 = arith.muli %scan3A_150, %mul3A_157 : i32
      %add3A_159 = arith.constant 544 : i32
      %add3A_160 = arith.addi %add3A_159, %mul3A_158 : i32
      %get3A_161 = arith.index_cast %add3A_160 : i32 to index
      %get3A_162 = tpu.vector_load %arg11[%get3A_161] {strides = array<i32>} : memref<2048xf32, #tpu.memory_space<vmem>>, vector<16xf32>,
      %add3A_163 = arith.addf %get3A_156, %get3A_162 : vector<16xf32>
      %mul3A_164 = arith.constant 16 : i32
      %mul3A_165 = arith.muli %scan3A_150, %mul3A_164 : i32
      %add3A_166 = arith.constant 576 : i32
      %add3A_167 = arith.addi %add3A_166, %mul3A_165 : i32
      %get3A_168 = arith.index_cast %add3A_167 : i32 to index
      %get3A_169 = tpu.vector_load %arg11[%get3A_168] {strides = array<i32>} : memref<2048xf32, #tpu.memory_space<vmem>>, vector<16xf32>,
      %add3A_170 = arith.addf %add3A_163, %get3A_169 : vector<16xf32>
      %mul3A_171 = arith.constant 16 : i32
      %mul3A_172 = arith.muli %scan3A_150, %mul3A_171 : i32
      %add3A_173 = arith.constant 608 : i32
      %add3A_174 = arith.addi %add3A_173, %mul3A_172 : i32
      %get3A_175 = arith.index_cast %add3A_174 : i32 to index
      %get3A_176 = tpu.vector_load %arg11[%get3A_175] {strides = array<i32>} : memref<2048xf32, #tpu.memory_space<vmem>>, vector<16xf32>,
      %add3A_177 = arith.addf %add3A_170, %get3A_176 : vector<16xf32>
      %mul3A_178 = arith.constant 16 : i32
      %mul3A_179 = arith.muli %scan3A_150, %mul3A_178 : i32
      %add3A_180 = arith.constant 640 : i32
      %add3A_181 = arith.addi %add3A_180, %mul3A_179 : i32
      %get3A_182 = arith.index_cast %add3A_181 : i32 to index
      %get3A_183 = tpu.vector_load %arg11[%get3A_182] {strides = array<i32>} : memref<2048xf32, #tpu.memory_space<vmem>>, vector<16xf32>,
      %add3A_184 = arith.addf %add3A_177, %get3A_183 : vector<16xf32>
      %mul3A_185 = arith.constant 16 : i32
      %mul3A_186 = arith.muli %scan3A_150, %mul3A_185 : i32
      %add3A_187 = arith.constant 672 : i32
      %add3A_188 = arith.addi %add3A_187, %mul3A_186 : i32
      %get3A_189 = arith.index_cast %add3A_188 : i32 to index
      %get3A_190 = tpu.vector_load %arg11[%get3A_189] {strides = array<i32>} : memref<2048xf32, #tpu.memory_space<vmem>>, vector<16xf32>,
      %add3A_191 = arith.addf %add3A_184, %get3A_190 : vector<16xf32>
      %mul3A_192 = arith.constant 16 : i32
      %mul3A_193 = arith.muli %scan3A_150, %mul3A_192 : i32
      %add3A_194 = arith.constant 704 : i32
      %add3A_195 = arith.addi %add3A_194, %mul3A_193 : i32
      %get3A_196 = arith.index_cast %add3A_195 : i32 to index
      %get3A_197 = tpu.vector_load %arg11[%get3A_196] {strides = array<i32>} : memref<2048xf32, #tpu.memory_space<vmem>>, vector<16xf32>,
      %add3A_198 = arith.addf %add3A_191, %get3A_197 : vector<16xf32>
      %mul3A_199 = arith.constant 16 : i32
      %mul3A_200 = arith.muli %scan3A_150, %mul3A_199 : i32
      %add3A_201 = arith.constant 736 : i32
      %add3A_202 = arith.addi %add3A_201, %mul3A_200 : i32
      %get3A_203 = arith.index_cast %add3A_202 : i32 to index
      %get3A_204 = tpu.vector_load %arg11[%get3A_203] {strides = array<i32>} : memref<2048xf32, #tpu.memory_space<vmem>>, vector<16xf32>,
      %add3A_205 = arith.addf %add3A_198, %get3A_204 : vector<16xf32>
      %mul3A_206 = arith.constant 16 : i32
      %mul3A_207 = arith.muli %scan3A_150, %mul3A_206 : i32
      %add3A_208 = arith.constant 768 : i32
      %add3A_209 = arith.addi %add3A_208, %mul3A_207 : i32
      %get3A_210 = arith.index_cast %add3A_209 : i32 to index
      %get3A_211 = tpu.vector_load %arg11[%get3A_210] {strides = array<i32>} : memref<2048xf32, #tpu.memory_space<vmem>>, vector<16xf32>,
      %add3A_212 = arith.addf %add3A_205, %get3A_211 : vector<16xf32>
      %mul3A_213 = arith.constant 16 : i32
      %mul3A_214 = arith.muli %scan3A_150, %mul3A_213 : i32
      %add3A_215 = arith.constant 800 : i32
      %add3A_216 = arith.addi %add3A_215, %mul3A_214 : i32
      %get3A_217 = arith.index_cast %add3A_216 : i32 to index
      %get3A_218 = tpu.vector_load %arg11[%get3A_217] {strides = array<i32>} : memref<2048xf32, #tpu.memory_space<vmem>>, vector<16xf32>,
      %add3A_219 = arith.addf %add3A_212, %get3A_218 : vector<16xf32>
      %mul3A_220 = arith.constant 16 : i32
      %mul3A_221 = arith.muli %scan3A_150, %mul3A_220 : i32
      %add3A_222 = arith.constant 832 : i32
      %add3A_223 = arith.addi %add3A_222, %mul3A_221 : i32
      %get3A_224 = arith.index_cast %add3A_223 : i32 to index
      %get3A_225 = tpu.vector_load %arg11[%get3A_224] {strides = array<i32>} : memref<2048xf32, #tpu.memory_space<vmem>>, vector<16xf32>,
      %add3A_226 = arith.addf %add3A_219, %get3A_225 : vector<16xf32>
      %mul3A_227 = arith.constant 16 : i32
      %mul3A_228 = arith.muli %scan3A_150, %mul3A_227 : i32
      %add3A_229 = arith.constant 864 : i32
      %add3A_230 = arith.addi %add3A_229, %mul3A_228 : i32
      %get3A_231 = arith.index_cast %add3A_230 : i32 to index
      %get3A_232 = tpu.vector_load %arg11[%get3A_231] {strides = array<i32>} : memref<2048xf32, #tpu.memory_space<vmem>>, vector<16xf32>,
      %add3A_233 = arith.addf %add3A_226, %get3A_232 : vector<16xf32>
      %mul3A_234 = arith.constant 16 : i32
      %mul3A_235 = arith.muli %scan3A_150, %mul3A_234 : i32
      %add3A_236 = arith.constant 896 : i32
      %add3A_237 = arith.addi %add3A_236, %mul3A_235 : i32
      %get3A_238 = arith.index_cast %add3A_237 : i32 to index
      %get3A_239 = tpu.vector_load %arg11[%get3A_238] {strides = array<i32>} : memref<2048xf32, #tpu.memory_space<vmem>>, vector<16xf32>,
      %add3A_240 = arith.addf %add3A_233, %get3A_239 : vector<16xf32>
      %mul3A_241 = arith.constant 16 : i32
      %mul3A_242 = arith.muli %scan3A_150, %mul3A_241 : i32
      %add3A_243 = arith.constant 928 : i32
      %add3A_244 = arith.addi %add3A_243, %mul3A_242 : i32
      %get3A_245 = arith.index_cast %add3A_244 : i32 to index
      %get3A_246 = tpu.vector_load %arg11[%get3A_245] {strides = array<i32>} : memref<2048xf32, #tpu.memory_space<vmem>>, vector<16xf32>,
      %add3A_247 = arith.addf %add3A_240, %get3A_246 : vector<16xf32>
      %mul3A_248 = arith.constant 16 : i32
      %mul3A_249 = arith.muli %scan3A_150, %mul3A_248 : i32
      %add3A_250 = arith.constant 960 : i32
      %add3A_251 = arith.addi %add3A_250, %mul3A_249 : i32
      %get3A_252 = arith.index_cast %add3A_251 : i32 to index
      %get3A_253 = tpu.vector_load %arg11[%get3A_252] {strides = array<i32>} : memref<2048xf32, #tpu.memory_space<vmem>>, vector<16xf32>,
      %add3A_254 = arith.addf %add3A_247, %get3A_253 : vector<16xf32>
      %mul3A_255 = arith.constant 16 : i32
      %mul3A_256 = arith.muli %scan3A_150, %mul3A_255 : i32
      %add3A_257 = arith.constant 992 : i32
      %add3A_258 = arith.addi %add3A_257, %mul3A_256 : i32
      %get3A_259 = arith.index_cast %add3A_258 : i32 to index
      %get3A_260 = tpu.vector_load %arg11[%get3A_259] {strides = array<i32>} : memref<2048xf32, #tpu.memory_space<vmem>>, vector<16xf32>,
      %add3A_261 = arith.addf %add3A_254, %get3A_260 : vector<16xf32>
      %mul3A_262 = arith.constant 16 : i32
      %mul3A_263 = arith.muli %scan3A_150, %mul3A_262 : i32
      %add3A_264 = arith.constant 32 : i32
      %add3A_265 = arith.addi %add3A_264, %mul3A_263 : i32
      %swap3A = arith.index_cast %add3A_265 : i32 to index
      %swap3A_266 = tpu.vector_load %arg12[%swap3A] {strides = array<i32>} : memref<128xf32, #tpu.memory_space<vmem>>, vector<16xf32>,
      tpu.vector_store %arg12[%swap3A], %add3A_261 {strides = array<i32>} : memref<128xf32, #tpu.memory_space<vmem>>, vector<16xf32>,
      %scan3A_267 = arith.constant 0 : i32
      scf.yield %scan3A_267 : i32
    }
    %scan3A_132 = arith.constant 2 : i32
    %scan3A_133 = arith.constant 0 : i32
    %scan3A_134 = arith.constant 0 : i32
    %scan3A_135 = arith.constant 2 : i32
    %scan3A_136 = arith.addi %scan3A_134, %scan3A_135 : i32
    %scan3A_137 = arith.constant 1 : i32
    %scan3A_138 = scf.for %scan3A_150 = %scan3A_134 to %scan3A_136 step %scan3A_137 iter_args(%scan3A_151 = %scan3A_133) -> (i32)  : i32 {
      %mul3A_152 = arith.constant 16 : i32
      %mul3A_153 = arith.muli %scan3A_150, %mul3A_152 : i32
      %add3A_154 = arith.constant 1536 : i32
      %add3A_155 = arith.addi %add3A_154, %mul3A_153 : i32
      %get3A = arith.index_cast %add3A_155 : i32 to index
      %get3A_156 = tpu.vector_load %arg11[%get3A] {strides = array<i32>} : memref<2048xf32, #tpu.memory_space<vmem>>, vector<16xf32>,
      %mul3A_157 = arith.constant 16 : i32
      %mul3A_158 = arith.muli %scan3A_150, %mul3A_157 : i32
      %add3A_159 = arith.constant 1568 : i32
      %add3A_160 = arith.addi %add3A_159, %mul3A_158 : i32
      %get3A_161 = arith.index_cast %add3A_160 : i32 to index
      %get3A_162 = tpu.vector_load %arg11[%get3A_161] {strides = array<i32>} : memref<2048xf32, #tpu.memory_space<vmem>>, vector<16xf32>,
      %add3A_163 = arith.addf %get3A_156, %get3A_162 : vector<16xf32>
      %mul3A_164 = arith.constant 16 : i32
      %mul3A_165 = arith.muli %scan3A_150, %mul3A_164 : i32
      %add3A_166 = arith.constant 1600 : i32
      %add3A_167 = arith.addi %add3A_166, %mul3A_165 : i32
      %get3A_168 = arith.index_cast %add3A_167 : i32 to index
      %get3A_169 = tpu.vector_load %arg11[%get3A_168] {strides = array<i32>} : memref<2048xf32, #tpu.memory_space<vmem>>, vector<16xf32>,
      %add3A_170 = arith.addf %add3A_163, %get3A_169 : vector<16xf32>
      %mul3A_171 = arith.constant 16 : i32
      %mul3A_172 = arith.muli %scan3A_150, %mul3A_171 : i32
      %add3A_173 = arith.constant 1632 : i32
      %add3A_174 = arith.addi %add3A_173, %mul3A_172 : i32
      %get3A_175 = arith.index_cast %add3A_174 : i32 to index
      %get3A_176 = tpu.vector_load %arg11[%get3A_175] {strides = array<i32>} : memref<2048xf32, #tpu.memory_space<vmem>>, vector<16xf32>,
      %add3A_177 = arith.addf %add3A_170, %get3A_176 : vector<16xf32>
      %mul3A_178 = arith.constant 16 : i32
      %mul3A_179 = arith.muli %scan3A_150, %mul3A_178 : i32
      %add3A_180 = arith.constant 1664 : i32
      %add3A_181 = arith.addi %add3A_180, %mul3A_179 : i32
      %get3A_182 = arith.index_cast %add3A_181 : i32 to index
      %get3A_183 = tpu.vector_load %arg11[%get3A_182] {strides = array<i32>} : memref<2048xf32, #tpu.memory_space<vmem>>, vector<16xf32>,
      %add3A_184 = arith.addf %add3A_177, %get3A_183 : vector<16xf32>
      %mul3A_185 = arith.constant 16 : i32
      %mul3A_186 = arith.muli %scan3A_150, %mul3A_185 : i32
      %add3A_187 = arith.constant 1696 : i32
      %add3A_188 = arith.addi %add3A_187, %mul3A_186 : i32
      %get3A_189 = arith.index_cast %add3A_188 : i32 to index
      %get3A_190 = tpu.vector_load %arg11[%get3A_189] {strides = array<i32>} : memref<2048xf32, #tpu.memory_space<vmem>>, vector<16xf32>,
      %add3A_191 = arith.addf %add3A_184, %get3A_190 : vector<16xf32>
      %mul3A_192 = arith.constant 16 : i32
      %mul3A_193 = arith.muli %scan3A_150, %mul3A_192 : i32
      %add3A_194 = arith.constant 1728 : i32
      %add3A_195 = arith.addi %add3A_194, %mul3A_193 : i32
      %get3A_196 = arith.index_cast %add3A_195 : i32 to index
      %get3A_197 = tpu.vector_load %arg11[%get3A_196] {strides = array<i32>} : memref<2048xf32, #tpu.memory_space<vmem>>, vector<16xf32>,
      %add3A_198 = arith.addf %add3A_191, %get3A_197 : vector<16xf32>
      %mul3A_199 = arith.constant 16 : i32
      %mul3A_200 = arith.muli %scan3A_150, %mul3A_199 : i32
      %add3A_201 = arith.constant 1760 : i32
      %add3A_202 = arith.addi %add3A_201, %mul3A_200 : i32
      %get3A_203 = arith.index_cast %add3A_202 : i32 to index
      %get3A_204 = tpu.vector_load %arg11[%get3A_203] {strides = array<i32>} : memref<2048xf32, #tpu.memory_space<vmem>>, vector<16xf32>,
      %add3A_205 = arith.addf %add3A_198, %get3A_204 : vector<16xf32>
      %mul3A_206 = arith.constant 16 : i32
      %mul3A_207 = arith.muli %scan3A_150, %mul3A_206 : i32
      %add3A_208 = arith.constant 1792 : i32
      %add3A_209 = arith.addi %add3A_208, %mul3A_207 : i32
      %get3A_210 = arith.index_cast %add3A_209 : i32 to index
      %get3A_211 = tpu.vector_load %arg11[%get3A_210] {strides = array<i32>} : memref<2048xf32, #tpu.memory_space<vmem>>, vector<16xf32>,
      %add3A_212 = arith.addf %add3A_205, %get3A_211 : vector<16xf32>
      %mul3A_213 = arith.constant 16 : i32
      %mul3A_214 = arith.muli %scan3A_150, %mul3A_213 : i32
      %add3A_215 = arith.constant 1824 : i32
      %add3A_216 = arith.addi %add3A_215, %mul3A_214 : i32
      %get3A_217 = arith.index_cast %add3A_216 : i32 to index
      %get3A_218 = tpu.vector_load %arg11[%get3A_217] {strides = array<i32>} : memref<2048xf32, #tpu.memory_space<vmem>>, vector<16xf32>,
      %add3A_219 = arith.addf %add3A_212, %get3A_218 : vector<16xf32>
      %mul3A_220 = arith.constant 16 : i32
      %mul3A_221 = arith.muli %scan3A_150, %mul3A_220 : i32
      %add3A_222 = arith.constant 1856 : i32
      %add3A_223 = arith.addi %add3A_222, %mul3A_221 : i32
      %get3A_224 = arith.index_cast %add3A_223 : i32 to index
      %get3A_225 = tpu.vector_load %arg11[%get3A_224] {strides = array<i32>} : memref<2048xf32, #tpu.memory_space<vmem>>, vector<16xf32>,
      %add3A_226 = arith.addf %add3A_219, %get3A_225 : vector<16xf32>
      %mul3A_227 = arith.constant 16 : i32
      %mul3A_228 = arith.muli %scan3A_150, %mul3A_227 : i32
      %add3A_229 = arith.constant 1888 : i32
      %add3A_230 = arith.addi %add3A_229, %mul3A_228 : i32
      %get3A_231 = arith.index_cast %add3A_230 : i32 to index
      %get3A_232 = tpu.vector_load %arg11[%get3A_231] {strides = array<i32>} : memref<2048xf32, #tpu.memory_space<vmem>>, vector<16xf32>,
      %add3A_233 = arith.addf %add3A_226, %get3A_232 : vector<16xf32>
      %mul3A_234 = arith.constant 16 : i32
      %mul3A_235 = arith.muli %scan3A_150, %mul3A_234 : i32
      %add3A_236 = arith.constant 1920 : i32
      %add3A_237 = arith.addi %add3A_236, %mul3A_235 : i32
      %get3A_238 = arith.index_cast %add3A_237 : i32 to index
      %get3A_239 = tpu.vector_load %arg11[%get3A_238] {strides = array<i32>} : memref<2048xf32, #tpu.memory_space<vmem>>, vector<16xf32>,
      %add3A_240 = arith.addf %add3A_233, %get3A_239 : vector<16xf32>
      %mul3A_241 = arith.constant 16 : i32
      %mul3A_242 = arith.muli %scan3A_150, %mul3A_241 : i32
      %add3A_243 = arith.constant 1952 : i32
      %add3A_244 = arith.addi %add3A_243, %mul3A_242 : i32
      %get3A_245 = arith.index_cast %add3A_244 : i32 to index
      %get3A_246 = tpu.vector_load %arg11[%get3A_245] {strides = array<i32>} : memref<2048xf32, #tpu.memory_space<vmem>>, vector<16xf32>,
      %add3A_247 = arith.addf %add3A_240, %get3A_246 : vector<16xf32>
      %mul3A_248 = arith.constant 16 : i32
      %mul3A_249 = arith.muli %scan3A_150, %mul3A_248 : i32
      %add3A_250 = arith.constant 1984 : i32
      %add3A_251 = arith.addi %add3A_250, %mul3A_249 : i32
      %get3A_252 = arith.index_cast %add3A_251 : i32 to index
      %get3A_253 = tpu.vector_load %arg11[%get3A_252] {strides = array<i32>} : memref<2048xf32, #tpu.memory_space<vmem>>, vector<16xf32>,
      %add3A_254 = arith.addf %add3A_247, %get3A_253 : vector<16xf32>
      %mul3A_255 = arith.constant 16 : i32
      %mul3A_256 = arith.muli %scan3A_150, %mul3A_255 : i32
      %add3A_257 = arith.constant 2016 : i32
      %add3A_258 = arith.addi %add3A_257, %mul3A_256 : i32
      %get3A_259 = arith.index_cast %add3A_258 : i32 to index
      %get3A_260 = tpu.vector_load %arg11[%get3A_259] {strides = array<i32>} : memref<2048xf32, #tpu.memory_space<vmem>>, vector<16xf32>,
      %add3A_261 = arith.addf %add3A_254, %get3A_260 : vector<16xf32>
      %mul3A_262 = arith.constant 16 : i32
      %mul3A_263 = arith.muli %scan3A_150, %mul3A_262 : i32
      %add3A_264 = arith.constant 64 : i32
      %add3A_265 = arith.addi %add3A_264, %mul3A_263 : i32
      %swap3A = arith.index_cast %add3A_265 : i32 to index
      %swap3A_266 = tpu.vector_load %arg12[%swap3A] {strides = array<i32>} : memref<128xf32, #tpu.memory_space<vmem>>, vector<16xf32>,
      tpu.vector_store %arg12[%swap3A], %add3A_261 {strides = array<i32>} : memref<128xf32, #tpu.memory_space<vmem>>, vector<16xf32>,
      %scan3A_267 = arith.constant 0 : i32
      scf.yield %scan3A_267 : i32
    }
    %scan3A_139 = arith.constant 2 : i32
    %scan3A_140 = arith.constant 0 : i32
    %scan3A_141 = arith.constant 0 : i32
    %scan3A_142 = arith.constant 2 : i32
    %scan3A_143 = arith.addi %scan3A_141, %scan3A_142 : i32
    %scan3A_144 = arith.constant 1 : i32
    %scan3A_145 = scf.for %scan3A_150 = %scan3A_141 to %scan3A_143 step %scan3A_144 iter_args(%scan3A_151 = %scan3A_140) -> (i32)  : i32 {
      %mul3A_152 = arith.constant 16 : i32
      %mul3A_153 = arith.muli %scan3A_150, %mul3A_152 : i32
      %add3A_154 = arith.constant 1024 : i32
      %add3A_155 = arith.addi %add3A_154, %mul3A_153 : i32
      %get3A = arith.index_cast %add3A_155 : i32 to index
      %get3A_156 = tpu.vector_load %arg11[%get3A] {strides = array<i32>} : memref<2048xf32, #tpu.memory_space<vmem>>, vector<16xf32>,
      %mul3A_157 = arith.constant 16 : i32
      %mul3A_158 = arith.muli %scan3A_150, %mul3A_157 : i32
      %add3A_159 = arith.constant 1056 : i32
      %add3A_160 = arith.addi %add3A_159, %mul3A_158 : i32
      %get3A_161 = arith.index_cast %add3A_160 : i32 to index
      %get3A_162 = tpu.vector_load %arg11[%get3A_161] {strides = array<i32>} : memref<2048xf32, #tpu.memory_space<vmem>>, vector<16xf32>,
      %add3A_163 = arith.addf %get3A_156, %get3A_162 : vector<16xf32>
      %mul3A_164 = arith.constant 16 : i32
      %mul3A_165 = arith.muli %scan3A_150, %mul3A_164 : i32
      %add3A_166 = arith.constant 1088 : i32
      %add3A_167 = arith.addi %add3A_166, %mul3A_165 : i32
      %get3A_168 = arith.index_cast %add3A_167 : i32 to index
      %get3A_169 = tpu.vector_load %arg11[%get3A_168] {strides = array<i32>} : memref<2048xf32, #tpu.memory_space<vmem>>, vector<16xf32>,
      %add3A_170 = arith.addf %add3A_163, %get3A_169 : vector<16xf32>
      %mul3A_171 = arith.constant 16 : i32
      %mul3A_172 = arith.muli %scan3A_150, %mul3A_171 : i32
      %add3A_173 = arith.constant 1120 : i32
      %add3A_174 = arith.addi %add3A_173, %mul3A_172 : i32
      %get3A_175 = arith.index_cast %add3A_174 : i32 to index
      %get3A_176 = tpu.vector_load %arg11[%get3A_175] {strides = array<i32>} : memref<2048xf32, #tpu.memory_space<vmem>>, vector<16xf32>,
      %add3A_177 = arith.addf %add3A_170, %get3A_176 : vector<16xf32>
      %mul3A_178 = arith.constant 16 : i32
      %mul3A_179 = arith.muli %scan3A_150, %mul3A_178 : i32
      %add3A_180 = arith.constant 1152 : i32
      %add3A_181 = arith.addi %add3A_180, %mul3A_179 : i32
      %get3A_182 = arith.index_cast %add3A_181 : i32 to index
      %get3A_183 = tpu.vector_load %arg11[%get3A_182] {strides = array<i32>} : memref<2048xf32, #tpu.memory_space<vmem>>, vector<16xf32>,
      %add3A_184 = arith.addf %add3A_177, %get3A_183 : vector<16xf32>
      %mul3A_185 = arith.constant 16 : i32
      %mul3A_186 = arith.muli %scan3A_150, %mul3A_185 : i32
      %add3A_187 = arith.constant 1184 : i32
      %add3A_188 = arith.addi %add3A_187, %mul3A_186 : i32
      %get3A_189 = arith.index_cast %add3A_188 : i32 to index
      %get3A_190 = tpu.vector_load %arg11[%get3A_189] {strides = array<i32>} : memref<2048xf32, #tpu.memory_space<vmem>>, vector<16xf32>,
      %add3A_191 = arith.addf %add3A_184, %get3A_190 : vector<16xf32>
      %mul3A_192 = arith.constant 16 : i32
      %mul3A_193 = arith.muli %scan3A_150, %mul3A_192 : i32
      %add3A_194 = arith.constant 1216 : i32
      %add3A_195 = arith.addi %add3A_194, %mul3A_193 : i32
      %get3A_196 = arith.index_cast %add3A_195 : i32 to index
      %get3A_197 = tpu.vector_load %arg11[%get3A_196] {strides = array<i32>} : memref<2048xf32, #tpu.memory_space<vmem>>, vector<16xf32>,
      %add3A_198 = arith.addf %add3A_191, %get3A_197 : vector<16xf32>
      %mul3A_199 = arith.constant 16 : i32
      %mul3A_200 = arith.muli %scan3A_150, %mul3A_199 : i32
      %add3A_201 = arith.constant 1248 : i32
      %add3A_202 = arith.addi %add3A_201, %mul3A_200 : i32
      %get3A_203 = arith.index_cast %add3A_202 : i32 to index
      %get3A_204 = tpu.vector_load %arg11[%get3A_203] {strides = array<i32>} : memref<2048xf32, #tpu.memory_space<vmem>>, vector<16xf32>,
      %add3A_205 = arith.addf %add3A_198, %get3A_204 : vector<16xf32>
      %mul3A_206 = arith.constant 16 : i32
      %mul3A_207 = arith.muli %scan3A_150, %mul3A_206 : i32
      %add3A_208 = arith.constant 1280 : i32
      %add3A_209 = arith.addi %add3A_208, %mul3A_207 : i32
      %get3A_210 = arith.index_cast %add3A_209 : i32 to index
      %get3A_211 = tpu.vector_load %arg11[%get3A_210] {strides = array<i32>} : memref<2048xf32, #tpu.memory_space<vmem>>, vector<16xf32>,
      %add3A_212 = arith.addf %add3A_205, %get3A_211 : vector<16xf32>
      %mul3A_213 = arith.constant 16 : i32
      %mul3A_214 = arith.muli %scan3A_150, %mul3A_213 : i32
      %add3A_215 = arith.constant 1312 : i32
      %add3A_216 = arith.addi %add3A_215, %mul3A_214 : i32
      %get3A_217 = arith.index_cast %add3A_216 : i32 to index
      %get3A_218 = tpu.vector_load %arg11[%get3A_217] {strides = array<i32>} : memref<2048xf32, #tpu.memory_space<vmem>>, vector<16xf32>,
      %add3A_219 = arith.addf %add3A_212, %get3A_218 : vector<16xf32>
      %mul3A_220 = arith.constant 16 : i32
      %mul3A_221 = arith.muli %scan3A_150, %mul3A_220 : i32
      %add3A_222 = arith.constant 1344 : i32
      %add3A_223 = arith.addi %add3A_222, %mul3A_221 : i32
      %get3A_224 = arith.index_cast %add3A_223 : i32 to index
      %get3A_225 = tpu.vector_load %arg11[%get3A_224] {strides = array<i32>} : memref<2048xf32, #tpu.memory_space<vmem>>, vector<16xf32>,
      %add3A_226 = arith.addf %add3A_219, %get3A_225 : vector<16xf32>
      %mul3A_227 = arith.constant 16 : i32
      %mul3A_228 = arith.muli %scan3A_150, %mul3A_227 : i32
      %add3A_229 = arith.constant 1376 : i32
      %add3A_230 = arith.addi %add3A_229, %mul3A_228 : i32
      %get3A_231 = arith.index_cast %add3A_230 : i32 to index
      %get3A_232 = tpu.vector_load %arg11[%get3A_231] {strides = array<i32>} : memref<2048xf32, #tpu.memory_space<vmem>>, vector<16xf32>,
      %add3A_233 = arith.addf %add3A_226, %get3A_232 : vector<16xf32>
      %mul3A_234 = arith.constant 16 : i32
      %mul3A_235 = arith.muli %scan3A_150, %mul3A_234 : i32
      %add3A_236 = arith.constant 1408 : i32
      %add3A_237 = arith.addi %add3A_236, %mul3A_235 : i32
      %get3A_238 = arith.index_cast %add3A_237 : i32 to index
      %get3A_239 = tpu.vector_load %arg11[%get3A_238] {strides = array<i32>} : memref<2048xf32, #tpu.memory_space<vmem>>, vector<16xf32>,
      %add3A_240 = arith.addf %add3A_233, %get3A_239 : vector<16xf32>
      %mul3A_241 = arith.constant 16 : i32
      %mul3A_242 = arith.muli %scan3A_150, %mul3A_241 : i32
      %add3A_243 = arith.constant 1440 : i32
      %add3A_244 = arith.addi %add3A_243, %mul3A_242 : i32
      %get3A_245 = arith.index_cast %add3A_244 : i32 to index
      %get3A_246 = tpu.vector_load %arg11[%get3A_245] {strides = array<i32>} : memref<2048xf32, #tpu.memory_space<vmem>>, vector<16xf32>,
      %add3A_247 = arith.addf %add3A_240, %get3A_246 : vector<16xf32>
      %mul3A_248 = arith.constant 16 : i32
      %mul3A_249 = arith.muli %scan3A_150, %mul3A_248 : i32
      %add3A_250 = arith.constant 1472 : i32
      %add3A_251 = arith.addi %add3A_250, %mul3A_249 : i32
      %get3A_252 = arith.index_cast %add3A_251 : i32 to index
      %get3A_253 = tpu.vector_load %arg11[%get3A_252] {strides = array<i32>} : memref<2048xf32, #tpu.memory_space<vmem>>, vector<16xf32>,
      %add3A_254 = arith.addf %add3A_247, %get3A_253 : vector<16xf32>
      %mul3A_255 = arith.constant 16 : i32
      %mul3A_256 = arith.muli %scan3A_150, %mul3A_255 : i32
      %add3A_257 = arith.constant 1504 : i32
      %add3A_258 = arith.addi %add3A_257, %mul3A_256 : i32
      %get3A_259 = arith.index_cast %add3A_258 : i32 to index
      %get3A_260 = tpu.vector_load %arg11[%get3A_259] {strides = array<i32>} : memref<2048xf32, #tpu.memory_space<vmem>>, vector<16xf32>,
      %add3A_261 = arith.addf %add3A_254, %get3A_260 : vector<16xf32>
      %mul3A_262 = arith.constant 16 : i32
      %mul3A_263 = arith.muli %scan3A_150, %mul3A_262 : i32
      %add3A_264 = arith.constant 96 : i32
      %add3A_265 = arith.addi %add3A_264, %mul3A_263 : i32
      %swap3A = arith.index_cast %add3A_265 : i32 to index
      %swap3A_266 = tpu.vector_load %arg12[%swap3A] {strides = array<i32>} : memref<128xf32, #tpu.memory_space<vmem>>, vector<16xf32>,
      tpu.vector_store %arg12[%swap3A], %add3A_261 {strides = array<i32>} : memref<128xf32, #tpu.memory_space<vmem>>, vector<16xf32>,
      %scan3A_267 = arith.constant 0 : i32
      scf.yield %scan3A_267 : i32
    }
    %scan3A_146 = arith.constant 2 : i32
    %mul3A_147 = arith.constant 128 : i32
    %mul3A_148 = arith.muli %add3A, %mul3A_147 : i32
    %multiple_of3A_149 = tpu.assume_multiple %mul3A_148, 8 : i32
    "tpu.region"() ({
      %run_scoped3A = tpu.sem_alloc : memref<!tpu.dma_semaphore, #tpu.memory_space<semaphore_mem>>
      %dma_start3A_150 = tpu.memref_slice %arg6[%multiple_of3A_149] : memref<4096xf32, #tpu.memory_space<hbm>> -> memref<128xf32, #tpu.memory_space<hbm>>
      %dma_start3A_151 = tpu.memref_slice %arg6[%multiple_of3A_149] : memref<4096xf32, #tpu.memory_space<hbm>> -> memref<128xf32, #tpu.memory_space<hbm>>
      tpu.enqueue_dma source(%arg12 : memref<128xf32, #tpu.memory_space<vmem>>) target(%dma_start3A_151 : memref<128xf32, #tpu.memory_space<hbm>>) target_semaphore(%run_scoped3A : memref<!tpu.dma_semaphore, #tpu.memory_space<semaphore_mem>>)
      %dma_wait3A_152 = tpu.memref_slice %arg6[%multiple_of3A_149] : memref<4096xf32, #tpu.memory_space<hbm>> -> memref<128xf32, #tpu.memory_space<hbm>>
      %dma_wait3A_153 = tpu.memref_slice %arg6[%multiple_of3A_149] : memref<4096xf32, #tpu.memory_space<hbm>> -> memref<128xf32, #tpu.memory_space<hbm>>
      tpu.wait_dma2 semaphore(%run_scoped3A : memref<!tpu.dma_semaphore, #tpu.memory_space<semaphore_mem>>) src(%arg12 : memref<128xf32, #tpu.memory_space<vmem>>) dst(%dma_wait3A_153 : memref<128xf32, #tpu.memory_space<hbm>>)
      tpu.yield
    }) : () -> ()
    return
  }
}

#map = affine_map<(d0, d1) -> (0)>
module attributes {stable_mosaic.version = 14 : i64} {
  func.func @_hist_b(%arg0: i32, %arg1: i32, %arg2: memref<2097152xi32, #tpu.memory_space<hbm>>, %arg3: memref<32768xi32, #tpu.memory_space<hbm>>, %arg4: memref<65536xi32, #tpu.memory_space<hbm>>, %arg5: memref<65536xi32, #tpu.memory_space<vmem>>, %arg6: memref<32768xi32, #tpu.memory_space<vmem>>, %arg7: memref<2048xi32, #tpu.memory_space<vmem>>, %arg8: memref<8192xi32, #tpu.memory_space<vmem>>, %arg9: memref<1024xi32, #tpu.memory_space<vmem>>, %arg10: memref<!tpu.dma_semaphore, #tpu.memory_space<semaphore_mem>>) attributes {dimension_semantics = [#tpu.dimension_semantics<core_parallel>, #tpu.dimension_semantics<subcore_parallel>], iteration_bounds = array<i64: 2, 16>, scalar_prefetch = 0 : i64, scratch_operands = 6 : i64, tpu.core_type = #tpu.core_type<sc_vector_subcore>, window_params = [{transform_indices = #map}, {transform_indices = #map}, {transform_indices = #map}]} {
    %mul3A = arith.constant 2 : i32
    %mul3A_0 = arith.muli %arg1, %mul3A : i32
    %add3A = arith.addi %mul3A_0, %arg0 : i32
    %mul3A_1 = arith.constant 65536 : i32
    %mul3A_2 = arith.muli %add3A, %mul3A_1 : i32
    %multiple_of3A = tpu.assume_multiple %mul3A_2, 8 : i32
    %dma_start3A = tpu.memref_slice %arg2[%multiple_of3A] : memref<2097152xi32, #tpu.memory_space<hbm>> -> memref<65536xi32, #tpu.memory_space<hbm>>
    %dma_start3A_3 = tpu.memref_slice %arg2[%multiple_of3A] : memref<2097152xi32, #tpu.memory_space<hbm>> -> memref<65536xi32, #tpu.memory_space<hbm>>
    tpu.enqueue_dma source(%dma_start3A_3 : memref<65536xi32, #tpu.memory_space<hbm>>) target(%arg5 : memref<65536xi32, #tpu.memory_space<vmem>>) target_semaphore(%arg10 : memref<!tpu.dma_semaphore, #tpu.memory_space<semaphore_mem>>)
    %broadcast_in_dim3A = arith.constant 0 : i32
    %broadcast_in_dim3A_4 = vector.broadcast %broadcast_in_dim3A : i32 to vector<16xi32>
    %parallel_loop3A = arith.constant 0 : i32
    %parallel_loop3A_5 = arith.constant 64 : i32
    %parallel_loop3A_6 = arith.constant 1 : i32
    scf.for %parallel_loop3A_44 = %parallel_loop3A to %parallel_loop3A_5 step %parallel_loop3A_6  : i32 {
      %parallel_loop3A_45 = arith.constant 16 : i32
      %parallel_loop3A_46 = arith.muli %parallel_loop3A_44, %parallel_loop3A_45 : i32
      %parallel_loop3A_47 = arith.index_cast %parallel_loop3A_46 : i32 to index
      %parallel_loop3A_48 = tpu.vector_load %arg9[%parallel_loop3A_47] {strides = array<i32>} : memref<1024xi32, #tpu.memory_space<vmem>>, vector<16xi32>,
      tpu.vector_store %arg9[%parallel_loop3A_47], %broadcast_in_dim3A_4 {strides = array<i32>} : memref<1024xi32, #tpu.memory_space<vmem>>, vector<16xi32>,
    } {sc.loop_unroll_factor = 8 : i64, sc.parallel_access}
    %scan3A = arith.constant 0 : i32
    %scan3A_7 = arith.constant 0 : i32
    %scan3A_8 = arith.constant 4 : i32
    %scan3A_9 = arith.addi %scan3A_7, %scan3A_8 : i32
    %scan3A_10 = arith.constant 1 : i32
    %scan3A_11 = scf.for %scan3A_44 = %scan3A_7 to %scan3A_9 step %scan3A_10 iter_args(%scan3A_45 = %scan3A) -> (i32)  : i32 {
      %mul3A_46 = arith.constant 8192 : i32
      %mul3A_47 = arith.muli %scan3A_44, %mul3A_46 : i32
      %multiple_of3A_48 = tpu.assume_multiple %mul3A_47, 8 : i32
      "tpu.region"() ({
        %run_scoped3A = tpu.sem_alloc : memref<!tpu.dma_semaphore, #tpu.memory_space<semaphore_mem>>
        %dma_start3A_53 = arith.constant 0 : i32
        %dma_start3A_54 = tpu.memref_slice %arg8[%dma_start3A_53] : memref<8192xi32, #tpu.memory_space<vmem>> -> memref<8192xi32, #tpu.memory_space<vmem>>
        %dma_start3A_55 = tpu.memref_slice %arg3[%multiple_of3A_48] : memref<32768xi32, #tpu.memory_space<hbm>> -> memref<8192xi32, #tpu.memory_space<hbm>>
        %dma_start3A_56 = arith.constant 0 : i32
        %dma_start3A_57 = tpu.memref_slice %arg8[%dma_start3A_56] : memref<8192xi32, #tpu.memory_space<vmem>> -> memref<8192xi32, #tpu.memory_space<vmem>>
        %dma_start3A_58 = tpu.memref_slice %arg3[%multiple_of3A_48] : memref<32768xi32, #tpu.memory_space<hbm>> -> memref<8192xi32, #tpu.memory_space<hbm>>
        tpu.enqueue_dma source(%dma_start3A_58 : memref<8192xi32, #tpu.memory_space<hbm>>) target(%dma_start3A_57 : memref<8192xi32, #tpu.memory_space<vmem>>) target_semaphore(%run_scoped3A : memref<!tpu.dma_semaphore, #tpu.memory_space<semaphore_mem>>)
        %dma_wait3A_59 = arith.constant 0 : i32
        %dma_wait3A_60 = tpu.memref_slice %arg8[%dma_wait3A_59] : memref<8192xi32, #tpu.memory_space<vmem>> -> memref<8192xi32, #tpu.memory_space<vmem>>
        %dma_wait3A_61 = tpu.memref_slice %arg3[%multiple_of3A_48] : memref<32768xi32, #tpu.memory_space<hbm>> -> memref<8192xi32, #tpu.memory_space<hbm>>
        %dma_wait3A_62 = arith.constant 0 : i32
        %dma_wait3A_63 = tpu.memref_slice %arg8[%dma_wait3A_62] : memref<8192xi32, #tpu.memory_space<vmem>> -> memref<8192xi32, #tpu.memory_space<vmem>>
        %dma_wait3A_64 = tpu.memref_slice %arg3[%multiple_of3A_48] : memref<32768xi32, #tpu.memory_space<hbm>> -> memref<8192xi32, #tpu.memory_space<hbm>>
        tpu.wait_dma2 semaphore(%run_scoped3A : memref<!tpu.dma_semaphore, #tpu.memory_space<semaphore_mem>>) src(%dma_wait3A_64 : memref<8192xi32, #tpu.memory_space<hbm>>) dst(%dma_wait3A_63 : memref<8192xi32, #tpu.memory_space<vmem>>)
        tpu.yield
      }) : () -> ()
      %parallel_loop3A_49 = arith.constant 0 : i32
      %parallel_loop3A_50 = arith.constant 64 : i32
      %parallel_loop3A_51 = arith.constant 1 : i32
      scf.for %parallel_loop3A_53 = %parallel_loop3A_49 to %parallel_loop3A_50 step %parallel_loop3A_51  : i32 {
        %parallel_loop3A_54 = arith.constant 16 : i32
        %parallel_loop3A_55 = arith.muli %parallel_loop3A_53, %parallel_loop3A_54 : i32
        %parallel_loop3A_56 = arith.index_cast %parallel_loop3A_55 : i32 to index
        %parallel_loop3A_57 = tpu.vector_load %arg9[%parallel_loop3A_56] {strides = array<i32>} : memref<1024xi32, #tpu.memory_space<vmem>>, vector<16xi32>,
        %parallel_loop3A_58 = arith.constant 16 : i32
        %parallel_loop3A_59 = arith.muli %parallel_loop3A_53, %parallel_loop3A_58 : i32
        %parallel_loop3A_60 = arith.constant 0 : i32
        %parallel_loop3A_61 = arith.addi %parallel_loop3A_60, %parallel_loop3A_59 : i32
        %parallel_loop3A_62 = arith.index_cast %parallel_loop3A_61 : i32 to index
        %parallel_loop3A_63 = tpu.vector_load %arg8[%parallel_loop3A_62] {strides = array<i32>} : memref<8192xi32, #tpu.memory_space<vmem>>, vector<16xi32>,
        %parallel_loop3A_64 = arith.addi %parallel_loop3A_57, %parallel_loop3A_63 : vector<16xi32>
        %parallel_loop3A_65 = arith.constant 16 : i32
        %parallel_loop3A_66 = arith.muli %parallel_loop3A_53, %parallel_loop3A_65 : i32
        %parallel_loop3A_67 = arith.constant 1024 : i32
        %parallel_loop3A_68 = arith.addi %parallel_loop3A_67, %parallel_loop3A_66 : i32
        %parallel_loop3A_69 = arith.index_cast %parallel_loop3A_68 : i32 to index
        %parallel_loop3A_70 = tpu.vector_load %arg8[%parallel_loop3A_69] {strides = array<i32>} : memref<8192xi32, #tpu.memory_space<vmem>>, vector<16xi32>,
        %parallel_loop3A_71 = arith.addi %parallel_loop3A_64, %parallel_loop3A_70 : vector<16xi32>
        %parallel_loop3A_72 = arith.constant 16 : i32
        %parallel_loop3A_73 = arith.muli %parallel_loop3A_53, %parallel_loop3A_72 : i32
        %parallel_loop3A_74 = arith.constant 2048 : i32
        %parallel_loop3A_75 = arith.addi %parallel_loop3A_74, %parallel_loop3A_73 : i32
        %parallel_loop3A_76 = arith.index_cast %parallel_loop3A_75 : i32 to index
        %parallel_loop3A_77 = tpu.vector_load %arg8[%parallel_loop3A_76] {strides = array<i32>} : memref<8192xi32, #tpu.memory_space<vmem>>, vector<16xi32>,
        %parallel_loop3A_78 = arith.addi %parallel_loop3A_71, %parallel_loop3A_77 : vector<16xi32>
        %parallel_loop3A_79 = arith.constant 16 : i32
        %parallel_loop3A_80 = arith.muli %parallel_loop3A_53, %parallel_loop3A_79 : i32
        %parallel_loop3A_81 = arith.constant 3072 : i32
        %parallel_loop3A_82 = arith.addi %parallel_loop3A_81, %parallel_loop3A_80 : i32
        %parallel_loop3A_83 = arith.index_cast %parallel_loop3A_82 : i32 to index
        %parallel_loop3A_84 = tpu.vector_load %arg8[%parallel_loop3A_83] {strides = array<i32>} : memref<8192xi32, #tpu.memory_space<vmem>>, vector<16xi32>,
        %parallel_loop3A_85 = arith.addi %parallel_loop3A_78, %parallel_loop3A_84 : vector<16xi32>
        %parallel_loop3A_86 = arith.constant 16 : i32
        %parallel_loop3A_87 = arith.muli %parallel_loop3A_53, %parallel_loop3A_86 : i32
        %parallel_loop3A_88 = arith.constant 4096 : i32
        %parallel_loop3A_89 = arith.addi %parallel_loop3A_88, %parallel_loop3A_87 : i32
        %parallel_loop3A_90 = arith.index_cast %parallel_loop3A_89 : i32 to index
        %parallel_loop3A_91 = tpu.vector_load %arg8[%parallel_loop3A_90] {strides = array<i32>} : memref<8192xi32, #tpu.memory_space<vmem>>, vector<16xi32>,
        %parallel_loop3A_92 = arith.addi %parallel_loop3A_85, %parallel_loop3A_91 : vector<16xi32>
        %parallel_loop3A_93 = arith.constant 16 : i32
        %parallel_loop3A_94 = arith.muli %parallel_loop3A_53, %parallel_loop3A_93 : i32
        %parallel_loop3A_95 = arith.constant 5120 : i32
        %parallel_loop3A_96 = arith.addi %parallel_loop3A_95, %parallel_loop3A_94 : i32
        %parallel_loop3A_97 = arith.index_cast %parallel_loop3A_96 : i32 to index
        %parallel_loop3A_98 = tpu.vector_load %arg8[%parallel_loop3A_97] {strides = array<i32>} : memref<8192xi32, #tpu.memory_space<vmem>>, vector<16xi32>,
        %parallel_loop3A_99 = arith.addi %parallel_loop3A_92, %parallel_loop3A_98 : vector<16xi32>
        %parallel_loop3A_100 = arith.constant 16 : i32
        %parallel_loop3A_101 = arith.muli %parallel_loop3A_53, %parallel_loop3A_100 : i32
        %parallel_loop3A_102 = arith.constant 6144 : i32
        %parallel_loop3A_103 = arith.addi %parallel_loop3A_102, %parallel_loop3A_101 : i32
        %parallel_loop3A_104 = arith.index_cast %parallel_loop3A_103 : i32 to index
        %parallel_loop3A_105 = tpu.vector_load %arg8[%parallel_loop3A_104] {strides = array<i32>} : memref<8192xi32, #tpu.memory_space<vmem>>, vector<16xi32>,
        %parallel_loop3A_106 = arith.addi %parallel_loop3A_99, %parallel_loop3A_105 : vector<16xi32>
        %parallel_loop3A_107 = arith.constant 16 : i32
        %parallel_loop3A_108 = arith.muli %parallel_loop3A_53, %parallel_loop3A_107 : i32
        %parallel_loop3A_109 = arith.constant 7168 : i32
        %parallel_loop3A_110 = arith.addi %parallel_loop3A_109, %parallel_loop3A_108 : i32
        %parallel_loop3A_111 = arith.index_cast %parallel_loop3A_110 : i32 to index
        %parallel_loop3A_112 = tpu.vector_load %arg8[%parallel_loop3A_111] {strides = array<i32>} : memref<8192xi32, #tpu.memory_space<vmem>>, vector<16xi32>,
        %parallel_loop3A_113 = arith.addi %parallel_loop3A_106, %parallel_loop3A_112 : vector<16xi32>
        %parallel_loop3A_114 = arith.constant 16 : i32
        %parallel_loop3A_115 = arith.muli %parallel_loop3A_53, %parallel_loop3A_114 : i32
        %parallel_loop3A_116 = arith.index_cast %parallel_loop3A_115 : i32 to index
        %parallel_loop3A_117 = tpu.vector_load %arg9[%parallel_loop3A_116] {strides = array<i32>} : memref<1024xi32, #tpu.memory_space<vmem>>, vector<16xi32>,
        tpu.vector_store %arg9[%parallel_loop3A_116], %parallel_loop3A_113 {strides = array<i32>} : memref<1024xi32, #tpu.memory_space<vmem>>, vector<16xi32>,
      } {sc.loop_unroll_factor = 4 : i64, sc.parallel_access}
      %scan3A_52 = arith.constant 0 : i32
      scf.yield %scan3A_52 : i32
    }
    %scan3A_12 = arith.constant 4 : i32
    %iota3A = tpu.iota {dimensions = array<i32: 0>} : vector<16xi32>
    %scan3A_13 = arith.constant 0 : i32
    %scan3A_14 = arith.constant 0 : i32
    %scan3A_15 = arith.constant 0 : i32
    %scan3A_16 = arith.constant 0 : i32
    %scan3A_17 = arith.constant 0 : i32
    %scan3A_18 = arith.constant 64 : i32
    %scan3A_19 = arith.addi %scan3A_17, %scan3A_18 : i32
    %scan3A_20 = arith.constant 1 : i32
    %scan3A_21:4 = scf.for %scan3A_44 = %scan3A_17 to %scan3A_19 step %scan3A_20 iter_args(%scan3A_45 = %scan3A_13, %scan3A_46 = %scan3A_14, %scan3A_47 = %scan3A_15, %scan3A_48 = %scan3A_16) -> (i32, i32, i32, i32)  : i32 {
      %sub3A = arith.constant 63 : i32
      %sub3A_49 = arith.subi %sub3A, %scan3A_44 : i32
      %mul3A_50 = arith.constant 16 : i32
      %mul3A_51 = arith.muli %sub3A_49, %mul3A_50 : i32
      %get3A = arith.index_cast %mul3A_51 : i32 to index
      %get3A_52 = tpu.vector_load %arg9[%get3A] {strides = array<i32>} : memref<1024xi32, #tpu.memory_space<vmem>>, vector<16xi32>,
      %rev3A = arith.constant 15 : i32
      %rev3A_53 = vector.broadcast %rev3A : i32 to vector<16xi32>
      %rev3A_54 = tpu.iota {dimensions = array<i32: 0>} : vector<16xi32>
      %rev3A_55 = arith.subi %rev3A_53, %rev3A_54 : vector<16xi32>
      %rev3A_56 = tpu.dynamic_gather %get3A_52[%rev3A_55] in [0] : vector<16xi32>, vector<16xi32> -> vector<16xi32>
      %broadcast_in_dim3A_57 = arith.constant true
      %broadcast_in_dim3A_58 = vector.broadcast %broadcast_in_dim3A_57 : i1 to vector<16xi1>
      %masked_cumsum3A = tpu.scan <sum>, %rev3A_56 masked %broadcast_in_dim3A_58 : vector<16xi32>, vector<16xi1> -> vector<16xi32>
      %reduce_max3A = arith.constant true
      %reduce_max3A_59 = vector.broadcast %reduce_max3A : i1 to vector<16xi1>
      %reduce_max3A_60 = arith.constant -2147483648 : i32
      %reduce_max3A_61 = vector.broadcast %reduce_max3A_60 : i32 to vector<16xi32>
      %reduce_max3A_62 = arith.xori %masked_cumsum3A, %reduce_max3A_61 : vector<16xi32>
      %reduce_max3A_63 = tpu.scan <max>, %reduce_max3A_62 masked %reduce_max3A_59 : vector<16xi32>, vector<16xi1> -> vector<16xi32>
      %reduce_max3A_64 = arith.xori %reduce_max3A_63, %reduce_max3A_61 : vector<16xi32>
      %reduce_max3A_65 = vector.extract %reduce_max3A_64[15] : i32 from vector<16xi32>
      %add3A_66 = vector.broadcast %scan3A_48 : i32 to vector<16xi32>
      %add3A_67 = arith.addi %add3A_66, %masked_cumsum3A : vector<16xi32>
      %ge3A = arith.constant 419430 : i32
      %ge3A_68 = vector.broadcast %ge3A : i32 to vector<16xi32>
      %ge3A_69 = arith.cmpi sge, %add3A_67, %ge3A_68 : vector<16xi32>
      %convert_element_type3A = arith.extui %ge3A_69 : vector<16xi1> to vector<16xi32>
      %reduce_max3A_70 = arith.constant true
      %reduce_max3A_71 = vector.broadcast %reduce_max3A_70 : i1 to vector<16xi1>
      %reduce_max3A_72 = arith.constant -2147483648 : i32
      %reduce_max3A_73 = vector.broadcast %reduce_max3A_72 : i32 to vector<16xi32>
      %reduce_max3A_74 = arith.xori %convert_element_type3A, %reduce_max3A_73 : vector<16xi32>
      %reduce_max3A_75 = tpu.scan <max>, %reduce_max3A_74 masked %reduce_max3A_71 : vector<16xi32>, vector<16xi1> -> vector<16xi32>
      %reduce_max3A_76 = arith.xori %reduce_max3A_75, %reduce_max3A_73 : vector<16xi32>
      %reduce_max3A_77 = vector.extract %reduce_max3A_76[15] : i32 from vector<16xi32>
      %gt3A = arith.constant 0 : i32
      %gt3A_78 = arith.cmpi sgt, %reduce_max3A_77, %gt3A : i32
      %all_reduce_ffs3A = tpu.all_reduce %ge3A_69 {dim = 0 : i64, kind = #tpu.reduction_kind<find_first_set>} : vector<16xi1> -> vector<16xi32>
      %reduce_max3A_79 = arith.constant true
      %reduce_max3A_80 = vector.broadcast %reduce_max3A_79 : i1 to vector<16xi1>
      %reduce_max3A_81 = arith.constant -2147483648 : i32
      %reduce_max3A_82 = vector.broadcast %reduce_max3A_81 : i32 to vector<16xi32>
      %reduce_max3A_83 = arith.xori %all_reduce_ffs3A, %reduce_max3A_82 : vector<16xi32>
      %reduce_max3A_84 = tpu.scan <max>, %reduce_max3A_83 masked %reduce_max3A_80 : vector<16xi32>, vector<16xi1> -> vector<16xi32>
      %reduce_max3A_85 = arith.xori %reduce_max3A_84, %reduce_max3A_82 : vector<16xi32>
      %reduce_max3A_86 = vector.extract %reduce_max3A_85[15] : i32 from vector<16xi32>
      %mul3A_87 = arith.constant 16 : i32
      %mul3A_88 = arith.muli %sub3A_49, %mul3A_87 : i32
      %add3A_89 = arith.constant 15 : i32
      %add3A_90 = arith.addi %mul3A_88, %add3A_89 : i32
      %sub3A_91 = arith.subi %add3A_90, %reduce_max3A_86 : i32
      %lt3A = vector.broadcast %reduce_max3A_86 : i32 to vector<16xi32>
      %lt3A_92 = arith.cmpi slt, %iota3A, %lt3A : vector<16xi32>
      %jit3A = arith.constant 0 : i32
      %broadcast_in_dim3A_93 = vector.broadcast %jit3A : i32 to vector<16xi32>
      %select_n3A = arith.select %lt3A_92, %rev3A_56, %broadcast_in_dim3A_93 : vector<16xi1>, vector<16xi32>
      %reduce_sum3A = arith.constant true
      %reduce_sum3A_94 = vector.broadcast %reduce_sum3A : i1 to vector<16xi1>
      %reduce_sum3A_95 = tpu.scan <sum>, %select_n3A masked %reduce_sum3A_94 : vector<16xi32>, vector<16xi1> -> vector<16xi32>
      %reduce_sum3A_96 = vector.extract %reduce_sum3A_95[15] : i32 from vector<16xi32>
      %add3A_97 = arith.addi %scan3A_48, %reduce_sum3A_96 : i32
      %eq3A = arith.constant 0 : i32
      %eq3A_98 = arith.cmpi eq, %scan3A_45, %eq3A : i32
      %and3A = arith.andi %gt3A_78, %eq3A_98 : i1
      %jit3A_99 = arith.constant 1 : i32
      %select_n3A_100 = arith.select %and3A, %jit3A_99, %scan3A_45 : i32
      %select_n3A_101 = arith.select %and3A, %sub3A_91, %scan3A_46 : i32
      %select_n3A_102 = arith.select %and3A, %add3A_97, %scan3A_47 : i32
      %add3A_103 = arith.addi %scan3A_48, %reduce_max3A_65 : i32
      scf.yield %select_n3A_100, %select_n3A_101, %select_n3A_102, %add3A_103 : i32, i32, i32, i32
    }
    %scan3A_22 = arith.constant 64 : i32
    %broadcast_in_dim3A_23 = arith.constant 0 : i32
    %broadcast_in_dim3A_24 = vector.broadcast %broadcast_in_dim3A_23 : i32 to vector<16xi32>
    %parallel_loop3A_25 = arith.constant 0 : i32
    %parallel_loop3A_26 = arith.constant 2048 : i32
    %parallel_loop3A_27 = arith.constant 1 : i32
    scf.for %parallel_loop3A_44 = %parallel_loop3A_25 to %parallel_loop3A_26 step %parallel_loop3A_27  : i32 {
      %parallel_loop3A_45 = arith.constant 16 : i32
      %parallel_loop3A_46 = arith.muli %parallel_loop3A_44, %parallel_loop3A_45 : i32
      %parallel_loop3A_47 = arith.index_cast %parallel_loop3A_46 : i32 to index
      %parallel_loop3A_48 = tpu.vector_load %arg6[%parallel_loop3A_47] {strides = array<i32>} : memref<32768xi32, #tpu.memory_space<vmem>>, vector<16xi32>,
      tpu.vector_store %arg6[%parallel_loop3A_47], %broadcast_in_dim3A_24 {strides = array<i32>} : memref<32768xi32, #tpu.memory_space<vmem>>, vector<16xi32>,
    } {sc.loop_unroll_factor = 8 : i64, sc.parallel_access}
    %dma_wait3A = tpu.memref_slice %arg2[%multiple_of3A] : memref<2097152xi32, #tpu.memory_space<hbm>> -> memref<65536xi32, #tpu.memory_space<hbm>>
    %dma_wait3A_28 = tpu.memref_slice %arg2[%multiple_of3A] : memref<2097152xi32, #tpu.memory_space<hbm>> -> memref<65536xi32, #tpu.memory_space<hbm>>
    tpu.wait_dma2 semaphore(%arg10 : memref<!tpu.dma_semaphore, #tpu.memory_space<semaphore_mem>>) src(%dma_wait3A_28 : memref<65536xi32, #tpu.memory_space<hbm>>) dst(%arg5 : memref<65536xi32, #tpu.memory_space<vmem>>)
    %iota3A_29 = tpu.iota {dimensions = array<i32: 0>} : vector<16xi32>
    %mul3A_30 = arith.constant 2048 : i32
    %mul3A_31 = vector.broadcast %mul3A_30 : i32 to vector<16xi32>
    %mul3A_32 = arith.muli %iota3A_29, %mul3A_31 : vector<16xi32>
    %broadcast_in_dim3A_33 = arith.constant 1 : i32
    %broadcast_in_dim3A_34 = vector.broadcast %broadcast_in_dim3A_33 : i32 to vector<16xi32>
    %parallel_loop3A_35 = arith.constant 0 : i32
    %parallel_loop3A_36 = arith.constant 4096 : i32
    %parallel_loop3A_37 = arith.constant 1 : i32
    scf.for %parallel_loop3A_44 = %parallel_loop3A_35 to %parallel_loop3A_36 step %parallel_loop3A_37  : i32 {
      %parallel_loop3A_45 = arith.constant 16 : i32
      %parallel_loop3A_46 = arith.muli %parallel_loop3A_44, %parallel_loop3A_45 : i32
      %parallel_loop3A_47 = arith.index_cast %parallel_loop3A_46 : i32 to index
      %parallel_loop3A_48 = tpu.vector_load %arg5[%parallel_loop3A_47] {strides = array<i32>} : memref<65536xi32, #tpu.memory_space<vmem>>, vector<16xi32>,
      %parallel_loop3A_49 = arith.constant 21 : i32
      %parallel_loop3A_50 = vector.broadcast %parallel_loop3A_49 : i32 to vector<16xi32>
      %parallel_loop3A_51 = arith.shrsi %parallel_loop3A_48, %parallel_loop3A_50 : vector<16xi32>
      %parallel_loop3A_52 = vector.broadcast %scan3A_21#1 : i32 to vector<16xi32>
      %parallel_loop3A_53 = arith.cmpi eq, %parallel_loop3A_51, %parallel_loop3A_52 : vector<16xi32>
      %parallel_loop3A_54 = arith.constant 10 : i32
      %parallel_loop3A_55 = vector.broadcast %parallel_loop3A_54 : i32 to vector<16xi32>
      %parallel_loop3A_56 = arith.shrsi %parallel_loop3A_48, %parallel_loop3A_55 : vector<16xi32>
      %parallel_loop3A_57 = arith.constant 2047 : i32
      %parallel_loop3A_58 = vector.broadcast %parallel_loop3A_57 : i32 to vector<16xi32>
      %parallel_loop3A_59 = arith.andi %parallel_loop3A_56, %parallel_loop3A_58 : vector<16xi32>
      %parallel_loop3A_60 = arith.addi %mul3A_32, %parallel_loop3A_59 : vector<16xi32>
      tpu.vector_store_idx %arg6[%parallel_loop3A_60], %broadcast_in_dim3A_34 masked %parallel_loop3A_53 {add = true} : memref<32768xi32, #tpu.memory_space<vmem>>[vector<16xi32>], vector<16xi32>, vector<16xi1>
    } {sc.loop_unroll_factor = 8 : i64, sc.parallel_access}
    %parallel_loop3A_38 = arith.constant 0 : i32
    %parallel_loop3A_39 = arith.constant 128 : i32
    %parallel_loop3A_40 = arith.constant 1 : i32
    scf.for %parallel_loop3A_44 = %parallel_loop3A_38 to %parallel_loop3A_39 step %parallel_loop3A_40  : i32 {
      %parallel_loop3A_45 = arith.constant 16 : i32
      %parallel_loop3A_46 = arith.muli %parallel_loop3A_44, %parallel_loop3A_45 : i32
      %parallel_loop3A_47 = arith.index_cast %parallel_loop3A_46 : i32 to index
      %parallel_loop3A_48 = tpu.vector_load %arg6[%parallel_loop3A_47] {strides = array<i32>} : memref<32768xi32, #tpu.memory_space<vmem>>, vector<16xi32>,
      %parallel_loop3A_49 = arith.constant 16 : i32
      %parallel_loop3A_50 = arith.muli %parallel_loop3A_44, %parallel_loop3A_49 : i32
      %parallel_loop3A_51 = arith.constant 2048 : i32
      %parallel_loop3A_52 = arith.addi %parallel_loop3A_51, %parallel_loop3A_50 : i32
      %parallel_loop3A_53 = arith.index_cast %parallel_loop3A_52 : i32 to index
      %parallel_loop3A_54 = tpu.vector_load %arg6[%parallel_loop3A_53] {strides = array<i32>} : memref<32768xi32, #tpu.memory_space<vmem>>, vector<16xi32>,
      %parallel_loop3A_55 = arith.addi %parallel_loop3A_48, %parallel_loop3A_54 : vector<16xi32>
      %parallel_loop3A_56 = arith.constant 16 : i32
      %parallel_loop3A_57 = arith.muli %parallel_loop3A_44, %parallel_loop3A_56 : i32
      %parallel_loop3A_58 = arith.constant 4096 : i32
      %parallel_loop3A_59 = arith.addi %parallel_loop3A_58, %parallel_loop3A_57 : i32
      %parallel_loop3A_60 = arith.index_cast %parallel_loop3A_59 : i32 to index
      %parallel_loop3A_61 = tpu.vector_load %arg6[%parallel_loop3A_60] {strides = array<i32>} : memref<32768xi32, #tpu.memory_space<vmem>>, vector<16xi32>,
      %parallel_loop3A_62 = arith.addi %parallel_loop3A_55, %parallel_loop3A_61 : vector<16xi32>
      %parallel_loop3A_63 = arith.constant 16 : i32
      %parallel_loop3A_64 = arith.muli %parallel_loop3A_44, %parallel_loop3A_63 : i32
      %parallel_loop3A_65 = arith.constant 6144 : i32
      %parallel_loop3A_66 = arith.addi %parallel_loop3A_65, %parallel_loop3A_64 : i32
      %parallel_loop3A_67 = arith.index_cast %parallel_loop3A_66 : i32 to index
      %parallel_loop3A_68 = tpu.vector_load %arg6[%parallel_loop3A_67] {strides = array<i32>} : memref<32768xi32, #tpu.memory_space<vmem>>, vector<16xi32>,
      %parallel_loop3A_69 = arith.addi %parallel_loop3A_62, %parallel_loop3A_68 : vector<16xi32>
      %parallel_loop3A_70 = arith.constant 16 : i32
      %parallel_loop3A_71 = arith.muli %parallel_loop3A_44, %parallel_loop3A_70 : i32
      %parallel_loop3A_72 = arith.constant 8192 : i32
      %parallel_loop3A_73 = arith.addi %parallel_loop3A_72, %parallel_loop3A_71 : i32
      %parallel_loop3A_74 = arith.index_cast %parallel_loop3A_73 : i32 to index
      %parallel_loop3A_75 = tpu.vector_load %arg6[%parallel_loop3A_74] {strides = array<i32>} : memref<32768xi32, #tpu.memory_space<vmem>>, vector<16xi32>,
      %parallel_loop3A_76 = arith.addi %parallel_loop3A_69, %parallel_loop3A_75 : vector<16xi32>
      %parallel_loop3A_77 = arith.constant 16 : i32
      %parallel_loop3A_78 = arith.muli %parallel_loop3A_44, %parallel_loop3A_77 : i32
      %parallel_loop3A_79 = arith.constant 10240 : i32
      %parallel_loop3A_80 = arith.addi %parallel_loop3A_79, %parallel_loop3A_78 : i32
      %parallel_loop3A_81 = arith.index_cast %parallel_loop3A_80 : i32 to index
      %parallel_loop3A_82 = tpu.vector_load %arg6[%parallel_loop3A_81] {strides = array<i32>} : memref<32768xi32, #tpu.memory_space<vmem>>, vector<16xi32>,
      %parallel_loop3A_83 = arith.addi %parallel_loop3A_76, %parallel_loop3A_82 : vector<16xi32>
      %parallel_loop3A_84 = arith.constant 16 : i32
      %parallel_loop3A_85 = arith.muli %parallel_loop3A_44, %parallel_loop3A_84 : i32
      %parallel_loop3A_86 = arith.constant 12288 : i32
      %parallel_loop3A_87 = arith.addi %parallel_loop3A_86, %parallel_loop3A_85 : i32
      %parallel_loop3A_88 = arith.index_cast %parallel_loop3A_87 : i32 to index
      %parallel_loop3A_89 = tpu.vector_load %arg6[%parallel_loop3A_88] {strides = array<i32>} : memref<32768xi32, #tpu.memory_space<vmem>>, vector<16xi32>,
      %parallel_loop3A_90 = arith.addi %parallel_loop3A_83, %parallel_loop3A_89 : vector<16xi32>
      %parallel_loop3A_91 = arith.constant 16 : i32
      %parallel_loop3A_92 = arith.muli %parallel_loop3A_44, %parallel_loop3A_91 : i32
      %parallel_loop3A_93 = arith.constant 14336 : i32
      %parallel_loop3A_94 = arith.addi %parallel_loop3A_93, %parallel_loop3A_92 : i32
      %parallel_loop3A_95 = arith.index_cast %parallel_loop3A_94 : i32 to index
      %parallel_loop3A_96 = tpu.vector_load %arg6[%parallel_loop3A_95] {strides = array<i32>} : memref<32768xi32, #tpu.memory_space<vmem>>, vector<16xi32>,
      %parallel_loop3A_97 = arith.addi %parallel_loop3A_90, %parallel_loop3A_96 : vector<16xi32>
      %parallel_loop3A_98 = arith.constant 16 : i32
      %parallel_loop3A_99 = arith.muli %parallel_loop3A_44, %parallel_loop3A_98 : i32
      %parallel_loop3A_100 = arith.constant 16384 : i32
      %parallel_loop3A_101 = arith.addi %parallel_loop3A_100, %parallel_loop3A_99 : i32
      %parallel_loop3A_102 = arith.index_cast %parallel_loop3A_101 : i32 to index
      %parallel_loop3A_103 = tpu.vector_load %arg6[%parallel_loop3A_102] {strides = array<i32>} : memref<32768xi32, #tpu.memory_space<vmem>>, vector<16xi32>,
      %parallel_loop3A_104 = arith.addi %parallel_loop3A_97, %parallel_loop3A_103 : vector<16xi32>
      %parallel_loop3A_105 = arith.constant 16 : i32
      %parallel_loop3A_106 = arith.muli %parallel_loop3A_44, %parallel_loop3A_105 : i32
      %parallel_loop3A_107 = arith.constant 18432 : i32
      %parallel_loop3A_108 = arith.addi %parallel_loop3A_107, %parallel_loop3A_106 : i32
      %parallel_loop3A_109 = arith.index_cast %parallel_loop3A_108 : i32 to index
      %parallel_loop3A_110 = tpu.vector_load %arg6[%parallel_loop3A_109] {strides = array<i32>} : memref<32768xi32, #tpu.memory_space<vmem>>, vector<16xi32>,
      %parallel_loop3A_111 = arith.addi %parallel_loop3A_104, %parallel_loop3A_110 : vector<16xi32>
      %parallel_loop3A_112 = arith.constant 16 : i32
      %parallel_loop3A_113 = arith.muli %parallel_loop3A_44, %parallel_loop3A_112 : i32
      %parallel_loop3A_114 = arith.constant 20480 : i32
      %parallel_loop3A_115 = arith.addi %parallel_loop3A_114, %parallel_loop3A_113 : i32
      %parallel_loop3A_116 = arith.index_cast %parallel_loop3A_115 : i32 to index
      %parallel_loop3A_117 = tpu.vector_load %arg6[%parallel_loop3A_116] {strides = array<i32>} : memref<32768xi32, #tpu.memory_space<vmem>>, vector<16xi32>,
      %parallel_loop3A_118 = arith.addi %parallel_loop3A_111, %parallel_loop3A_117 : vector<16xi32>
      %parallel_loop3A_119 = arith.constant 16 : i32
      %parallel_loop3A_120 = arith.muli %parallel_loop3A_44, %parallel_loop3A_119 : i32
      %parallel_loop3A_121 = arith.constant 22528 : i32
      %parallel_loop3A_122 = arith.addi %parallel_loop3A_121, %parallel_loop3A_120 : i32
      %parallel_loop3A_123 = arith.index_cast %parallel_loop3A_122 : i32 to index
      %parallel_loop3A_124 = tpu.vector_load %arg6[%parallel_loop3A_123] {strides = array<i32>} : memref<32768xi32, #tpu.memory_space<vmem>>, vector<16xi32>,
      %parallel_loop3A_125 = arith.addi %parallel_loop3A_118, %parallel_loop3A_124 : vector<16xi32>
      %parallel_loop3A_126 = arith.constant 16 : i32
      %parallel_loop3A_127 = arith.muli %parallel_loop3A_44, %parallel_loop3A_126 : i32
      %parallel_loop3A_128 = arith.constant 24576 : i32
      %parallel_loop3A_129 = arith.addi %parallel_loop3A_128, %parallel_loop3A_127 : i32
      %parallel_loop3A_130 = arith.index_cast %parallel_loop3A_129 : i32 to index
      %parallel_loop3A_131 = tpu.vector_load %arg6[%parallel_loop3A_130] {strides = array<i32>} : memref<32768xi32, #tpu.memory_space<vmem>>, vector<16xi32>,
      %parallel_loop3A_132 = arith.addi %parallel_loop3A_125, %parallel_loop3A_131 : vector<16xi32>
      %parallel_loop3A_133 = arith.constant 16 : i32
      %parallel_loop3A_134 = arith.muli %parallel_loop3A_44, %parallel_loop3A_133 : i32
      %parallel_loop3A_135 = arith.constant 26624 : i32
      %parallel_loop3A_136 = arith.addi %parallel_loop3A_135, %parallel_loop3A_134 : i32
      %parallel_loop3A_137 = arith.index_cast %parallel_loop3A_136 : i32 to index
      %parallel_loop3A_138 = tpu.vector_load %arg6[%parallel_loop3A_137] {strides = array<i32>} : memref<32768xi32, #tpu.memory_space<vmem>>, vector<16xi32>,
      %parallel_loop3A_139 = arith.addi %parallel_loop3A_132, %parallel_loop3A_138 : vector<16xi32>
      %parallel_loop3A_140 = arith.constant 16 : i32
      %parallel_loop3A_141 = arith.muli %parallel_loop3A_44, %parallel_loop3A_140 : i32
      %parallel_loop3A_142 = arith.constant 28672 : i32
      %parallel_loop3A_143 = arith.addi %parallel_loop3A_142, %parallel_loop3A_141 : i32
      %parallel_loop3A_144 = arith.index_cast %parallel_loop3A_143 : i32 to index
      %parallel_loop3A_145 = tpu.vector_load %arg6[%parallel_loop3A_144] {strides = array<i32>} : memref<32768xi32, #tpu.memory_space<vmem>>, vector<16xi32>,
      %parallel_loop3A_146 = arith.addi %parallel_loop3A_139, %parallel_loop3A_145 : vector<16xi32>
      %parallel_loop3A_147 = arith.constant 16 : i32
      %parallel_loop3A_148 = arith.muli %parallel_loop3A_44, %parallel_loop3A_147 : i32
      %parallel_loop3A_149 = arith.constant 30720 : i32
      %parallel_loop3A_150 = arith.addi %parallel_loop3A_149, %parallel_loop3A_148 : i32
      %parallel_loop3A_151 = arith.index_cast %parallel_loop3A_150 : i32 to index
      %parallel_loop3A_152 = tpu.vector_load %arg6[%parallel_loop3A_151] {strides = array<i32>} : memref<32768xi32, #tpu.memory_space<vmem>>, vector<16xi32>,
      %parallel_loop3A_153 = arith.addi %parallel_loop3A_146, %parallel_loop3A_152 : vector<16xi32>
      %parallel_loop3A_154 = arith.constant 16 : i32
      %parallel_loop3A_155 = arith.muli %parallel_loop3A_44, %parallel_loop3A_154 : i32
      %parallel_loop3A_156 = arith.index_cast %parallel_loop3A_155 : i32 to index
      %parallel_loop3A_157 = tpu.vector_load %arg7[%parallel_loop3A_156] {strides = array<i32>} : memref<2048xi32, #tpu.memory_space<vmem>>, vector<16xi32>,
      tpu.vector_store %arg7[%parallel_loop3A_156], %parallel_loop3A_153 {strides = array<i32>} : memref<2048xi32, #tpu.memory_space<vmem>>, vector<16xi32>,
    } {sc.loop_unroll_factor = 4 : i64, sc.parallel_access}
    %mul3A_41 = arith.constant 2048 : i32
    %mul3A_42 = arith.muli %add3A, %mul3A_41 : i32
    %multiple_of3A_43 = tpu.assume_multiple %mul3A_42, 8 : i32
    "tpu.region"() ({
      %run_scoped3A = tpu.sem_alloc : memref<!tpu.dma_semaphore, #tpu.memory_space<semaphore_mem>>
      %dma_start3A_44 = tpu.memref_slice %arg4[%multiple_of3A_43] : memref<65536xi32, #tpu.memory_space<hbm>> -> memref<2048xi32, #tpu.memory_space<hbm>>
      %dma_start3A_45 = tpu.memref_slice %arg4[%multiple_of3A_43] : memref<65536xi32, #tpu.memory_space<hbm>> -> memref<2048xi32, #tpu.memory_space<hbm>>
      tpu.enqueue_dma source(%arg7 : memref<2048xi32, #tpu.memory_space<vmem>>) target(%dma_start3A_45 : memref<2048xi32, #tpu.memory_space<hbm>>) target_semaphore(%run_scoped3A : memref<!tpu.dma_semaphore, #tpu.memory_space<semaphore_mem>>)
      %dma_wait3A_46 = tpu.memref_slice %arg4[%multiple_of3A_43] : memref<65536xi32, #tpu.memory_space<hbm>> -> memref<2048xi32, #tpu.memory_space<hbm>>
      %dma_wait3A_47 = tpu.memref_slice %arg4[%multiple_of3A_43] : memref<65536xi32, #tpu.memory_space<hbm>> -> memref<2048xi32, #tpu.memory_space<hbm>>
      tpu.wait_dma2 semaphore(%run_scoped3A : memref<!tpu.dma_semaphore, #tpu.memory_space<semaphore_mem>>) src(%arg7 : memref<2048xi32, #tpu.memory_space<vmem>>) dst(%dma_wait3A_47 : memref<2048xi32, #tpu.memory_space<hbm>>)
      tpu.yield
    }) : () -> ()
    return
  }
}

#map = affine_map<(d0, d1) -> (0)>
module attributes {stable_mosaic.version = 14 : i64} {
  func.func @_hist_a(%arg0: i32, %arg1: i32, %arg2: memref<2097152xi32, #tpu.memory_space<hbm>>, %arg3: memref<32768xi32, #tpu.memory_space<hbm>>, %arg4: memref<65536xi32, #tpu.memory_space<vmem>>, %arg5: memref<16384xi32, #tpu.memory_space<vmem>>, %arg6: memref<1024xi32, #tpu.memory_space<vmem>>, %arg7: memref<!tpu.dma_semaphore, #tpu.memory_space<semaphore_mem>>) attributes {dimension_semantics = [#tpu.dimension_semantics<core_parallel>, #tpu.dimension_semantics<subcore_parallel>], iteration_bounds = array<i64: 2, 16>, scalar_prefetch = 0 : i64, scratch_operands = 4 : i64, tpu.core_type = #tpu.core_type<sc_vector_subcore>, window_params = [{transform_indices = #map}, {transform_indices = #map}]} {
    %mul3A = arith.constant 2 : i32
    %mul3A_0 = arith.muli %arg1, %mul3A : i32
    %add3A = arith.addi %mul3A_0, %arg0 : i32
    %mul3A_1 = arith.constant 65536 : i32
    %mul3A_2 = arith.muli %add3A, %mul3A_1 : i32
    %multiple_of3A = tpu.assume_multiple %mul3A_2, 8 : i32
    %dma_start3A = tpu.memref_slice %arg2[%multiple_of3A] : memref<2097152xi32, #tpu.memory_space<hbm>> -> memref<65536xi32, #tpu.memory_space<hbm>>
    %dma_start3A_3 = tpu.memref_slice %arg2[%multiple_of3A] : memref<2097152xi32, #tpu.memory_space<hbm>> -> memref<65536xi32, #tpu.memory_space<hbm>>
    tpu.enqueue_dma source(%dma_start3A_3 : memref<65536xi32, #tpu.memory_space<hbm>>) target(%arg4 : memref<65536xi32, #tpu.memory_space<vmem>>) target_semaphore(%arg7 : memref<!tpu.dma_semaphore, #tpu.memory_space<semaphore_mem>>)
    %broadcast_in_dim3A = arith.constant 0 : i32
    %broadcast_in_dim3A_4 = vector.broadcast %broadcast_in_dim3A : i32 to vector<16xi32>
    %parallel_loop3A = arith.constant 0 : i32
    %parallel_loop3A_5 = arith.constant 1024 : i32
    %parallel_loop3A_6 = arith.constant 1 : i32
    scf.for %parallel_loop3A_22 = %parallel_loop3A to %parallel_loop3A_5 step %parallel_loop3A_6  : i32 {
      %parallel_loop3A_23 = arith.constant 16 : i32
      %parallel_loop3A_24 = arith.muli %parallel_loop3A_22, %parallel_loop3A_23 : i32
      %parallel_loop3A_25 = arith.index_cast %parallel_loop3A_24 : i32 to index
      %parallel_loop3A_26 = tpu.vector_load %arg5[%parallel_loop3A_25] {strides = array<i32>} : memref<16384xi32, #tpu.memory_space<vmem>>, vector<16xi32>,
      tpu.vector_store %arg5[%parallel_loop3A_25], %broadcast_in_dim3A_4 {strides = array<i32>} : memref<16384xi32, #tpu.memory_space<vmem>>, vector<16xi32>,
    } {sc.loop_unroll_factor = 8 : i64, sc.parallel_access}
    %dma_wait3A = tpu.memref_slice %arg2[%multiple_of3A] : memref<2097152xi32, #tpu.memory_space<hbm>> -> memref<65536xi32, #tpu.memory_space<hbm>>
    %dma_wait3A_7 = tpu.memref_slice %arg2[%multiple_of3A] : memref<2097152xi32, #tpu.memory_space<hbm>> -> memref<65536xi32, #tpu.memory_space<hbm>>
    tpu.wait_dma2 semaphore(%arg7 : memref<!tpu.dma_semaphore, #tpu.memory_space<semaphore_mem>>) src(%dma_wait3A_7 : memref<65536xi32, #tpu.memory_space<hbm>>) dst(%arg4 : memref<65536xi32, #tpu.memory_space<vmem>>)
    %iota3A = tpu.iota {dimensions = array<i32: 0>} : vector<16xi32>
    %mul3A_8 = arith.constant 1024 : i32
    %mul3A_9 = vector.broadcast %mul3A_8 : i32 to vector<16xi32>
    %mul3A_10 = arith.muli %iota3A, %mul3A_9 : vector<16xi32>
    %broadcast_in_dim3A_11 = arith.constant 1 : i32
    %broadcast_in_dim3A_12 = vector.broadcast %broadcast_in_dim3A_11 : i32 to vector<16xi32>
    %parallel_loop3A_13 = arith.constant 0 : i32
    %parallel_loop3A_14 = arith.constant 4096 : i32
    %parallel_loop3A_15 = arith.constant 1 : i32
    scf.for %parallel_loop3A_22 = %parallel_loop3A_13 to %parallel_loop3A_14 step %parallel_loop3A_15  : i32 {
      %parallel_loop3A_23 = arith.constant 16 : i32
      %parallel_loop3A_24 = arith.muli %parallel_loop3A_22, %parallel_loop3A_23 : i32
      %parallel_loop3A_25 = arith.index_cast %parallel_loop3A_24 : i32 to index
      %parallel_loop3A_26 = tpu.vector_load %arg4[%parallel_loop3A_25] {strides = array<i32>} : memref<65536xi32, #tpu.memory_space<vmem>>, vector<16xi32>,
      %parallel_loop3A_27 = arith.constant 21 : i32
      %parallel_loop3A_28 = vector.broadcast %parallel_loop3A_27 : i32 to vector<16xi32>
      %parallel_loop3A_29 = arith.shrsi %parallel_loop3A_26, %parallel_loop3A_28 : vector<16xi32>
      %parallel_loop3A_30 = arith.addi %mul3A_10, %parallel_loop3A_29 : vector<16xi32>
      tpu.vector_store_idx %arg5[%parallel_loop3A_30], %broadcast_in_dim3A_12 {add = true} : memref<16384xi32, #tpu.memory_space<vmem>>[vector<16xi32>], vector<16xi32>,
    } {sc.loop_unroll_factor = 8 : i64, sc.parallel_access}
    %parallel_loop3A_16 = arith.constant 0 : i32
    %parallel_loop3A_17 = arith.constant 64 : i32
    %parallel_loop3A_18 = arith.constant 1 : i32
    scf.for %parallel_loop3A_22 = %parallel_loop3A_16 to %parallel_loop3A_17 step %parallel_loop3A_18  : i32 {
      %parallel_loop3A_23 = arith.constant 16 : i32
      %parallel_loop3A_24 = arith.muli %parallel_loop3A_22, %parallel_loop3A_23 : i32
      %parallel_loop3A_25 = arith.index_cast %parallel_loop3A_24 : i32 to index
      %parallel_loop3A_26 = tpu.vector_load %arg5[%parallel_loop3A_25] {strides = array<i32>} : memref<16384xi32, #tpu.memory_space<vmem>>, vector<16xi32>,
      %parallel_loop3A_27 = arith.constant 16 : i32
      %parallel_loop3A_28 = arith.muli %parallel_loop3A_22, %parallel_loop3A_27 : i32
      %parallel_loop3A_29 = arith.constant 1024 : i32
      %parallel_loop3A_30 = arith.addi %parallel_loop3A_29, %parallel_loop3A_28 : i32
      %parallel_loop3A_31 = arith.index_cast %parallel_loop3A_30 : i32 to index
      %parallel_loop3A_32 = tpu.vector_load %arg5[%parallel_loop3A_31] {strides = array<i32>} : memref<16384xi32, #tpu.memory_space<vmem>>, vector<16xi32>,
      %parallel_loop3A_33 = arith.addi %parallel_loop3A_26, %parallel_loop3A_32 : vector<16xi32>
      %parallel_loop3A_34 = arith.constant 16 : i32
      %parallel_loop3A_35 = arith.muli %parallel_loop3A_22, %parallel_loop3A_34 : i32
      %parallel_loop3A_36 = arith.constant 2048 : i32
      %parallel_loop3A_37 = arith.addi %parallel_loop3A_36, %parallel_loop3A_35 : i32
      %parallel_loop3A_38 = arith.index_cast %parallel_loop3A_37 : i32 to index
      %parallel_loop3A_39 = tpu.vector_load %arg5[%parallel_loop3A_38] {strides = array<i32>} : memref<16384xi32, #tpu.memory_space<vmem>>, vector<16xi32>,
      %parallel_loop3A_40 = arith.addi %parallel_loop3A_33, %parallel_loop3A_39 : vector<16xi32>
      %parallel_loop3A_41 = arith.constant 16 : i32
      %parallel_loop3A_42 = arith.muli %parallel_loop3A_22, %parallel_loop3A_41 : i32
      %parallel_loop3A_43 = arith.constant 3072 : i32
      %parallel_loop3A_44 = arith.addi %parallel_loop3A_43, %parallel_loop3A_42 : i32
      %parallel_loop3A_45 = arith.index_cast %parallel_loop3A_44 : i32 to index
      %parallel_loop3A_46 = tpu.vector_load %arg5[%parallel_loop3A_45] {strides = array<i32>} : memref<16384xi32, #tpu.memory_space<vmem>>, vector<16xi32>,
      %parallel_loop3A_47 = arith.addi %parallel_loop3A_40, %parallel_loop3A_46 : vector<16xi32>
      %parallel_loop3A_48 = arith.constant 16 : i32
      %parallel_loop3A_49 = arith.muli %parallel_loop3A_22, %parallel_loop3A_48 : i32
      %parallel_loop3A_50 = arith.constant 4096 : i32
      %parallel_loop3A_51 = arith.addi %parallel_loop3A_50, %parallel_loop3A_49 : i32
      %parallel_loop3A_52 = arith.index_cast %parallel_loop3A_51 : i32 to index
      %parallel_loop3A_53 = tpu.vector_load %arg5[%parallel_loop3A_52] {strides = array<i32>} : memref<16384xi32, #tpu.memory_space<vmem>>, vector<16xi32>,
      %parallel_loop3A_54 = arith.addi %parallel_loop3A_47, %parallel_loop3A_53 : vector<16xi32>
      %parallel_loop3A_55 = arith.constant 16 : i32
      %parallel_loop3A_56 = arith.muli %parallel_loop3A_22, %parallel_loop3A_55 : i32
      %parallel_loop3A_57 = arith.constant 5120 : i32
      %parallel_loop3A_58 = arith.addi %parallel_loop3A_57, %parallel_loop3A_56 : i32
      %parallel_loop3A_59 = arith.index_cast %parallel_loop3A_58 : i32 to index
      %parallel_loop3A_60 = tpu.vector_load %arg5[%parallel_loop3A_59] {strides = array<i32>} : memref<16384xi32, #tpu.memory_space<vmem>>, vector<16xi32>,
      %parallel_loop3A_61 = arith.addi %parallel_loop3A_54, %parallel_loop3A_60 : vector<16xi32>
      %parallel_loop3A_62 = arith.constant 16 : i32
      %parallel_loop3A_63 = arith.muli %parallel_loop3A_22, %parallel_loop3A_62 : i32
      %parallel_loop3A_64 = arith.constant 6144 : i32
      %parallel_loop3A_65 = arith.addi %parallel_loop3A_64, %parallel_loop3A_63 : i32
      %parallel_loop3A_66 = arith.index_cast %parallel_loop3A_65 : i32 to index
      %parallel_loop3A_67 = tpu.vector_load %arg5[%parallel_loop3A_66] {strides = array<i32>} : memref<16384xi32, #tpu.memory_space<vmem>>, vector<16xi32>,
      %parallel_loop3A_68 = arith.addi %parallel_loop3A_61, %parallel_loop3A_67 : vector<16xi32>
      %parallel_loop3A_69 = arith.constant 16 : i32
      %parallel_loop3A_70 = arith.muli %parallel_loop3A_22, %parallel_loop3A_69 : i32
      %parallel_loop3A_71 = arith.constant 7168 : i32
      %parallel_loop3A_72 = arith.addi %parallel_loop3A_71, %parallel_loop3A_70 : i32
      %parallel_loop3A_73 = arith.index_cast %parallel_loop3A_72 : i32 to index
      %parallel_loop3A_74 = tpu.vector_load %arg5[%parallel_loop3A_73] {strides = array<i32>} : memref<16384xi32, #tpu.memory_space<vmem>>, vector<16xi32>,
      %parallel_loop3A_75 = arith.addi %parallel_loop3A_68, %parallel_loop3A_74 : vector<16xi32>
      %parallel_loop3A_76 = arith.constant 16 : i32
      %parallel_loop3A_77 = arith.muli %parallel_loop3A_22, %parallel_loop3A_76 : i32
      %parallel_loop3A_78 = arith.constant 8192 : i32
      %parallel_loop3A_79 = arith.addi %parallel_loop3A_78, %parallel_loop3A_77 : i32
      %parallel_loop3A_80 = arith.index_cast %parallel_loop3A_79 : i32 to index
      %parallel_loop3A_81 = tpu.vector_load %arg5[%parallel_loop3A_80] {strides = array<i32>} : memref<16384xi32, #tpu.memory_space<vmem>>, vector<16xi32>,
      %parallel_loop3A_82 = arith.addi %parallel_loop3A_75, %parallel_loop3A_81 : vector<16xi32>
      %parallel_loop3A_83 = arith.constant 16 : i32
      %parallel_loop3A_84 = arith.muli %parallel_loop3A_22, %parallel_loop3A_83 : i32
      %parallel_loop3A_85 = arith.constant 9216 : i32
      %parallel_loop3A_86 = arith.addi %parallel_loop3A_85, %parallel_loop3A_84 : i32
      %parallel_loop3A_87 = arith.index_cast %parallel_loop3A_86 : i32 to index
      %parallel_loop3A_88 = tpu.vector_load %arg5[%parallel_loop3A_87] {strides = array<i32>} : memref<16384xi32, #tpu.memory_space<vmem>>, vector<16xi32>,
      %parallel_loop3A_89 = arith.addi %parallel_loop3A_82, %parallel_loop3A_88 : vector<16xi32>
      %parallel_loop3A_90 = arith.constant 16 : i32
      %parallel_loop3A_91 = arith.muli %parallel_loop3A_22, %parallel_loop3A_90 : i32
      %parallel_loop3A_92 = arith.constant 10240 : i32
      %parallel_loop3A_93 = arith.addi %parallel_loop3A_92, %parallel_loop3A_91 : i32
      %parallel_loop3A_94 = arith.index_cast %parallel_loop3A_93 : i32 to index
      %parallel_loop3A_95 = tpu.vector_load %arg5[%parallel_loop3A_94] {strides = array<i32>} : memref<16384xi32, #tpu.memory_space<vmem>>, vector<16xi32>,
      %parallel_loop3A_96 = arith.addi %parallel_loop3A_89, %parallel_loop3A_95 : vector<16xi32>
      %parallel_loop3A_97 = arith.constant 16 : i32
      %parallel_loop3A_98 = arith.muli %parallel_loop3A_22, %parallel_loop3A_97 : i32
      %parallel_loop3A_99 = arith.constant 11264 : i32
      %parallel_loop3A_100 = arith.addi %parallel_loop3A_99, %parallel_loop3A_98 : i32
      %parallel_loop3A_101 = arith.index_cast %parallel_loop3A_100 : i32 to index
      %parallel_loop3A_102 = tpu.vector_load %arg5[%parallel_loop3A_101] {strides = array<i32>} : memref<16384xi32, #tpu.memory_space<vmem>>, vector<16xi32>,
      %parallel_loop3A_103 = arith.addi %parallel_loop3A_96, %parallel_loop3A_102 : vector<16xi32>
      %parallel_loop3A_104 = arith.constant 16 : i32
      %parallel_loop3A_105 = arith.muli %parallel_loop3A_22, %parallel_loop3A_104 : i32
      %parallel_loop3A_106 = arith.constant 12288 : i32
      %parallel_loop3A_107 = arith.addi %parallel_loop3A_106, %parallel_loop3A_105 : i32
      %parallel_loop3A_108 = arith.index_cast %parallel_loop3A_107 : i32 to index
      %parallel_loop3A_109 = tpu.vector_load %arg5[%parallel_loop3A_108] {strides = array<i32>} : memref<16384xi32, #tpu.memory_space<vmem>>, vector<16xi32>,
      %parallel_loop3A_110 = arith.addi %parallel_loop3A_103, %parallel_loop3A_109 : vector<16xi32>
      %parallel_loop3A_111 = arith.constant 16 : i32
      %parallel_loop3A_112 = arith.muli %parallel_loop3A_22, %parallel_loop3A_111 : i32
      %parallel_loop3A_113 = arith.constant 13312 : i32
      %parallel_loop3A_114 = arith.addi %parallel_loop3A_113, %parallel_loop3A_112 : i32
      %parallel_loop3A_115 = arith.index_cast %parallel_loop3A_114 : i32 to index
      %parallel_loop3A_116 = tpu.vector_load %arg5[%parallel_loop3A_115] {strides = array<i32>} : memref<16384xi32, #tpu.memory_space<vmem>>, vector<16xi32>,
      %parallel_loop3A_117 = arith.addi %parallel_loop3A_110, %parallel_loop3A_116 : vector<16xi32>
      %parallel_loop3A_118 = arith.constant 16 : i32
      %parallel_loop3A_119 = arith.muli %parallel_loop3A_22, %parallel_loop3A_118 : i32
      %parallel_loop3A_120 = arith.constant 14336 : i32
      %parallel_loop3A_121 = arith.addi %parallel_loop3A_120, %parallel_loop3A_119 : i32
      %parallel_loop3A_122 = arith.index_cast %parallel_loop3A_121 : i32 to index
      %parallel_loop3A_123 = tpu.vector_load %arg5[%parallel_loop3A_122] {strides = array<i32>} : memref<16384xi32, #tpu.memory_space<vmem>>, vector<16xi32>,
      %parallel_loop3A_124 = arith.addi %parallel_loop3A_117, %parallel_loop3A_123 : vector<16xi32>
      %parallel_loop3A_125 = arith.constant 16 : i32
      %parallel_loop3A_126 = arith.muli %parallel_loop3A_22, %parallel_loop3A_125 : i32
      %parallel_loop3A_127 = arith.constant 15360 : i32
      %parallel_loop3A_128 = arith.addi %parallel_loop3A_127, %parallel_loop3A_126 : i32
      %parallel_loop3A_129 = arith.index_cast %parallel_loop3A_128 : i32 to index
      %parallel_loop3A_130 = tpu.vector_load %arg5[%parallel_loop3A_129] {strides = array<i32>} : memref<16384xi32, #tpu.memory_space<vmem>>, vector<16xi32>,
      %parallel_loop3A_131 = arith.addi %parallel_loop3A_124, %parallel_loop3A_130 : vector<16xi32>
      %parallel_loop3A_132 = arith.constant 16 : i32
      %parallel_loop3A_133 = arith.muli %parallel_loop3A_22, %parallel_loop3A_132 : i32
      %parallel_loop3A_134 = arith.index_cast %parallel_loop3A_133 : i32 to index
      %parallel_loop3A_135 = tpu.vector_load %arg6[%parallel_loop3A_134] {strides = array<i32>} : memref<1024xi32, #tpu.memory_space<vmem>>, vector<16xi32>,
      tpu.vector_store %arg6[%parallel_loop3A_134], %parallel_loop3A_131 {strides = array<i32>} : memref<1024xi32, #tpu.memory_space<vmem>>, vector<16xi32>,
    } {sc.loop_unroll_factor = 4 : i64, sc.parallel_access}
    %mul3A_19 = arith.constant 1024 : i32
    %mul3A_20 = arith.muli %add3A, %mul3A_19 : i32
    %multiple_of3A_21 = tpu.assume_multiple %mul3A_20, 8 : i32
    "tpu.region"() ({
      %run_scoped3A = tpu.sem_alloc : memref<!tpu.dma_semaphore, #tpu.memory_space<semaphore_mem>>
      %dma_start3A_22 = tpu.memref_slice %arg3[%multiple_of3A_21] : memref<32768xi32, #tpu.memory_space<hbm>> -> memref<1024xi32, #tpu.memory_space<hbm>>
      %dma_start3A_23 = tpu.memref_slice %arg3[%multiple_of3A_21] : memref<32768xi32, #tpu.memory_space<hbm>> -> memref<1024xi32, #tpu.memory_space<hbm>>
      tpu.enqueue_dma source(%arg6 : memref<1024xi32, #tpu.memory_space<vmem>>) target(%dma_start3A_23 : memref<1024xi32, #tpu.memory_space<hbm>>) target_semaphore(%run_scoped3A : memref<!tpu.dma_semaphore, #tpu.memory_space<semaphore_mem>>)
      %dma_wait3A_24 = tpu.memref_slice %arg3[%multiple_of3A_21] : memref<32768xi32, #tpu.memory_space<hbm>> -> memref<1024xi32, #tpu.memory_space<hbm>>
      %dma_wait3A_25 = tpu.memref_slice %arg3[%multiple_of3A_21] : memref<32768xi32, #tpu.memory_space<hbm>> -> memref<1024xi32, #tpu.memory_space<hbm>>
      tpu.wait_dma2 semaphore(%run_scoped3A : memref<!tpu.dma_semaphore, #tpu.memory_space<semaphore_mem>>) src(%arg6 : memref<1024xi32, #tpu.memory_space<vmem>>) dst(%dma_wait3A_25 : memref<1024xi32, #tpu.memory_space<hbm>>)
      tpu.yield
    }) : () -> ()
    return
  }
}

module attributes {stable_mosaic.version = 14 : i64} {
  func.func @_ce_body(%arg0: i32, %arg1: i32, %arg2: memref<1x19x128x512xf32, #tpu.memory_space<vmem>>, %arg3: memref<1x128x512xi32, #tpu.memory_space<vmem>>, %arg4: memref<65536xf32, #tpu.memory_space<vmem>>, %arg5: memref<65536xi32, #tpu.memory_space<vmem>>) attributes {dimension_semantics = [#tpu.dimension_semantics<arbitrary>, #tpu.dimension_semantics<arbitrary>], iteration_bounds = array<i64: 8, 4>, scalar_prefetch = 0 : i64, scratch_operands = 0 : i64, tpu.core_type = #tpu.core_type<tc>, window_params = [{transform_indices = @transform_0, window_bounds = array<i64: 1, 19, 128, 512>}, {transform_indices = @transform_1, window_bounds = array<i64: 1, 128, 512>}, {transform_indices = @transform_2, window_bounds = array<i64: 65536>}, {transform_indices = @transform_3, window_bounds = array<i64: 65536>}]} {
    %get3A = arith.constant 0 : index
    %get3A_0 = arith.constant 0 : index
    %get3A_1 = arith.constant 0 : index
    %get3A_2 = arith.constant 0 : index
    %get3A_3 = vector.load %arg2[%get3A, %get3A_0, %get3A_1, %get3A_2] : memref<1x19x128x512xf32, #tpu.memory_space<vmem>>, vector<1x19x128x512xf32>
    %get3A_4 = vector.shape_cast %get3A_3 : vector<1x19x128x512xf32> to vector<19x128x512xf32>
    %get3A_5 = arith.constant 0 : index
    %get3A_6 = arith.constant 0 : index
    %get3A_7 = arith.constant 0 : index
    %get3A_8 = vector.load %arg3[%get3A_5, %get3A_6, %get3A_7] : memref<1x128x512xi32, #tpu.memory_space<vmem>>, vector<1x128x512xi32>
    %get3A_9 = vector.shape_cast %get3A_8 : vector<1x128x512xi32> to vector<128x512xi32>
    %reduce_max3A = arith.constant dense<0xFF800000> : vector<128x512xf32>
    %reduce_max3A_10 = vector.multi_reduction <maximumf>, %get3A_4, %reduce_max3A [0] : vector<19x128x512xf32> to vector<128x512xf32>
    %broadcast_in_dim3A = vector.shape_cast %reduce_max3A_10 : vector<128x512xf32> to vector<1x128x512xf32>
    %sub3A = vector.broadcast %broadcast_in_dim3A : vector<1x128x512xf32> to vector<19x128x512xf32>
    %sub3A_11 = arith.subf %get3A_4, %sub3A : vector<19x128x512xf32>
    %exp3A = math.exp %sub3A_11 : vector<19x128x512xf32>
    %reduce_sum3A = arith.constant dense<0.000000e+00> : vector<128x512xf32>
    %reduce_sum3A_12 = vector.multi_reduction <add>, %exp3A, %reduce_sum3A [0] : vector<19x128x512xf32> to vector<128x512xf32>
    %iota3A = tpu.iota {dimensions = array<i32: 0>} : vector<19x128x512xi32>
    %broadcast_in_dim3A_13 = vector.shape_cast %get3A_9 : vector<128x512xi32> to vector<1x128x512xi32>
    %eq3A = vector.broadcast %broadcast_in_dim3A_13 : vector<1x128x512xi32> to vector<19x128x512xi32>
    %eq3A_14 = arith.cmpi eq, %iota3A, %eq3A : vector<19x128x512xi32>
    %jit3A = arith.constant 0.000000e+00 : f32
    %broadcast_in_dim3A_15 = vector.broadcast %jit3A : f32 to vector<19x128x512xf32>
    %select_n3A = arith.select %eq3A_14, %get3A_4, %broadcast_in_dim3A_15 : vector<19x128x512xi1>, vector<19x128x512xf32>
    %reduce_sum3A_16 = arith.constant dense<0.000000e+00> : vector<128x512xf32>
    %reduce_sum3A_17 = vector.multi_reduction <add>, %select_n3A, %reduce_sum3A_16 [0] : vector<19x128x512xf32> to vector<128x512xf32>
    %log3A = math.log %reduce_sum3A_12 : vector<128x512xf32>
    %add3A = arith.addf %reduce_max3A_10, %log3A : vector<128x512xf32>
    %sub3A_18 = arith.subf %add3A, %reduce_sum3A_17 : vector<128x512xf32>
    %max3A = arith.constant 0.000000e+00 : f32
    %max3A_19 = vector.broadcast %max3A : f32 to vector<128x512xf32>
    %max3A_20 = arith.maximumf %sub3A_18, %max3A_19 : vector<128x512xf32>
    %reshape3A = vector.shape_cast %max3A_20 : vector<128x512xf32> to vector<65536xf32>
    %swap3A = arith.constant 0 : index
    %swap3A_21 = vector.load %arg4[%swap3A] : memref<65536xf32, #tpu.memory_space<vmem>>, vector<65536xf32>
    tpu.vector_store %arg4[%swap3A], %reshape3A {strides = array<i32>} : memref<65536xf32, #tpu.memory_space<vmem>>, vector<65536xf32>,
    %bitcast_convert_type3A = tpu.bitcast %max3A_20 : vector<128x512xf32> -> vector<128x512xi32>
    %and3A = arith.constant -1024 : i32
    %and3A_22 = vector.broadcast %and3A : i32 to vector<128x512xi32>
    %and3A_23 = arith.andi %bitcast_convert_type3A, %and3A_22 : vector<128x512xi32>
    %or3A = arith.ori %and3A_23, %get3A_9 : vector<128x512xi32>
    %reshape3A_24 = vector.shape_cast %or3A : vector<128x512xi32> to vector<65536xi32>
    %swap3A_25 = arith.constant 0 : index
    %swap3A_26 = vector.load %arg5[%swap3A_25] : memref<65536xi32, #tpu.memory_space<vmem>>, vector<65536xi32>
    tpu.vector_store %arg5[%swap3A_25], %reshape3A_24 {strides = array<i32>} : memref<65536xi32, #tpu.memory_space<vmem>>, vector<65536xi32>,
    return
  }
  func.func @transform_0(%arg0: i32, %arg1: i32) -> (i32, i32, i32, i32) {
    %c0_i32 = arith.constant 0 : i32
    %c0_i32_0 = arith.constant 0 : i32
    %c0_i32_1 = arith.constant 0 : i32
    return %arg0, %c0_i32, %arg1, %c0_i32_0 : i32, i32, i32, i32
  }
  func.func @transform_1(%arg0: i32, %arg1: i32) -> (i32, i32, i32) {
    %c0_i32 = arith.constant 0 : i32
    %c0_i32_0 = arith.constant 0 : i32
    return %arg0, %arg1, %c0_i32 : i32, i32, i32
  }
  func.func @transform_2(%arg0: i32, %arg1: i32) -> i32 {
    %mul3A = arith.constant 4 : i32
    %mul3A_0 = arith.muli %arg0, %mul3A : i32
    %add3A = arith.addi %mul3A_0, %arg1 : i32
    %c0_i32 = arith.constant 0 : i32
    return %add3A : i32
  }
  func.func @transform_3(%arg0: i32, %arg1: i32) -> i32 {
    %mul3A = arith.constant 4 : i32
    %mul3A_0 = arith.muli %arg0, %mul3A : i32
    %add3A = arith.addi %mul3A_0, %arg1 : i32
    %c0_i32 = arith.constant 0 : i32
    return %add3A : i32
  }
}

module attributes {stable_mosaic.version = 14 : i64} {
  func.func @_comb_body(%arg0: memref<32x128xf32, #tpu.memory_space<vmem>>, %arg1: memref<1x1xf32, #tpu.memory_space<vmem>>) attributes {dimension_semantics = [], scalar_prefetch = 0 : i64, scratch_operands = 0 : i64, tpu.core_type = #tpu.core_type<tc>} {
    %get3A = arith.constant 0 : index
    %get3A_0 = arith.constant 0 : index
    %get3A_1 = vector.load %arg0[%get3A, %get3A_0] : memref<32x128xf32, #tpu.memory_space<vmem>>, vector<32x128xf32>
    %slice3A = vector.extract_strided_slice %get3A_1 {offsets = [0, 0], sizes = [32, 32], strides = [1, 1]} : vector<32x128xf32> to vector<32x32xf32>
    %reduce_sum3A = arith.constant dense<0.000000e+00> : vector<32xf32>
    %reduce_sum3A_2 = vector.multi_reduction <add>, %slice3A, %reduce_sum3A [0] : vector<32x32xf32> to vector<32xf32>
    %slice3A_3 = vector.extract_strided_slice %get3A_1 {offsets = [0, 32], sizes = [32, 32], strides = [1, 1]} : vector<32x128xf32> to vector<32x32xf32>
    %reduce_sum3A_4 = arith.constant dense<0.000000e+00> : vector<32xf32>
    %reduce_sum3A_5 = vector.multi_reduction <add>, %slice3A_3, %reduce_sum3A_4 [0] : vector<32x32xf32> to vector<32xf32>
    %slice3A_6 = vector.extract_strided_slice %get3A_1 {offsets = [0, 64], sizes = [32, 32], strides = [1, 1]} : vector<32x128xf32> to vector<32x32xf32>
    %reduce_sum3A_7 = arith.constant dense<0.000000e+00> : vector<32xf32>
    %reduce_sum3A_8 = vector.multi_reduction <add>, %slice3A_6, %reduce_sum3A_7 [0] : vector<32x32xf32> to vector<32xf32>
    %slice3A_9 = vector.extract_strided_slice %get3A_1 {offsets = [0, 96], sizes = [32, 32], strides = [1, 1]} : vector<32x128xf32> to vector<32x32xf32>
    %reduce_sum3A_10 = arith.constant dense<0.000000e+00> : vector<32xf32>
    %reduce_sum3A_11 = vector.multi_reduction <add>, %slice3A_9, %reduce_sum3A_10 [0] : vector<32x32xf32> to vector<32xf32>
    %reduce_sum3A_12 = vector.shape_cast %reduce_sum3A_2 : vector<32xf32> to vector<1x32xf32>
    %reduce_sum3A_13 = arith.constant dense<0.000000e+00> : vector<1xf32>
    %reduce_sum3A_14 = vector.multi_reduction <add>, %reduce_sum3A_12, %reduce_sum3A_13 [1] : vector<1x32xf32> to vector<1xf32>
    %reduce_sum3A_15 = vector.shape_cast %reduce_sum3A_14 : vector<1xf32> to vector<1x1xf32>
    %reduce_sum3A_16 = vector.extract %reduce_sum3A_15[0, 0] : f32 from vector<1x1xf32>
    %sub3A = arith.constant 4.194300e+05 : f32
    %sub3A_17 = arith.subf %sub3A, %reduce_sum3A_16 : f32
    %iota3A = tpu.iota {dimensions = array<i32: 0>} : vector<32x32xi32>
    %iota3A_18 = tpu.iota {dimensions = array<i32: 1>} : vector<32x32xi32>
    %lt3A = arith.cmpi slt, %iota3A, %iota3A_18 : vector<32x32xi32>
    %broadcast_in_dim3A = vector.shape_cast %reduce_sum3A_8 : vector<32xf32> to vector<32x1xf32>
    %jit3A = arith.constant 0.000000e+00 : f32
    %broadcast_in_dim3A_19 = vector.shape_cast %broadcast_in_dim3A : vector<32x1xf32> to vector<32x1xf32>
    %broadcast_in_dim3A_20 = vector.broadcast %broadcast_in_dim3A_19 : vector<32x1xf32> to vector<32x32xf32>
    %broadcast_in_dim3A_21 = vector.broadcast %jit3A : f32 to vector<32x32xf32>
    %select_n3A = arith.select %lt3A, %broadcast_in_dim3A_20, %broadcast_in_dim3A_21 : vector<32x32xi1>, vector<32x32xf32>
    %reduce_sum3A_22 = arith.constant dense<0.000000e+00> : vector<32xf32>
    %reduce_sum3A_23 = vector.multi_reduction <add>, %select_n3A, %reduce_sum3A_22 [0] : vector<32x32xf32> to vector<32xf32>
    %sub3A_24 = vector.broadcast %sub3A_17 : f32 to vector<32xf32>
    %sub3A_25 = arith.subf %sub3A_24, %reduce_sum3A_23 : vector<32xf32>
    %jit3A_26 = arith.constant 0.000000e+00 : f32
    %max3A = vector.broadcast %jit3A_26 : f32 to vector<32xf32>
    %max3A_27 = arith.maximumf %max3A, %sub3A_25 : vector<32xf32>
    %min3A = arith.minimumf %reduce_sum3A_8, %max3A_27 : vector<32xf32>
    %add3A = arith.addf %reduce_sum3A_2, %min3A : vector<32xf32>
    %max3A_28 = arith.constant 1.000000e+00 : f32
    %max3A_29 = vector.broadcast %max3A_28 : f32 to vector<32xf32>
    %max3A_30 = arith.maximumf %reduce_sum3A_8, %max3A_29 : vector<32xf32>
    %div3A = arith.divf %reduce_sum3A_11, %max3A_30 : vector<32xf32>
    %mul3A = arith.mulf %min3A, %div3A : vector<32xf32>
    %add3A_31 = arith.addf %reduce_sum3A_5, %mul3A : vector<32xf32>
    %add3A_32 = arith.constant 9.99999993E-9 : f32
    %add3A_33 = vector.broadcast %add3A_32 : f32 to vector<32xf32>
    %add3A_34 = arith.addf %add3A, %add3A_33 : vector<32xf32>
    %rsqrt3A = math.rsqrt %add3A_34 : vector<32xf32>
    %mul3A_35 = arith.mulf %add3A_31, %rsqrt3A : vector<32xf32>
    %reduce_sum3A_36 = vector.shape_cast %mul3A_35 : vector<32xf32> to vector<1x32xf32>
    %reduce_sum3A_37 = arith.constant dense<0.000000e+00> : vector<1xf32>
    %reduce_sum3A_38 = vector.multi_reduction <add>, %reduce_sum3A_36, %reduce_sum3A_37 [1] : vector<1x32xf32> to vector<1xf32>
    %reduce_sum3A_39 = vector.shape_cast %reduce_sum3A_38 : vector<1xf32> to vector<1x1xf32>
    %reduce_sum3A_40 = vector.extract %reduce_sum3A_39[0, 0] : f32 from vector<1x1xf32>
    %mul3A_41 = arith.constant 0.00154408161 : f32
    %mul3A_42 = arith.mulf %reduce_sum3A_40, %mul3A_41 : f32
    %reshape3A = vector.broadcast %mul3A_42 : f32 to vector<1x1xf32>
    %swap3A = arith.constant 0 : index
    %swap3A_43 = arith.constant 0 : index
    %swap3A_44 = vector.load %arg1[%swap3A, %swap3A_43] : memref<1x1xf32, #tpu.memory_space<vmem>>, vector<1x1xf32>
    tpu.vector_store %arg1[%swap3A, %swap3A_43], %reshape3A {strides = array<i32>} : memref<1x1xf32, #tpu.memory_space<vmem>>, vector<1x1xf32>,
    return
  }
}

</mosaic_0001>

<sc_bundles>
// kernel: kernel.10.cloned.1.call-start
scs
__scs_entry_jumppad:
0x0: {  	(pc) =	sbr.rel $0x88, $3  }
0x1: {  	(tag) =	ssettag $0x0;
	lr =	simm.s32 $0x1  }
0x2: {  	[smem:$0x3F9F] =	sst lr;
	_ =	strace $0xD0000000  }
0x3: {  	_ = 	snop  }
0x4: {  	_ = 	snop  }
0x5: {  	_ = 	snop  }
0x6: {  	_ = 	snop  }
0x7: {  	_ = 	snop  }
__scs_overlays_trampoline_lowered:
0x8: {  	[smem:$0x3FAE] =	sst s0  }
0x9: {  	[smem:$0x3FAF] =	sst s1  }
0xa: {  	[smem:$0x3FB0] =	sst s2  }
0xb: {  	[smem:$0x3FB1] =	sst s3  }
0xc: {  	[smem:$0x3FB2] =	sst s4  }
0xd: {  	[smem:$0x3FB3] =	sst s5  }
0xe: {  	[smem:$0x3FB4] =	sst s6  }
0xf: {  	[smem:$0x3FB5] =	sst s7  }
0x10: {  	[smem:$0x3FB6] =	sst s8  }
0x11: {  	[smem:$0x3FB7] =	sst s9;
	s0 =	simm.s32 @!p0 $0x0  }
0x12: {  	s1 =	sld [smem:$0x3F9D];
	s0 =	simm.s32 @p0 $0x1  }
0x13: {  	[smem:$0x3FB8] =	sst s0;
	s0 =	simm.s32 @!p1 $0x0  }
0x14: {  	s2 =	sld [smem:$0x3F9C];
	s0 =	simm.s32 @p1 $0x1  }
0x15: {  	[smem:$0x3FB9] =	sst s0;
	s0 =	simm.s32 @!p2 $0x0  }
0x16: {  	s3 =	sld [smem:$0x3FDB];
	s0 =	simm.s32 @p2 $0x1  }
0x17: {  	s4 =	simm.s32 $0x1BF5;
	[smem:$0x3FBB] =	sst s0  }
0x18: {  	s0 =	sld [smem:$0x3F9E];
	_ =	swait.ge [sflag:s4], $0x0  }
0x19: {  	s7 =	sld [smem:$0x3F9F]  }
0x1a: {  	s8 =	sadd.s32 $0xFFFFE003, lr  }
0x1b: {  	s9 =	sadd.s32 $0xFFFFFEF7, lr;
	s5 =	simm.s32 $0xFFFFFFFF;
	p2 =	slt.u32 s8, $0xFFFFF086  }
0x1c: {  	p1 =	slt.u32 s9, $0xF7A;
	s5 =	simm.s32 @!p2 $0x0  }
0x1d: {  	s5 =	simm.s32 @p1 $0x1;
	p0 =	seq.s32 s7, s2  }
0x1e: {  	s7 =	smul.u32 @!p0 $0xF7A, s2;
	p2 =	seq.s32 @!p0 s5, $0x0  }
0x1f: {  	s9 =	smul.u32 $0xF7A, s1;
	s8 =	simm.s32 @!p0 $0x1BF5;
	p2 =	por !p2, p0  }
0x20: {  	[sflag:s8] =	ssyncset.s32 @!p0 $0xFFFFF086;
	s6 =	sadd.s32 @!p0 s3, s7;
	s7 =	simm.s32 @!p0 $0x108  }
0x21: {  	s3 =	sadd.s32 s3, s9;
	s6 =	sadd.s32 @!p0 $0x88, s6;
	s7 =	simm.s32 @p2 $0x1082  }
0x22: {  	[simem:s7], [sflag:s8] =	dma.local @!p0 [hbm:s6], $0xF7A  }
0x23: {  	s9 =	sor.u32 $0xD0000000, s2;
	s6 =	simm.s32 $0x108;
	_ =	swait.ge @!p0 [sflag:s8], $0x0  }
0x24: {  	s3 =	sadd.s32 $0x88, s3;
	s6 =	simm.s32 @!p1 $0x1082;
	[sflag:s4] =	ssyncset.s32 $0xFFFFF086  }
0x25: {  	[simem:s6], [sflag:s4] =	dma.local [hbm:s3], $0xF7A  }
0x26: {  	[smem:$0x3F9F] =	sst s1;
	(tag) =	ssettag s2;
	_ =	strace s9  }
0x27: {  	s1 =	sld [smem:$0x3FAF]  }
0x28: {  	s2 =	sld [smem:$0x3FB0]  }
0x29: {  	s4 =	sld [smem:$0x3FB2]  }
0x2a: {  	p0 =	seq.s32 s5, $0x0;
	s5 =	sld [smem:$0x3FB3]  }
0x2b: {  	s6 =	sld [smem:$0x3FB4]  }
0x2c: {  	s7 =	sld [smem:$0x3FB5]  }
0x2d: {  	s3 =	simm.s32 $0x108;
	s8 =	sld [smem:$0x3FB6]  }
0x2e: {  	s3 =	simm.s32 @!p0 $0x1082;
	s9 =	sld [smem:$0x3FB7]  }
0x2f: {  	lr =	sadd.s32 s0, s3;
	s0 =	sld [smem:$0x3FAE]  }
0x30: {  	s3 =	sld [smem:$0x3FB1]  }
0x31: {  	[smem:$0x3FBA] =	sst s10  }
0x32: {  	s10 =	sld [smem:$0x3FB8];
	_ =	sdelay $0x3  }
0x33: {  	p0 =	seq.s32 s10, $0x1;
	s10 =	sld [smem:$0x3FBA];
	_ =	sdelay $0x3  }
0x34: {  	[smem:$0x3FBA] =	sst s10  }
0x35: {  	s10 =	sld [smem:$0x3FB9];
	_ =	sdelay $0x3  }
0x36: {  	p1 =	seq.s32 s10, $0x1;
	s10 =	sld [smem:$0x3FBA];
	_ =	sdelay $0x3  }
0x37: {  	[smem:$0x3FBA] =	sst s10  }
0x38: {  	s10 =	sld [smem:$0x3FBB]  }
0x39: {  	_ = 	snop;
	(pc) =	sbr.ind lr, $3  }
0x3a: {  	_ = 	snop  }
0x3b: {  	_ = 	snop  }
0x3c: {  	p2 =	seq.s32 s10, $0x1;
	s10 =	sld [smem:$0x3FBA]  }
0x3d: {  	_ =	shalt  }
0x3e: {  	_ =	shalt  }
0x3f: {  	_ =	shalt  }
0x40: {  	_ =	shalt  }
0x41: {  	_ =	shalt  }
0x42: {  	_ =	shalt  }
0x43: {  	_ =	shalt  }
0x44: {  	_ =	shalt  }
0x45: {  	_ =	shalt  }
0x46: {  	_ =	shalt  }
0x47: {  	_ =	shalt  }
0x48: {  	_ =	shalt  }
0x49: {  	_ =	shalt  }
0x4a: {  	_ =	shalt  }
0x4b: {  	_ =	shalt  }
0x4c: {  	_ =	shalt  }
0x4d: {  	_ =	shalt  }
0x4e: {  	_ =	shalt  }
0x4f: {  	_ =	shalt  }
0x50: {  	_ =	shalt  }
0x51: {  	_ =	shalt  }
0x52: {  	_ =	shalt  }
0x53: {  	_ =	shalt  }
0x54: {  	_ =	shalt  }
0x55: {  	_ =	shalt  }
0x56: {  	_ =	shalt  }
0x57: {  	_ =	shalt  }
0x58: {  	_ =	shalt  }
0x59: {  	_ =	shalt  }
0x5a: {  	_ =	shalt  }
0x5b: {  	_ =	shalt  }
0x5c: {  	_ =	shalt  }
0x5d: {  	_ =	shalt  }
0x5e: {  	_ =	shalt  }
0x5f: {  	_ =	shalt  }
0x60: {  	_ =	shalt  }
0x61: {  	_ =	shalt  }
0x62: {  	_ =	shalt  }
0x63: {  	_ =	shalt  }
0x64: {  	_ =	shalt  }
0x65: {  	_ =	shalt  }
0x66: {  	_ =	shalt  }
0x67: {  	_ =	shalt  }
0x68: {  	_ =	shalt  }
0x69: {  	_ =	shalt  }
0x6a: {  	_ =	shalt  }
0x6b: {  	_ =	shalt  }
0x6c: {  	_ =	shalt  }
0x6d: {  	_ =	shalt  }
0x6e: {  	_ =	shalt  }
0x6f: {  	_ =	shalt  }
0x70: {  	_ =	shalt  }
0x71: {  	_ =	shalt  }
0x72: {  	_ =	shalt  }
0x73: {  	_ =	shalt  }
0x74: {  	_ =	shalt  }
0x75: {  	_ =	shalt  }
0x76: {  	_ =	shalt  }
0x77: {  	_ =	shalt  }
0x78: {  	_ =	shalt  }
0x79: {  	_ =	shalt  }
0x7a: {  	_ =	shalt  }
0x7b: {  	_ =	shalt  }
0x7c: {  	_ =	shalt  }
0x7d: {  	_ =	shalt  }
0x7e: {  	_ =	shalt  }
0x7f: {  	_ =	shalt  }
0x80: {  	_ =	shalt  }
0x81: {  	_ =	shalt  }
0x82: {  	_ =	shalt  }
0x83: {  	_ =	shalt  }
0x84: {  	_ =	shalt  }
0x85: {  	_ =	shalt  }
0x86: {  	_ =	shalt  }
0x87: {  	_ =	shalt  }
.Lfunc_end0:
.L_simem_size_0:
called_computation.1_lowered:
.L_overlay_start_0:
0x88: {  	s2 =	sld [smem:$0x3FD9]  }
0x89: {  	s3 =	sld [smem:$0x3FFE];
	_ =	sdelay $0x1  }
0x8a: {  	s1 =	srdreg.scid  }
0x8b: {  	s0 =	sand.u32 $0x1, s1  }
0x8c: {  	s16 =	sshll.u32 s0, $0xA;
	s2 =	sadd.s32 s3, s2  }
0x8d: {  	s2 =	sadd.s32 s2, s16  }
0x8e: {  	[smem:$0x3FC6] =	sst s2  }
0x8f: {  	_ = 	snop  }
0x90: {  	(tm) =	ssettm $0x1  }
0x91: {  	s17 =	sld [smem:$0x3FFB];
	_ =	sdelay $0x3  }
0x92: {  	_ =	strace s17  }
0x93: {  	s2 =	sld [smem:$0x3FFC];
	_ =	sdelay $0x3  }
0x94: {  	_ =	strace s2  }
0x95: {  	s2 =	sld [smem:$0x3FFD];
	_ =	sdelay $0x3  }
0x96: {  	_ =	strace s2  }
0x97: {  	_ =	strace $0x8FFFFFFF  }
0x98: {  	s18 =	sld [smem:$0x3FDB];
	_ =	sdelay $0x1  }
0x99: {  	s19 =	simm.s32 $_scs_section_size  }
0x9a: {  	s4 =	simm.s32 $_size__tile_overlayer_lowered;
	s5 =	simm.s32 $_tile_overlayer_lowered  }
0x9b: {  	s22 =	simm.s32 $0x1BFF;
	s21 =	sshll.u32 s5, $0x1;
	s2 =	sadd.s32 s19, s18  }
0x9c: {  	s6 =	simm.s32 $0x0;
	s20 =	sshll.u32 s4, $0x1;
	s4 =	sadd.s32 s21, s2  }
0x9d: {  	[timem:s6], [sflag:s22] =	dma.local [hbm:s4], s20  }
0x9e: {  	_ =	swait.ge [sflag:s22], s20  }
0x9f: {  	s3 =	ssub.s32 $0x0, s20;
	[sflag:s22] =	ssyncset.done $0x0  }
0xa0: {  	[sflag:s22] =	ssyncadd.s32 s3;
	_ =	sdelay $0x1  }
0xa1: {  	s23 =	simm.s32 $0x1B8B  }
0xa2: {  	_ =	swait.ge [sflag:s23], $0x1  }
0xa3: {  	[sflag:s23] =	ssyncset.done $0x0  }
0xa4: {  	s25 =	simm.s32 $0x1B8E;
	s24 =	sld [smem:$0x3FFE];
	[sflag:s23] =	ssyncadd.s32 $0xFFFFFFFF  }
0xa5: {  	s26 =	simm.s32 $execute0_lowered;
	[smem:$0x3FD2] =	sst s25  }
0xa6: {  	s4 =	sshll.u32 s26, $0x1;
	_ =	strace $0x80000049;
	[dreg:$0x1] =	wrdreg $0xFFFFFFFF  }
0xa7: {  	s28 =	simm.s32 $_size_execute0_lowered;
	s2 =	sadd.s32 s2, s4;
	[dreg:$0x0] =	wrdreg $0x0  }
0xa8: {  	s4 =	sshll.u32 s28, $0x1;
	[dreg:$0x2] =	wrdreg s2  }
0xa9: {  	[dreg:$0x3] =	wrdreg s4  }
0xaa: {  	[dreg:$0x4] =	wrdreg $0xC0  }
0xab: {  	_ =	task [dreg:s6], $0x5FFFF  }
0xac: {  	[dreg:$0x1] =	wrdreg $0xFFFFFFFF  }
0xad: {  	[dreg:$0x0] =	wrdreg $0x60  }
0xae: {  	[dreg:$0x2] =	wrdreg s24  }
0xaf: {  	[dreg:$0x3] =	wrdreg $0x9  }
0xb0: {  	_ =	task.clear_ibuf [dreg:s6], $0x4FFFF;
	_ =	strace $0x90000049  }
0xb1: {  	s29 =	simm.s32 $0x9;
	_ =	strace $0x8000004B  }
0xb2: {  	_ =	swait.ge [sflag:s29], $0x1  }
0xb3: {  	[sflag:s29] =	ssyncadd.s32 $0xFFFFFFFF  }
0xb4: {  	_ =	strace $0x9000004B  }
0xb5: {  	_ =	sfence  }
0xb6: {  	s30 =	sld [smem:$0x0];
	_ =	sdelay $0x2  }
0xb7: {  	s31 =	sshll.u32 s1, $0xD;
	s1 =	sshrl.u32 s1, $0x2  }
0xb8: {  	s3 =	sand.u32 $0x4000, s31;
	s1 =	sadd.s32 s1, s30  }
0xb9: {  	s0 =	sor.u32 s3, s0;
	s1 =	sshll.u32 s1, $0x11  }
0xba: {  	s0 =	sor.u32 s1, s0  }
0xbb: {  	s0 =	sadd.s32 $0x8F2B, s0  }
0xbc: {  	[sflag:s0] =	ssyncadd.remote.s32 $0x1  }
0xbd: {  	_ =	sfence.sel $0xFFFF  }
0xbe: {  	[dreg:$0x0] =	wrdreg $0xFFFFFFFF;
	(pc) =	sbr.abs _section_cstart, $3  }
0xbf: {  	[dreg:$0x1] =	wrdreg $0xFFFFFFFF  }
0xc0: {  	_ =	task.clear_ibuf [dreg:s6], $0x2FFFF;
	_ =	strace $0x9FFFFFFF  }
0xc1: {  	(tm) =	ssettm $0x7FFFFFFF  }
tec
execute0_lowered:
.L_overlay_start_1:
0x0: {  	(tag) =	ssettag $0x1  }
0x1: {  	s4 =	rddreg [dreg:$0x0]  }
0x2: {  	s0 =	rddreg [dreg:$0x1];
	s3 =	srdreg.scid  }
0x3: {  	s1 =	stileid.u32;
	s2 =	simm.s32 $0x0;
	s9 =	simm.s32 $0x1  }
0x4: {  	s10 =	simm.s32 $0x10000;
	s11 =	simm.s32 $0x18000;
	s12 =	simm.s32 $0x0  }
0x5: {  	s3 =	sand.u32 $0x1, s3;
	s5 =	sshll.u32 s1, $0x1;
	[smem:$0x7FF] =	sst s2  }
0x6: {  	s5 =	sor.u32 s3, s5;
	_ =	strace $0x8000004A;
	s7 =	ssub.s32 $0x2, s3  }
0x7: {  	v2 =	vlaneseq.u32;
	s3 =	sadd.s32 $0x81400, s4;
	s6 =	sshll.u32 s5, $0xD;
	s5 =	sshll.u32 s5, $0x8  }
0x8: {  	v1 =	vmul.u32 $0xFFFFFFFF, v2;
	s8 =	sshrl.u32 s7, $0x1;
	s6 =	sadd.s32 s6, s4;
	s5 =	sadd.s32 s5, s4  }
0x9: {  	v2 =	vmul.u32 $0x800, v2;
	s7 =	ssub.s32 s7, s8;
	s8 =	simm.s32 $0x2;
	s4 =	sadd.s32 $0x1400, s6  }
0xa: {  	v0 =	vimm.s32 $0x0;
	v3 =	vimm.s32 $0x1;
	v1 =	vadd.s32 $0xF, v1;
	s5 =	sadd.s32 $0x82400, s5;
	s6 =	smax.u32 s7, $0x1;
	s7 =	simm.s32 $0x18800  }
.LBB2_1:
0xb: {  	[tilespmem:s2], [sflag:$0x1] =	stream.linear.gather [hbm4b:s4+s2], $0x10000, $0x38;
	[tilespmem:$0x1AC00] =	vst v63  }
0xc: {  	s13 =	simm.s32 $0x1A840  }
0xd: {  	[tilespmem:s13+$0xFFFFFFC0] =	vst v0  }
0xe: {  	[tilespmem:s13+$0x30] =	vst v0  }
0xf: {  	[tilespmem:s13+$0x20] =	vst v0  }
0x10: {  	[tilespmem:s13+$0x10] =	vst v0  }
0x11: {  	[tilespmem:s13+$0x0] =	vst v0  }
0x12: {  	[tilespmem:s13+$0xFFFFFFF0] =	vst v0  }
0x13: {  	s14 =	simm.s32 $0x0;
	[tilespmem:s13+$0xFFFFFFE0] =	vst v0  }
.LBB2_2:
0x14: {  	s14 =	sadd.s32 $0x8, s14;
	[tilespmem:s13+$0xFFFFFFD0] =	vst v0;
	s13 =	sadd.s32 $0x80, s13  }
0x15: {  	[tilespmem:s13+$0xFFFFFFC0] =	vst v0;
	p0 =	slt.u32 s14, $0x38  }
0x16: {  	[tilespmem:s13+$0x30] =	vst v0  }
.Ltmp0:
0x17: {  	[tilespmem:s13+$0x20] =	vst v0;
	(pc) =	sbr.rel @p0 .LBB2_2-.Ltmp0, $4  }
0x18: {  	[tilespmem:s13+$0x10] =	vst v0  }
0x19: {  	[tilespmem:s13+$0x0] =	vst v0  }
0x1a: {  	[tilespmem:s13+$0xFFFFFFF0] =	vst v0  }
0x1b: {  	[tilespmem:s13+$0xFFFFFFE0] =	vst v0  }
0x1c: {  	[tilespmem:s13+$0xFFFFFFD0] =	vst v0;
	s13 =	simm.s32 $0x0;
	s14 =	simm.s32 $0x0  }
.LBB2_4:
0x1d: {  	s15 =	sshll.u32 s14, $0xA  }
0x1e: {  	s15 =	sadd.s32 s3, s15  }
0x1f: {  	[tilespmem:s7], [sflag:$0x2] =	stream.linear.gather [hbm4b:s15+s13], $0x2000, $0x38;
	[tilespmem:$0x1AC00] =	vst v63  }
0x20: {  	_ =	swait.ge [sflag:s8], $0x2000  }
0x21: {  	[sflag:s8] =	ssyncset.done $0x0  }
0x22: {  	s16 =	sand.u32 $0x3C0, s13;
	[sflag:s8] =	ssyncadd.s32 $0xFFFFE000  }
0x23: {  	v7 =	vld [tilespmem:s16+$0x1A400]  }
0x24: {  	v6 =	vld [tilespmem:s16+$0x1A000]  }
0x25: {  	v5 =	vld [tilespmem:s16+$0x19C00]  }
0x26: {  	v4 =	vld [tilespmem:s16+$0x19800]  }
0x27: {  	v8 =	vld [tilespmem:s16+$0x19400]  }
0x28: {  	v9 =	vld [tilespmem:s16+$0x19000]  }
0x29: {  	s15 =	simm.s32 $0x1A820;
	v10 =	vld [tilespmem:s16+$0x18C00]  }
0x2a: {  	v11 =	vld [tilespmem:s15+$0x10]  }
0x2b: {  	v21 =	vld [tilespmem:s15+$0xFFFFFFF0]  }
0x2c: {  	v23 =	vld [tilespmem:s15+$0x0]  }
0x2d: {  	s16 =	simm.s32 $0x19810;
	v25 =	vld [tilespmem:s15+$0xFFFFFFE0]  }
0x2e: {  	v12 =	vld [tilespmem:s16+$0xFFFFF020]  }
0x2f: {  	v13 =	vld [tilespmem:s16+$0xFFFFF420]  }
0x30: {  	v14 =	vld [tilespmem:s16+$0xFFFFF820]  }
0x31: {  	v15 =	vld [tilespmem:s16+$0xFFFFFC20]  }
0x32: {  	v16 =	vld [tilespmem:s16+$0x20]  }
0x33: {  	v17 =	vld [tilespmem:s16+$0x420]  }
0x34: {  	v18 =	vld [tilespmem:s16+$0x820]  }
0x35: {  	v19 =	vld [tilespmem:s16+$0xC20]  }
0x36: {  	v20 =	vld [tilespmem:s16+$0xFFFFEFF0]  }
0x37: {  	v22 =	vld [tilespmem:s16+$0xFFFFF000]  }
0x38: {  	v24 =	vld [tilespmem:s16+$0xFFFFF010]  }
0x39: {  	v54 =	vld [tilespmem:s16+$0xFFFFF400]  }
0x3a: {  	v55 =	vld [tilespmem:s16+$0xFFFFF410]  }
0x3b: {  	v57 =	vld [tilespmem:s16+$0xFFFFF810]  }
0x3c: {  	v56 =	vld [tilespmem:s16+$0xFFFFF800];
	v11 =	vadd.s32 v11, v12  }
0x3d: {  	v59 =	vld [tilespmem:s16+$0xFFFFFC00];
	v58 =	vadd.s32 v25, v20;
	v11 =	vadd.s32 v13, v11  }
0x3e: {  	v60 =	vld [tilespmem:s16+$0xFFFFFC10];
	v62 =	vadd.s32 v23, v24;
	v10 =	vadd.s32 v10, v58;
	v11 =	vadd.s32 v14, v11  }
0x3f: {  	v61 =	vld [tilespmem:s16+$0x10];
	v63 =	vadd.s32 v55, v62;
	v9 =	vadd.s32 v9, v10;
	v11 =	vadd.s32 v15, v11  }
0x40: {  	v10 =	vld [tilespmem:s16+$0x0];
	v12 =	vadd.s32 v57, v63;
	v8 =	vadd.s32 v8, v9;
	v11 =	vadd.s32 v16, v11  }
0x41: {  	v9 =	vadd.s32 v21, v22;
	v8 =	vadd.s32 v4, v8;
	v4 =	vld [tilespmem:s16+$0x400];
	v11 =	vadd.s32 v17, v11  }
0x42: {  	v9 =	vadd.s32 v54, v9;
	v8 =	vadd.s32 v5, v8;
	v5 =	vld [tilespmem:s16+$0x410];
	v11 =	vadd.s32 v18, v11  }
0x43: {  	v9 =	vadd.s32 v56, v9;
	v8 =	vadd.s32 v6, v8;
	v6 =	vld [tilespmem:s16+$0x800];
	v11 =	vadd.s32 v19, v11  }
0x44: {  	v9 =	vadd.s32 v59, v9;
	v8 =	vadd.s32 v7, v8;
	v7 =	vld [tilespmem:s16+$0x810];
	[tilespmem:s15+$0x10] =	vst v11;
	v11 =	vadd.s32 v60, v12  }
0x45: {  	s17 =	simm.s32 $0x0;
	s18 =	simm.s32 $0x40;
	v9 =	vadd.s32 v10, v9;
	[tilespmem:s15+$0xFFFFFFE0] =	vst v8;
	v8 =	vld [tilespmem:s16+$0xC00];
	v10 =	vadd.s32 v61, v11  }
.LBB2_5:
0x46: {  	s19 =	sand.u32 $0x3C0, s18;
	v4 =	vadd.s32 v4, v9;
	v9 =	vld [tilespmem:s16+$0xC10]  }
0x47: {  	v11 =	vld [tilespmem:s19+$0x1A400];
	v5 =	vadd.s32 v5, v10  }
0x48: {  	v10 =	vld [tilespmem:s19+$0x1A000];
	v4 =	vadd.s32 v6, v4  }
0x49: {  	v6 =	vld [tilespmem:s19+$0x19C00];
	v5 =	vadd.s32 v7, v5  }
0x4a: {  	v7 =	vld [tilespmem:s19+$0x19800];
	v4 =	vadd.s32 v8, v4  }
0x4b: {  	v8 =	vld [tilespmem:s19+$0x19400];
	[tilespmem:s15+$0xFFFFFFF0] =	vst v4;
	v4 =	vadd.s32 v9, v5  }
0x4c: {  	v5 =	vld [tilespmem:s19+$0x19000];
	[tilespmem:s15+$0x0] =	vst v4  }
0x4d: {  	s15 =	sadd.s32 $0x40, s15;
	v4 =	vld [tilespmem:s19+$0x18C00]  }
0x4e: {  	s16 =	sadd.s32 $0x40, s16;
	v9 =	vld [tilespmem:s15+$0x10]  }
0x4f: {  	s17 =	sadd.s32 $0x4, s17;
	v12 =	vld [tilespmem:s16+$0xFFFFF020]  }
0x50: {  	p0 =	slt.u32 s17, $0x3C;
	v13 =	vld [tilespmem:s16+$0xFFFFF420]  }
0x51: {  	v14 =	vld [tilespmem:s16+$0xFFFFF820]  }
0x52: {  	v15 =	vld [tilespmem:s16+$0xFFFFFC20]  }
0x53: {  	v16 =	vld [tilespmem:s16+$0x20]  }
0x54: {  	v9 =	vadd.s32 v9, v12;
	v12 =	vld [tilespmem:s16+$0x420]  }
0x55: {  	v9 =	vadd.s32 v13, v9;
	v13 =	vld [tilespmem:s16+$0x820]  }
0x56: {  	v9 =	vadd.s32 v14, v9;
	v14 =	vld [tilespmem:s16+$0xC20]  }
0x57: {  	v17 =	vld [tilespmem:s16+$0xFFFFEFF0];
	v9 =	vadd.s32 v15, v9  }
0x58: {  	v15 =	vld [tilespmem:s15+$0xFFFFFFF0];
	v9 =	vadd.s32 v16, v9  }
0x59: {  	v16 =	vld [tilespmem:s16+$0xFFFFF000];
	v9 =	vadd.s32 v12, v9  }
0x5a: {  	v12 =	vld [tilespmem:s15+$0x0];
	v9 =	vadd.s32 v13, v9  }
0x5b: {  	v13 =	vld [tilespmem:s16+$0xFFFFF010];
	v9 =	vadd.s32 v14, v9  }
0x5c: {  	v14 =	vld [tilespmem:s15+$0xFFFFFFE0];
	[tilespmem:s15+$0x10] =	vst v9  }
0x5d: {  	v9 =	vld [tilespmem:s16+$0xFFFFF400]  }
0x5e: {  	v15 =	vadd.s32 v15, v16;
	v16 =	vld [tilespmem:s16+$0xFFFFF410]  }
0x5f: {  	v18 =	vld [tilespmem:s16+$0xFFFFF800]  }
0x60: {  	v12 =	vadd.s32 v12, v13;
	v13 =	vld [tilespmem:s16+$0xFFFFF810]  }
0x61: {  	v14 =	vadd.s32 v14, v17;
	v17 =	vld [tilespmem:s16+$0xFFFFFC00]  }
0x62: {  	v4 =	vadd.s32 v4, v14;
	v9 =	vadd.s32 v9, v15;
	v14 =	vld [tilespmem:s16+$0xFFFFFC10]  }
0x63: {  	v4 =	vadd.s32 v5, v4;
	v15 =	vld [tilespmem:s16+$0x0];
	v5 =	vadd.s32 v16, v12  }
0x64: {  	v4 =	vadd.s32 v8, v4;
	v8 =	vadd.s32 v18, v9;
	v12 =	vld [tilespmem:s16+$0x10]  }
.Ltmp1:
0x65: {  	v7 =	vadd.s32 v7, v4;
	v4 =	vld [tilespmem:s16+$0x400];
	v9 =	vadd.s32 v13, v5;
	(pc) =	sbr.rel @p0 .LBB2_5-.Ltmp1, $4  }
0x66: {  	v6 =	vadd.s32 v6, v7;
	v7 =	vadd.s32 v17, v8;
	v5 =	vld [tilespmem:s16+$0x410]  }
0x67: {  	v8 =	vadd.s32 v10, v6;
	v6 =	vld [tilespmem:s16+$0x800];
	v10 =	vadd.s32 v14, v9  }
0x68: {  	v8 =	vadd.s32 v11, v8;
	v9 =	vadd.s32 v15, v7;
	v7 =	vld [tilespmem:s16+$0x810]  }
0x69: {  	s18 =	sadd.s32 $0x40, s18;
	[tilespmem:s15+$0xFFFFFFE0] =	vst v8;
	v8 =	vld [tilespmem:s16+$0xC00];
	v10 =	vadd.s32 v12, v10  }
0x6a: {  	v11 =	vld [tilespmem:s16+$0xC10];
	s14 =	sadd.s32 $0x1, s14  }
0x6b: {  	p0 =	sne.s32 s14, $0x4  }
.Ltmp2:
0x6c: {  	v4 =	vadd.s32 v4, v9;
	(pc) =	sbr.rel @p0 .LBB2_4-.Ltmp2, $4  }
0x6d: {  	v5 =	vadd.s32 v5, v10;
	v4 =	vadd.s32 v6, v4  }
0x6e: {  	v5 =	vadd.s32 v7, v5;
	v4 =	vadd.s32 v8, v4  }
0x6f: {  	[tilespmem:s15+$0xFFFFFFF0] =	vst v4;
	v4 =	vadd.s32 v11, v5  }
0x70: {  	[tilespmem:s15+$0x0] =	vst v4  }
0x71: {  	s13 =	simm.s32 $0x1ABF0  }
0x72: {  	v4 =	vld [tilespmem:s13+$0x0];
	_ =	sdelay $0x4  }
0x73: {  	v4 =	vperm.xlane v4, v1;
	_ =	sdelay $0x1  }
0x74: {  	(xrf0) =	vadd.scan.msk.s32 $0xffff, v4;
	_ =	sdelay $0x1  }
0x75: {  	s26 =	simm.s32 $0x1ABE0  }
0x76: {  	v4 =	vld [tilespmem:s26+$0x0];
	_ =	sdelay $0x2  }
0x77: {  	v5, _, _ =	vpop (xrf0)  }
0x78: {  	v6 =	vxor.u32 $0x80000000, v5  }
0x79: {  	v4 =	vperm.xlane v4, v1;
	(xrf0) =	vmax.scan.msk.u32 $0xffff, v6;
	_ =	sdelay $0x1  }
0x7a: {  	(xrf0) =	vadd.scan.msk.s32 $0xffff, v4;
	_ =	sdelay $0x3  }
0x7b: {  	s28 =	simm.s32 $0x1ABD0;
	v4, _, _ =	vpop (xrf0)  }
0x7c: {  	v6 =	vld [tilespmem:s28+$0x0];
	(v2sf) =	vpush v4, $0xF  }
0x7d: {  	v7, _, _ =	vpop (xrf0)  }
0x7e: {  	s13 =	simm.s32 $0x0;
	v8 =	vxor.u32 $0x80000000, v7  }
0x7f: {  	v4 =	vadd.s32 s13, v5;
	(xrf0) =	vmax.scan.msk.u32 $0xffff, v8  }
0x80: {  	vm0 =	vgt.s32 v4, $0x66665  }
0x81: {  	v5 =	vperm.xlane v6, v1;
	v4 =	vsel vm0, $0x1, v0  }
0x82: {  	v6 =	vmctz.xlane vm0;
	v4 =	vor.u32 $0x80000000, v4  }
0x83: {  	(xrf0) =	vadd.scan.msk.s32 $0xffff, v5  }
0x84: {  	v5 =	vxor.u32 $0x80000000, v6;
	(xrf0) =	vmax.scan.msk.u32 $0xffff, v4  }
0x85: {  	v4, _, _ =	vpop (xrf0);
	(xrf0) =	vmax.scan.msk.u32 $0xffff, v5  }
0x86: {  	s14 =	simm.s32 $0x1ABC0  }
0x87: {  	(v2sf) =	vpush v4, $0xF;
	v4 =	vld [tilespmem:s14+$0x0];
	_ =	sdelay $0x1  }
0x88: {  	v5, _, _ =	vpop (xrf0)  }
0x89: {  	v6, _, _ =	vpop (xrf0)  }
0x8a: {  	(v2sf) =	vpush v6, $0xF;
	v6, _, _ =	vpop (xrf0);
	s29 =	spop (v2sf)  }
0x8b: {  	v4 =	vperm.xlane v4, v1;
	(v2sf) =	vpush v6, $0xF;
	v6 =	vxor.u32 $0x80000000, v5;
	s14 =	sadd.s32 $0x0, s29  }
0x8c: {  	(xrf0) =	vmax.scan.msk.u32 $0xffff, v6;
	s14 =	sadd.s32 $0x80000000, s14  }
0x8d: {  	(xrf0) =	vadd.scan.msk.s32 $0xffff, v4;
	v4 =	vadd.s32 s14, v7  }
0x8e: {  	vm14 =	vgt.s32 v4, $0x66665  }
0x8f: {  	s19 =	simm.s32 $0x1ABB0;
	v4 =	vsel vm14, $0x1, v0  }
0x90: {  	v62 =	vld [tilespmem:s19+$0x0];
	v6 =	vmctz.xlane vm14;
	v4 =	vor.u32 $0x80000000, v4;
	_ =	sdelay $0x1  }
0x91: {  	v7, _, _ =	vpop (xrf0);
	v6 =	vxor.u32 $0x80000000, v6;
	(xrf0) =	vmax.scan.msk.u32 $0xffff, v4  }
0x92: {  	(xrf0) =	vmax.scan.msk.u32 $0xffff, v6;
	v4, _, _ =	vpop (xrf0)  }
0x93: {  	(v2sf) =	vpush v7, $0xF;
	v6 =	vxor.u32 $0x80000000, v4  }
0x94: {  	s15 =	spop (v2sf);
	(xrf0) =	vmax.scan.msk.u32 $0xffff, v6;
	v6 =	vperm.xlane v62, v1  }
0x95: {  	s14 =	sadd.s32 s15, s14  }
0x96: {  	s20 =	sadd.s32 $0x80000000, s14  }
0x97: {  	v5 =	vadd.s32 s20, v5;
	v7, _, _ =	vpop (xrf0)  }
0x98: {  	vm15 =	vgt.s32 v5, $0x66665;
	(xrf0) =	vadd.scan.msk.s32 $0xffff, v6;
	(v2sf) =	vpush v7, $0xF;
	v6, _, _ =	vpop (xrf0)  }
0x99: {  	s18 =	simm.s32 $0x3F0;
	s30 =	spop (v2sf);
	v5 =	vsel vm15, $0x1, v0;
	(v2sf) =	vpush v6, $0xF  }
0x9a: {  	s17 =	simm.s32 $0x3E0;
	s16 =	simm.s32 $0x3D0;
	p1 =	por $0x1, $0x1;
	v63 =	vmctz.xlane vm15;
	v5 =	vor.u32 $0x80000000, v5  }
0x9b: {  	s21 =	simm.s32 $0x3B0;
	p0 =	sgt.u32 s30, $0x80000000;
	s31 =	spop (v2sf)  }
0x9c: {  	s15 =	simm.s32 $0x3C0;
	p0 =	por !p1, !p0;
	v7 =	vxor.u32 $0x80000000, v63;
	(xrf0) =	vmax.scan.msk.u32 $0xffff, v5;
	s14 =	sxor.u32 $0x7FFFFFFF, s31  }
0x9d: {  	p0 =	por !p0, !p0;
	(xrf0) =	vmax.scan.msk.u32 $0xffff, v7;
	s22 =	sadd.s32 $0x400, s14;
	s14 =	simm.s32 $0x0;
	v5, _, _ =	vpop (xrf0)  }
.LBB2_8:
0x9e: {  	p1 =	sne.s32 s21, $0x10;
	s13 =	simm.s32 @p0 $0x1;
	s14 =	smov.u32 @p0 s22  }
0x9f: {  	(v2sf) =	vpush v5, $0xF;
	s23 =	smov.u32 s17;
	s17 =	smov.u32 s16;
	s16 =	smov.u32 s15  }
0xa0: {  	s19 =	sadd.s32 $0xFFFFFFF0, s19;
	s15 =	smov.u32 s21;
	s21 =	sadd.s32 $0xFFFFFFF0, s21  }
0xa1: {  	v5 =	vld [tilespmem:s19+$0x0]  }
0xa2: {  	v6, _, _ =	vpop (xrf0);
	s22 =	spop (v2sf)  }
0xa3: {  	v9 =	vxor.u32 $0x80000000, v6;
	s20 =	sadd.s32 s22, s20;
	v8, _, _ =	vpop (xrf0)  }
0xa4: {  	(xrf0) =	vmax.scan.msk.u32 $0xffff, v9;
	s20 =	sadd.s32 $0x80000000, s20;
	(v2sf) =	vpush v8, $0xF;
	v7, _, _ =	vpop (xrf0)  }
0xa5: {  	v8 =	vadd.s32 s20, v4;
	(v2sf) =	vpush v7, $0xF;
	v4 =	vmov v6  }
.Ltmp3:
0xa6: {  	v5 =	vperm.xlane v5, v1;
	vm0 =	vgt.s32 v8, $0x66665;
	(pc) =	sbr.rel @p1 .LBB2_8-.Ltmp3, $4  }
0xa7: {  	v6 =	vsel vm0, $0x1, v0;
	v7 =	vmctz.xlane vm0;
	s22 =	spop (v2sf)  }
0xa8: {  	p2 =	seq.s32 s13, $0x0;
	(xrf0) =	vadd.scan.msk.s32 $0xffff, v5;
	v8 =	vor.u32 $0x80000000, v6;
	p0 =	sgt.u32 s22, $0x80000000;
	s22 =	spop (v2sf)  }
0xa9: {  	v6 =	vxor.u32 $0x80000000, v7;
	(xrf0) =	vmax.scan.msk.u32 $0xffff, v8;
	s22 =	sxor.u32 $0x7FFFFFFF, s22;
	p0 =	por !p2, !p0  }
0xaa: {  	v5, _, _ =	vpop (xrf0);
	(xrf0) =	vmax.scan.msk.u32 $0xffff, v6;
	s22 =	sadd.s32 s22, s18;
	p0 =	por !p0, !p0;
	s18 =	smov.u32 s23  }
0xab: {  	(v2sf) =	vpush v5, $0xF;
	_ =	sdelay $0xa  }
0xac: {  	s19 =	spop (v2sf)  }
0xad: {  	s19 =	sadd.s32 s19, s20  }
0xae: {  	s19 =	sadd.s32 $0x80000000, s19;
	s31 =	spop (v2sf)  }
0xaf: {  	v4 =	vadd.s32 s19, v4;
	s21 =	spop (v2sf)  }
0xb0: {  	v5, _, _ =	vpop (xrf0);
	vm0 =	vgt.s32 v4, $0x66665;
	s23 =	spop (v2sf)  }
0xb1: {  	v4 =	vxor.u32 $0x80000000, v5;
	v6 =	vsel vm0, $0x1, v0;
	s19 =	sadd.s32 s23, s19  }
0xb2: {  	(xrf0) =	vmax.scan.msk.u32 $0xffff, v4;
	v4 =	vor.u32 $0x80000000, v6;
	s19 =	sadd.s32 $0x80000000, s19  }
0xb3: {  	v61 =	vmctz.xlane vm0;
	v5 =	vadd.s32 s19, v5  }
0xb4: {  	(xrf0) =	vmax.scan.msk.u32 $0xffff, v4;
	vm15 =	vgt.s32 v5, $0x66665  }
0xb5: {  	v4, _, _ =	vpop (xrf0);
	v5 =	vxor.u32 $0x80000000, v61;
	v62 =	vsel vm15, $0x1, v0  }
0xb6: {  	(v2sf) =	vpush v4, $0xF;
	v7 =	vmctz.xlane vm15;
	v4 =	vor.u32 $0x80000000, v62  }
0xb7: {  	(xrf0) =	vmax.scan.msk.u32 $0xffff, v5  }
0xb8: {  	v5, _, _ =	vpop (xrf0);
	v63 =	vxor.u32 $0x80000000, v7;
	(xrf0) =	vmax.scan.msk.u32 $0xffff, v4  }
0xb9: {  	(v2sf) =	vpush v5, $0xF;
	v4, _, _ =	vpop (xrf0);
	(xrf0) =	vmax.scan.msk.u32 $0xffff, v63  }
0xba: {  	v5, _, _ =	vpop (xrf0);
	(v2sf) =	vpush v4, $0xF  }
0xbb: {  	(v2sf) =	vpush v5, $0xF;
	_ =	sdelay $0x1  }
0xbc: {  	v4, _, _ =	vpop (xrf0)  }
0xbd: {  	(v2sf) =	vpush v4, $0xF;
	v4, _, _ =	vpop (xrf0)  }
0xbe: {  	(v2sf) =	vpush v4, $0xF;
	v4, _, _ =	vpop (xrf0)  }
0xbf: {  	(v2sf) =	vpush v4, $0xF  }
0xc0: {  	s13 =	simm.s32 @p0 $0x1  }
0xc1: {  	p2 =	seq.s32 s13, $0x0;
	p1 =	sgt.u32 s31, $0x80000000  }
0xc2: {  	p1 =	por !p2, !p1  }
0xc3: {  	p1 =	por !p1, !p1  }
0xc4: {  	s13 =	simm.s32 @p1 $0x1;
	s24 =	spop (v2sf)  }
0xc5: {  	p5 =	seq.s32 s13, $0x0;
	p4 =	sgt.u32 s24, $0x80000000  }
0xc6: {  	s14 =	smov.u32 @p0 s22;
	p0 =	por !p5, !p4  }
0xc7: {  	p0 =	por !p0, !p0;
	s25 =	spop (v2sf)  }
0xc8: {  	s26 =	sxor.u32 $0x7FFFFFFF, s21;
	s13 =	simm.s32 @p0 $0x1;
	s28 =	spop (v2sf)  }
0xc9: {  	s20 =	sadd.s32 s26, s18;
	p3 =	seq.s32 s13, $0x0;
	s18 =	spop (v2sf)  }
0xca: {  	s19 =	sxor.u32 $0x7FFFFFFF, s25;
	p6 =	sgt.u32 s18, $0x80000000;
	s18 =	simm.s32 $0x10040  }
0xcb: {  	s14 =	smov.u32 @p1 s20;
	s17 =	sadd.s32 s19, s17;
	p4 =	por !p3, !p6;
	[tilespmem:s18+$0xFFFFFFC0] =	vst v0  }
0xcc: {  	s14 =	smov.u32 @p0 s17;
	s29 =	spop (v2sf);
	[tilespmem:s18+$0x30] =	vst v0;
	p0 =	por !p4, !p4  }
0xcd: {  	s17 =	sxor.u32 $0x7FFFFFFF, s29;
	[tilespmem:s18+$0x20] =	vst v0;
	s30 =	spop (v2sf);
	s13 =	simm.s32 @p0 $0x1  }
0xce: {  	[tilespmem:s18+$0x10] =	vst v0;
	p5 =	sgt.u32 s30, $0x80000000;
	p6 =	seq.s32 s13, $0x0;
	s31 =	spop (v2sf)  }
0xcf: {  	[tilespmem:s18+$0x0] =	vst v0;
	s16 =	sadd.s32 s17, s16;
	p1 =	por !p6, !p5;
	s13 =	sxor.u32 $0x7FFFFFFF, s31  }
0xd0: {  	[tilespmem:s18+$0xFFFFFFF0] =	vst v0;
	s14 =	smov.u32 @p0 s16;
	s13 =	sadd.s32 s13, s15;
	p0 =	por !p1, !p1  }
0xd1: {  	[tilespmem:s18+$0xFFFFFFE0] =	vst v0;
	s14 =	smov.u32 @p0 s13;
	s13 =	simm.s32 $0x0  }
.LBB2_10:
0xd2: {  	s13 =	sadd.s32 $0x8, s13;
	[tilespmem:s18+$0xFFFFFFD0] =	vst v0;
	s18 =	sadd.s32 $0x80, s18  }
0xd3: {  	[tilespmem:s18+$0xFFFFFFC0] =	vst v0;
	p0 =	slt.u32 s13, $0x7F8  }
0xd4: {  	[tilespmem:s18+$0x30] =	vst v0  }
.Ltmp4:
0xd5: {  	[tilespmem:s18+$0x20] =	vst v0;
	(pc) =	sbr.rel @p0 .LBB2_10-.Ltmp4, $4  }
0xd6: {  	[tilespmem:s18+$0x10] =	vst v0  }
0xd7: {  	[tilespmem:s18+$0x0] =	vst v0  }
0xd8: {  	[tilespmem:s18+$0xFFFFFFF0] =	vst v0  }
0xd9: {  	[tilespmem:s18+$0xFFFFFFE0] =	vst v0  }
0xda: {  	[tilespmem:s18+$0xFFFFFFD0] =	vst v0  }
0xdb: {  	_ =	swait.ge [sflag:s9], $0x10000  }
0xdc: {  	[sflag:s9] =	ssyncset.done $0x0  }
0xdd: {  	s13 =	simm.s32 $0x40;
	[sflag:s9] =	ssyncadd.s32 $0xFFFF0000  }
0xde: {  	v5 =	vld [tilespmem:s13+$0xFFFFFFC0]  }
0xdf: {  	v7 =	vld [tilespmem:s13+$0x30]  }
0xe0: {  	v6 =	vld [tilespmem:s13+$0xFFFFFFF0];
	_ =	sdelay $0x2  }
0xe1: {  	v4 =	vmov s14;
	v11 =	vld [tilespmem:s13+$0xFFFFFFE0];
	v8 =	vshra.s32 v5, $0x15;
	v5 =	vshrl.u32 v5, $0xA  }
0xe2: {  	v9 =	vld [tilespmem:s13+$0x0];
	v10 =	vshrl.u32 v7, $0xA;
	vm0 =	veq.s32 v8, v4;
	v5 =	vand.u32 $0x7FF, v5  }
0xe3: {  	v8 =	vshrl.u32 v6, $0xA;
	v6 =	vshra.s32 v6, $0x15;
	v12 =	vor.u32 v2, v5  }
0xe4: {  	v7 =	vshra.s32 v7, $0x15;
	v8 =	vand.u32 $0x7FF, v8;
	v5 =	vld [tilespmem:s13+$0x20];
	vm1 =	veq.s32 v6, v4  }
0xe5: {  	v13 =	vand.u32 $0x7FF, v10;
	vm2 =	veq.s32 v7, v4;
	v6 =	vld [tilespmem:s13+$0xFFFFFFD0];
	v8 =	vor.u32 v2, v8  }
0xe6: {  	v7 =	vor.u32 v2, v13  }
0xe7: {  	v14 =	vshrl.u32 v9, $0xA;
	v10 =	vshrl.u32 v11, $0xA;
	v13 =	vshra.s32 v9, $0x15;
	v9 =	vld [tilespmem:s13+$0x10]  }
0xe8: {  	s14 =	simm.s32 $0xC0;
	v11 =	vshra.s32 v11, $0x15;
	s13 =	simm.s32 $0x0;
	[tilespmem:v12+s10+$0x0] =	vst.idx.add.s32.msk vm0, v3;
	vm0 =	veq.s32 v13, v4;
	v12 =	vand.u32 $0x7FF, v14  }
.LBB2_12:
0xe9: {  	v13 =	vld [tilespmem:s14+$0xFFFFFFF0];
	s13 =	sadd.s32 $0x8, s13;
	vm5 =	veq.s32 v11, v4;
	v10 =	vand.u32 $0x7FF, v10;
	v11 =	vor.u32 v2, v12  }
0xea: {  	v12 =	vshra.s32 v6, $0x15;
	p0 =	slt.u32 s13, $0xFF8;
	v10 =	vor.u32 v2, v10;
	[tilespmem:v8+s10+$0x0] =	vst.idx.add.s32.msk vm1, v3;
	v8 =	vshra.s32 v5, $0x15  }
0xeb: {  	vm4 =	veq.s32 v12, v4;
	v5 =	vshrl.u32 v5, $0xA;
	vm3 =	veq.s32 v8, v4;
	[tilespmem:v7+s10+$0x0] =	vst.idx.add.s32.msk vm2, v3  }
0xec: {  	v6 =	vshrl.u32 v6, $0xA;
	v5 =	vand.u32 $0x7FF, v5;
	v7 =	vld [tilespmem:s14+$0xFFFFFFC0];
	v8 =	vshrl.u32 v9, $0xA  }
0xed: {  	v6 =	vand.u32 $0x7FF, v6;
	v9 =	vshra.s32 v9, $0x15;
	v14 =	vor.u32 v2, v5;
	v12 =	vld [tilespmem:s14+$0x30]  }
0xee: {  	vm6 =	veq.s32 v9, v4;
	v8 =	vand.u32 $0x7FF, v8;
	v15 =	vshrl.u32 v13, $0xA;
	v5 =	vld [tilespmem:s14+$0x20]  }
0xef: {  	v16 =	vor.u32 v2, v6;
	v17 =	vor.u32 v2, v8;
	v9 =	vld [tilespmem:s14+$0xFFFFFFE0]  }
0xf0: {  	[tilespmem:v10+s10+$0x0] =	vst.idx.add.s32.msk vm5, v3  }
0xf1: {  	v6 =	vshra.s32 v7, $0x15;
	v7 =	vshrl.u32 v7, $0xA;
	[tilespmem:v11+s10+$0x0] =	vst.idx.add.s32.msk vm0, v3  }
0xf2: {  	vm0 =	veq.s32 v6, v4;
	v6 =	vand.u32 $0x7FF, v7;
	v7 =	vshra.s32 v13, $0x15;
	v13 =	vld [tilespmem:s14+$0x0]  }
0xf3: {  	v8 =	vand.u32 $0x7FF, v15;
	v10 =	vshrl.u32 v12, $0xA;
	v18 =	vor.u32 v2, v6;
	v6 =	vld [tilespmem:s14+$0xFFFFFFD0]  }
.Ltmp5:
0xf4: {  	vm1 =	veq.s32 v7, v4;
	v7 =	vshra.s32 v12, $0x15;
	v11 =	vand.u32 $0x7FF, v10;
	[tilespmem:v16+s10+$0x0] =	vst.idx.add.s32.msk vm4, v3;
	(pc) =	sbr.rel @p0 .LBB2_12-.Ltmp5, $4  }
0xf5: {  	v8 =	vor.u32 v2, v8;
	vm2 =	veq.s32 v7, v4;
	[tilespmem:v14+s10+$0x0] =	vst.idx.add.s32.msk vm3, v3  }
0xf6: {  	v10 =	vshrl.u32 v9, $0xA;
	v7 =	vor.u32 v2, v11;
	[tilespmem:v17+s10+$0x0] =	vst.idx.add.s32.msk vm6, v3  }
0xf7: {  	v11 =	vshra.s32 v9, $0x15;
	v12 =	vshra.s32 v13, $0x15;
	v13 =	vshrl.u32 v13, $0xA;
	v9 =	vld [tilespmem:s14+$0x10]  }
0xf8: {  	s14 =	sadd.s32 $0x80, s14;
	[tilespmem:v18+s10+$0x0] =	vst.idx.add.s32.msk vm0, v3;
	vm0 =	veq.s32 v12, v4;
	v12 =	vand.u32 $0x7FF, v13  }
0xf9: {  	vm3 =	veq.s32 v11, v4;
	v10 =	vand.u32 $0x7FF, v10;
	v11 =	vor.u32 v2, v12  }
0xfa: {  	v55 =	vshra.s32 v6, $0x15;
	v13 =	vshra.s32 v5, $0x15;
	v6 =	vshrl.u32 v6, $0xA  }
0xfb: {  	v5 =	vshrl.u32 v5, $0xA;
	v10 =	vor.u32 v2, v10;
	vm4 =	veq.s32 v55, v4  }
0xfc: {  	vm5 =	veq.s32 v13, v4;
	v6 =	vand.u32 $0x7FF, v6;
	v5 =	vand.u32 $0x7FF, v5  }
0xfd: {  	v6 =	vor.u32 v2, v6;
	v56 =	vshrl.u32 v9, $0xA;
	v9 =	vshra.s32 v9, $0x15  }
0xfe: {  	[tilespmem:v8+s10+$0x0] =	vst.idx.add.s32.msk vm1, v3;
	v5 =	vor.u32 v2, v5;
	vm15 =	veq.s32 v9, v4;
	v4 =	vand.u32 $0x7FF, v56  }
0xff: {  	[tilespmem:v7+s10+$0x0] =	vst.idx.add.s32.msk vm2, v3;
	v4 =	vor.u32 v2, v4  }
0x100: {  	[tilespmem:v11+s10+$0x0] =	vst.idx.add.s32.msk vm0, v3  }
0x101: {  	[tilespmem:v10+s10+$0x0] =	vst.idx.add.s32.msk vm3, v3  }
0x102: {  	[tilespmem:v6+s10+$0x0] =	vst.idx.add.s32.msk vm4, v3  }
0x103: {  	s13 =	simm.s32 $0x0;
	[tilespmem:v5+s10+$0x0] =	vst.idx.add.s32.msk vm5, v3  }
0x104: {  	s15 =	sand.u32 $0x7C0, s13;
	[tilespmem:v4+s10+$0x0] =	vst.idx.add.s32.msk vm15, v3  }
0x105: {  	v7 =	vld [tilespmem:s15+$0x17800]  }
0x106: {  	v6 =	vld [tilespmem:s15+$0x17000]  }
0x107: {  	v5 =	vld [tilespmem:s15+$0x16800]  }
0x108: {  	v4 =	vld [tilespmem:s15+$0x16000]  }
0x109: {  	v8 =	vld [tilespmem:s15+$0x15800]  }
0x10a: {  	v9 =	vld [tilespmem:s15+$0x15000]  }
0x10b: {  	v10 =	vld [tilespmem:s15+$0x14800]  }
0x10c: {  	v11 =	vld [tilespmem:s15+$0x14000]  }
0x10d: {  	v57 =	vld [tilespmem:s15+$0x13800]  }
0x10e: {  	v58 =	vld [tilespmem:s15+$0x13000]  }
0x10f: {  	v14 =	vld [tilespmem:s15+$0x12800]  }
0x110: {  	v15 =	vld [tilespmem:s15+$0x12000]  }
0x111: {  	v16 =	vld [tilespmem:s15+$0x11800]  }
0x112: {  	v17 =	vld [tilespmem:s15+$0x11000]  }
0x113: {  	s14 =	simm.s32 $0x0;
	v18 =	vld [tilespmem:s15+$0x10800]  }
0x114: {  	v19 =	vld [tilespmem:s14+$0x10030]  }
0x115: {  	v20 =	vld [tilespmem:s14+$0x10830]  }
0x116: {  	v21 =	vld [tilespmem:s14+$0x11030]  }
0x117: {  	v22 =	vld [tilespmem:s14+$0x11830]  }
0x118: {  	v23 =	vld [tilespmem:s14+$0x12030]  }
0x119: {  	v24 =	vld [tilespmem:s14+$0x12830]  }
0x11a: {  	v25 =	vld [tilespmem:s14+$0x13030]  }
0x11b: {  	v26 =	vld [tilespmem:s14+$0x13830]  }
0x11c: {  	v27 =	vld [tilespmem:s14+$0x14030]  }
0x11d: {  	v28 =	vld [tilespmem:s14+$0x14830]  }
0x11e: {  	v29 =	vld [tilespmem:s14+$0x15030]  }
0x11f: {  	v30 =	vld [tilespmem:s14+$0x15830]  }
0x120: {  	v31 =	vld [tilespmem:s14+$0x16030]  }
0x121: {  	v32 =	vld [tilespmem:s14+$0x16830]  }
0x122: {  	v33 =	vld [tilespmem:s14+$0x17030]  }
0x123: {  	v34 =	vld [tilespmem:s14+$0x17830]  }
0x124: {  	v35 =	vld [tilespmem:s14+$0x10000]  }
0x125: {  	v36 =	vld [tilespmem:s14+$0x10010]  }
0x126: {  	v37 =	vld [tilespmem:s14+$0x10810]  }
0x127: {  	v38 =	vld [tilespmem:s14+$0x10020]  }
0x128: {  	v39 =	vld [tilespmem:s14+$0x10820]  }
0x129: {  	v59 =	vld [tilespmem:s14+$0x11010]  }
0x12a: {  	v60 =	vld [tilespmem:s14+$0x11020]  }
0x12b: {  	v61 =	vld [tilespmem:s14+$0x11810]  }
0x12c: {  	v62 =	vld [tilespmem:s14+$0x11820]  }
0x12d: {  	v63 =	vld [tilespmem:s14+$0x12010]  }
0x12e: {  	v40 =	vld [tilespmem:s14+$0x12020]  }
0x12f: {  	v41 =	vld [tilespmem:s14+$0x12810]  }
0x130: {  	v42 =	vld [tilespmem:s14+$0x12820]  }
0x131: {  	v43 =	vld [tilespmem:s14+$0x13010];
	v19 =	vadd.s32 v19, v20  }
0x132: {  	v44 =	vld [tilespmem:s14+$0x13020];
	v18 =	vadd.s32 v35, v18;
	v50 =	vadd.s32 v36, v37;
	v19 =	vadd.s32 v21, v19  }
0x133: {  	v45 =	vld [tilespmem:s14+$0x13810];
	v51 =	vadd.s32 v38, v39;
	v17 =	vadd.s32 v17, v18;
	v19 =	vadd.s32 v22, v19  }
0x134: {  	v46 =	vld [tilespmem:s14+$0x13820];
	v53 =	vadd.s32 v59, v50;
	v16 =	vadd.s32 v16, v17;
	v19 =	vadd.s32 v23, v19  }
0x135: {  	v47 =	vld [tilespmem:s14+$0x14010];
	v55 =	vadd.s32 v61, v53;
	v15 =	vadd.s32 v15, v16;
	v19 =	vadd.s32 v24, v19  }
0x136: {  	v48 =	vld [tilespmem:s14+$0x14020];
	v14 =	vadd.s32 v14, v15;
	v15 =	vadd.s32 v60, v51;
	v19 =	vadd.s32 v25, v19  }
0x137: {  	v49 =	vld [tilespmem:s14+$0x14810];
	v13 =	vadd.s32 v58, v14;
	v56 =	vadd.s32 v62, v15;
	v58 =	vadd.s32 v63, v55  }
0x138: {  	v52 =	vld [tilespmem:s14+$0x14820];
	v19 =	vadd.s32 v26, v19;
	v12 =	vadd.s32 v57, v13;
	v59 =	vadd.s32 v40, v56  }
0x139: {  	v54 =	vld [tilespmem:s14+$0x15010];
	v19 =	vadd.s32 v27, v19;
	v11 =	vadd.s32 v11, v12;
	v61 =	vadd.s32 v42, v59  }
0x13a: {  	v60 =	vld [tilespmem:s14+$0x15810];
	v19 =	vadd.s32 v28, v19;
	v10 =	vadd.s32 v10, v11;
	v11 =	vadd.s32 v41, v58  }
0x13b: {  	v62 =	vld [tilespmem:s14+$0x15820];
	v19 =	vadd.s32 v29, v19;
	v9 =	vadd.s32 v9, v10;
	v10 =	vadd.s32 v43, v11  }
0x13c: {  	v57 =	vld [tilespmem:s14+$0x15020];
	v11 =	vadd.s32 v44, v61;
	v19 =	vadd.s32 v30, v19;
	v8 =	vadd.s32 v8, v9  }
0x13d: {  	v63 =	vld [tilespmem:s14+$0x16010];
	v9 =	vadd.s32 v45, v10;
	v10 =	vadd.s32 v46, v11;
	v19 =	vadd.s32 v31, v19  }
0x13e: {  	v11 =	vld [tilespmem:s14+$0x16020];
	v8 =	vadd.s32 v4, v8;
	v9 =	vadd.s32 v47, v9;
	v10 =	vadd.s32 v48, v10  }
0x13f: {  	v4 =	vld [tilespmem:s14+$0x16810];
	v19 =	vadd.s32 v32, v19;
	v8 =	vadd.s32 v5, v8;
	v9 =	vadd.s32 v49, v9  }
0x140: {  	v10 =	vadd.s32 v52, v10;
	v5 =	vld [tilespmem:s14+$0x16820];
	v19 =	vadd.s32 v33, v19;
	v8 =	vadd.s32 v6, v8  }
0x141: {  	v9 =	vadd.s32 v54, v9;
	v10 =	vadd.s32 v57, v10;
	v6 =	vld [tilespmem:s14+$0x17010];
	v19 =	vadd.s32 v34, v19  }
0x142: {  	v8 =	vadd.s32 v7, v8;
	v9 =	vadd.s32 v60, v9;
	v10 =	vadd.s32 v62, v10;
	v7 =	vld [tilespmem:s14+$0x17020];
	[tilespmem:s14+$0x18030] =	vst v19  }
0x143: {  	s16 =	simm.s32 $0x40;
	s15 =	simm.s32 $0x0;
	[tilespmem:s14+$0x18000] =	vst v8;
	v9 =	vadd.s32 v63, v9;
	v8 =	vld [tilespmem:s14+$0x17810];
	v10 =	vadd.s32 v11, v10  }
.LBB2_14:
0x144: {  	s17 =	sand.u32 $0x7C0, s16;
	v9 =	vadd.s32 v4, v9;
	v11 =	vld [tilespmem:s14+$0x17820]  }
0x145: {  	v4 =	vld [tilespmem:s17+$0x17800];
	v10 =	vadd.s32 v5, v10  }
0x146: {  	v5 =	vld [tilespmem:s17+$0x17000];
	v9 =	vadd.s32 v6, v9  }
0x147: {  	v6 =	vld [tilespmem:s17+$0x16800];
	v10 =	vadd.s32 v7, v10  }
0x148: {  	v7 =	vld [tilespmem:s17+$0x16000];
	v8 =	vadd.s32 v8, v9  }
0x149: {  	v9 =	vld [tilespmem:s17+$0x15800];
	[tilespmem:s14+$0x18010] =	vst v8;
	v8 =	vadd.s32 v11, v10  }
0x14a: {  	v10 =	vld [tilespmem:s17+$0x15000];
	[tilespmem:s14+$0x18020] =	vst v8  }
0x14b: {  	v8 =	vld [tilespmem:s17+$0x14800]  }
0x14c: {  	v11 =	vld [tilespmem:s17+$0x14000]  }
0x14d: {  	v12 =	vld [tilespmem:s17+$0x13800]  }
0x14e: {  	v13 =	vld [tilespmem:s17+$0x13000]  }
0x14f: {  	v14 =	vld [tilespmem:s17+$0x12800]  }
0x150: {  	v15 =	vld [tilespmem:s17+$0x12000]  }
0x151: {  	v16 =	vld [tilespmem:s17+$0x11800]  }
0x152: {  	s13 =	sadd.s32 $0x100, s13;
	v17 =	vld [tilespmem:s17+$0x11000]  }
0x153: {  	s14 =	sshra.s32 s13, $0x2;
	v18 =	vld [tilespmem:s17+$0x10800]  }
0x154: {  	s15 =	sadd.s32 $0x4, s15;
	v19 =	vld [tilespmem:s14+$0x10030]  }
0x155: {  	p0 =	slt.u32 s15, $0x7C;
	v20 =	vld [tilespmem:s14+$0x10830]  }
0x156: {  	v21 =	vld [tilespmem:s14+$0x11030]  }
0x157: {  	v22 =	vld [tilespmem:s14+$0x11830]  }
0x158: {  	v23 =	vld [tilespmem:s14+$0x12030]  }
0x159: {  	v24 =	vld [tilespmem:s14+$0x12830]  }
0x15a: {  	v19 =	vadd.s32 v19, v20;
	v20 =	vld [tilespmem:s14+$0x13030]  }
0x15b: {  	v19 =	vadd.s32 v21, v19;
	v21 =	vld [tilespmem:s14+$0x13830]  }
0x15c: {  	v19 =	vadd.s32 v22, v19;
	v22 =	vld [tilespmem:s14+$0x14030]  }
0x15d: {  	v19 =	vadd.s32 v23, v19;
	v23 =	vld [tilespmem:s14+$0x14830]  }
0x15e: {  	v19 =	vadd.s32 v24, v19;
	v24 =	vld [tilespmem:s14+$0x15030]  }
0x15f: {  	v19 =	vadd.s32 v20, v19;
	v20 =	vld [tilespmem:s14+$0x15830]  }
0x160: {  	v19 =	vadd.s32 v21, v19;
	v21 =	vld [tilespmem:s14+$0x16030]  }
0x161: {  	v19 =	vadd.s32 v22, v19;
	v22 =	vld [tilespmem:s14+$0x16830]  }
0x162: {  	v19 =	vadd.s32 v23, v19;
	v23 =	vld [tilespmem:s14+$0x17030]  }
0x163: {  	v19 =	vadd.s32 v24, v19;
	v24 =	vld [tilespmem:s14+$0x17830]  }
0x164: {  	v25 =	vld [tilespmem:s14+$0x10000];
	v19 =	vadd.s32 v20, v19  }
0x165: {  	v20 =	vld [tilespmem:s14+$0x10010];
	v19 =	vadd.s32 v21, v19  }
0x166: {  	v21 =	vld [tilespmem:s14+$0x10810];
	v19 =	vadd.s32 v22, v19  }
0x167: {  	v22 =	vld [tilespmem:s14+$0x10020];
	v19 =	vadd.s32 v23, v19  }
0x168: {  	v23 =	vld [tilespmem:s14+$0x10820];
	v19 =	vadd.s32 v24, v19  }
0x169: {  	v18 =	vadd.s32 v25, v18;
	v24 =	vld [tilespmem:s14+$0x11010];
	[tilespmem:s14+$0x18030] =	vst v19  }
0x16a: {  	v17 =	vadd.s32 v17, v18;
	v18 =	vld [tilespmem:s14+$0x11020]  }
0x16b: {  	v16 =	vadd.s32 v16, v17;
	v17 =	vadd.s32 v20, v21;
	v19 =	vld [tilespmem:s14+$0x11810]  }
0x16c: {  	v15 =	vadd.s32 v15, v16;
	v16 =	vld [tilespmem:s14+$0x11820]  }
0x16d: {  	v14 =	vadd.s32 v14, v15;
	v15 =	vld [tilespmem:s14+$0x12010];
	v20 =	vadd.s32 v22, v23  }
0x16e: {  	v13 =	vadd.s32 v13, v14;
	v14 =	vadd.s32 v24, v17;
	v17 =	vld [tilespmem:s14+$0x12020]  }
0x16f: {  	v12 =	vadd.s32 v12, v13;
	v13 =	vld [tilespmem:s14+$0x12810];
	v18 =	vadd.s32 v18, v20  }
0x170: {  	v11 =	vadd.s32 v11, v12;
	v12 =	vadd.s32 v19, v14;
	v14 =	vld [tilespmem:s14+$0x12820]  }
0x171: {  	v8 =	vadd.s32 v8, v11;
	v11 =	vld [tilespmem:s14+$0x13010];
	v16 =	vadd.s32 v16, v18  }
0x172: {  	v8 =	vadd.s32 v10, v8;
	v10 =	vadd.s32 v15, v12;
	v12 =	vld [tilespmem:s14+$0x13020]  }
0x173: {  	v8 =	vadd.s32 v9, v8;
	v9 =	vld [tilespmem:s14+$0x13810];
	v15 =	vadd.s32 v17, v16  }
0x174: {  	v7 =	vadd.s32 v7, v8;
	v8 =	vadd.s32 v13, v10;
	v10 =	vld [tilespmem:s14+$0x13820]  }
0x175: {  	v6 =	vadd.s32 v6, v7;
	v7 =	vld [tilespmem:s14+$0x14010];
	v13 =	vadd.s32 v14, v15  }
0x176: {  	v5 =	vadd.s32 v5, v6;
	v6 =	vadd.s32 v11, v8;
	v8 =	vld [tilespmem:s14+$0x14020]  }
0x177: {  	v4 =	vadd.s32 v4, v5;
	v5 =	vld [tilespmem:s14+$0x14810];
	v11 =	vadd.s32 v12, v13  }
0x178: {  	[tilespmem:s14+$0x18000] =	vst v4;
	v4 =	vadd.s32 v9, v6;
	v6 =	vld [tilespmem:s14+$0x14820]  }
0x179: {  	v9 =	vld [tilespmem:s14+$0x15010];
	v10 =	vadd.s32 v10, v11  }
0x17a: {  	v4 =	vadd.s32 v7, v4;
	v7 =	vld [tilespmem:s14+$0x15020]  }
0x17b: {  	v11 =	vld [tilespmem:s14+$0x15810];
	v8 =	vadd.s32 v8, v10  }
0x17c: {  	v4 =	vadd.s32 v5, v4;
	v10 =	vld [tilespmem:s14+$0x15820]  }
0x17d: {  	v12 =	vld [tilespmem:s14+$0x16010];
	v5 =	vadd.s32 v6, v8  }
0x17e: {  	v6 =	vadd.s32 v9, v4;
	v13 =	vld [tilespmem:s14+$0x16020]  }
.Ltmp6:
0x17f: {  	v4 =	vld [tilespmem:s14+$0x16810];
	v7 =	vadd.s32 v7, v5;
	(pc) =	sbr.rel @p0 .LBB2_14-.Ltmp6, $4  }
0x180: {  	v8 =	vadd.s32 v11, v6;
	v5 =	vld [tilespmem:s14+$0x16820]  }
0x181: {  	v6 =	vld [tilespmem:s14+$0x17010];
	v10 =	vadd.s32 v10, v7  }
0x182: {  	v9 =	vadd.s32 v12, v8;
	v7 =	vld [tilespmem:s14+$0x17020]  }
0x183: {  	s16 =	sadd.s32 $0x40, s16;
	v8 =	vld [tilespmem:s14+$0x17810];
	v10 =	vadd.s32 v13, v10  }
0x184: {  	v11 =	vld [tilespmem:s14+$0x17820];
	_ =	sdelay $0x1  }
0x185: {  	v4 =	vadd.s32 v4, v9  }
0x186: {  	v5 =	vadd.s32 v5, v10;
	v4 =	vadd.s32 v6, v4  }
0x187: {  	s12 =	sadd.s32 $0x1, s12;
	v5 =	vadd.s32 v7, v5;
	v4 =	vadd.s32 v8, v4  }
0x188: {  	p0 =	sne.s32 s12, s6;
	[tilespmem:s14+$0x18010] =	vst v4;
	v4 =	vadd.s32 v11, v5  }
.Ltmp7:
0x189: {  	[tilespmem:s14+$0x18020] =	vst v4;
	(pc) =	sbr.rel @p0 .LBB2_1-.Ltmp7, $4  }
0x18a: {  	[hbm4b:s5+s2] =	stream.linear.scatter [tilespmem:s11], [sflag:$0x2], $0x800, $0x38;
	[tilespmem:$0x1AC00] =	vst v63  }
0x18b: {  	_ =	swait.ge [sflag:s8], $0x800  }
0x18c: {  	[sflag:s8] =	ssyncset.done $0x0  }
0x18d: {  	[sflag:s8] =	ssyncadd.s32 $0xFFFFF800  }
0x18e: {  	_ =	sfence.sel $0x180000  }
0x18f: {  	[bflag:$0x0] =	sbarrier.arrive $0xFFFF  }
0x190: {  	p0 =	sne.s32 s1, $0x0;
	_ =	strace $0x9000004A  }
0x191: {  	s0 =	sadd.s32 @!p0 $0x100000, s0;
	[bflag:$0x2] =	sbarrier.arrive $0xFFFF  }
0x192: {  	[sflag:s0] =	ssyncadd.tile.s32 @!p0 $0x1;
	_ =	shalt  }
.Lfunc_end2:
_tile_overlayer_lowered:
.L_overlay_start_2:
0x193: {  	(tag) =	ssettag $0x2  }
0x194: {  	s0 =	rddreg [dreg:$0x0];
	s2 =	stileid.u32  }
0x195: {  	s1 =	rddreg [dreg:$0x1];
	p0 =	sne.s32 s2, $0x0  }
0x196: {  	s3 =	rddreg [dreg:$0x2];
	[bflag:$0x3] =	sbarrier.arrive $0xFFFF;
	s2 =	simm.s32 @!p0 $0x1C02  }
0x197: {  	[timem:s3], [sflag:s2] =	dma.local @!p0 [hbm:s0], s1  }
0x198: {  	s0 =	simm.s32 @!p0 $0x2  }
0x199: {  	_ =	swait.ge @!p0 [sflag:s0], s1  }
0x19a: {  	s1 =	ssub.s32 @!p0 $0x0, s1;
	[sflag:s0] =	ssyncset.done @!p0 $0x0  }
0x19b: {  	[sflag:s0] =	ssyncadd.s32 @!p0 s1  }
0x19c: {  	[bflag:$0x3] =	sbarrier.arrive $0xFFFF  }
0x19d: {  	_ =	shalt  }

// kernel: kernel.13.cloned.1.call-start
scs
__scs_entry_jumppad:
0x0: {  	(pc) =	sbr.rel $0x88, $3  }
0x1: {  	(tag) =	ssettag $0x0;
	lr =	simm.s32 $0x1  }
0x2: {  	[smem:$0x3F9F] =	sst lr;
	_ =	strace $0xD0000000  }
0x3: {  	_ = 	snop  }
0x4: {  	_ = 	snop  }
0x5: {  	_ = 	snop  }
0x6: {  	_ = 	snop  }
0x7: {  	_ = 	snop  }
__scs_overlays_trampoline_lowered:
0x8: {  	[smem:$0x3FAE] =	sst s0  }
0x9: {  	[smem:$0x3FAF] =	sst s1  }
0xa: {  	[smem:$0x3FB0] =	sst s2  }
0xb: {  	[smem:$0x3FB1] =	sst s3  }
0xc: {  	[smem:$0x3FB2] =	sst s4  }
0xd: {  	[smem:$0x3FB3] =	sst s5  }
0xe: {  	[smem:$0x3FB4] =	sst s6  }
0xf: {  	[smem:$0x3FB5] =	sst s7  }
0x10: {  	[smem:$0x3FB6] =	sst s8  }
0x11: {  	[smem:$0x3FB7] =	sst s9;
	s0 =	simm.s32 @!p0 $0x0  }
0x12: {  	s1 =	sld [smem:$0x3F9D];
	s0 =	simm.s32 @p0 $0x1  }
0x13: {  	[smem:$0x3FB8] =	sst s0;
	s0 =	simm.s32 @!p1 $0x0  }
0x14: {  	s2 =	sld [smem:$0x3F9C];
	s0 =	simm.s32 @p1 $0x1  }
0x15: {  	[smem:$0x3FB9] =	sst s0;
	s0 =	simm.s32 @!p2 $0x0  }
0x16: {  	s3 =	sld [smem:$0x3FDB];
	s0 =	simm.s32 @p2 $0x1  }
0x17: {  	s4 =	simm.s32 $0x1BF5;
	[smem:$0x3FBB] =	sst s0  }
0x18: {  	s0 =	sld [smem:$0x3F9E];
	_ =	swait.ge [sflag:s4], $0x0  }
0x19: {  	s7 =	sld [smem:$0x3F9F]  }
0x1a: {  	s8 =	sadd.s32 $0xFFFFE003, lr  }
0x1b: {  	s9 =	sadd.s32 $0xFFFFFEF7, lr;
	s5 =	simm.s32 $0xFFFFFFFF;
	p2 =	slt.u32 s8, $0xFFFFF086  }
0x1c: {  	p1 =	slt.u32 s9, $0xF7A;
	s5 =	simm.s32 @!p2 $0x0  }
0x1d: {  	s5 =	simm.s32 @p1 $0x1;
	p0 =	seq.s32 s7, s2  }
0x1e: {  	s7 =	smul.u32 @!p0 $0xF7A, s2;
	p2 =	seq.s32 @!p0 s5, $0x0  }
0x1f: {  	s9 =	smul.u32 $0xF7A, s1;
	s8 =	simm.s32 @!p0 $0x1BF5;
	p2 =	por !p2, p0  }
0x20: {  	[sflag:s8] =	ssyncset.s32 @!p0 $0xFFFFF086;
	s6 =	sadd.s32 @!p0 s3, s7;
	s7 =	simm.s32 @!p0 $0x108  }
0x21: {  	s3 =	sadd.s32 s3, s9;
	s6 =	sadd.s32 @!p0 $0x88, s6;
	s7 =	simm.s32 @p2 $0x1082  }
0x22: {  	[simem:s7], [sflag:s8] =	dma.local @!p0 [hbm:s6], $0xF7A  }
0x23: {  	s9 =	sor.u32 $0xD0000000, s2;
	s6 =	simm.s32 $0x108;
	_ =	swait.ge @!p0 [sflag:s8], $0x0  }
0x24: {  	s3 =	sadd.s32 $0x88, s3;
	s6 =	simm.s32 @!p1 $0x1082;
	[sflag:s4] =	ssyncset.s32 $0xFFFFF086  }
0x25: {  	[simem:s6], [sflag:s4] =	dma.local [hbm:s3], $0xF7A  }
0x26: {  	[smem:$0x3F9F] =	sst s1;
	(tag) =	ssettag s2;
	_ =	strace s9  }
0x27: {  	s1 =	sld [smem:$0x3FAF]  }
0x28: {  	s2 =	sld [smem:$0x3FB0]  }
0x29: {  	s4 =	sld [smem:$0x3FB2]  }
0x2a: {  	p0 =	seq.s32 s5, $0x0;
	s5 =	sld [smem:$0x3FB3]  }
0x2b: {  	s6 =	sld [smem:$0x3FB4]  }
0x2c: {  	s7 =	sld [smem:$0x3FB5]  }
0x2d: {  	s3 =	simm.s32 $0x108;
	s8 =	sld [smem:$0x3FB6]  }
0x2e: {  	s3 =	simm.s32 @!p0 $0x1082;
	s9 =	sld [smem:$0x3FB7]  }
0x2f: {  	lr =	sadd.s32 s0, s3;
	s0 =	sld [smem:$0x3FAE]  }
0x30: {  	s3 =	sld [smem:$0x3FB1]  }
0x31: {  	[smem:$0x3FBA] =	sst s10  }
0x32: {  	s10 =	sld [smem:$0x3FB8];
	_ =	sdelay $0x3  }
0x33: {  	p0 =	seq.s32 s10, $0x1;
	s10 =	sld [smem:$0x3FBA];
	_ =	sdelay $0x3  }
0x34: {  	[smem:$0x3FBA] =	sst s10  }
0x35: {  	s10 =	sld [smem:$0x3FB9];
	_ =	sdelay $0x3  }
0x36: {  	p1 =	seq.s32 s10, $0x1;
	s10 =	sld [smem:$0x3FBA];
	_ =	sdelay $0x3  }
0x37: {  	[smem:$0x3FBA] =	sst s10  }
0x38: {  	s10 =	sld [smem:$0x3FBB]  }
0x39: {  	_ = 	snop;
	(pc) =	sbr.ind lr, $3  }
0x3a: {  	_ = 	snop  }
0x3b: {  	_ = 	snop  }
0x3c: {  	p2 =	seq.s32 s10, $0x1;
	s10 =	sld [smem:$0x3FBA]  }
0x3d: {  	_ =	shalt  }
0x3e: {  	_ =	shalt  }
0x3f: {  	_ =	shalt  }
0x40: {  	_ =	shalt  }
0x41: {  	_ =	shalt  }
0x42: {  	_ =	shalt  }
0x43: {  	_ =	shalt  }
0x44: {  	_ =	shalt  }
0x45: {  	_ =	shalt  }
0x46: {  	_ =	shalt  }
0x47: {  	_ =	shalt  }
0x48: {  	_ =	shalt  }
0x49: {  	_ =	shalt  }
0x4a: {  	_ =	shalt  }
0x4b: {  	_ =	shalt  }
0x4c: {  	_ =	shalt  }
0x4d: {  	_ =	shalt  }
0x4e: {  	_ =	shalt  }
0x4f: {  	_ =	shalt  }
0x50: {  	_ =	shalt  }
0x51: {  	_ =	shalt  }
0x52: {  	_ =	shalt  }
0x53: {  	_ =	shalt  }
0x54: {  	_ =	shalt  }
0x55: {  	_ =	shalt  }
0x56: {  	_ =	shalt  }
0x57: {  	_ =	shalt  }
0x58: {  	_ =	shalt  }
0x59: {  	_ =	shalt  }
0x5a: {  	_ =	shalt  }
0x5b: {  	_ =	shalt  }
0x5c: {  	_ =	shalt  }
0x5d: {  	_ =	shalt  }
0x5e: {  	_ =	shalt  }
0x5f: {  	_ =	shalt  }
0x60: {  	_ =	shalt  }
0x61: {  	_ =	shalt  }
0x62: {  	_ =	shalt  }
0x63: {  	_ =	shalt  }
0x64: {  	_ =	shalt  }
0x65: {  	_ =	shalt  }
0x66: {  	_ =	shalt  }
0x67: {  	_ =	shalt  }
0x68: {  	_ =	shalt  }
0x69: {  	_ =	shalt  }
0x6a: {  	_ =	shalt  }
0x6b: {  	_ =	shalt  }
0x6c: {  	_ =	shalt  }
0x6d: {  	_ =	shalt  }
0x6e: {  	_ =	shalt  }
0x6f: {  	_ =	shalt  }
0x70: {  	_ =	shalt  }
0x71: {  	_ =	shalt  }
0x72: {  	_ =	shalt  }
0x73: {  	_ =	shalt  }
0x74: {  	_ =	shalt  }
0x75: {  	_ =	shalt  }
0x76: {  	_ =	shalt  }
0x77: {  	_ =	shalt  }
0x78: {  	_ =	shalt  }
0x79: {  	_ =	shalt  }
0x7a: {  	_ =	shalt  }
0x7b: {  	_ =	shalt  }
0x7c: {  	_ =	shalt  }
0x7d: {  	_ =	shalt  }
0x7e: {  	_ =	shalt  }
0x7f: {  	_ =	shalt  }
0x80: {  	_ =	shalt  }
0x81: {  	_ =	shalt  }
0x82: {  	_ =	shalt  }
0x83: {  	_ =	shalt  }
0x84: {  	_ =	shalt  }
0x85: {  	_ =	shalt  }
0x86: {  	_ =	shalt  }
0x87: {  	_ =	shalt  }
.Lfunc_end0:
.L_simem_size_0:
called_computation.2_lowered:
.L_overlay_start_0:
0x88: {  	s2 =	sld [smem:$0x3FD9]  }
0x89: {  	s3 =	sld [smem:$0x3FFE];
	_ =	sdelay $0x1  }
0x8a: {  	s1 =	srdreg.scid  }
0x8b: {  	s0 =	sand.u32 $0x1, s1  }
0x8c: {  	s16 =	sshll.u32 s0, $0xA;
	s2 =	sadd.s32 s3, s2  }
0x8d: {  	s2 =	sadd.s32 s2, s16  }
0x8e: {  	[smem:$0x3FC6] =	sst s2  }
0x8f: {  	_ = 	snop  }
0x90: {  	(tm) =	ssettm $0x1  }
0x91: {  	s17 =	sld [smem:$0x3FFB];
	_ =	sdelay $0x3  }
0x92: {  	_ =	strace s17  }
0x93: {  	s2 =	sld [smem:$0x3FFC];
	_ =	sdelay $0x3  }
0x94: {  	_ =	strace s2  }
0x95: {  	s2 =	sld [smem:$0x3FFD];
	_ =	sdelay $0x3  }
0x96: {  	_ =	strace s2  }
0x97: {  	_ =	strace $0x8FFFFFFF  }
0x98: {  	s18 =	sld [smem:$0x3FDB];
	_ =	sdelay $0x1  }
0x99: {  	s19 =	simm.s32 $_scs_section_size  }
0x9a: {  	s4 =	simm.s32 $_size__tile_overlayer_lowered;
	s5 =	simm.s32 $_tile_overlayer_lowered  }
0x9b: {  	s22 =	simm.s32 $0x1BFF;
	s21 =	sshll.u32 s5, $0x1;
	s2 =	sadd.s32 s19, s18  }
0x9c: {  	s6 =	simm.s32 $0x0;
	s20 =	sshll.u32 s4, $0x1;
	s4 =	sadd.s32 s21, s2  }
0x9d: {  	[timem:s6], [sflag:s22] =	dma.local [hbm:s4], s20  }
0x9e: {  	_ =	swait.ge [sflag:s22], s20  }
0x9f: {  	s3 =	ssub.s32 $0x0, s20;
	[sflag:s22] =	ssyncset.done $0x0  }
0xa0: {  	[sflag:s22] =	ssyncadd.s32 s3;
	_ =	sdelay $0x1  }
0xa1: {  	s23 =	simm.s32 $0x1B8B  }
0xa2: {  	_ =	swait.ge [sflag:s23], $0x1  }
0xa3: {  	[sflag:s23] =	ssyncset.done $0x0  }
0xa4: {  	s25 =	simm.s32 $0x1B8E;
	s24 =	sld [smem:$0x3FFE];
	[sflag:s23] =	ssyncadd.s32 $0xFFFFFFFF  }
0xa5: {  	s26 =	simm.s32 $execute0_lowered;
	[smem:$0x3FD2] =	sst s25  }
0xa6: {  	s4 =	sshll.u32 s26, $0x1;
	_ =	strace $0x8000004C;
	[dreg:$0x1] =	wrdreg $0xFFFFFFFF  }
0xa7: {  	s28 =	simm.s32 $_size_execute0_lowered;
	s2 =	sadd.s32 s2, s4;
	[dreg:$0x0] =	wrdreg $0x0  }
0xa8: {  	s4 =	sshll.u32 s28, $0x1;
	[dreg:$0x2] =	wrdreg s2  }
0xa9: {  	[dreg:$0x3] =	wrdreg s4  }
0xaa: {  	[dreg:$0x4] =	wrdreg $0xC0  }
0xab: {  	_ =	task [dreg:s6], $0x5FFFF  }
0xac: {  	[dreg:$0x1] =	wrdreg $0xFFFFFFFF  }
0xad: {  	[dreg:$0x0] =	wrdreg $0x60  }
0xae: {  	[dreg:$0x2] =	wrdreg s24  }
0xaf: {  	[dreg:$0x3] =	wrdreg $0x9  }
0xb0: {  	_ =	task.clear_ibuf [dreg:s6], $0x4FFFF;
	_ =	strace $0x9000004C  }
0xb1: {  	s29 =	simm.s32 $0x9;
	_ =	strace $0x8000004E  }
0xb2: {  	_ =	swait.ge [sflag:s29], $0x1  }
0xb3: {  	[sflag:s29] =	ssyncadd.s32 $0xFFFFFFFF  }
0xb4: {  	_ =	strace $0x9000004E  }
0xb5: {  	_ =	sfence  }
0xb6: {  	s30 =	sld [smem:$0x0];
	_ =	sdelay $0x2  }
0xb7: {  	s31 =	sshll.u32 s1, $0xD;
	s1 =	sshrl.u32 s1, $0x2  }
0xb8: {  	s3 =	sand.u32 $0x4000, s31;
	s1 =	sadd.s32 s1, s30  }
0xb9: {  	s0 =	sor.u32 s3, s0;
	s1 =	sshll.u32 s1, $0x11  }
0xba: {  	s0 =	sor.u32 s1, s0  }
0xbb: {  	s0 =	sadd.s32 $0x8F2B, s0  }
0xbc: {  	[sflag:s0] =	ssyncadd.remote.s32 $0x1  }
0xbd: {  	_ =	sfence.sel $0xFFFF  }
0xbe: {  	[dreg:$0x0] =	wrdreg $0xFFFFFFFF;
	(pc) =	sbr.abs _section_cstart, $3  }
0xbf: {  	[dreg:$0x1] =	wrdreg $0xFFFFFFFF  }
0xc0: {  	_ =	task.clear_ibuf [dreg:s6], $0x2FFFF;
	_ =	strace $0x9FFFFFFF  }
0xc1: {  	(tm) =	ssettm $0x7FFFFFFF  }
tec
execute0_lowered:
.L_overlay_start_1:
0x0: {  	(tag) =	ssettag $0x1  }
0x1: {  	s0 =	rddreg [dreg:$0x0]  }
0x2: {  	s3 =	simm.s32 $0x0;
	s4 =	srdreg.scid;
	s6 =	stileid.u32  }
0x3: {  	s12 =	simm.s32 $0x10880;
	[smem:$0x7FF] =	sst s3;
	s2 =	sadd.s32 $0x1400, s0  }
0x4: {  	s9 =	sadd.s32 $0x81400, s0;
	s5 =	sand.u32 $0x1, s4;
	s6 =	sshll.u32 s6, $0x1  }
0x5: {  	s11 =	sadd.s32 $0x82400, s0;
	_ =	strace $0x8000004D;
	s6 =	sor.u32 s5, s6  }
0x6: {  	[dreg:$0x2] =	wrdreg s9;
	s7 =	sshll.u32 s6, $0x4;
	s6 =	sshll.u32 s6, $0xD  }
0x7: {  	s1 =	sadd.s32 $0x41400, s0;
	[dreg:$0x3] =	wrdreg s11;
	s23 =	sadd.s32 s2, s6  }
0x8: {  	s22 =	sor.u32 $0x800, s6;
	s24 =	sadd.s32 s1, s6;
	[dreg:$0x4] =	wrdreg s23  }
0x9: {  	s17 =	simm.s32 $0x2;
	[dreg:$0x5] =	wrdreg s24;
	s25 =	sadd.s32 s2, s22  }
0xa: {  	s28 =	sor.u32 $0x1000, s6;
	s26 =	sadd.s32 s1, s22;
	[dreg:$0x6] =	wrdreg s25  }
0xb: {  	s5 =	ssub.s32 $0x2, s5;
	s29 =	sadd.s32 s2, s28;
	[dreg:$0x7] =	wrdreg s26  }
0xc: {  	s6 =	sor.u32 $0x1800, s6;
	s30 =	sadd.s32 s1, s28;
	[dreg:$0x8] =	wrdreg s29  }
0xd: {  	v0 =	vlaneseq.u32;
	s8 =	sshrl.u32 s5, $0x1;
	s2 =	sadd.s32 s2, s6;
	[dreg:$0x9] =	wrdreg s30  }
0xe: {  	v2 =	vimm.s32 $0x0;
	v3 =	vmul.u32 $0xFFFFFFFF, v0;
	v1 =	vshrl.u32 v0, $0x2;
	s0 =	sadd.s32 s7, s0;
	s1 =	sadd.s32 s1, s6;
	[dreg:$0xa] =	wrdreg s2  }
0xf: {  	v4 =	vimm.f32 $0.0e+00;
	v5 =	vand.u32 $0x3, v0;
	v1 =	vmul.u32 $0x80, v1;
	s5 =	ssub.s32 s5, s8;
	s0 =	sadd.s32 $0x84400, s0;
	[dreg:$0xb] =	wrdreg s1  }
0x10: {  	v7 =	vimm.f32 $1.000000000e+00;
	s21 =	simm.s32 $0x10000;
	v5 =	vmul.u32 $0x20, v5;
	v3 =	vadd.s32 $0xF, v3;
	s31 =	smax.u32 s5, $0x1;
	[dreg:$0xc] =	wrdreg s0  }
0x11: {  	v6 =	vor.u32 $0x600, v1;
	v8 =	vor.u32 $0x400, v1;
	v9 =	vor.u32 $0x200, v1;
	[dreg:$0xd] =	wrdreg s31;
	s1 =	simm.s32 $0x8000;
	s2 =	simm.s32 $0x0  }
.LBB2_1:
0x12: {  	[dreg:$0xe] =	wrdreg s2  }
0x13: {  	s0 =	rddreg [dreg:$0x4]  }
0x14: {  	[tilespmem:s3], [sflag:$0x1] =	stream.linear.gather [hbm4b:s0+s3], $0x4000, $0x38;
	[tilespmem:$0x15480] =	vst v63  }
0x15: {  	s31 =	rddreg [dreg:$0x5];
	s0 =	simm.s32 $0x148C0  }
0x16: {  	[tilespmem:s1], [sflag:$0x1] =	stream.linear.gather [hbm4b:s31+s3], $0x4000, $0x38;
	[tilespmem:$0x15480] =	vst v63  }
0x17: {  	[tilespmem:s0+$0xFFFFFFC0] =	vst v2  }
0x18: {  	[tilespmem:s0+$0x30] =	vst v2  }
0x19: {  	[tilespmem:s0+$0x20] =	vst v2  }
0x1a: {  	[tilespmem:s0+$0x10] =	vst v2  }
0x1b: {  	[tilespmem:s0+$0x0] =	vst v2  }
0x1c: {  	[tilespmem:s0+$0xFFFFFFF0] =	vst v2  }
0x1d: {  	s1 =	simm.s32 $0x0;
	[tilespmem:s0+$0xFFFFFFE0] =	vst v2  }
.LBB2_2:
0x1e: {  	s1 =	sadd.s32 $0x8, s1;
	[tilespmem:s0+$0xFFFFFFD0] =	vst v2;
	s0 =	sadd.s32 $0x80, s0  }
0x1f: {  	[tilespmem:s0+$0xFFFFFFC0] =	vst v2;
	p0 =	slt.u32 s1, $0x38  }
0x20: {  	[tilespmem:s0+$0x30] =	vst v2  }
.Ltmp0:
0x21: {  	[tilespmem:s0+$0x20] =	vst v2;
	(pc) =	sbr.rel @p0 .LBB2_2-.Ltmp0, $4  }
0x22: {  	[tilespmem:s0+$0x10] =	vst v2  }
0x23: {  	[tilespmem:s0+$0x0] =	vst v2  }
0x24: {  	[tilespmem:s0+$0xFFFFFFF0] =	vst v2  }
0x25: {  	[tilespmem:s0+$0xFFFFFFE0] =	vst v2  }
0x26: {  	[tilespmem:s0+$0xFFFFFFD0] =	vst v2;
	s0 =	simm.s32 $0x0;
	s2 =	simm.s32 $0x0  }
.LBB2_4:
0x27: {  	s1 =	sshll.u32 s2, $0xA  }
0x28: {  	s1 =	sadd.s32 s9, s1  }
0x29: {  	[tilespmem:s12], [sflag:$0x2] =	stream.linear.gather [hbm4b:s1+s0], $0x2000, $0x38;
	[tilespmem:$0x15480] =	vst v63  }
0x2a: {  	_ =	swait.ge [sflag:s17], $0x2000  }
0x2b: {  	[sflag:s17] =	ssyncset.done $0x0  }
0x2c: {  	s31 =	sand.u32 $0x3C0, s0;
	[sflag:s17] =	ssyncadd.s32 $0xFFFFE000  }
0x2d: {  	v13 =	vld [tilespmem:s31+$0x12480]  }
0x2e: {  	v12 =	vld [tilespmem:s31+$0x12080]  }
0x2f: {  	v11 =	vld [tilespmem:s31+$0x11C80]  }
0x30: {  	v10 =	vld [tilespmem:s31+$0x11880]  }
0x31: {  	v14 =	vld [tilespmem:s31+$0x11480]  }
0x32: {  	v15 =	vld [tilespmem:s31+$0x11080]  }
0x33: {  	s5 =	simm.s32 $0x148A0;
	v16 =	vld [tilespmem:s31+$0x10C80]  }
0x34: {  	s6 =	simm.s32 $0x11890;
	v17 =	vld [tilespmem:s5+$0x10]  }
0x35: {  	v18 =	vld [tilespmem:s6+$0xFFFFF020]  }
0x36: {  	v19 =	vld [tilespmem:s6+$0xFFFFF420]  }
0x37: {  	v20 =	vld [tilespmem:s6+$0xFFFFF820]  }
0x38: {  	v21 =	vld [tilespmem:s6+$0xFFFFFC20]  }
0x39: {  	v22 =	vld [tilespmem:s6+$0x20]  }
0x3a: {  	v23 =	vld [tilespmem:s6+$0x420]  }
0x3b: {  	v24 =	vld [tilespmem:s6+$0x820]  }
0x3c: {  	v25 =	vld [tilespmem:s6+$0xC20]  }
0x3d: {  	v26 =	vld [tilespmem:s6+$0xFFFFEFF0]  }
0x3e: {  	v27 =	vld [tilespmem:s5+$0xFFFFFFF0]  }
0x3f: {  	v28 =	vld [tilespmem:s6+$0xFFFFF000]  }
0x40: {  	v29 =	vld [tilespmem:s5+$0x0]  }
0x41: {  	v31 =	vld [tilespmem:s5+$0xFFFFFFE0]  }
0x42: {  	v30 =	vld [tilespmem:s6+$0xFFFFF010]  }
0x43: {  	v57 =	vld [tilespmem:s6+$0xFFFFF800]  }
0x44: {  	v58 =	vld [tilespmem:s6+$0xFFFFF810]  }
0x45: {  	v60 =	vld [tilespmem:s6+$0xFFFFFC00]  }
0x46: {  	v17 =	vadd.s32 v17, v18;
	v18 =	vld [tilespmem:s6+$0xFFFFF400];
	v59 =	vadd.s32 v31, v26  }
0x47: {  	v17 =	vadd.s32 v19, v17;
	v19 =	vld [tilespmem:s6+$0xFFFFF410];
	v16 =	vadd.s32 v16, v59  }
0x48: {  	v61 =	vld [tilespmem:s6+$0xFFFFFC10];
	v17 =	vadd.s32 v20, v17;
	v15 =	vadd.s32 v15, v16  }
0x49: {  	v62 =	vld [tilespmem:s6+$0x10];
	v63 =	vadd.s32 v29, v30;
	v17 =	vadd.s32 v21, v17;
	v14 =	vadd.s32 v14, v15  }
0x4a: {  	v16 =	vld [tilespmem:s6+$0x0];
	v15 =	vadd.s32 v27, v28;
	v17 =	vadd.s32 v22, v17;
	v14 =	vadd.s32 v10, v14  }
0x4b: {  	v10 =	vld [tilespmem:s6+$0x400];
	v17 =	vadd.s32 v23, v17;
	v15 =	vadd.s32 v18, v15;
	v14 =	vadd.s32 v11, v14  }
0x4c: {  	v11 =	vld [tilespmem:s6+$0x410];
	v17 =	vadd.s32 v24, v17;
	v18 =	vadd.s32 v19, v63;
	v15 =	vadd.s32 v57, v15  }
0x4d: {  	v14 =	vadd.s32 v12, v14;
	v12 =	vld [tilespmem:s6+$0x800];
	v17 =	vadd.s32 v25, v17;
	v18 =	vadd.s32 v58, v18  }
0x4e: {  	v15 =	vadd.s32 v60, v15;
	v14 =	vadd.s32 v13, v14;
	v13 =	vld [tilespmem:s6+$0x810];
	[tilespmem:s5+$0x10] =	vst v17;
	v17 =	vadd.s32 v61, v18  }
0x4f: {  	s7 =	simm.s32 $0x0;
	s8 =	simm.s32 $0x40;
	v15 =	vadd.s32 v16, v15;
	[tilespmem:s5+$0xFFFFFFE0] =	vst v14;
	v14 =	vld [tilespmem:s6+$0xC00];
	v16 =	vadd.s32 v62, v17  }
.LBB2_5:
0x50: {  	s1 =	sand.u32 $0x3C0, s8;
	v10 =	vadd.s32 v10, v15;
	v15 =	vld [tilespmem:s6+$0xC10]  }
0x51: {  	v17 =	vld [tilespmem:s1+$0x12480];
	v11 =	vadd.s32 v11, v16  }
0x52: {  	v16 =	vld [tilespmem:s1+$0x12080];
	v10 =	vadd.s32 v12, v10  }
0x53: {  	v12 =	vld [tilespmem:s1+$0x11C80];
	v11 =	vadd.s32 v13, v11  }
0x54: {  	v13 =	vld [tilespmem:s1+$0x11880];
	v10 =	vadd.s32 v14, v10  }
0x55: {  	v14 =	vld [tilespmem:s1+$0x11480];
	[tilespmem:s5+$0xFFFFFFF0] =	vst v10;
	v10 =	vadd.s32 v15, v11  }
0x56: {  	v11 =	vld [tilespmem:s1+$0x11080];
	[tilespmem:s5+$0x0] =	vst v10  }
0x57: {  	s5 =	sadd.s32 $0x40, s5;
	v10 =	vld [tilespmem:s1+$0x10C80]  }
0x58: {  	s6 =	sadd.s32 $0x40, s6;
	v15 =	vld [tilespmem:s5+$0x10]  }
0x59: {  	s7 =	sadd.s32 $0x4, s7;
	v18 =	vld [tilespmem:s6+$0xFFFFF020]  }
0x5a: {  	p0 =	slt.u32 s7, $0x3C;
	v19 =	vld [tilespmem:s6+$0xFFFFF420]  }
0x5b: {  	v20 =	vld [tilespmem:s6+$0xFFFFF820]  }
0x5c: {  	v21 =	vld [tilespmem:s6+$0xFFFFFC20]  }
0x5d: {  	v22 =	vld [tilespmem:s6+$0x20]  }
0x5e: {  	v15 =	vadd.s32 v15, v18;
	v18 =	vld [tilespmem:s6+$0x420]  }
0x5f: {  	v15 =	vadd.s32 v19, v15;
	v19 =	vld [tilespmem:s6+$0x820]  }
0x60: {  	v15 =	vadd.s32 v20, v15;
	v20 =	vld [tilespmem:s6+$0xC20]  }
0x61: {  	v23 =	vld [tilespmem:s6+$0xFFFFEFF0];
	v15 =	vadd.s32 v21, v15  }
0x62: {  	v21 =	vld [tilespmem:s5+$0xFFFFFFF0];
	v15 =	vadd.s32 v22, v15  }
0x63: {  	v22 =	vld [tilespmem:s6+$0xFFFFF000];
	v15 =	vadd.s32 v18, v15  }
0x64: {  	v18 =	vld [tilespmem:s5+$0x0];
	v15 =	vadd.s32 v19, v15  }
0x65: {  	v19 =	vld [tilespmem:s6+$0xFFFFF010];
	v15 =	vadd.s32 v20, v15  }
0x66: {  	v20 =	vld [tilespmem:s5+$0xFFFFFFE0];
	[tilespmem:s5+$0x10] =	vst v15  }
0x67: {  	v15 =	vld [tilespmem:s6+$0xFFFFF400]  }
0x68: {  	v21 =	vadd.s32 v21, v22;
	v22 =	vld [tilespmem:s6+$0xFFFFF410]  }
0x69: {  	v24 =	vld [tilespmem:s6+$0xFFFFF800]  }
0x6a: {  	v18 =	vadd.s32 v18, v19;
	v19 =	vld [tilespmem:s6+$0xFFFFF810]  }
0x6b: {  	v20 =	vadd.s32 v20, v23;
	v23 =	vld [tilespmem:s6+$0xFFFFFC00]  }
0x6c: {  	v10 =	vadd.s32 v10, v20;
	v15 =	vadd.s32 v15, v21;
	v20 =	vld [tilespmem:s6+$0xFFFFFC10]  }
0x6d: {  	v10 =	vadd.s32 v11, v10;
	v21 =	vld [tilespmem:s6+$0x0];
	v11 =	vadd.s32 v22, v18  }
0x6e: {  	v10 =	vadd.s32 v14, v10;
	v14 =	vadd.s32 v24, v15;
	v18 =	vld [tilespmem:s6+$0x10]  }
.Ltmp1:
0x6f: {  	v13 =	vadd.s32 v13, v10;
	v10 =	vld [tilespmem:s6+$0x400];
	v15 =	vadd.s32 v19, v11;
	(pc) =	sbr.rel @p0 .LBB2_5-.Ltmp1, $4  }
0x70: {  	v12 =	vadd.s32 v12, v13;
	v13 =	vadd.s32 v23, v14;
	v11 =	vld [tilespmem:s6+$0x410]  }
0x71: {  	v14 =	vadd.s32 v16, v12;
	v12 =	vld [tilespmem:s6+$0x800];
	v16 =	vadd.s32 v20, v15  }
0x72: {  	v14 =	vadd.s32 v17, v14;
	v15 =	vadd.s32 v21, v13;
	v13 =	vld [tilespmem:s6+$0x810]  }
0x73: {  	s8 =	sadd.s32 $0x40, s8;
	[tilespmem:s5+$0xFFFFFFE0] =	vst v14;
	v14 =	vld [tilespmem:s6+$0xC00];
	v16 =	vadd.s32 v18, v16  }
0x74: {  	v17 =	vld [tilespmem:s6+$0xC10];
	s2 =	sadd.s32 $0x1, s2  }
0x75: {  	p0 =	sne.s32 s2, $0x4  }
.Ltmp2:
0x76: {  	v10 =	vadd.s32 v10, v15;
	(pc) =	sbr.rel @p0 .LBB2_4-.Ltmp2, $4  }
0x77: {  	v11 =	vadd.s32 v11, v16;
	v10 =	vadd.s32 v12, v10  }
0x78: {  	v11 =	vadd.s32 v13, v11;
	v10 =	vadd.s32 v14, v10  }
0x79: {  	[tilespmem:s5+$0xFFFFFFF0] =	vst v10;
	v10 =	vadd.s32 v17, v11  }
0x7a: {  	[tilespmem:s5+$0x0] =	vst v10  }
0x7b: {  	s0 =	simm.s32 $0x14C70  }
0x7c: {  	v10 =	vld [tilespmem:s0+$0x0];
	_ =	sdelay $0x4  }
0x7d: {  	v11 =	vperm.xlane v10, v3;
	_ =	sdelay $0x1  }
0x7e: {  	(xrf0) =	vadd.scan.msk.s32 $0xffff, v11;
	_ =	sdelay $0x3  }
0x7f: {  	s7 =	simm.s32 $0x14C60  }
0x80: {  	v10 =	vld [tilespmem:s7+$0x0]  }
0x81: {  	v12, _, _ =	vpop (xrf0)  }
0x82: {  	v13 =	vxor.u32 $0x80000000, v12  }
0x83: {  	(xrf0) =	vmax.scan.msk.u32 $0xffff, v13;
	_ =	sdelay $0x1  }
0x84: {  	v15 =	vperm.xlane v10, v3;
	_ =	sdelay $0x1  }
0x85: {  	(xrf0) =	vadd.scan.msk.s32 $0xffff, v15;
	_ =	sdelay $0x1  }
0x86: {  	v10, _, _ =	vpop (xrf0)  }
0x87: {  	(v2sf) =	vpush v10, $0xF  }
0x88: {  	s8 =	simm.s32 $0x14C50  }
0x89: {  	v10 =	vld [tilespmem:s8+$0x0]  }
0x8a: {  	v13, _, _ =	vpop (xrf0)  }
0x8b: {  	v14 =	vxor.u32 $0x80000000, v13  }
0x8c: {  	(xrf0) =	vmax.scan.msk.u32 $0xffff, v14;
	_ =	sdelay $0x1  }
0x8d: {  	v14 =	vperm.xlane v10, v3  }
0x8e: {  	s25 =	simm.s32 $0x0  }
0x8f: {  	v10 =	vadd.s32 s25, v12;
	(xrf0) =	vadd.scan.msk.s32 $0xffff, v14  }
0x90: {  	vm0 =	vgt.s32 v10, $0x66665  }
0x91: {  	s9 =	simm.s32 $0x14C40;
	v10 =	vsel vm0, $0x1, v2;
	v12 =	vmctz.xlane vm0;
	v16, _, _ =	vpop (xrf0)  }
0x92: {  	v17 =	vld [tilespmem:s9+$0x0];
	v10 =	vor.u32 $0x80000000, v10;
	(v2sf) =	vpush v16, $0xF  }
0x93: {  	v12 =	vxor.u32 $0x80000000, v12;
	(xrf0) =	vmax.scan.msk.u32 $0xffff, v10  }
0x94: {  	(xrf0) =	vmax.scan.msk.u32 $0xffff, v12  }
0x95: {  	v16, _, _ =	vpop (xrf0);
	s10 =	spop (v2sf)  }
0x96: {  	v12 =	vxor.u32 $0x80000000, v16;
	s0 =	sadd.s32 $0x0, s10  }
0x97: {  	v10 =	vperm.xlane v17, v3;
	s26 =	sadd.s32 $0x80000000, s0  }
0x98: {  	(xrf0) =	vmax.scan.msk.u32 $0xffff, v12;
	v13 =	vadd.s32 s26, v13  }
0x99: {  	(xrf0) =	vadd.scan.msk.s32 $0xffff, v10;
	v12, _, _ =	vpop (xrf0);
	vm9 =	vgt.s32 v13, $0x66665  }
0x9a: {  	(v2sf) =	vpush v12, $0xF;
	v12, _, _ =	vpop (xrf0);
	v13 =	vmctz.xlane vm9  }
0x9b: {  	(v2sf) =	vpush v12, $0xF  }
0x9c: {  	v12 =	vsel vm9, $0x1, v2;
	v13 =	vxor.u32 $0x80000000, v13  }
0x9d: {  	s11 =	simm.s32 $0x14C30;
	v12 =	vor.u32 $0x80000000, v12  }
0x9e: {  	v17 =	vld [tilespmem:s11+$0x0];
	v18, _, _ =	vpop (xrf0);
	(xrf0) =	vmax.scan.msk.u32 $0xffff, v12  }
0x9f: {  	(v2sf) =	vpush v18, $0xF;
	(xrf0) =	vmax.scan.msk.u32 $0xffff, v13;
	v13, _, _ =	vpop (xrf0)  }
0xa0: {  	v12 =	vxor.u32 $0x80000000, v13  }
0xa1: {  	s12 =	spop (v2sf);
	(xrf0) =	vmax.scan.msk.u32 $0xffff, v12  }
0xa2: {  	s0 =	sadd.s32 s12, s26  }
0xa3: {  	s28 =	sadd.s32 $0x80000000, s0;
	v12 =	vperm.xlane v17, v3  }
0xa4: {  	v16 =	vadd.s32 s28, v16;
	v17, _, _ =	vpop (xrf0)  }
0xa5: {  	vm10 =	vgt.s32 v16, $0x66665;
	(xrf0) =	vadd.scan.msk.s32 $0xffff, v12;
	(v2sf) =	vpush v17, $0xF;
	v17, _, _ =	vpop (xrf0)  }
0xa6: {  	(v2sf) =	vpush v17, $0xF;
	v17 =	vmctz.xlane vm10  }
0xa7: {  	v16 =	vsel vm10, $0x1, v2;
	v18, _, _ =	vpop (xrf0)  }
0xa8: {  	v16 =	vor.u32 $0x80000000, v16;
	v17 =	vxor.u32 $0x80000000, v17;
	(v2sf) =	vpush v18, $0xF  }
0xa9: {  	s1 =	simm.s32 $0x14C20;
	(xrf0) =	vmax.scan.msk.u32 $0xffff, v16;
	s13 =	spop (v2sf)  }
0xaa: {  	v16 =	vld [tilespmem:s1+$0x0];
	(xrf0) =	vmax.scan.msk.u32 $0xffff, v17;
	s2 =	spop (v2sf)  }
0xab: {  	v17, _, _ =	vpop (xrf0);
	s14 =	sxor.u32 $0x80000000, s2  }
0xac: {  	v18 =	vxor.u32 $0x80000000, v17;
	v19 =	vmov s14  }
0xad: {  	vm11 =	vgt.s32 v19, v0  }
0xae: {  	(xrf0) =	vmax.scan.msk.u32 $0xffff, v18;
	s15 =	spop (v2sf);
	v11 =	vnsel vm11, $0x0, v11  }
0xaf: {  	s1 =	sadd.s32 s15, s28;
	v18, _, _ =	vpop (xrf0);
	(xrf0) =	vadd.scan.msk.s32 $0xffff, v11;
	v11 =	vperm.xlane v16, v3  }
0xb0: {  	s29 =	sadd.s32 $0x80000000, s1;
	(v2sf) =	vpush v18, $0xF;
	v16, _, _ =	vpop (xrf0)  }
0xb1: {  	v13 =	vadd.s32 s29, v13;
	(v2sf) =	vpush v16, $0xF;
	(xrf0) =	vadd.scan.msk.s32 $0xffff, v11  }
0xb2: {  	vm12 =	vgt.s32 v13, $0x66665  }
0xb3: {  	v19 =	vmctz.xlane vm12  }
0xb4: {  	s16 =	simm.s32 $0x14C10;
	v16, _, _ =	vpop (xrf0);
	s6 =	spop (v2sf)  }
0xb5: {  	v13 =	vld [tilespmem:s16+$0x0];
	v18 =	vsel vm12, $0x1, v2;
	(v2sf) =	vpush v16, $0xF;
	v16, _, _ =	vpop (xrf0);
	s18 =	spop (v2sf)  }
0xb6: {  	(v2sf) =	vpush v16, $0xF;
	v16 =	vor.u32 $0x80000000, v18;
	s5 =	sxor.u32 $0x80000000, s18  }
0xb7: {  	v18 =	vxor.u32 $0x80000000, v19;
	(xrf0) =	vmax.scan.msk.u32 $0xffff, v16;
	v19, _, _ =	vpop (xrf0);
	v16 =	vmov s5;
	s19 =	spop (v2sf)  }
0xb8: {  	(xrf0) =	vmax.scan.msk.u32 $0xffff, v18;
	v18 =	vxor.u32 $0x80000000, v19;
	vm13 =	vgt.s32 v16, v0;
	s5 =	sadd.s32 s19, s29  }
0xb9: {  	(xrf0) =	vmax.scan.msk.u32 $0xffff, v18;
	v15 =	vnsel vm13, $0x0, v15;
	s30 =	sadd.s32 $0x80000000, s5  }
0xba: {  	v13 =	vperm.xlane v13, v3;
	(xrf0) =	vadd.scan.msk.s32 $0xffff, v15;
	v15 =	vadd.s32 s30, v17  }
0xbb: {  	vm14 =	vgt.s32 v15, $0x66665  }
0xbc: {  	(xrf0) =	vadd.scan.msk.s32 $0xffff, v13;
	v15 =	vsel vm14, $0x1, v2  }
0xbd: {  	v16 =	vmctz.xlane vm14;
	v15 =	vor.u32 $0x80000000, v15  }
0xbe: {  	p1 =	por $0x1, $0x1;
	s22 =	simm.s32 $0x800003AF;
	p0 =	sgt.u32 s13, $0x80000000;
	v17, _, _ =	vpop (xrf0)  }
0xbf: {  	s31 =	simm.s32 $0x0;
	p0 =	por !p1, !p0;
	v18, _, _ =	vpop (xrf0);
	s9 =	spop (v2sf);
	v16 =	vxor.u32 $0x80000000, v16  }
0xc0: {  	p1 =	por !p0, !p0;
	p5 =	sgt.u32 s6, $0x80000000;
	(v2sf) =	vpush v17, $0xF;
	(xrf0) =	vmax.scan.msk.u32 $0xffff, v15;
	s6 =	spop (v2sf);
	v15, _, _ =	vpop (xrf0)  }
0xc1: {  	s7 =	simm.s32 $0x14C00;
	s31 =	simm.s32 @p1 $0x1;
	(v2sf) =	vpush v18, $0xF;
	s8 =	sxor.u32 $0x80000000, s6;
	v21, _, _ =	vpop (xrf0)  }
0xc2: {  	s24 =	simm.s32 $0x0;
	v20 =	vld [tilespmem:s7+$0x0];
	s2 =	ssub.s32 $0x800003FF, s2;
	p2 =	seq.s32 s31, $0x0;
	(xrf0) =	vmax.scan.msk.u32 $0xffff, v16;
	v17 =	vmov s8;
	v16, _, _ =	vpop (xrf0)  }
0xc3: {  	s0 =	simm.s32 $0x8000039F;
	s24 =	smov.u32 @p1 s2;
	p0 =	por !p2, !p5;
	vm15 =	vgt.s32 v17, v0;
	v17 =	vxor.u32 $0x80000000, v16  }
0xc4: {  	s2 =	simm.s32 $0x8000038F;
	p1 =	por p1, p1;
	p0 =	por !p0, !p0;
	(v2sf) =	vpush v15, $0xF  }
0xc5: {  	s15 =	simm.s32 $0x800003BF;
	s1 =	ssub.s32 $0x800003EF, s18;
	s31 =	simm.s32 @p0 $0x1  }
0xc6: {  	s24 =	smov.u32 @p0 s1;
	s19 =	simm.s32 $0x800003CF;
	s20 =	spop (v2sf);
	(v2sf) =	vpush v21, $0xF;
	(xrf0) =	vmax.scan.msk.u32 $0xffff, v17;
	v17, _, _ =	vpop (xrf0)  }
0xc7: {  	p6 =	sgt.u32 s9, $0x80000000;
	v15 =	vperm.xlane v20, v3;
	s9 =	sadd.s32 s20, s30;
	v14 =	vnsel vm15, $0x0, v14;
	s23 =	spop (v2sf);
	(v2sf) =	vpush v17, $0xF  }
0xc8: {  	p3 =	seq.s32 s31, $0x0;
	s5 =	simm.s32 $0x800003DF;
	s20 =	sadd.s32 $0x80000000, s9;
	(xrf0) =	vadd.scan.msk.s32 $0xffff, v14  }
0xc9: {  	p2 =	por !p3, !p6;
	s8 =	simm.s32 $0x8000037F;
	s9 =	sadd.s32 $0x0, s23;
	v14 =	vadd.s32 s20, v19;
	(xrf0) =	vadd.scan.msk.s32 $0xffff, v15;
	v17, _, _ =	vpop (xrf0)  }
.LBB2_8:
0xca: {  	p3 =	sne.s32 s8, $0x8000000F  }
0xcb: {  	s25 =	smov.u32 @p1 s9;
	s9 =	smov.u32 s8;
	s8 =	sadd.s32 $0xFFFFFFF0, s8  }
0xcc: {  	vm0 =	vgt.s32 v14, $0x66665;
	(v2sf) =	vpush v17, $0xF;
	v14 =	vmov v15;
	s1 =	smov.u32 s29;
	s29 =	smov.u32 s30;
	p1 =	por p0, p0  }
0xcd: {  	s30 =	smov.u32 s20;
	v15 =	vsel vm0, $0x1, v2;
	v17 =	vmctz.xlane vm0  }
0xce: {  	s7 =	sadd.s32 $0xFFFFFFF0, s7;
	p0 =	por !p2, !p2;
	v18, _, _ =	vpop (xrf0);
	v20 =	vor.u32 $0x80000000, v15  }
0xcf: {  	s5 =	ssub.s32 s5, s6;
	s31 =	simm.s32 @p0 $0x1;
	v19 =	vld [tilespmem:s7+$0x0];
	(v2sf) =	vpush v18, $0xF;
	v17 =	vxor.u32 $0x80000000, v17;
	(xrf0) =	vmax.scan.msk.u32 $0xffff, v20;
	s10 =	spop (v2sf)  }
0xd0: {  	p4 =	seq.s32 s31, $0x0;
	(xrf0) =	vmax.scan.msk.u32 $0xffff, v17;
	p2 =	sgt.u32 s10, $0x80000000;
	s6 =	spop (v2sf);
	v15, _, _ =	vpop (xrf0)  }
0xd1: {  	s24 =	smov.u32 @p0 s5;
	v18, _, _ =	vpop (xrf0);
	s10 =	sxor.u32 $0x80000000, s6;
	p2 =	por !p4, !p2;
	(v2sf) =	vpush v15, $0xF  }
.Ltmp3:
0xd2: {  	s5 =	smov.u32 s19;
	s19 =	smov.u32 s15;
	v15 =	vxor.u32 $0x80000000, v18;
	v17 =	vmov s10;
	(pc) =	sbr.rel @p3 .LBB2_8-.Ltmp3, $4  }
0xd3: {  	s15 =	smov.u32 s22;
	s22 =	smov.u32 s0;
	(xrf0) =	vmax.scan.msk.u32 $0xffff, v15;
	s10 =	spop (v2sf);
	vm0 =	vgt.s32 v17, v0  }
0xd4: {  	s0 =	smov.u32 s2;
	s2 =	smov.u32 s9;
	v15 =	vperm.xlane v19, v3;
	s10 =	sadd.s32 s10, s20;
	v20 =	vnsel vm0, $0x0, v10;
	v10 =	vmovc v12;
	v12 =	vmovc v11;
	v11 =	vmov v13  }
0xd5: {  	v13 =	vmov v14;
	s20 =	sadd.s32 $0x80000000, s10;
	v19, _, _ =	vpop (xrf0);
	(xrf0) =	vadd.scan.msk.s32 $0xffff, v20;
	s9 =	spop (v2sf)  }
0xd6: {  	(xrf0) =	vadd.scan.msk.s32 $0xffff, v15;
	v14 =	vadd.s32 s20, v16;
	(v2sf) =	vpush v19, $0xF;
	v17, _, _ =	vpop (xrf0);
	s9 =	sadd.s32 s26, s9;
	v16 =	vmov v18;
	s26 =	smov.u32 s28;
	s28 =	smov.u32 s1  }
0xd7: {  	_ =	sdelay $0x1  }
0xd8: {  	(v2sf) =	vpush v17, $0xF;
	v54, _, _ =	vpop (xrf0)  }
0xd9: {  	(v2sf) =	vpush v54, $0xF;
	_ =	sdelay $0x8  }
0xda: {  	s1 =	spop (v2sf)  }
0xdb: {  	s11 =	spop (v2sf)  }
0xdc: {  	s18 =	spop (v2sf)  }
0xdd: {  	vm0 =	vgt.s32 v14, $0x66665;
	s3 =	spop (v2sf)  }
0xde: {  	[dreg:$0x12] =	wrdreg s1;
	v14 =	vsel vm0, $0x1, v2;
	v55 =	vmctz.xlane vm0;
	s1 =	sadd.s32 s18, s20;
	s23 =	spop (v2sf)  }
0xdf: {  	v14 =	vor.u32 $0x80000000, v14;
	v18, _, _ =	vpop (xrf0);
	s8 =	sxor.u32 $0x80000000, s11;
	s13 =	sadd.s32 $0x80000000, s1;
	s14 =	spop (v2sf)  }
0xe0: {  	v17 =	vxor.u32 $0x80000000, v55;
	(xrf0) =	vmax.scan.msk.u32 $0xffff, v14;
	v56, _, _ =	vpop (xrf0);
	v19 =	vmov s8;
	v16 =	vadd.s32 s13, v16;
	s4 =	spop (v2sf)  }
0xe1: {  	(xrf0) =	vmax.scan.msk.u32 $0xffff, v17;
	v57 =	vxor.u32 $0x80000000, v56;
	vm10 =	vgt.s32 v19, v0;
	vm1 =	vgt.s32 v16, $0x66665;
	s1 =	sadd.s32 s4, s13  }
0xe2: {  	(xrf0) =	vmax.scan.msk.u32 $0xffff, v57;
	v10 =	vnsel vm10, $0x0, v10;
	v16 =	vsel vm1, $0x1, v2;
	v58 =	vmctz.xlane vm1;
	s18 =	sxor.u32 $0x80000000, s14;
	s1 =	sadd.s32 $0x80000000, s1  }
0xe3: {  	(xrf0) =	vadd.scan.msk.s32 $0xffff, v10;
	v10 =	vor.u32 $0x80000000, v16;
	v59 =	vmov s18;
	v14 =	vadd.s32 s1, v56  }
0xe4: {  	v17 =	vxor.u32 $0x80000000, v58;
	(xrf0) =	vmax.scan.msk.u32 $0xffff, v10;
	vm11 =	vgt.s32 v59, v0;
	vm12 =	vgt.s32 v14, $0x66665  }
0xe5: {  	(xrf0) =	vmax.scan.msk.u32 $0xffff, v17;
	v10 =	vnsel vm11, $0x0, v12;
	v60 =	vsel vm12, $0x1, v2  }
0xe6: {  	v61, _, _ =	vpop (xrf0);
	(xrf0) =	vadd.scan.msk.s32 $0xffff, v10;
	v14 =	vmctz.xlane vm12;
	v10 =	vor.u32 $0x80000000, v60  }
0xe7: {  	(v2sf) =	vpush v18, $0xF  }
0xe8: {  	(v2sf) =	vpush v61, $0xF;
	v62, _, _ =	vpop (xrf0);
	v14 =	vxor.u32 $0x80000000, v14;
	(xrf0) =	vmax.scan.msk.u32 $0xffff, v10  }
0xe9: {  	(v2sf) =	vpush v62, $0xF;
	v10, _, _ =	vpop (xrf0);
	(xrf0) =	vmax.scan.msk.u32 $0xffff, v14  }
0xea: {  	v63, _, _ =	vpop (xrf0);
	(v2sf) =	vpush v10, $0xF  }
0xeb: {  	v10, _, _ =	vpop (xrf0);
	(v2sf) =	vpush v63, $0xF  }
0xec: {  	(v2sf) =	vpush v10, $0xF;
	v10, _, _ =	vpop (xrf0)  }
0xed: {  	(v2sf) =	vpush v10, $0xF;
	v10, _, _ =	vpop (xrf0)  }
0xee: {  	(v2sf) =	vpush v10, $0xF;
	v10, _, _ =	vpop (xrf0)  }
0xef: {  	(v2sf) =	vpush v10, $0xF;
	v10, _, _ =	vpop (xrf0)  }
0xf0: {  	(v2sf) =	vpush v10, $0xF;
	_ =	sdelay $0x5  }
0xf1: {  	s4 =	spop (v2sf)  }
0xf2: {  	s8 =	spop (v2sf)  }
0xf3: {  	s16 =	spop (v2sf)  }
0xf4: {  	s7 =	spop (v2sf)  }
0xf5: {  	s7 =	spop (v2sf)  }
0xf6: {  	s12 =	spop (v2sf)  }
0xf7: {  	[dreg:$0xf] =	wrdreg s1;
	s1 =	sxor.u32 $0x80000000, s16;
	s18 =	spop (v2sf)  }
0xf8: {  	v10 =	vmov s1;
	s10 =	spop (v2sf)  }
0xf9: {  	[dreg:$0x10] =	wrdreg s23;
	vm13 =	vgt.s32 v10, v0;
	s1 =	sxor.u32 $0x80000000, s18;
	s23 =	spop (v2sf)  }
0xfa: {  	[dreg:$0x11] =	wrdreg s3;
	v10 =	vnsel vm13, $0x0, v11;
	v11 =	vmov s1;
	s3 =	spop (v2sf)  }
0xfb: {  	vm14 =	vgt.s32 v11, v0;
	s1 =	sxor.u32 $0x80000000, s3  }
0xfc: {  	(xrf0) =	vadd.scan.msk.s32 $0xffff, v10;
	v11 =	vnsel vm14, $0x0, v13;
	v10 =	vmov s1  }
0xfd: {  	(xrf0) =	vadd.scan.msk.s32 $0xffff, v11;
	vm15 =	vgt.s32 v10, v0  }
0xfe: {  	v10 =	vnsel vm15, $0x0, v15  }
0xff: {  	(xrf0) =	vadd.scan.msk.s32 $0xffff, v10  }
0x100: {  	p2 =	por !p2, !p2  }
0x101: {  	s31 =	simm.s32 @p2 $0x1;
	s1 =	rddreg [dreg:$0x12]  }
0x102: {  	s25 =	smov.u32 @p1 s9;
	p4 =	seq.s32 s31, $0x0;
	p3 =	sgt.u32 s1, $0x80000000;
	v10, _, _ =	vpop (xrf0)  }
0x103: {  	p0 =	por p0, p0;
	s1 =	ssub.s32 s5, s6;
	p3 =	por !p4, !p3;
	(v2sf) =	vpush v10, $0xF;
	v10, _, _ =	vpop (xrf0)  }
0x104: {  	s9 =	rddreg [dreg:$0x11];
	s24 =	smov.u32 @p2 s1;
	p1 =	por !p3, !p3;
	(v2sf) =	vpush v10, $0xF  }
0x105: {  	s1 =	sadd.s32 s26, s9;
	s26 =	rddreg [dreg:$0x10];
	s31 =	simm.s32 @p1 $0x1;
	v10, _, _ =	vpop (xrf0)  }
0x106: {  	s0 =	ssub.s32 s0, s18;
	p5 =	sgt.u32 s26, $0x80000000;
	p6 =	seq.s32 s31, $0x0;
	(v2sf) =	vpush v10, $0xF  }
0x107: {  	s5 =	ssub.s32 s19, s11;
	p2 =	por p2, p2;
	p4 =	por !p6, !p5  }
0x108: {  	s25 =	smov.u32 @p0 s1;
	s1 =	sadd.s32 s28, s4;
	p0 =	por !p4, !p4  }
0x109: {  	s4 =	sadd.s32 s29, s7;
	p3 =	sgt.u32 s12, $0x80000000;
	s31 =	simm.s32 @p0 $0x1  }
0x10a: {  	s24 =	smov.u32 @p1 s5;
	p5 =	sgt.u32 s8, $0x80000000;
	p6 =	seq.s32 s31, $0x0  }
0x10b: {  	s25 =	smov.u32 @p2 s1;
	p1 =	por p1, p1;
	p2 =	por !p6, !p5  }
0x10c: {  	s5 =	simm.s32 $0x14CC0;
	s25 =	smov.u32 @p1 s4;
	p1 =	por !p2, !p2  }
0x10d: {  	s1 =	ssub.s32 s15, s14;
	s4 =	sadd.s32 s30, s10;
	[tilespmem:s5+$0xFFFFFFC0] =	vst v2;
	s31 =	simm.s32 @p1 $0x1  }
0x10e: {  	[tilespmem:s5+$0x30] =	vst v2;
	s24 =	smov.u32 @p0 s1;
	p0 =	por p0, p0;
	p4 =	seq.s32 s31, $0x0  }
0x10f: {  	[tilespmem:s5+$0x20] =	vst v2;
	s1 =	ssub.s32 s22, s16;
	s25 =	smov.u32 @p0 s4;
	p2 =	por !p4, !p3  }
0x110: {  	[tilespmem:s5+$0x10] =	vst v2;
	s24 =	smov.u32 @p1 s1;
	p0 =	por p1, p1;
	p1 =	por !p2, !p2  }
0x111: {  	[tilespmem:s5+$0x0] =	vst v2;
	p5 =	sgt.u32 s23, $0x80000000;
	s31 =	simm.s32 @p1 $0x1;
	s24 =	smov.u32 @p1 s0  }
0x112: {  	p6 =	seq.s32 s31, $0x0;
	s31 =	rddreg [dreg:$0xf];
	s28 =	spop (v2sf)  }
0x113: {  	p2 =	por !p6, !p5;
	s1 =	sadd.s32 s20, s28;
	s29 =	spop (v2sf)  }
0x114: {  	s25 =	smov.u32 @p0 s1;
	p0 =	por p1, p1;
	p1 =	por !p2, !p2  }
0x115: {  	s1 =	ssub.s32 s2, s3;
	s0 =	sadd.s32 s13, s29;
	s30 =	spop (v2sf)  }
0x116: {  	[tilespmem:s5+$0xFFFFFFF0] =	vst v2;
	s25 =	smov.u32 @p0 s0;
	p0 =	por p1, p1;
	s0 =	sadd.s32 s31, s30  }
0x117: {  	[tilespmem:s5+$0xFFFFFFE0] =	vst v2;
	s24 =	smov.u32 @p1 s1;
	s25 =	smov.u32 @p0 s0;
	s0 =	simm.s32 $0x0  }
.LBB2_10:
0x118: {  	s0 =	sadd.s32 $0x8, s0;
	[tilespmem:s5+$0xFFFFFFD0] =	vst v2;
	s5 =	sadd.s32 $0x80, s5  }
0x119: {  	[tilespmem:s5+$0xFFFFFFC0] =	vst v2;
	p0 =	slt.u32 s0, $0x78  }
0x11a: {  	[tilespmem:s5+$0x30] =	vst v2  }
.Ltmp4:
0x11b: {  	[tilespmem:s5+$0x20] =	vst v2;
	(pc) =	sbr.rel @p0 .LBB2_10-.Ltmp4, $4  }
0x11c: {  	[tilespmem:s5+$0x10] =	vst v2  }
0x11d: {  	[tilespmem:s5+$0x0] =	vst v2  }
0x11e: {  	[tilespmem:s5+$0xFFFFFFF0] =	vst v2  }
0x11f: {  	[tilespmem:s5+$0xFFFFFFE0] =	vst v2  }
0x120: {  	[tilespmem:s5+$0xFFFFFFD0] =	vst v2;
	s0 =	simm.s32 $0x0  }
0x121: {  	s2 =	simm.s32 $0x0;
	s12 =	simm.s32 $0x10880;
	s11 =	rddreg [dreg:$0x3]  }
.LBB2_12:
0x122: {  	s1 =	sshll.u32 s2, $0xB  }
0x123: {  	s1 =	sadd.s32 s11, s1  }
0x124: {  	[tilespmem:s12], [sflag:$0x2] =	stream.linear.gather [hbm4b:s1+s0], $0x4000, $0x38;
	[tilespmem:$0x15480] =	vst v63  }
0x125: {  	_ =	swait.ge [sflag:s17], $0x4000  }
0x126: {  	[sflag:s17] =	ssyncset.done $0x0  }
0x127: {  	s31 =	sand.u32 $0x7C0, s0;
	[sflag:s17] =	ssyncadd.s32 $0xFFFFC000  }
0x128: {  	v13 =	vld [tilespmem:s31+$0x14080]  }
0x129: {  	v12 =	vld [tilespmem:s31+$0x13880]  }
0x12a: {  	v11 =	vld [tilespmem:s31+$0x13080]  }
0x12b: {  	v10 =	vld [tilespmem:s31+$0x12880]  }
0x12c: {  	v14 =	vld [tilespmem:s31+$0x12080]  }
0x12d: {  	v15 =	vld [tilespmem:s31+$0x11880]  }
0x12e: {  	s5 =	simm.s32 $0x14CA0;
	v16 =	vld [tilespmem:s31+$0x11080]  }
0x12f: {  	s6 =	simm.s32 $0x12890;
	v17 =	vld [tilespmem:s5+$0x10]  }
0x130: {  	v18 =	vld [tilespmem:s6+$0xFFFFE020]  }
0x131: {  	v19 =	vld [tilespmem:s6+$0xFFFFE820]  }
0x132: {  	v20 =	vld [tilespmem:s6+$0xFFFFF020]  }
0x133: {  	v21 =	vld [tilespmem:s6+$0xFFFFF820]  }
0x134: {  	v22 =	vld [tilespmem:s6+$0x20]  }
0x135: {  	v23 =	vld [tilespmem:s6+$0x820]  }
0x136: {  	v24 =	vld [tilespmem:s6+$0x1020]  }
0x137: {  	v25 =	vld [tilespmem:s6+$0x1820]  }
0x138: {  	v26 =	vld [tilespmem:s6+$0xFFFFDFF0]  }
0x139: {  	v27 =	vld [tilespmem:s5+$0xFFFFFFF0]  }
0x13a: {  	v28 =	vld [tilespmem:s6+$0xFFFFE000]  }
0x13b: {  	v29 =	vld [tilespmem:s5+$0x0]  }
0x13c: {  	v31 =	vld [tilespmem:s5+$0xFFFFFFE0]  }
0x13d: {  	v30 =	vld [tilespmem:s6+$0xFFFFE010]  }
0x13e: {  	v57 =	vld [tilespmem:s6+$0xFFFFF000]  }
0x13f: {  	v58 =	vld [tilespmem:s6+$0xFFFFF010]  }
0x140: {  	v60 =	vld [tilespmem:s6+$0xFFFFF800]  }
0x141: {  	v17 =	vadd.s32 v17, v18;
	v18 =	vld [tilespmem:s6+$0xFFFFE800];
	v59 =	vadd.s32 v31, v26  }
0x142: {  	v17 =	vadd.s32 v19, v17;
	v19 =	vld [tilespmem:s6+$0xFFFFE810];
	v16 =	vadd.s32 v16, v59  }
0x143: {  	v61 =	vld [tilespmem:s6+$0xFFFFF810];
	v17 =	vadd.s32 v20, v17;
	v15 =	vadd.s32 v15, v16  }
0x144: {  	v62 =	vld [tilespmem:s6+$0x10];
	v63 =	vadd.s32 v29, v30;
	v17 =	vadd.s32 v21, v17;
	v14 =	vadd.s32 v14, v15  }
0x145: {  	v16 =	vld [tilespmem:s6+$0x0];
	v15 =	vadd.s32 v27, v28;
	v17 =	vadd.s32 v22, v17;
	v14 =	vadd.s32 v10, v14  }
0x146: {  	v10 =	vld [tilespmem:s6+$0x800];
	v17 =	vadd.s32 v23, v17;
	v15 =	vadd.s32 v18, v15;
	v14 =	vadd.s32 v11, v14  }
0x147: {  	v11 =	vld [tilespmem:s6+$0x810];
	v17 =	vadd.s32 v24, v17;
	v18 =	vadd.s32 v19, v63;
	v15 =	vadd.s32 v57, v15  }
0x148: {  	v14 =	vadd.s32 v12, v14;
	v12 =	vld [tilespmem:s6+$0x1000];
	v17 =	vadd.s32 v25, v17;
	v18 =	vadd.s32 v58, v18  }
0x149: {  	v15 =	vadd.s32 v60, v15;
	v14 =	vadd.s32 v13, v14;
	v13 =	vld [tilespmem:s6+$0x1010];
	[tilespmem:s5+$0x10] =	vst v17;
	v17 =	vadd.s32 v61, v18  }
0x14a: {  	s7 =	simm.s32 $0x0;
	s8 =	simm.s32 $0x40;
	v15 =	vadd.s32 v16, v15;
	[tilespmem:s5+$0xFFFFFFE0] =	vst v14;
	v14 =	vld [tilespmem:s6+$0x1800];
	v16 =	vadd.s32 v62, v17  }
.LBB2_13:
0x14b: {  	s1 =	sand.u32 $0x7C0, s8;
	v10 =	vadd.s32 v10, v15;
	v15 =	vld [tilespmem:s6+$0x1810]  }
0x14c: {  	v17 =	vld [tilespmem:s1+$0x14080];
	v11 =	vadd.s32 v11, v16  }
0x14d: {  	v16 =	vld [tilespmem:s1+$0x13880];
	v10 =	vadd.s32 v12, v10  }
0x14e: {  	v12 =	vld [tilespmem:s1+$0x13080];
	v11 =	vadd.s32 v13, v11  }
0x14f: {  	v13 =	vld [tilespmem:s1+$0x12880];
	v10 =	vadd.s32 v14, v10  }
0x150: {  	v14 =	vld [tilespmem:s1+$0x12080];
	[tilespmem:s5+$0xFFFFFFF0] =	vst v10;
	v10 =	vadd.s32 v15, v11  }
0x151: {  	v11 =	vld [tilespmem:s1+$0x11880];
	[tilespmem:s5+$0x0] =	vst v10  }
0x152: {  	s5 =	sadd.s32 $0x40, s5;
	v10 =	vld [tilespmem:s1+$0x11080]  }
0x153: {  	s6 =	sadd.s32 $0x40, s6;
	v15 =	vld [tilespmem:s5+$0x10]  }
0x154: {  	s7 =	sadd.s32 $0x4, s7;
	v18 =	vld [tilespmem:s6+$0xFFFFE020]  }
0x155: {  	p0 =	slt.u32 s7, $0x7C;
	v19 =	vld [tilespmem:s6+$0xFFFFE820]  }
0x156: {  	v20 =	vld [tilespmem:s6+$0xFFFFF020]  }
0x157: {  	v21 =	vld [tilespmem:s6+$0xFFFFF820]  }
0x158: {  	v22 =	vld [tilespmem:s6+$0x20]  }
0x159: {  	v15 =	vadd.s32 v15, v18;
	v18 =	vld [tilespmem:s6+$0x820]  }
0x15a: {  	v15 =	vadd.s32 v19, v15;
	v19 =	vld [tilespmem:s6+$0x1020]  }
0x15b: {  	v15 =	vadd.s32 v20, v15;
	v20 =	vld [tilespmem:s6+$0x1820]  }
0x15c: {  	v23 =	vld [tilespmem:s6+$0xFFFFDFF0];
	v15 =	vadd.s32 v21, v15  }
0x15d: {  	v21 =	vld [tilespmem:s5+$0xFFFFFFF0];
	v15 =	vadd.s32 v22, v15  }
0x15e: {  	v22 =	vld [tilespmem:s6+$0xFFFFE000];
	v15 =	vadd.s32 v18, v15  }
0x15f: {  	v18 =	vld [tilespmem:s5+$0x0];
	v15 =	vadd.s32 v19, v15  }
0x160: {  	v19 =	vld [tilespmem:s6+$0xFFFFE010];
	v15 =	vadd.s32 v20, v15  }
0x161: {  	v20 =	vld [tilespmem:s5+$0xFFFFFFE0];
	[tilespmem:s5+$0x10] =	vst v15  }
0x162: {  	v15 =	vld [tilespmem:s6+$0xFFFFE800]  }
0x163: {  	v21 =	vadd.s32 v21, v22;
	v22 =	vld [tilespmem:s6+$0xFFFFE810]  }
0x164: {  	v24 =	vld [tilespmem:s6+$0xFFFFF000]  }
0x165: {  	v18 =	vadd.s32 v18, v19;
	v19 =	vld [tilespmem:s6+$0xFFFFF010]  }
0x166: {  	v20 =	vadd.s32 v20, v23;
	v23 =	vld [tilespmem:s6+$0xFFFFF800]  }
0x167: {  	v10 =	vadd.s32 v10, v20;
	v15 =	vadd.s32 v15, v21;
	v20 =	vld [tilespmem:s6+$0xFFFFF810]  }
0x168: {  	v10 =	vadd.s32 v11, v10;
	v21 =	vld [tilespmem:s6+$0x0];
	v11 =	vadd.s32 v22, v18  }
0x169: {  	v10 =	vadd.s32 v14, v10;
	v14 =	vadd.s32 v24, v15;
	v18 =	vld [tilespmem:s6+$0x10]  }
.Ltmp5:
0x16a: {  	v13 =	vadd.s32 v13, v10;
	v10 =	vld [tilespmem:s6+$0x800];
	v15 =	vadd.s32 v19, v11;
	(pc) =	sbr.rel @p0 .LBB2_13-.Ltmp5, $4  }
0x16b: {  	v12 =	vadd.s32 v12, v13;
	v13 =	vadd.s32 v23, v14;
	v11 =	vld [tilespmem:s6+$0x810]  }
0x16c: {  	v14 =	vadd.s32 v16, v12;
	v12 =	vld [tilespmem:s6+$0x1000];
	v16 =	vadd.s32 v20, v15  }
0x16d: {  	v14 =	vadd.s32 v17, v14;
	v15 =	vadd.s32 v21, v13;
	v13 =	vld [tilespmem:s6+$0x1010]  }
0x16e: {  	s8 =	sadd.s32 $0x40, s8;
	[tilespmem:s5+$0xFFFFFFE0] =	vst v14;
	v14 =	vld [tilespmem:s6+$0x1800];
	v16 =	vadd.s32 v18, v16  }
0x16f: {  	v17 =	vld [tilespmem:s6+$0x1810];
	s2 =	sadd.s32 $0x1, s2  }
0x170: {  	p0 =	sne.s32 s2, $0x4  }
.Ltmp6:
0x171: {  	v10 =	vadd.s32 v10, v15;
	(pc) =	sbr.rel @p0 .LBB2_12-.Ltmp6, $4  }
0x172: {  	v11 =	vadd.s32 v11, v16;
	v10 =	vadd.s32 v12, v10  }
0x173: {  	v11 =	vadd.s32 v13, v11;
	v10 =	vadd.s32 v14, v10  }
0x174: {  	[tilespmem:s5+$0xFFFFFFF0] =	vst v10;
	v10 =	vadd.s32 v17, v11  }
0x175: {  	[tilespmem:s5+$0x0] =	vst v10  }
0x176: {  	s0 =	simm.s32 $0x15470  }
0x177: {  	v10 =	vld [tilespmem:s0+$0x0];
	_ =	sdelay $0x4  }
0x178: {  	v10 =	vperm.xlane v10, v3;
	_ =	sdelay $0x1  }
0x179: {  	(xrf0) =	vadd.scan.msk.s32 $0xffff, v10;
	_ =	sdelay $0x1  }
0x17a: {  	s23 =	simm.s32 $0x15460  }
0x17b: {  	v10 =	vld [tilespmem:s23+$0x0];
	_ =	sdelay $0x2  }
0x17c: {  	v11, _, _ =	vpop (xrf0)  }
0x17d: {  	v12 =	vxor.u32 $0x80000000, v11  }
0x17e: {  	v10 =	vperm.xlane v10, v3;
	(xrf0) =	vmax.scan.msk.u32 $0xffff, v12;
	_ =	sdelay $0x1  }
0x17f: {  	(xrf0) =	vadd.scan.msk.s32 $0xffff, v10;
	_ =	sdelay $0x3  }
0x180: {  	s26 =	simm.s32 $0x15450;
	v10, _, _ =	vpop (xrf0)  }
0x181: {  	v12 =	vld [tilespmem:s26+$0x0];
	(v2sf) =	vpush v10, $0xF  }
0x182: {  	v13, _, _ =	vpop (xrf0)  }
0x183: {  	s1 =	ssub.s32 $0x66666, s25;
	s0 =	simm.s32 $0x0;
	v14 =	vxor.u32 $0x80000000, v13  }
0x184: {  	v11 =	vadd.s32 s0, v11;
	v10 =	vmov s1;
	(xrf0) =	vmax.scan.msk.u32 $0xffff, v14  }
0x185: {  	vm0 =	vge.s32 v11, v10  }
0x186: {  	v12 =	vperm.xlane v12, v3;
	v11 =	vsel vm0, $0x1, v2  }
0x187: {  	v14 =	vmctz.xlane vm0;
	v11 =	vor.u32 $0x80000000, v11  }
0x188: {  	(xrf0) =	vadd.scan.msk.s32 $0xffff, v12  }
0x189: {  	v12 =	vxor.u32 $0x80000000, v14;
	(xrf0) =	vmax.scan.msk.u32 $0xffff, v11  }
0x18a: {  	v11, _, _ =	vpop (xrf0);
	(xrf0) =	vmax.scan.msk.u32 $0xffff, v12  }
0x18b: {  	s28 =	simm.s32 $0x15440  }
0x18c: {  	(v2sf) =	vpush v11, $0xF;
	v11 =	vld [tilespmem:s28+$0x0];
	_ =	sdelay $0x1  }
0x18d: {  	v12, _, _ =	vpop (xrf0)  }
0x18e: {  	v14, _, _ =	vpop (xrf0)  }
0x18f: {  	(v2sf) =	vpush v14, $0xF;
	v14, _, _ =	vpop (xrf0);
	s29 =	spop (v2sf)  }
0x190: {  	v11 =	vperm.xlane v11, v3;
	(v2sf) =	vpush v14, $0xF;
	v14 =	vxor.u32 $0x80000000, v12;
	s1 =	sadd.s32 $0x0, s29  }
0x191: {  	(xrf0) =	vmax.scan.msk.u32 $0xffff, v14;
	s1 =	sadd.s32 $0x80000000, s1  }
0x192: {  	(xrf0) =	vadd.scan.msk.s32 $0xffff, v11;
	v11 =	vadd.s32 s1, v13  }
0x193: {  	vm14 =	vge.s32 v11, v10  }
0x194: {  	s8 =	simm.s32 $0x15430;
	v11 =	vsel vm14, $0x1, v2  }
0x195: {  	v15 =	vld [tilespmem:s8+$0x0];
	v13 =	vmctz.xlane vm14;
	v11 =	vor.u32 $0x80000000, v11;
	_ =	sdelay $0x1  }
0x196: {  	v14, _, _ =	vpop (xrf0);
	v13 =	vxor.u32 $0x80000000, v13;
	(xrf0) =	vmax.scan.msk.u32 $0xffff, v11  }
0x197: {  	(xrf0) =	vmax.scan.msk.u32 $0xffff, v13;
	v11, _, _ =	vpop (xrf0)  }
0x198: {  	(v2sf) =	vpush v14, $0xF;
	v13 =	vxor.u32 $0x80000000, v11  }
0x199: {  	s2 =	spop (v2sf);
	(xrf0) =	vmax.scan.msk.u32 $0xffff, v13;
	v13 =	vperm.xlane v15, v3  }
0x19a: {  	s1 =	sadd.s32 s2, s1  }
0x19b: {  	s9 =	sadd.s32 $0x80000000, s1  }
0x19c: {  	v12 =	vadd.s32 s9, v12;
	v14, _, _ =	vpop (xrf0)  }
0x19d: {  	vm15 =	vge.s32 v12, v10;
	(xrf0) =	vadd.scan.msk.s32 $0xffff, v13;
	(v2sf) =	vpush v14, $0xF;
	v13, _, _ =	vpop (xrf0)  }
0x19e: {  	s7 =	simm.s32 $0x7F0;
	s30 =	spop (v2sf);
	v12 =	vsel vm15, $0x1, v2;
	(v2sf) =	vpush v13, $0xF  }
0x19f: {  	s15 =	simm.s32 $0x7E0;
	s6 =	simm.s32 $0x7D0;
	s5 =	simm.s32 $0x7C0;
	v15 =	vmctz.xlane vm15;
	v12 =	vor.u32 $0x80000000, v12  }
0x1a0: {  	p1 =	por $0x1, $0x1;
	p0 =	sgt.u32 s30, $0x80000000;
	s31 =	spop (v2sf)  }
0x1a1: {  	s1 =	simm.s32 $0x7B0;
	p0 =	por !p1, !p0;
	v14 =	vxor.u32 $0x80000000, v15;
	(xrf0) =	vmax.scan.msk.u32 $0xffff, v12;
	s2 =	sxor.u32 $0x7FFFFFFF, s31  }
0x1a2: {  	p0 =	por !p0, !p0;
	(xrf0) =	vmax.scan.msk.u32 $0xffff, v14;
	s10 =	sadd.s32 $0x800, s2;
	s2 =	simm.s32 $0x0;
	v12, _, _ =	vpop (xrf0)  }
.LBB2_16:
0x1a3: {  	p1 =	sne.s32 s1, $0x10;
	s0 =	simm.s32 @p0 $0x1;
	s2 =	smov.u32 @p0 s10  }
0x1a4: {  	(v2sf) =	vpush v12, $0xF;
	s3 =	smov.u32 s15;
	s15 =	smov.u32 s6;
	s6 =	smov.u32 s5  }
0x1a5: {  	s8 =	sadd.s32 $0xFFFFFFF0, s8;
	s5 =	smov.u32 s1;
	s1 =	sadd.s32 $0xFFFFFFF0, s1  }
0x1a6: {  	v12 =	vld [tilespmem:s8+$0x0]  }
0x1a7: {  	v13, _, _ =	vpop (xrf0);
	s4 =	spop (v2sf)  }
0x1a8: {  	v16 =	vxor.u32 $0x80000000, v13;
	s4 =	sadd.s32 s4, s9;
	v15, _, _ =	vpop (xrf0)  }
0x1a9: {  	(xrf0) =	vmax.scan.msk.u32 $0xffff, v16;
	s9 =	sadd.s32 $0x80000000, s4;
	(v2sf) =	vpush v15, $0xF;
	v14, _, _ =	vpop (xrf0)  }
0x1aa: {  	v15 =	vadd.s32 s9, v11;
	(v2sf) =	vpush v14, $0xF;
	v11 =	vmov v13  }
.Ltmp7:
0x1ab: {  	v12 =	vperm.xlane v12, v3;
	vm0 =	vge.s32 v15, v10;
	(pc) =	sbr.rel @p1 .LBB2_16-.Ltmp7, $4  }
0x1ac: {  	v13 =	vsel vm0, $0x1, v2;
	v14 =	vmctz.xlane vm0;
	s4 =	spop (v2sf)  }
0x1ad: {  	p2 =	seq.s32 s0, $0x0;
	(xrf0) =	vadd.scan.msk.s32 $0xffff, v12;
	v15 =	vor.u32 $0x80000000, v13;
	p0 =	sgt.u32 s4, $0x80000000;
	s4 =	spop (v2sf)  }
0x1ae: {  	v13 =	vxor.u32 $0x80000000, v14;
	(xrf0) =	vmax.scan.msk.u32 $0xffff, v15;
	s4 =	sxor.u32 $0x7FFFFFFF, s4;
	p0 =	por !p2, !p0  }
0x1af: {  	v12, _, _ =	vpop (xrf0);
	(xrf0) =	vmax.scan.msk.u32 $0xffff, v13;
	s10 =	sadd.s32 s4, s7;
	p0 =	por !p0, !p0;
	s7 =	smov.u32 s3  }
0x1b0: {  	(v2sf) =	vpush v12, $0xF;
	_ =	sdelay $0xb  }
0x1b1: {  	s1 =	spop (v2sf)  }
0x1b2: {  	s1 =	sadd.s32 s1, s9;
	s3 =	spop (v2sf)  }
0x1b3: {  	s1 =	sadd.s32 $0x80000000, s1;
	s4 =	spop (v2sf)  }
0x1b4: {  	v11 =	vadd.s32 s1, v11;
	s8 =	spop (v2sf)  }
0x1b5: {  	v60, _, _ =	vpop (xrf0);
	vm0 =	vge.s32 v11, v10;
	s1 =	sadd.s32 s8, s1  }
0x1b6: {  	v11 =	vxor.u32 $0x80000000, v60;
	v13 =	vsel vm0, $0x1, v2;
	s1 =	sadd.s32 $0x80000000, s1  }
0x1b7: {  	(xrf0) =	vmax.scan.msk.u32 $0xffff, v11;
	v61 =	vmctz.xlane vm0;
	v11 =	vor.u32 $0x80000000, v13;
	v12 =	vadd.s32 s1, v60  }
0x1b8: {  	(xrf0) =	vmax.scan.msk.u32 $0xffff, v11;
	vm15 =	vge.s32 v12, v10  }
0x1b9: {  	v11 =	vxor.u32 $0x80000000, v61;
	v10, _, _ =	vpop (xrf0);
	v12 =	vsel vm15, $0x1, v2  }
0x1ba: {  	v62 =	vmctz.xlane vm15;
	(v2sf) =	vpush v10, $0xF;
	v10 =	vor.u32 $0x80000000, v12  }
0x1bb: {  	(xrf0) =	vmax.scan.msk.u32 $0xffff, v11  }
0x1bc: {  	v11, _, _ =	vpop (xrf0);
	v63 =	vxor.u32 $0x80000000, v62;
	(xrf0) =	vmax.scan.msk.u32 $0xffff, v10  }
0x1bd: {  	(v2sf) =	vpush v11, $0xF;
	v10, _, _ =	vpop (xrf0);
	(xrf0) =	vmax.scan.msk.u32 $0xffff, v63  }
0x1be: {  	v11, _, _ =	vpop (xrf0);
	(v2sf) =	vpush v10, $0xF  }
0x1bf: {  	(v2sf) =	vpush v11, $0xF;
	_ =	sdelay $0x1  }
0x1c0: {  	v10, _, _ =	vpop (xrf0)  }
0x1c1: {  	(v2sf) =	vpush v10, $0xF;
	v10, _, _ =	vpop (xrf0)  }
0x1c2: {  	(v2sf) =	vpush v10, $0xF;
	v10, _, _ =	vpop (xrf0)  }
0x1c3: {  	(v2sf) =	vpush v10, $0xF;
	_ =	sdelay $0x1  }
0x1c4: {  	s0 =	simm.s32 @p0 $0x1  }
0x1c5: {  	p2 =	seq.s32 s0, $0x0;
	p1 =	sgt.u32 s3, $0x80000000  }
0x1c6: {  	p1 =	por !p2, !p1  }
0x1c7: {  	p1 =	por !p1, !p1  }
0x1c8: {  	s0 =	simm.s32 @p1 $0x1;
	s22 =	spop (v2sf)  }
0x1c9: {  	s2 =	smov.u32 @p0 s10;
	p5 =	seq.s32 s0, $0x0;
	p4 =	sgt.u32 s22, $0x80000000  }
0x1ca: {  	s25 =	sxor.u32 $0x7FFFFFFF, s4;
	s23 =	spop (v2sf);
	p0 =	por !p5, !p4  }
0x1cb: {  	s3 =	sadd.s32 s25, s7;
	p0 =	por !p0, !p0;
	s26 =	spop (v2sf)  }
0x1cc: {  	s1 =	simm.s32 $0x10040;
	s0 =	simm.s32 @p0 $0x1;
	s28 =	spop (v2sf)  }
0x1cd: {  	s4 =	sxor.u32 $0x7FFFFFFF, s23;
	p3 =	seq.s32 s0, $0x0;
	p6 =	sgt.u32 s28, $0x80000000  }
0x1ce: {  	s2 =	smov.u32 @p1 s3;
	[tilespmem:s1+$0xFFFFFFC0] =	vst v4;
	s3 =	sadd.s32 s4, s15;
	p4 =	por !p3, !p6  }
0x1cf: {  	[tilespmem:s1+$0x30] =	vst v4;
	s2 =	smov.u32 @p0 s3;
	s29 =	spop (v2sf);
	p0 =	por !p4, !p4  }
0x1d0: {  	[tilespmem:s1+$0x20] =	vst v4;
	s3 =	sxor.u32 $0x7FFFFFFF, s29;
	s30 =	spop (v2sf);
	s0 =	simm.s32 @p0 $0x1  }
0x1d1: {  	[tilespmem:s1+$0x10] =	vst v4;
	p5 =	sgt.u32 s30, $0x80000000;
	p6 =	seq.s32 s0, $0x0;
	s31 =	spop (v2sf)  }
0x1d2: {  	[tilespmem:s1+$0x0] =	vst v4;
	s3 =	sadd.s32 s3, s6;
	p1 =	por !p6, !p5;
	s0 =	sxor.u32 $0x7FFFFFFF, s31  }
0x1d3: {  	[tilespmem:s1+$0xFFFFFFF0] =	vst v4;
	s2 =	smov.u32 @p0 s3;
	s0 =	sadd.s32 s0, s5;
	p0 =	por !p1, !p1  }
0x1d4: {  	[tilespmem:s1+$0xFFFFFFE0] =	vst v4;
	s2 =	smov.u32 @p0 s0;
	s0 =	simm.s32 $0x0  }
.LBB2_18:
0x1d5: {  	s0 =	sadd.s32 $0x8, s0;
	[tilespmem:s1+$0xFFFFFFD0] =	vst v4;
	s1 =	sadd.s32 $0x80, s1  }
0x1d6: {  	[tilespmem:s1+$0xFFFFFFC0] =	vst v4;
	p0 =	slt.u32 s0, $0x78  }
0x1d7: {  	[tilespmem:s1+$0x30] =	vst v4  }
.Ltmp8:
0x1d8: {  	[tilespmem:s1+$0x20] =	vst v4;
	(pc) =	sbr.rel @p0 .LBB2_18-.Ltmp8, $4  }
0x1d9: {  	[tilespmem:s1+$0x10] =	vst v4  }
0x1da: {  	[tilespmem:s1+$0x0] =	vst v4  }
0x1db: {  	[tilespmem:s1+$0xFFFFFFF0] =	vst v4  }
0x1dc: {  	[tilespmem:s1+$0xFFFFFFE0] =	vst v4  }
0x1dd: {  	[tilespmem:s1+$0xFFFFFFD0] =	vst v4;
	s4 =	simm.s32 $0x1  }
0x1de: {  	_ =	swait.ge [sflag:s4], $0x4000  }
0x1df: {  	[sflag:s4] =	ssyncset.done $0x0  }
0x1e0: {  	[sflag:s4] =	ssyncadd.s32 $0xFFFFC000  }
0x1e1: {  	_ =	swait.ge [sflag:s4], $0x4000  }
0x1e2: {  	s3 =	simm.s32 $0x0;
	[sflag:s4] =	ssyncset.done $0x0  }
0x1e3: {  	s6 =	simm.s32 $0x4000;
	s0 =	rddreg [dreg:$0x6];
	[sflag:s4] =	ssyncadd.s32 $0xFFFFC000  }
0x1e4: {  	[tilespmem:s6], [sflag:$0x1] =	stream.linear.gather [hbm4b:s0+s3], $0x4000, $0x38;
	[tilespmem:$0x15480] =	vst v63  }
0x1e5: {  	s7 =	simm.s32 $0xC000;
	s30 =	rddreg [dreg:$0x7];
	s0 =	simm.s32 $0x40  }
0x1e6: {  	[tilespmem:s7], [sflag:$0x1] =	stream.linear.gather [hbm4b:s30+s3], $0x4000, $0x38;
	[tilespmem:$0x15480] =	vst v63  }
0x1e7: {  	v11 =	vld [tilespmem:s0+$0xFFFFFFC0]  }
0x1e8: {  	v12 =	vld [tilespmem:s0+$0x20]  }
0x1e9: {  	v23 =	vld [tilespmem:s0+$0x0]  }
0x1ea: {  	v24 =	vld [tilespmem:s0+$0xFFFFFFE0]  }
0x1eb: {  	s31 =	sshll.u32 s24, $0xB  }
0x1ec: {  	s1 =	sadd.s32 s31, s2;
	v14 =	vld [tilespmem:s0+$0x10]  }
0x1ed: {  	v10 =	vmov s1;
	v15 =	vshra.s32 v11, $0xA;
	v11 =	vand.u32 $0x1F, v11  }
0x1ee: {  	v25 =	vand.u32 $0x1F, v12;
	v12 =	vshra.s32 v12, $0xA;
	v17 =	vshra.s32 v23, $0xA  }
0x1ef: {  	v23 =	vand.u32 $0x1F, v23;
	v28 =	vand.u32 $0x1F, v24;
	vm0 =	vgt.s32 v15, v10  }
0x1f0: {  	v11 =	vor.u32 v5, v11;
	vm1 =	vge.s32 v15, v10;
	vm5 =	vgt.s32 v12, v10  }
0x1f1: {  	v13 =	vld [tilespmem:s0+$0xFFFFFFD0];
	vm2 =	vge.s32 v12, v10;
	v12 =	vand.u32 $0x1F, v14;
	v27 =	vor.u32 v5, v25  }
0x1f2: {  	s2 =	simm.s32 $0x8040;
	v21 =	vld [tilespmem:s0+$0xFFFFFFF0];
	v28 =	vor.u32 v5, v28;
	v31 =	vor.u32 v5, v23;
	v15 =	vsel vm0, v1, v6  }
0x1f3: {  	v18 =	vld [tilespmem:s2+$0xFFFFFFC0];
	v16 =	vsel vm0, v9, v8;
	v19 =	vsel vm5, v9, v8;
	v20 =	vor.u32 v5, v12  }
0x1f4: {  	v34 =	vld [tilespmem:s0+$0x30];
	v25 =	vsel vm5, v1, v6;
	vm5 =	vgt.s32 v17, v10;
	v15 =	vor.u32 v11, v15  }
0x1f5: {  	v12 =	vld [tilespmem:s2+$0x30];
	v11 =	vor.u32 v11, v16;
	v16 =	vshra.s32 v14, $0xA;
	v14 =	vshra.s32 v24, $0xA  }
0x1f6: {  	v32 =	vor.u32 v27, v25;
	v33 =	vsel vm5, v1, v6;
	v25 =	vld [tilespmem:s2+$0x10];
	vm4 =	vgt.s32 v14, v10  }
0x1f7: {  	vm6 =	vgt.s32 v16, v10;
	vm0 =	vge.s32 v14, v10;
	v14 =	vld [tilespmem:s2+$0xFFFFFFF0];
	v30 =	vsel vm4, v1, v6  }
0x1f8: {  	vm3 =	vge.s32 v16, v10;
	v16 =	vshra.s32 v21, $0xA;
	v23 =	vor.u32 v28, v30;
	v30 =	vld [tilespmem:s2+$0x20]  }
0x1f9: {  	v36 =	vand.u32 $0x1F, v21;
	vm7 =	vgt.s32 v16, v10;
	v22 =	vsel vm6, v9, v8;
	[tilespmem:v15+s21+$0x0] =	vst.idx.add.f32.msk vm1, v7  }
0x1fa: {  	v37 =	vsel vm6, v1, v6;
	v15 =	vand.u32 $0x1F, v13;
	v13 =	vshra.s32 v13, $0xA;
	[tilespmem:v11+s21+$0x0] =	vst.idx.add.f32.msk vm1, v18  }
0x1fb: {  	v35 =	vsel vm7, v1, v6;
	v18 =	vsel vm7, v9, v8;
	v11 =	vld [tilespmem:s2+$0xFFFFFFD0];
	vm8 =	vgt.s32 v13, v10  }
0x1fc: {  	vm1 =	vge.s32 v13, v10;
	v13 =	vld [tilespmem:s2+$0xFFFFFFE0];
	v26 =	vor.u32 v5, v15;
	v29 =	vsel vm8, v1, v6  }
0x1fd: {  	s5 =	simm.s32 $0x0;
	v15 =	vld [tilespmem:s2+$0x0];
	v24 =	vsel vm8, v9, v8;
	s9 =	rddreg [dreg:$0x2];
	v21 =	vor.u32 v26, v29;
	v29 =	vor.u32 v20, v37  }
.LBB2_20:
0x1fe: {  	s5 =	sadd.s32 $0x8, s5;
	v36 =	vor.u32 v5, v36;
	v37 =	vsel vm5, v9, v8;
	[tilespmem:v32+s21+$0x0] =	vst.idx.add.f32.msk vm2, v7;
	s0 =	sadd.s32 $0x80, s0;
	s2 =	sadd.s32 $0x80, s2  }
0x1ff: {  	v19 =	vor.u32 v27, v19;
	v32 =	vld [tilespmem:s0+$0xFFFFFFD0];
	p0 =	slt.u32 s5, $0x3F8;
	v35 =	vor.u32 v36, v35;
	v37 =	vor.u32 v31, v37  }
0x200: {  	vm5 =	vge.s32 v17, v10;
	v17 =	vor.u32 v20, v22;
	v18 =	vor.u32 v36, v18;
	v38 =	vld [tilespmem:s0+$0xFFFFFFE0]  }
0x201: {  	v20 =	vor.u32 v26, v24;
	v24 =	vor.u32 v31, v33;
	v22 =	vld [tilespmem:s2+$0xFFFFFFC0];
	v26 =	vand.u32 $0x1F, v34  }
0x202: {  	v27 =	vsel vm4, v9, v8;
	v33 =	vshra.s32 v34, $0xA;
	v31 =	vld [tilespmem:s0+$0xFFFFFFF0];
	v26 =	vor.u32 v5, v26  }
0x203: {  	vm6 =	vge.s32 v16, v10;
	v27 =	vor.u32 v28, v27;
	vm7 =	vgt.s32 v33, v10;
	v34 =	vld [tilespmem:s0+$0x0]  }
0x204: {  	vm4 =	vge.s32 v33, v10;
	v28 =	vsel vm7, v1, v6;
	v16 =	vld [tilespmem:s0+$0xFFFFFFC0]  }
0x205: {  	v36 =	vsel vm7, v9, v8;
	v28 =	vor.u32 v26, v28;
	v33 =	vld [tilespmem:s0+$0x10]  }
0x206: {  	v26 =	vor.u32 v26, v36;
	v39 =	vld [tilespmem:s0+$0x20]  }
0x207: {  	[tilespmem:v29+s21+$0x0] =	vst.idx.add.f32.msk vm3, v7  }
0x208: {  	[tilespmem:v19+s21+$0x0] =	vst.idx.add.f32.msk vm2, v30  }
0x209: {  	v19 =	vshra.s32 v16, $0xA;
	[tilespmem:v17+s21+$0x0] =	vst.idx.add.f32.msk vm3, v25  }
0x20a: {  	vm2 =	vgt.s32 v19, v10;
	[tilespmem:v24+s21+$0x0] =	vst.idx.add.f32.msk vm5, v7  }
0x20b: {  	v17 =	vsel vm2, v9, v8;
	[tilespmem:v35+s21+$0x0] =	vst.idx.add.f32.msk vm6, v7  }
0x20c: {  	v16 =	vand.u32 $0x1F, v16;
	[tilespmem:v23+s21+$0x0] =	vst.idx.add.f32.msk vm0, v7  }
0x20d: {  	v16 =	vor.u32 v5, v16;
	[tilespmem:v21+s21+$0x0] =	vst.idx.add.f32.msk vm1, v7  }
0x20e: {  	vm8 =	vge.s32 v19, v10;
	v19 =	vsel vm2, v1, v6;
	[tilespmem:v28+s21+$0x0] =	vst.idx.add.f32.msk vm4, v7  }
0x20f: {  	v21 =	vor.u32 v16, v19;
	[tilespmem:v18+s21+$0x0] =	vst.idx.add.f32.msk vm6, v14  }
0x210: {  	v23 =	vand.u32 $0x1F, v39;
	v14 =	vor.u32 v16, v17;
	v16 =	vshra.s32 v39, $0xA;
	[tilespmem:v37+s21+$0x0] =	vst.idx.add.f32.msk vm5, v15  }
0x211: {  	v15 =	vshra.s32 v33, $0xA;
	vm5 =	vgt.s32 v16, v10;
	vm2 =	vge.s32 v16, v10;
	[tilespmem:v26+s21+$0x0] =	vst.idx.add.f32.msk vm4, v12  }
0x212: {  	v12 =	vand.u32 $0x1F, v33;
	vm6 =	vgt.s32 v15, v10;
	vm3 =	vge.s32 v15, v10;
	[tilespmem:v20+s21+$0x0] =	vst.idx.add.f32.msk vm1, v11  }
0x213: {  	v17 =	vshra.s32 v34, $0xA;
	v16 =	vshra.s32 v31, $0xA;
	v19 =	vsel vm5, v9, v8;
	[tilespmem:v27+s21+$0x0] =	vst.idx.add.f32.msk vm0, v13  }
0x214: {  	vm7 =	vgt.s32 v16, v10;
	v20 =	vor.u32 v5, v12;
	v13 =	vshra.s32 v38, $0xA;
	[tilespmem:v21+s21+$0x0] =	vst.idx.add.f32.msk vm8, v7  }
0x215: {  	v15 =	vand.u32 $0x1F, v32;
	v18 =	vsel vm7, v9, v8;
	[tilespmem:v14+s21+$0x0] =	vst.idx.add.f32.msk vm8, v22;
	v22 =	vsel vm6, v9, v8  }
0x216: {  	v27 =	vor.u32 v5, v23;
	vm0 =	vge.s32 v13, v10;
	v21 =	vand.u32 $0x1F, v34;
	v12 =	vld [tilespmem:s2+$0x30]  }
0x217: {  	v23 =	vand.u32 $0x1F, v38;
	vm4 =	vgt.s32 v13, v10;
	v14 =	vshra.s32 v32, $0xA;
	v11 =	vld [tilespmem:s2+$0xFFFFFFD0]  }
0x218: {  	v25 =	vsel vm5, v1, v6;
	vm8 =	vgt.s32 v14, v10;
	vm1 =	vge.s32 v14, v10;
	v13 =	vld [tilespmem:s2+$0xFFFFFFE0]  }
.Ltmp9:
0x219: {  	v32 =	vor.u32 v27, v25;
	v29 =	vsel vm8, v1, v6;
	v24 =	vsel vm8, v9, v8;
	v14 =	vld [tilespmem:s2+$0xFFFFFFF0];
	(pc) =	sbr.rel @p0 .LBB2_20-.Ltmp9, $4  }
0x21a: {  	v36 =	vand.u32 $0x1F, v31;
	vm5 =	vgt.s32 v17, v10;
	v26 =	vor.u32 v5, v15;
	v15 =	vld [tilespmem:s2+$0x0]  }
0x21b: {  	v35 =	vsel vm7, v1, v6;
	v33 =	vsel vm5, v1, v6;
	v30 =	vsel vm4, v1, v6;
	v25 =	vld [tilespmem:s2+$0x10]  }
0x21c: {  	v37 =	vsel vm6, v1, v6;
	v28 =	vor.u32 v5, v23;
	v31 =	vor.u32 v5, v21;
	v34 =	vld [tilespmem:s0+$0x30]  }
0x21d: {  	v23 =	vor.u32 v28, v30;
	v21 =	vor.u32 v26, v29;
	v29 =	vor.u32 v20, v37;
	v30 =	vld [tilespmem:s2+$0x20]  }
0x21e: {  	_ =	sdelay $0x3  }
0x21f: {  	v19 =	vor.u32 v27, v19;
	vm6 =	vge.s32 v17, v10  }
0x220: {  	v17 =	vor.u32 v20, v22;
	v20 =	vor.u32 v5, v36;
	[tilespmem:v32+s21+$0x0] =	vst.idx.add.f32.msk vm2, v7  }
0x221: {  	v22 =	vor.u32 v31, v33;
	vm7 =	vge.s32 v16, v10;
	[tilespmem:v29+s21+$0x0] =	vst.idx.add.f32.msk vm3, v7  }
0x222: {  	[tilespmem:v23+s21+$0x0] =	vst.idx.add.f32.msk vm0, v7;
	v16 =	vor.u32 v20, v35;
	v27 =	vand.u32 $0x1F, v34;
	v63 =	vshra.s32 v34, $0xA  }
0x223: {  	v18 =	vor.u32 v20, v18;
	v27 =	vor.u32 v5, v27;
	vm8 =	vgt.s32 v63, v10  }
0x224: {  	[tilespmem:v19+s21+$0x0] =	vst.idx.add.f32.msk vm2, v30;
	vm2 =	vge.s32 v63, v10;
	v19 =	vsel vm8, v1, v6  }
0x225: {  	[tilespmem:v17+s21+$0x0] =	vst.idx.add.f32.msk vm3, v25;
	v17 =	vsel vm5, v9, v8;
	v19 =	vor.u32 v27, v19  }
0x226: {  	[tilespmem:v21+s21+$0x0] =	vst.idx.add.f32.msk vm1, v7;
	v20 =	vsel vm8, v9, v8;
	v17 =	vor.u32 v31, v17  }
0x227: {  	[tilespmem:v16+s21+$0x0] =	vst.idx.add.f32.msk vm7, v7;
	v16 =	vor.u32 v27, v20;
	v20 =	vor.u32 v26, v24  }
0x228: {  	[tilespmem:v22+s21+$0x0] =	vst.idx.add.f32.msk vm6, v7;
	v22 =	vsel vm4, v9, v8  }
0x229: {  	v21 =	vor.u32 v28, v22;
	[tilespmem:v18+s21+$0x0] =	vst.idx.add.f32.msk vm7, v14  }
0x22a: {  	[tilespmem:v19+s21+$0x0] =	vst.idx.add.f32.msk vm2, v7  }
0x22b: {  	[tilespmem:v17+s21+$0x0] =	vst.idx.add.f32.msk vm6, v15  }
0x22c: {  	[tilespmem:v20+s21+$0x0] =	vst.idx.add.f32.msk vm1, v11  }
0x22d: {  	[tilespmem:v16+s21+$0x0] =	vst.idx.add.f32.msk vm2, v12  }
0x22e: {  	[tilespmem:v21+s21+$0x0] =	vst.idx.add.f32.msk vm0, v13  }
0x22f: {  	_ =	swait.ge [sflag:s4], $0x4000  }
0x230: {  	[sflag:s4] =	ssyncset.done $0x0  }
0x231: {  	[sflag:s4] =	ssyncadd.s32 $0xFFFFC000  }
0x232: {  	_ =	swait.ge [sflag:s4], $0x4000  }
0x233: {  	[sflag:s4] =	ssyncset.done $0x0  }
0x234: {  	s0 =	rddreg [dreg:$0x8];
	[sflag:s4] =	ssyncadd.s32 $0xFFFFC000  }
0x235: {  	[tilespmem:s3], [sflag:$0x1] =	stream.linear.gather [hbm4b:s0+s3], $0x4000, $0x38;
	[tilespmem:$0x15480] =	vst v63  }
0x236: {  	s1 =	simm.s32 $0x8000;
	s31 =	rddreg [dreg:$0x9];
	s0 =	simm.s32 $0x4040  }
0x237: {  	[tilespmem:s1], [sflag:$0x1] =	stream.linear.gather [hbm4b:s31+s3], $0x4000, $0x38;
	[tilespmem:$0x15480] =	vst v63  }
0x238: {  	v11 =	vld [tilespmem:s0+$0xFFFFFFC0]  }
0x239: {  	v12 =	vld [tilespmem:s0+$0x20]  }
0x23a: {  	v23 =	vld [tilespmem:s0+$0x0]  }
0x23b: {  	v24 =	vld [tilespmem:s0+$0xFFFFFFE0];
	_ =	sdelay $0x1  }
0x23c: {  	v14 =	vld [tilespmem:s0+$0x10]  }
0x23d: {  	v15 =	vshra.s32 v11, $0xA;
	v11 =	vand.u32 $0x1F, v11  }
0x23e: {  	v25 =	vand.u32 $0x1F, v12;
	v12 =	vshra.s32 v12, $0xA;
	v17 =	vshra.s32 v23, $0xA  }
0x23f: {  	v23 =	vand.u32 $0x1F, v23;
	v28 =	vand.u32 $0x1F, v24;
	vm0 =	vgt.s32 v15, v10  }
0x240: {  	v11 =	vor.u32 v5, v11;
	vm1 =	vge.s32 v15, v10;
	vm5 =	vgt.s32 v12, v10  }
0x241: {  	v13 =	vld [tilespmem:s0+$0xFFFFFFD0];
	vm2 =	vge.s32 v12, v10;
	v12 =	vand.u32 $0x1F, v14;
	v27 =	vor.u32 v5, v25  }
0x242: {  	s2 =	simm.s32 $0xC040;
	v21 =	vld [tilespmem:s0+$0xFFFFFFF0];
	v28 =	vor.u32 v5, v28;
	v31 =	vor.u32 v5, v23;
	v15 =	vsel vm0, v1, v6  }
0x243: {  	v18 =	vld [tilespmem:s2+$0xFFFFFFC0];
	v16 =	vsel vm0, v9, v8;
	v19 =	vsel vm5, v9, v8;
	v20 =	vor.u32 v5, v12  }
0x244: {  	v34 =	vld [tilespmem:s0+$0x30];
	v25 =	vsel vm5, v1, v6;
	vm5 =	vgt.s32 v17, v10;
	v15 =	vor.u32 v11, v15  }
0x245: {  	v12 =	vld [tilespmem:s2+$0x30];
	v11 =	vor.u32 v11, v16;
	v16 =	vshra.s32 v14, $0xA;
	v14 =	vshra.s32 v24, $0xA  }
0x246: {  	v32 =	vor.u32 v27, v25;
	v33 =	vsel vm5, v1, v6;
	v25 =	vld [tilespmem:s2+$0x10];
	vm4 =	vgt.s32 v14, v10  }
0x247: {  	vm6 =	vgt.s32 v16, v10;
	vm0 =	vge.s32 v14, v10;
	v14 =	vld [tilespmem:s2+$0xFFFFFFF0];
	v30 =	vsel vm4, v1, v6  }
0x248: {  	vm3 =	vge.s32 v16, v10;
	v16 =	vshra.s32 v21, $0xA;
	v23 =	vor.u32 v28, v30;
	v30 =	vld [tilespmem:s2+$0x20]  }
0x249: {  	v36 =	vand.u32 $0x1F, v21;
	vm7 =	vgt.s32 v16, v10;
	v22 =	vsel vm6, v9, v8;
	[tilespmem:v15+s21+$0x0] =	vst.idx.add.f32.msk vm1, v7  }
0x24a: {  	v37 =	vsel vm6, v1, v6;
	v15 =	vand.u32 $0x1F, v13;
	v13 =	vshra.s32 v13, $0xA;
	[tilespmem:v11+s21+$0x0] =	vst.idx.add.f32.msk vm1, v18  }
0x24b: {  	v35 =	vsel vm7, v1, v6;
	v18 =	vsel vm7, v9, v8;
	v11 =	vld [tilespmem:s2+$0xFFFFFFD0];
	vm15 =	vgt.s32 v13, v10  }
0x24c: {  	vm1 =	vge.s32 v13, v10;
	v13 =	vld [tilespmem:s2+$0xFFFFFFE0];
	v26 =	vor.u32 v5, v15;
	v29 =	vsel vm15, v1, v6  }
0x24d: {  	s5 =	simm.s32 $0x0;
	v15 =	vld [tilespmem:s2+$0x0];
	v24 =	vsel vm15, v9, v8;
	v21 =	vor.u32 v26, v29;
	v29 =	vor.u32 v20, v37  }
.LBB2_22:
0x24e: {  	s5 =	sadd.s32 $0x8, s5;
	v36 =	vor.u32 v5, v36;
	v37 =	vsel vm5, v9, v8;
	[tilespmem:v32+s21+$0x0] =	vst.idx.add.f32.msk vm2, v7;
	s0 =	sadd.s32 $0x80, s0;
	s2 =	sadd.s32 $0x80, s2  }
0x24f: {  	v19 =	vor.u32 v27, v19;
	v32 =	vld [tilespmem:s0+$0xFFFFFFD0];
	p0 =	slt.u32 s5, $0x3F8;
	v35 =	vor.u32 v36, v35;
	v37 =	vor.u32 v31, v37  }
0x250: {  	vm5 =	vge.s32 v17, v10;
	v17 =	vor.u32 v20, v22;
	v18 =	vor.u32 v36, v18;
	v38 =	vld [tilespmem:s0+$0xFFFFFFE0]  }
0x251: {  	v20 =	vor.u32 v26, v24;
	v24 =	vor.u32 v31, v33;
	v22 =	vld [tilespmem:s2+$0xFFFFFFC0];
	v26 =	vand.u32 $0x1F, v34  }
0x252: {  	v27 =	vsel vm4, v9, v8;
	v33 =	vshra.s32 v34, $0xA;
	v31 =	vld [tilespmem:s0+$0xFFFFFFF0];
	v26 =	vor.u32 v5, v26  }
0x253: {  	vm6 =	vge.s32 v16, v10;
	v27 =	vor.u32 v28, v27;
	vm7 =	vgt.s32 v33, v10;
	v34 =	vld [tilespmem:s0+$0x0]  }
0x254: {  	vm4 =	vge.s32 v33, v10;
	v28 =	vsel vm7, v1, v6;
	v16 =	vld [tilespmem:s0+$0xFFFFFFC0]  }
0x255: {  	v36 =	vsel vm7, v9, v8;
	v28 =	vor.u32 v26, v28;
	v33 =	vld [tilespmem:s0+$0x10]  }
0x256: {  	v26 =	vor.u32 v26, v36;
	v39 =	vld [tilespmem:s0+$0x20]  }
0x257: {  	[tilespmem:v29+s21+$0x0] =	vst.idx.add.f32.msk vm3, v7  }
0x258: {  	[tilespmem:v19+s21+$0x0] =	vst.idx.add.f32.msk vm2, v30  }
0x259: {  	v19 =	vshra.s32 v16, $0xA;
	[tilespmem:v17+s21+$0x0] =	vst.idx.add.f32.msk vm3, v25  }
0x25a: {  	vm2 =	vgt.s32 v19, v10;
	[tilespmem:v24+s21+$0x0] =	vst.idx.add.f32.msk vm5, v7  }
0x25b: {  	v17 =	vsel vm2, v9, v8;
	[tilespmem:v35+s21+$0x0] =	vst.idx.add.f32.msk vm6, v7  }
0x25c: {  	v16 =	vand.u32 $0x1F, v16;
	[tilespmem:v23+s21+$0x0] =	vst.idx.add.f32.msk vm0, v7  }
0x25d: {  	v16 =	vor.u32 v5, v16;
	[tilespmem:v21+s21+$0x0] =	vst.idx.add.f32.msk vm1, v7  }
0x25e: {  	vm8 =	vge.s32 v19, v10;
	v19 =	vsel vm2, v1, v6;
	[tilespmem:v28+s21+$0x0] =	vst.idx.add.f32.msk vm4, v7  }
0x25f: {  	v21 =	vor.u32 v16, v19;
	[tilespmem:v18+s21+$0x0] =	vst.idx.add.f32.msk vm6, v14  }
0x260: {  	v23 =	vand.u32 $0x1F, v39;
	v14 =	vor.u32 v16, v17;
	v16 =	vshra.s32 v39, $0xA;
	[tilespmem:v37+s21+$0x0] =	vst.idx.add.f32.msk vm5, v15  }
0x261: {  	v15 =	vshra.s32 v33, $0xA;
	vm5 =	vgt.s32 v16, v10;
	vm2 =	vge.s32 v16, v10;
	[tilespmem:v26+s21+$0x0] =	vst.idx.add.f32.msk vm4, v12  }
0x262: {  	v12 =	vand.u32 $0x1F, v33;
	vm6 =	vgt.s32 v15, v10;
	vm3 =	vge.s32 v15, v10;
	[tilespmem:v20+s21+$0x0] =	vst.idx.add.f32.msk vm1, v11  }
0x263: {  	v17 =	vshra.s32 v34, $0xA;
	v16 =	vshra.s32 v31, $0xA;
	v19 =	vsel vm5, v9, v8;
	[tilespmem:v27+s21+$0x0] =	vst.idx.add.f32.msk vm0, v13  }
0x264: {  	vm7 =	vgt.s32 v16, v10;
	v20 =	vor.u32 v5, v12;
	v13 =	vshra.s32 v38, $0xA;
	[tilespmem:v21+s21+$0x0] =	vst.idx.add.f32.msk vm8, v7  }
0x265: {  	v15 =	vand.u32 $0x1F, v32;
	v18 =	vsel vm7, v9, v8;
	[tilespmem:v14+s21+$0x0] =	vst.idx.add.f32.msk vm8, v22;
	v22 =	vsel vm6, v9, v8  }
0x266: {  	v27 =	vor.u32 v5, v23;
	vm0 =	vge.s32 v13, v10;
	v21 =	vand.u32 $0x1F, v34;
	v12 =	vld [tilespmem:s2+$0x30]  }
0x267: {  	v23 =	vand.u32 $0x1F, v38;
	vm4 =	vgt.s32 v13, v10;
	v14 =	vshra.s32 v32, $0xA;
	v11 =	vld [tilespmem:s2+$0xFFFFFFD0]  }
0x268: {  	v25 =	vsel vm5, v1, v6;
	vm8 =	vgt.s32 v14, v10;
	vm1 =	vge.s32 v14, v10;
	v13 =	vld [tilespmem:s2+$0xFFFFFFE0]  }
.Ltmp10:
0x269: {  	v32 =	vor.u32 v27, v25;
	v29 =	vsel vm8, v1, v6;
	v24 =	vsel vm8, v9, v8;
	v14 =	vld [tilespmem:s2+$0xFFFFFFF0];
	(pc) =	sbr.rel @p0 .LBB2_22-.Ltmp10, $4  }
0x26a: {  	v36 =	vand.u32 $0x1F, v31;
	vm5 =	vgt.s32 v17, v10;
	v26 =	vor.u32 v5, v15;
	v15 =	vld [tilespmem:s2+$0x0]  }
0x26b: {  	v35 =	vsel vm7, v1, v6;
	v33 =	vsel vm5, v1, v6;
	v30 =	vsel vm4, v1, v6;
	v25 =	vld [tilespmem:s2+$0x10]  }
0x26c: {  	v37 =	vsel vm6, v1, v6;
	v28 =	vor.u32 v5, v23;
	v31 =	vor.u32 v5, v21;
	v34 =	vld [tilespmem:s0+$0x30]  }
0x26d: {  	v23 =	vor.u32 v28, v30;
	v21 =	vor.u32 v26, v29;
	v29 =	vor.u32 v20, v37;
	v30 =	vld [tilespmem:s2+$0x20]  }
0x26e: {  	_ =	sdelay $0x3  }
0x26f: {  	v19 =	vor.u32 v27, v19;
	vm6 =	vge.s32 v17, v10  }
0x270: {  	v17 =	vor.u32 v20, v22;
	v20 =	vor.u32 v5, v36;
	[tilespmem:v32+s21+$0x0] =	vst.idx.add.f32.msk vm2, v7  }
0x271: {  	v22 =	vor.u32 v31, v33;
	vm7 =	vge.s32 v16, v10;
	[tilespmem:v29+s21+$0x0] =	vst.idx.add.f32.msk vm3, v7  }
0x272: {  	[tilespmem:v23+s21+$0x0] =	vst.idx.add.f32.msk vm0, v7;
	v16 =	vor.u32 v20, v35;
	v27 =	vand.u32 $0x1F, v34;
	v63 =	vshra.s32 v34, $0xA  }
0x273: {  	v18 =	vor.u32 v20, v18;
	v27 =	vor.u32 v5, v27;
	vm8 =	vgt.s32 v63, v10  }
0x274: {  	[tilespmem:v19+s21+$0x0] =	vst.idx.add.f32.msk vm2, v30;
	vm2 =	vge.s32 v63, v10;
	v19 =	vsel vm8, v1, v6  }
0x275: {  	[tilespmem:v17+s21+$0x0] =	vst.idx.add.f32.msk vm3, v25;
	v17 =	vsel vm5, v9, v8;
	v19 =	vor.u32 v27, v19  }
0x276: {  	[tilespmem:v21+s21+$0x0] =	vst.idx.add.f32.msk vm1, v7;
	v20 =	vsel vm8, v9, v8;
	v17 =	vor.u32 v31, v17  }
0x277: {  	[tilespmem:v16+s21+$0x0] =	vst.idx.add.f32.msk vm7, v7;
	v16 =	vor.u32 v27, v20;
	v20 =	vor.u32 v26, v24  }
0x278: {  	[tilespmem:v22+s21+$0x0] =	vst.idx.add.f32.msk vm6, v7;
	v22 =	vsel vm4, v9, v8  }
0x279: {  	v21 =	vor.u32 v28, v22;
	[tilespmem:v18+s21+$0x0] =	vst.idx.add.f32.msk vm7, v14  }
0x27a: {  	[tilespmem:v19+s21+$0x0] =	vst.idx.add.f32.msk vm2, v7  }
0x27b: {  	[tilespmem:v17+s21+$0x0] =	vst.idx.add.f32.msk vm6, v15  }
0x27c: {  	[tilespmem:v20+s21+$0x0] =	vst.idx.add.f32.msk vm1, v11  }
0x27d: {  	[tilespmem:v16+s21+$0x0] =	vst.idx.add.f32.msk vm2, v12  }
0x27e: {  	[tilespmem:v21+s21+$0x0] =	vst.idx.add.f32.msk vm0, v13  }
0x27f: {  	_ =	swait.ge [sflag:s4], $0x4000  }
0x280: {  	[sflag:s4] =	ssyncset.done $0x0  }
0x281: {  	[sflag:s4] =	ssyncadd.s32 $0xFFFFC000  }
0x282: {  	_ =	swait.ge [sflag:s4], $0x4000  }
0x283: {  	[sflag:s4] =	ssyncset.done $0x0  }
0x284: {  	s0 =	rddreg [dreg:$0xa];
	[sflag:s4] =	ssyncadd.s32 $0xFFFFC000  }
0x285: {  	[tilespmem:s6], [sflag:$0x1] =	stream.linear.gather [hbm4b:s0+s3], $0x4000, $0x38;
	[tilespmem:$0x15480] =	vst v63  }
0x286: {  	s31 =	rddreg [dreg:$0xb];
	s0 =	simm.s32 $0x40  }
0x287: {  	[tilespmem:s7], [sflag:$0x1] =	stream.linear.gather [hbm4b:s31+s3], $0x4000, $0x38;
	[tilespmem:$0x15480] =	vst v63  }
0x288: {  	v11 =	vld [tilespmem:s0+$0xFFFFFFC0]  }
0x289: {  	v12 =	vld [tilespmem:s0+$0x20]  }
0x28a: {  	v23 =	vld [tilespmem:s0+$0x0]  }
0x28b: {  	v24 =	vld [tilespmem:s0+$0xFFFFFFE0];
	_ =	sdelay $0x1  }
0x28c: {  	v14 =	vld [tilespmem:s0+$0x10]  }
0x28d: {  	v15 =	vshra.s32 v11, $0xA;
	v11 =	vand.u32 $0x1F, v11  }
0x28e: {  	v25 =	vand.u32 $0x1F, v12;
	v12 =	vshra.s32 v12, $0xA;
	v17 =	vshra.s32 v23, $0xA  }
0x28f: {  	v23 =	vand.u32 $0x1F, v23;
	v28 =	vand.u32 $0x1F, v24;
	vm0 =	vgt.s32 v15, v10  }
0x290: {  	v11 =	vor.u32 v5, v11;
	vm1 =	vge.s32 v15, v10;
	vm5 =	vgt.s32 v12, v10  }
0x291: {  	v13 =	vld [tilespmem:s0+$0xFFFFFFD0];
	vm2 =	vge.s32 v12, v10;
	v12 =	vand.u32 $0x1F, v14;
	v27 =	vor.u32 v5, v25  }
0x292: {  	s2 =	simm.s32 $0x8040;
	v21 =	vld [tilespmem:s0+$0xFFFFFFF0];
	v28 =	vor.u32 v5, v28;
	v31 =	vor.u32 v5, v23;
	v15 =	vsel vm0, v1, v6  }
0x293: {  	v18 =	vld [tilespmem:s2+$0xFFFFFFC0];
	v16 =	vsel vm0, v9, v8;
	v19 =	vsel vm5, v9, v8;
	v20 =	vor.u32 v5, v12  }
0x294: {  	v34 =	vld [tilespmem:s0+$0x30];
	v25 =	vsel vm5, v1, v6;
	vm5 =	vgt.s32 v17, v10;
	v15 =	vor.u32 v11, v15  }
0x295: {  	v12 =	vld [tilespmem:s2+$0x30];
	v11 =	vor.u32 v11, v16;
	v16 =	vshra.s32 v14, $0xA;
	v14 =	vshra.s32 v24, $0xA  }
0x296: {  	v32 =	vor.u32 v27, v25;
	v33 =	vsel vm5, v1, v6;
	v25 =	vld [tilespmem:s2+$0x10];
	vm4 =	vgt.s32 v14, v10  }
0x297: {  	vm6 =	vgt.s32 v16, v10;
	vm0 =	vge.s32 v14, v10;
	v14 =	vld [tilespmem:s2+$0xFFFFFFF0];
	v30 =	vsel vm4, v1, v6  }
0x298: {  	vm3 =	vge.s32 v16, v10;
	v16 =	vshra.s32 v21, $0xA;
	v23 =	vor.u32 v28, v30;
	v30 =	vld [tilespmem:s2+$0x20]  }
0x299: {  	v36 =	vand.u32 $0x1F, v21;
	vm7 =	vgt.s32 v16, v10;
	v22 =	vsel vm6, v9, v8;
	[tilespmem:v15+s21+$0x0] =	vst.idx.add.f32.msk vm1, v7  }
0x29a: {  	v37 =	vsel vm6, v1, v6;
	v15 =	vand.u32 $0x1F, v13;
	v13 =	vshra.s32 v13, $0xA;
	[tilespmem:v11+s21+$0x0] =	vst.idx.add.f32.msk vm1, v18  }
0x29b: {  	v35 =	vsel vm7, v1, v6;
	v18 =	vsel vm7, v9, v8;
	v11 =	vld [tilespmem:s2+$0xFFFFFFD0];
	vm15 =	vgt.s32 v13, v10  }
0x29c: {  	vm1 =	vge.s32 v13, v10;
	v13 =	vld [tilespmem:s2+$0xFFFFFFE0];
	v26 =	vor.u32 v5, v15;
	v29 =	vsel vm15, v1, v6  }
0x29d: {  	s5 =	simm.s32 $0x0;
	v15 =	vld [tilespmem:s2+$0x0];
	v24 =	vsel vm15, v9, v8;
	v21 =	vor.u32 v26, v29;
	v29 =	vor.u32 v20, v37  }
.LBB2_24:
0x29e: {  	s5 =	sadd.s32 $0x8, s5;
	v36 =	vor.u32 v5, v36;
	v37 =	vsel vm5, v9, v8;
	[tilespmem:v32+s21+$0x0] =	vst.idx.add.f32.msk vm2, v7;
	s0 =	sadd.s32 $0x80, s0;
	s2 =	sadd.s32 $0x80, s2  }
0x29f: {  	v19 =	vor.u32 v27, v19;
	v32 =	vld [tilespmem:s0+$0xFFFFFFD0];
	p0 =	slt.u32 s5, $0x3F8;
	v35 =	vor.u32 v36, v35;
	v37 =	vor.u32 v31, v37  }
0x2a0: {  	vm5 =	vge.s32 v17, v10;
	v17 =	vor.u32 v20, v22;
	v18 =	vor.u32 v36, v18;
	v38 =	vld [tilespmem:s0+$0xFFFFFFE0]  }
0x2a1: {  	v20 =	vor.u32 v26, v24;
	v24 =	vor.u32 v31, v33;
	v22 =	vld [tilespmem:s2+$0xFFFFFFC0];
	v26 =	vand.u32 $0x1F, v34  }
0x2a2: {  	v27 =	vsel vm4, v9, v8;
	v33 =	vshra.s32 v34, $0xA;
	v31 =	vld [tilespmem:s0+$0xFFFFFFF0];
	v26 =	vor.u32 v5, v26  }
0x2a3: {  	vm6 =	vge.s32 v16, v10;
	v27 =	vor.u32 v28, v27;
	vm7 =	vgt.s32 v33, v10;
	v34 =	vld [tilespmem:s0+$0x0]  }
0x2a4: {  	vm4 =	vge.s32 v33, v10;
	v28 =	vsel vm7, v1, v6;
	v16 =	vld [tilespmem:s0+$0xFFFFFFC0]  }
0x2a5: {  	v36 =	vsel vm7, v9, v8;
	v28 =	vor.u32 v26, v28;
	v33 =	vld [tilespmem:s0+$0x10]  }
0x2a6: {  	v26 =	vor.u32 v26, v36;
	v39 =	vld [tilespmem:s0+$0x20]  }
0x2a7: {  	[tilespmem:v29+s21+$0x0] =	vst.idx.add.f32.msk vm3, v7  }
0x2a8: {  	[tilespmem:v19+s21+$0x0] =	vst.idx.add.f32.msk vm2, v30  }
0x2a9: {  	v19 =	vshra.s32 v16, $0xA;
	[tilespmem:v17+s21+$0x0] =	vst.idx.add.f32.msk vm3, v25  }
0x2aa: {  	vm2 =	vgt.s32 v19, v10;
	[tilespmem:v24+s21+$0x0] =	vst.idx.add.f32.msk vm5, v7  }
0x2ab: {  	v17 =	vsel vm2, v9, v8;
	[tilespmem:v35+s21+$0x0] =	vst.idx.add.f32.msk vm6, v7  }
0x2ac: {  	v16 =	vand.u32 $0x1F, v16;
	[tilespmem:v23+s21+$0x0] =	vst.idx.add.f32.msk vm0, v7  }
0x2ad: {  	v16 =	vor.u32 v5, v16;
	[tilespmem:v21+s21+$0x0] =	vst.idx.add.f32.msk vm1, v7  }
0x2ae: {  	vm8 =	vge.s32 v19, v10;
	v19 =	vsel vm2, v1, v6;
	[tilespmem:v28+s21+$0x0] =	vst.idx.add.f32.msk vm4, v7  }
0x2af: {  	v21 =	vor.u32 v16, v19;
	[tilespmem:v18+s21+$0x0] =	vst.idx.add.f32.msk vm6, v14  }
0x2b0: {  	v23 =	vand.u32 $0x1F, v39;
	v14 =	vor.u32 v16, v17;
	v16 =	vshra.s32 v39, $0xA;
	[tilespmem:v37+s21+$0x0] =	vst.idx.add.f32.msk vm5, v15  }
0x2b1: {  	v15 =	vshra.s32 v33, $0xA;
	vm5 =	vgt.s32 v16, v10;
	vm2 =	vge.s32 v16, v10;
	[tilespmem:v26+s21+$0x0] =	vst.idx.add.f32.msk vm4, v12  }
0x2b2: {  	v12 =	vand.u32 $0x1F, v33;
	vm6 =	vgt.s32 v15, v10;
	vm3 =	vge.s32 v15, v10;
	[tilespmem:v20+s21+$0x0] =	vst.idx.add.f32.msk vm1, v11  }
0x2b3: {  	v17 =	vshra.s32 v34, $0xA;
	v16 =	vshra.s32 v31, $0xA;
	v19 =	vsel vm5, v9, v8;
	[tilespmem:v27+s21+$0x0] =	vst.idx.add.f32.msk vm0, v13  }
0x2b4: {  	vm7 =	vgt.s32 v16, v10;
	v20 =	vor.u32 v5, v12;
	v13 =	vshra.s32 v38, $0xA;
	[tilespmem:v21+s21+$0x0] =	vst.idx.add.f32.msk vm8, v7  }
0x2b5: {  	v15 =	vand.u32 $0x1F, v32;
	v18 =	vsel vm7, v9, v8;
	[tilespmem:v14+s21+$0x0] =	vst.idx.add.f32.msk vm8, v22;
	v22 =	vsel vm6, v9, v8  }
0x2b6: {  	v27 =	vor.u32 v5, v23;
	vm0 =	vge.s32 v13, v10;
	v21 =	vand.u32 $0x1F, v34;
	v12 =	vld [tilespmem:s2+$0x30]  }
0x2b7: {  	v23 =	vand.u32 $0x1F, v38;
	vm4 =	vgt.s32 v13, v10;
	v14 =	vshra.s32 v32, $0xA;
	v11 =	vld [tilespmem:s2+$0xFFFFFFD0]  }
0x2b8: {  	v25 =	vsel vm5, v1, v6;
	vm8 =	vgt.s32 v14, v10;
	vm1 =	vge.s32 v14, v10;
	v13 =	vld [tilespmem:s2+$0xFFFFFFE0]  }
.Ltmp11:
0x2b9: {  	v32 =	vor.u32 v27, v25;
	v29 =	vsel vm8, v1, v6;
	v24 =	vsel vm8, v9, v8;
	v14 =	vld [tilespmem:s2+$0xFFFFFFF0];
	(pc) =	sbr.rel @p0 .LBB2_24-.Ltmp11, $4  }
0x2ba: {  	v36 =	vand.u32 $0x1F, v31;
	vm5 =	vgt.s32 v17, v10;
	v26 =	vor.u32 v5, v15;
	v15 =	vld [tilespmem:s2+$0x0]  }
0x2bb: {  	v35 =	vsel vm7, v1, v6;
	v33 =	vsel vm5, v1, v6;
	v30 =	vsel vm4, v1, v6;
	v25 =	vld [tilespmem:s2+$0x10]  }
0x2bc: {  	v37 =	vsel vm6, v1, v6;
	v28 =	vor.u32 v5, v23;
	v31 =	vor.u32 v5, v21;
	v34 =	vld [tilespmem:s0+$0x30]  }
0x2bd: {  	v23 =	vor.u32 v28, v30;
	v21 =	vor.u32 v26, v29;
	v29 =	vor.u32 v20, v37;
	v30 =	vld [tilespmem:s2+$0x20]  }
0x2be: {  	_ =	sdelay $0x3  }
0x2bf: {  	v19 =	vor.u32 v27, v19;
	vm6 =	vge.s32 v17, v10  }
0x2c0: {  	v17 =	vor.u32 v20, v22;
	v20 =	vor.u32 v5, v36;
	[tilespmem:v32+s21+$0x0] =	vst.idx.add.f32.msk vm2, v7  }
0x2c1: {  	v22 =	vor.u32 v31, v33;
	vm7 =	vge.s32 v16, v10;
	[tilespmem:v29+s21+$0x0] =	vst.idx.add.f32.msk vm3, v7  }
0x2c2: {  	[tilespmem:v23+s21+$0x0] =	vst.idx.add.f32.msk vm0, v7;
	v16 =	vor.u32 v20, v35;
	v27 =	vand.u32 $0x1F, v34;
	v63 =	vshra.s32 v34, $0xA  }
0x2c3: {  	v18 =	vor.u32 v20, v18;
	v27 =	vor.u32 v5, v27;
	vm8 =	vgt.s32 v63, v10  }
0x2c4: {  	[tilespmem:v19+s21+$0x0] =	vst.idx.add.f32.msk vm2, v30;
	vm2 =	vge.s32 v63, v10;
	v19 =	vsel vm8, v1, v6  }
0x2c5: {  	[tilespmem:v17+s21+$0x0] =	vst.idx.add.f32.msk vm3, v25;
	v17 =	vsel vm5, v9, v8;
	v19 =	vor.u32 v27, v19  }
0x2c6: {  	[tilespmem:v21+s21+$0x0] =	vst.idx.add.f32.msk vm1, v7;
	v20 =	vsel vm8, v9, v8;
	v17 =	vor.u32 v31, v17  }
0x2c7: {  	[tilespmem:v16+s21+$0x0] =	vst.idx.add.f32.msk vm7, v7;
	v16 =	vor.u32 v27, v20;
	v20 =	vor.u32 v26, v24  }
0x2c8: {  	[tilespmem:v22+s21+$0x0] =	vst.idx.add.f32.msk vm6, v7;
	v22 =	vsel vm4, v9, v8  }
0x2c9: {  	v21 =	vor.u32 v28, v22;
	[tilespmem:v18+s21+$0x0] =	vst.idx.add.f32.msk vm7, v14  }
0x2ca: {  	[tilespmem:v19+s21+$0x0] =	vst.idx.add.f32.msk vm2, v7  }
0x2cb: {  	[tilespmem:v17+s21+$0x0] =	vst.idx.add.f32.msk vm6, v15  }
0x2cc: {  	[tilespmem:v20+s21+$0x0] =	vst.idx.add.f32.msk vm1, v11  }
0x2cd: {  	[tilespmem:v16+s21+$0x0] =	vst.idx.add.f32.msk vm2, v12  }
0x2ce: {  	[tilespmem:v21+s21+$0x0] =	vst.idx.add.f32.msk vm0, v13  }
0x2cf: {  	_ =	swait.ge [sflag:s4], $0x4000  }
0x2d0: {  	[sflag:s4] =	ssyncset.done $0x0  }
0x2d1: {  	[sflag:s4] =	ssyncadd.s32 $0xFFFFC000  }
0x2d2: {  	_ =	swait.ge [sflag:s4], $0x4000  }
0x2d3: {  	[sflag:s4] =	ssyncset.done $0x0  }
0x2d4: {  	s0 =	simm.s32 $0x4040;
	[sflag:s4] =	ssyncadd.s32 $0xFFFFC000  }
0x2d5: {  	v11 =	vld [tilespmem:s0+$0xFFFFFFC0]  }
0x2d6: {  	v12 =	vld [tilespmem:s0+$0x20]  }
0x2d7: {  	v23 =	vld [tilespmem:s0+$0x0]  }
0x2d8: {  	v24 =	vld [tilespmem:s0+$0xFFFFFFE0];
	_ =	sdelay $0x1  }
0x2d9: {  	v14 =	vld [tilespmem:s0+$0x10]  }
0x2da: {  	v15 =	vshra.s32 v11, $0xA;
	v11 =	vand.u32 $0x1F, v11  }
0x2db: {  	v25 =	vand.u32 $0x1F, v12;
	v12 =	vshra.s32 v12, $0xA;
	v17 =	vshra.s32 v23, $0xA  }
0x2dc: {  	v23 =	vand.u32 $0x1F, v23;
	v28 =	vand.u32 $0x1F, v24;
	vm0 =	vgt.s32 v15, v10  }
0x2dd: {  	v11 =	vor.u32 v5, v11;
	vm1 =	vge.s32 v15, v10;
	vm5 =	vgt.s32 v12, v10  }
0x2de: {  	v13 =	vld [tilespmem:s0+$0xFFFFFFD0];
	vm2 =	vge.s32 v12, v10;
	v12 =	vand.u32 $0x1F, v14;
	v27 =	vor.u32 v5, v25  }
0x2df: {  	s2 =	simm.s32 $0xC040;
	v21 =	vld [tilespmem:s0+$0xFFFFFFF0];
	v28 =	vor.u32 v5, v28;
	v31 =	vor.u32 v5, v23;
	v15 =	vsel vm0, v1, v6  }
0x2e0: {  	v18 =	vld [tilespmem:s2+$0xFFFFFFC0];
	v16 =	vsel vm0, v9, v8;
	v19 =	vsel vm5, v9, v8;
	v20 =	vor.u32 v5, v12  }
0x2e1: {  	v34 =	vld [tilespmem:s0+$0x30];
	v25 =	vsel vm5, v1, v6;
	vm5 =	vgt.s32 v17, v10;
	v15 =	vor.u32 v11, v15  }
0x2e2: {  	v12 =	vld [tilespmem:s2+$0x30];
	v11 =	vor.u32 v11, v16;
	v16 =	vshra.s32 v14, $0xA;
	v14 =	vshra.s32 v24, $0xA  }
0x2e3: {  	v32 =	vor.u32 v27, v25;
	v33 =	vsel vm5, v1, v6;
	v25 =	vld [tilespmem:s2+$0x10];
	vm4 =	vgt.s32 v14, v10  }
0x2e4: {  	vm6 =	vgt.s32 v16, v10;
	vm0 =	vge.s32 v14, v10;
	v14 =	vld [tilespmem:s2+$0xFFFFFFF0];
	v30 =	vsel vm4, v1, v6  }
0x2e5: {  	vm3 =	vge.s32 v16, v10;
	v16 =	vshra.s32 v21, $0xA;
	v23 =	vor.u32 v28, v30;
	v30 =	vld [tilespmem:s2+$0x20]  }
0x2e6: {  	v36 =	vand.u32 $0x1F, v21;
	vm7 =	vgt.s32 v16, v10;
	v22 =	vsel vm6, v9, v8;
	[tilespmem:v15+s21+$0x0] =	vst.idx.add.f32.msk vm1, v7  }
0x2e7: {  	v37 =	vsel vm6, v1, v6;
	v15 =	vand.u32 $0x1F, v13;
	v13 =	vshra.s32 v13, $0xA;
	[tilespmem:v11+s21+$0x0] =	vst.idx.add.f32.msk vm1, v18  }
0x2e8: {  	v35 =	vsel vm7, v1, v6;
	v18 =	vsel vm7, v9, v8;
	v11 =	vld [tilespmem:s2+$0xFFFFFFD0];
	vm15 =	vgt.s32 v13, v10  }
0x2e9: {  	vm1 =	vge.s32 v13, v10;
	v13 =	vld [tilespmem:s2+$0xFFFFFFE0];
	v26 =	vor.u32 v5, v15;
	v29 =	vsel vm15, v1, v6  }
0x2ea: {  	s5 =	simm.s32 $0x0;
	v15 =	vld [tilespmem:s2+$0x0];
	v24 =	vsel vm15, v9, v8;
	v21 =	vor.u32 v26, v29;
	v29 =	vor.u32 v20, v37  }
.LBB2_26:
0x2eb: {  	s5 =	sadd.s32 $0x8, s5;
	v36 =	vor.u32 v5, v36;
	v37 =	vsel vm5, v9, v8;
	[tilespmem:v32+s21+$0x0] =	vst.idx.add.f32.msk vm2, v7;
	s0 =	sadd.s32 $0x80, s0;
	s2 =	sadd.s32 $0x80, s2  }
0x2ec: {  	v19 =	vor.u32 v27, v19;
	v32 =	vld [tilespmem:s0+$0xFFFFFFD0];
	p0 =	slt.u32 s5, $0x3F8;
	v35 =	vor.u32 v36, v35;
	v37 =	vor.u32 v31, v37  }
0x2ed: {  	vm5 =	vge.s32 v17, v10;
	v17 =	vor.u32 v20, v22;
	v18 =	vor.u32 v36, v18;
	v38 =	vld [tilespmem:s0+$0xFFFFFFE0]  }
0x2ee: {  	v20 =	vor.u32 v26, v24;
	v24 =	vor.u32 v31, v33;
	v22 =	vld [tilespmem:s2+$0xFFFFFFC0];
	v26 =	vand.u32 $0x1F, v34  }
0x2ef: {  	v27 =	vsel vm4, v9, v8;
	v33 =	vshra.s32 v34, $0xA;
	v31 =	vld [tilespmem:s0+$0xFFFFFFF0];
	v26 =	vor.u32 v5, v26  }
0x2f0: {  	vm6 =	vge.s32 v16, v10;
	v27 =	vor.u32 v28, v27;
	vm7 =	vgt.s32 v33, v10;
	v34 =	vld [tilespmem:s0+$0x0]  }
0x2f1: {  	vm4 =	vge.s32 v33, v10;
	v28 =	vsel vm7, v1, v6;
	v16 =	vld [tilespmem:s0+$0xFFFFFFC0]  }
0x2f2: {  	v36 =	vsel vm7, v9, v8;
	v28 =	vor.u32 v26, v28;
	v33 =	vld [tilespmem:s0+$0x10]  }
0x2f3: {  	v26 =	vor.u32 v26, v36;
	v39 =	vld [tilespmem:s0+$0x20]  }
0x2f4: {  	[tilespmem:v29+s21+$0x0] =	vst.idx.add.f32.msk vm3, v7  }
0x2f5: {  	[tilespmem:v19+s21+$0x0] =	vst.idx.add.f32.msk vm2, v30  }
0x2f6: {  	v19 =	vshra.s32 v16, $0xA;
	[tilespmem:v17+s21+$0x0] =	vst.idx.add.f32.msk vm3, v25  }
0x2f7: {  	vm2 =	vgt.s32 v19, v10;
	[tilespmem:v24+s21+$0x0] =	vst.idx.add.f32.msk vm5, v7  }
0x2f8: {  	v17 =	vsel vm2, v9, v8;
	[tilespmem:v35+s21+$0x0] =	vst.idx.add.f32.msk vm6, v7  }
0x2f9: {  	v16 =	vand.u32 $0x1F, v16;
	[tilespmem:v23+s21+$0x0] =	vst.idx.add.f32.msk vm0, v7  }
0x2fa: {  	v16 =	vor.u32 v5, v16;
	[tilespmem:v21+s21+$0x0] =	vst.idx.add.f32.msk vm1, v7  }
0x2fb: {  	vm8 =	vge.s32 v19, v10;
	v19 =	vsel vm2, v1, v6;
	[tilespmem:v28+s21+$0x0] =	vst.idx.add.f32.msk vm4, v7  }
0x2fc: {  	v21 =	vor.u32 v16, v19;
	[tilespmem:v18+s21+$0x0] =	vst.idx.add.f32.msk vm6, v14  }
0x2fd: {  	v23 =	vand.u32 $0x1F, v39;
	v14 =	vor.u32 v16, v17;
	v16 =	vshra.s32 v39, $0xA;
	[tilespmem:v37+s21+$0x0] =	vst.idx.add.f32.msk vm5, v15  }
0x2fe: {  	v15 =	vshra.s32 v33, $0xA;
	vm5 =	vgt.s32 v16, v10;
	vm2 =	vge.s32 v16, v10;
	[tilespmem:v26+s21+$0x0] =	vst.idx.add.f32.msk vm4, v12  }
0x2ff: {  	v12 =	vand.u32 $0x1F, v33;
	vm6 =	vgt.s32 v15, v10;
	vm3 =	vge.s32 v15, v10;
	[tilespmem:v20+s21+$0x0] =	vst.idx.add.f32.msk vm1, v11  }
0x300: {  	v17 =	vshra.s32 v34, $0xA;
	v16 =	vshra.s32 v31, $0xA;
	v19 =	vsel vm5, v9, v8;
	[tilespmem:v27+s21+$0x0] =	vst.idx.add.f32.msk vm0, v13  }
0x301: {  	vm7 =	vgt.s32 v16, v10;
	v20 =	vor.u32 v5, v12;
	v13 =	vshra.s32 v38, $0xA;
	[tilespmem:v21+s21+$0x0] =	vst.idx.add.f32.msk vm8, v7  }
0x302: {  	v15 =	vand.u32 $0x1F, v32;
	v18 =	vsel vm7, v9, v8;
	[tilespmem:v14+s21+$0x0] =	vst.idx.add.f32.msk vm8, v22;
	v22 =	vsel vm6, v9, v8  }
0x303: {  	v27 =	vor.u32 v5, v23;
	vm0 =	vge.s32 v13, v10;
	v21 =	vand.u32 $0x1F, v34;
	v12 =	vld [tilespmem:s2+$0x30]  }
0x304: {  	v23 =	vand.u32 $0x1F, v38;
	vm4 =	vgt.s32 v13, v10;
	v14 =	vshra.s32 v32, $0xA;
	v11 =	vld [tilespmem:s2+$0xFFFFFFD0]  }
0x305: {  	v25 =	vsel vm5, v1, v6;
	vm8 =	vgt.s32 v14, v10;
	vm1 =	vge.s32 v14, v10;
	v13 =	vld [tilespmem:s2+$0xFFFFFFE0]  }
.Ltmp12:
0x306: {  	v32 =	vor.u32 v27, v25;
	v29 =	vsel vm8, v1, v6;
	v24 =	vsel vm8, v9, v8;
	v14 =	vld [tilespmem:s2+$0xFFFFFFF0];
	(pc) =	sbr.rel @p0 .LBB2_26-.Ltmp12, $4  }
0x307: {  	v36 =	vand.u32 $0x1F, v31;
	vm5 =	vgt.s32 v17, v10;
	v26 =	vor.u32 v5, v15;
	v15 =	vld [tilespmem:s2+$0x0]  }
0x308: {  	v35 =	vsel vm7, v1, v6;
	v33 =	vsel vm5, v1, v6;
	v30 =	vsel vm4, v1, v6;
	v25 =	vld [tilespmem:s2+$0x10]  }
0x309: {  	v37 =	vsel vm6, v1, v6;
	v28 =	vor.u32 v5, v23;
	v31 =	vor.u32 v5, v21;
	v34 =	vld [tilespmem:s0+$0x30]  }
0x30a: {  	v23 =	vor.u32 v28, v30;
	v21 =	vor.u32 v26, v29;
	v29 =	vor.u32 v20, v37;
	v30 =	vld [tilespmem:s2+$0x20]  }
0x30b: {  	_ =	sdelay $0x3  }
0x30c: {  	v19 =	vor.u32 v27, v19  }
0x30d: {  	vm6 =	vge.s32 v17, v10;
	v47 =	vor.u32 v20, v22;
	[tilespmem:v32+s21+$0x0] =	vst.idx.add.f32.msk vm2, v7  }
0x30e: {  	v48 =	vor.u32 v5, v36;
	v49 =	vor.u32 v31, v33;
	[tilespmem:v29+s21+$0x0] =	vst.idx.add.f32.msk vm3, v7  }
0x30f: {  	vm7 =	vge.s32 v16, v10;
	[tilespmem:v23+s21+$0x0] =	vst.idx.add.f32.msk vm0, v7;
	v56 =	vor.u32 v26, v24  }
0x310: {  	v53 =	vsel vm5, v9, v8;
	v57 =	vsel vm4, v9, v8;
	[tilespmem:v21+s21+$0x0] =	vst.idx.add.f32.msk vm1, v7  }
0x311: {  	v50 =	vor.u32 v48, v35;
	v18 =	vor.u32 v48, v18;
	v17 =	vor.u32 v31, v53  }
0x312: {  	v20 =	vor.u32 v28, v57;
	v51 =	vand.u32 $0x1F, v34;
	v52 =	vshra.s32 v34, $0xA;
	[tilespmem:v19+s21+$0x0] =	vst.idx.add.f32.msk vm2, v30  }
0x313: {  	v27 =	vor.u32 v5, v51;
	vm8 =	vgt.s32 v52, v10;
	[tilespmem:v47+s21+$0x0] =	vst.idx.add.f32.msk vm3, v25  }
0x314: {  	vm15 =	vge.s32 v52, v10;
	v10 =	vsel vm8, v1, v6;
	[tilespmem:v56+s21+$0x0] =	vst.idx.add.f32.msk vm1, v11  }
0x315: {  	v54 =	vsel vm8, v9, v8;
	v10 =	vor.u32 v27, v10;
	[tilespmem:v49+s21+$0x0] =	vst.idx.add.f32.msk vm6, v7  }
0x316: {  	[tilespmem:v50+s21+$0x0] =	vst.idx.add.f32.msk vm7, v7;
	v55 =	vor.u32 v27, v54  }
0x317: {  	[tilespmem:v20+s21+$0x0] =	vst.idx.add.f32.msk vm0, v13  }
0x318: {  	[tilespmem:v18+s21+$0x0] =	vst.idx.add.f32.msk vm7, v14  }
0x319: {  	[tilespmem:v17+s21+$0x0] =	vst.idx.add.f32.msk vm6, v15  }
0x31a: {  	[tilespmem:v10+s21+$0x0] =	vst.idx.add.f32.msk vm15, v7  }
0x31b: {  	[tilespmem:v55+s21+$0x0] =	vst.idx.add.f32.msk vm15, v12  }
0x31c: {  	v16 =	vld [tilespmem:$0x10000]  }
0x31d: {  	v13 =	vld [tilespmem:$0x10020]  }
0x31e: {  	v19 =	vld [tilespmem:$0x10040]  }
0x31f: {  	v21 =	vld [tilespmem:$0x10060]  }
0x320: {  	v23 =	vld [tilespmem:$0x10080]  }
0x321: {  	v25 =	vld [tilespmem:$0x100A0]  }
0x322: {  	v27 =	vld [tilespmem:$0x100C0]  }
0x323: {  	v39 =	vld [tilespmem:$0x100E0]  }
0x324: {  	v56 =	vld [tilespmem:$0x10100]  }
0x325: {  	v10 =	vld [tilespmem:$0x10120]  }
0x326: {  	v15 =	vld [tilespmem:$0x10010]  }
0x327: {  	v17 =	vld [tilespmem:$0x10030]  }
0x328: {  	v29 =	vld [tilespmem:$0x10050]  }
0x329: {  	v30 =	vld [tilespmem:$0x10070]  }
0x32a: {  	v31 =	vld [tilespmem:$0x10090]  }
0x32b: {  	v32 =	vld [tilespmem:$0x100B0]  }
0x32c: {  	v33 =	vld [tilespmem:$0x100D0]  }
0x32d: {  	v34 =	vld [tilespmem:$0x100F0]  }
0x32e: {  	v35 =	vld [tilespmem:$0x10110]  }
0x32f: {  	v36 =	vld [tilespmem:$0x10130]  }
0x330: {  	v42 =	vld [tilespmem:$0x10150]  }
0x331: {  	v18 =	vld [tilespmem:$0x10200]  }
0x332: {  	v43 =	vld [tilespmem:$0x10220]  }
0x333: {  	v44 =	vld [tilespmem:$0x10240]  }
0x334: {  	v45 =	vld [tilespmem:$0x10260]  }
0x335: {  	v46 =	vld [tilespmem:$0x10280]  }
0x336: {  	v47 =	vld [tilespmem:$0x102A0]  }
0x337: {  	v48 =	vld [tilespmem:$0x102C0]  }
0x338: {  	v49 =	vld [tilespmem:$0x102E0]  }
0x339: {  	v50 =	vld [tilespmem:$0x10300]  }
0x33a: {  	v51 =	vld [tilespmem:$0x10320]  }
0x33b: {  	v52 =	vld [tilespmem:$0x10340]  }
0x33c: {  	v53 =	vld [tilespmem:$0x10360]  }
0x33d: {  	v54 =	vld [tilespmem:$0x10380]  }
0x33e: {  	v55 =	vld [tilespmem:$0x103A0]  }
0x33f: {  	[tilespmem:$0x1FEE0] =	vst v10;
	v10 =	vld [tilespmem:$0x10140]  }
0x340: {  	v58 =	vld [tilespmem:$0x10210]  }
0x341: {  	v59 =	vld [tilespmem:$0x10230]  }
0x342: {  	v60 =	vld [tilespmem:$0x10250]  }
0x343: {  	v61 =	vld [tilespmem:$0x10270]  }
0x344: {  	[tilespmem:$0x1FEF0] =	vst v10;
	v10 =	vld [tilespmem:$0x10160]  }
0x345: {  	v62 =	vld [tilespmem:$0x10290]  }
0x346: {  	v63 =	vld [tilespmem:$0x102B0]  }
0x347: {  	v11 =	vld [tilespmem:$0x102F0]  }
0x348: {  	v12 =	vld [tilespmem:$0x10310]  }
0x349: {  	[tilespmem:$0x1FF00] =	vst v10;
	v10 =	vld [tilespmem:$0x10180]  }
0x34a: {  	v14 =	vld [tilespmem:$0x10330]  }
0x34b: {  	v20 =	vld [tilespmem:$0x10350]  }
0x34c: {  	v22 =	vld [tilespmem:$0x10370]  }
0x34d: {  	v24 =	vld [tilespmem:$0x10390]  }
0x34e: {  	[tilespmem:$0x1FF20] =	vst v10;
	v10 =	vld [tilespmem:$0x101A0]  }
0x34f: {  	v26 =	vld [tilespmem:$0x103B0]  }
0x350: {  	v28 =	vld [tilespmem:$0x103D0]  }
0x351: {  	v40 =	vld [tilespmem:$0x103F0]  }
0x352: {  	v57 =	vld [tilespmem:$0x10660]  }
0x353: {  	[tilespmem:$0x1FF40] =	vst v10;
	v10 =	vld [tilespmem:$0x101C0]  }
0x354: {  	v38 =	vld [tilespmem:$0x10600]  }
0x355: {  	v37 =	vld [tilespmem:$0x10620]  }
0x356: {  	v41 =	vld [tilespmem:$0x10640]  }
0x357: {  	[tilespmem:$0x1FFC0] =	vst v57;
	v57 =	vld [tilespmem:$0x10680]  }
0x358: {  	[tilespmem:$0x1FF60] =	vst v10;
	v10 =	vld [tilespmem:$0x101E0]  }
0x359: {  	v13 =	vadd.f32 v13, v16;
	v16 =	vld [tilespmem:$0x106E0]  }
0x35a: {  	v15 =	vadd.f32 v17, v15;
	v17 =	vld [tilespmem:$0x10700]  }
0x35b: {  	v13 =	vadd.f32 v19, v13;
	v19 =	vadd.f32 v43, v18;
	v18 =	vld [tilespmem:$0x10720]  }
0x35c: {  	v43 =	vadd.f32 v29, v15;
	v29 =	vld [tilespmem:$0x10740]  }
0x35d: {  	v37 =	vadd.f32 v37, v38;
	[tilespmem:$0x1FF80] =	vst v10;
	v10 =	vld [tilespmem:$0x10170]  }
0x35e: {  	v15 =	vld [tilespmem:$0x10760]  }
0x35f: {  	v37 =	vadd.f32 v41, v37;
	v41 =	vld [tilespmem:$0x104E0]  }
0x360: {  	v58 =	vadd.f32 v59, v58;
	v21 =	vadd.f32 v21, v13;
	v13 =	vld [tilespmem:$0x10780]  }
0x361: {  	v30 =	vadd.f32 v30, v43;
	v43 =	vld [tilespmem:$0x10630]  }
0x362: {  	v58 =	vadd.f32 v60, v58;
	[tilespmem:$0x1FF10] =	vst v10;
	v10 =	vld [tilespmem:$0x10190]  }
0x363: {  	v19 =	vadd.f32 v44, v19;
	v44 =	vld [tilespmem:$0x107B0]  }
0x364: {  	v60 =	vadd.f32 v61, v58;
	v58 =	vld [tilespmem:$0x10410]  }
0x365: {  	[tilespmem:$0x1FFD0] =	vst v57;
	v57 =	vld [tilespmem:$0x106A0]  }
0x366: {  	v59 =	vadd.f32 v23, v21;
	v23 =	vld [tilespmem:$0x107A0]  }
0x367: {  	v30 =	vadd.f32 v31, v30;
	[tilespmem:$0x1FF30] =	vst v10;
	v10 =	vld [tilespmem:$0x101B0]  }
0x368: {  	v19 =	vadd.f32 v45, v19;
	v21 =	vld [tilespmem:$0x107C0]  }
0x369: {  	v31 =	vadd.f32 v62, v60;
	v30 =	vadd.f32 v32, v30;
	v32 =	vld [tilespmem:$0x10610]  }
0x36a: {  	v61 =	vadd.f32 v46, v19;
	v46 =	vld [tilespmem:$0x1FEE0]  }
0x36b: {  	v31 =	vadd.f32 v63, v31;
	v63 =	vld [tilespmem:$0x10440]  }
0x36c: {  	[tilespmem:$0x1FF50] =	vst v10;
	v10 =	vld [tilespmem:$0x101D0]  }
0x36d: {  	[tilespmem:$0x1FFE0] =	vst v57;
	v57 =	vld [tilespmem:$0x106C0]  }
0x36e: {  	v25 =	vadd.f32 v25, v59;
	v30 =	vadd.f32 v33, v30;
	v33 =	vld [tilespmem:$0x10650]  }
0x36f: {  	v45 =	vadd.f32 v47, v61;
	v47 =	vld [tilespmem:$0x1FEF0]  }
0x370: {  	v25 =	vadd.f32 v27, v25;
	v61 =	vld [tilespmem:$0x10430]  }
0x371: {  	[tilespmem:$0x1FF70] =	vst v10;
	v10 =	vld [tilespmem:$0x101F0]  }
0x372: {  	v25 =	vadd.f32 v39, v25;
	v39 =	vld [tilespmem:$0x10670]  }
0x373: {  	v30 =	vadd.f32 v34, v30;
	v34 =	vld [tilespmem:$0x106B0]  }
0x374: {  	v27 =	vadd.f32 v48, v45;
	v48 =	vld [tilespmem:$0x1FF00]  }
0x375: {  	v45 =	vld [tilespmem:$0x107F0]  }
0x376: {  	[tilespmem:$0x1FFA0] =	vst v10;
	v10 =	vld [tilespmem:$0x103C0]  }
0x377: {  	v30 =	vadd.f32 v35, v30;
	v35 =	vld [tilespmem:$0x106F0]  }
0x378: {  	v25 =	vadd.f32 v56, v25;
	v27 =	vadd.f32 v49, v27;
	v56 =	vld [tilespmem:$0x10420]  }
0x379: {  	v30 =	vadd.f32 v36, v30;
	v36 =	vld [tilespmem:$0x10730]  }
0x37a: {  	[tilespmem:$0x1FFF0] =	vst v57;
	v27 =	vadd.f32 v50, v27;
	v50 =	vld [tilespmem:$0x1FF20]  }
0x37b: {  	[tilespmem:$0x1FF90] =	vst v10;
	v10 =	vld [tilespmem:$0x103E0]  }
0x37c: {  	v32 =	vadd.f32 v43, v32;
	v43 =	vld [tilespmem:$0x1FFF0]  }
0x37d: {  	v25 =	vadd.f32 v46, v25;
	v46 =	vld [tilespmem:$0x104F0]  }
0x37e: {  	v27 =	vadd.f32 v51, v27;
	v30 =	vadd.f32 v42, v30;
	v42 =	vld [tilespmem:$0x10770]  }
0x37f: {  	v25 =	vadd.f32 v47, v25;
	v47 =	vld [tilespmem:$0x10500]  }
0x380: {  	v27 =	vadd.f32 v52, v27;
	[tilespmem:$0x1FFB0] =	vst v10;
	v10 =	vld [tilespmem:$0x102D0]  }
0x381: {  	v25 =	vadd.f32 v48, v25;
	v48 =	vld [tilespmem:$0x10510]  }
0x382: {  	v52 =	vld [tilespmem:$0x1FF40];
	v27 =	vadd.f32 v53, v27  }
0x383: {  	v49 =	vld [tilespmem:$0x1FF10]  }
0x384: {  	v27 =	vadd.f32 v54, v27;
	v54 =	vld [tilespmem:$0x1FF60]  }
0x385: {  	v25 =	vadd.f32 v50, v25;
	v51 =	vld [tilespmem:$0x1FF30];
	v10 =	vadd.f32 v10, v31  }
0x386: {  	v59 =	vld [tilespmem:$0x1FF80]  }
0x387: {  	v25 =	vadd.f32 v52, v25;
	v53 =	vld [tilespmem:$0x1FF50];
	v10 =	vadd.f32 v11, v10  }
0x388: {  	v27 =	vadd.f32 v55, v27;
	v55 =	vld [tilespmem:$0x10470];
	v30 =	vadd.f32 v49, v30  }
0x389: {  	v25 =	vadd.f32 v54, v25;
	v54 =	vld [tilespmem:$0x10460];
	v10 =	vadd.f32 v12, v10  }
0x38a: {  	v30 =	vadd.f32 v51, v30;
	v57 =	vld [tilespmem:$0x1FF70]  }
0x38b: {  	v25 =	vadd.f32 v59, v25;
	v59 =	vld [tilespmem:$0x104A0];
	v10 =	vadd.f32 v14, v10  }
0x38c: {  	v30 =	vadd.f32 v53, v30;
	v53 =	vld [tilespmem:$0x10450]  }
0x38d: {  	v62 =	vld [tilespmem:$0x1FFA0];
	v10 =	vadd.f32 v20, v10  }
0x38e: {  	v60 =	vld [tilespmem:$0x1FF90]  }
0x38f: {  	v30 =	vadd.f32 v57, v30;
	v57 =	vld [tilespmem:$0x1FFC0];
	v10 =	vadd.f32 v22, v10  }
0x390: {  	v32 =	vadd.f32 v33, v32;
	v52 =	vld [tilespmem:$0x1FFB0]  }
0x391: {  	v10 =	vadd.f32 v24, v10;
	v24 =	vld [tilespmem:$0x10400]  }
0x392: {  	v32 =	vadd.f32 v39, v32;
	v31 =	vld [tilespmem:$0x10690]  }
0x393: {  	v30 =	vadd.f32 v62, v30;
	v27 =	vadd.f32 v60, v27;
	v60 =	vld [tilespmem:$0x1FFD0]  }
0x394: {  	v11 =	vld [tilespmem:$0x106D0];
	v10 =	vadd.f32 v26, v10;
	v26 =	vadd.f32 v61, v58  }
0x395: {  	v37 =	vadd.f32 v57, v37;
	v27 =	vadd.f32 v52, v27;
	v58 =	vld [tilespmem:$0x10490]  }
0x396: {  	v61 =	vld [tilespmem:$0x104B0];
	v26 =	vadd.f32 v53, v26;
	v24 =	vadd.f32 v56, v24  }
0x397: {  	v31 =	vadd.f32 v31, v32;
	v10 =	vadd.f32 v28, v10;
	v56 =	vld [tilespmem:$0x10480]  }
0x398: {  	v26 =	vadd.f32 v55, v26;
	v24 =	vadd.f32 v63, v24;
	v63 =	vld [tilespmem:$0x1FFE0]  }
0x399: {  	v31 =	vadd.f32 v34, v31;
	v10 =	vadd.f32 v40, v10;
	v40 =	vld [tilespmem:$0x104D0]  }
0x39a: {  	v12 =	vld [tilespmem:$0x10710];
	v26 =	vadd.f32 v58, v26;
	v24 =	vadd.f32 v54, v24  }
0x39b: {  	v62 =	vld [tilespmem:$0x104C0];
	v37 =	vadd.f32 v60, v37;
	v11 =	vadd.f32 v11, v31  }
0x39c: {  	v49 =	vld [tilespmem:$0x10520];
	v26 =	vadd.f32 v61, v26;
	v24 =	vadd.f32 v56, v24  }
0x39d: {  	v51 =	vld [tilespmem:$0x10530];
	v11 =	vadd.f32 v35, v11;
	v37 =	vadd.f32 v63, v37  }
0x39e: {  	v14 =	vld [tilespmem:$0x10750];
	v26 =	vadd.f32 v40, v26;
	v24 =	vadd.f32 v59, v24  }
0x39f: {  	v57 =	vld [tilespmem:$0x10590];
	v11 =	vadd.f32 v12, v11;
	v34 =	vadd.f32 v43, v37  }
0x3a0: {  	v52 =	vld [tilespmem:$0x10540];
	v26 =	vadd.f32 v46, v26;
	v24 =	vadd.f32 v62, v24  }
0x3a1: {  	v11 =	vadd.f32 v36, v11;
	v53 =	vld [tilespmem:$0x10550];
	v16 =	vadd.f32 v16, v34  }
0x3a2: {  	v20 =	vld [tilespmem:$0x10790];
	v26 =	vadd.f32 v48, v26;
	v50 =	vadd.f32 v41, v24  }
0x3a3: {  	v11 =	vadd.f32 v14, v11;
	v55 =	vld [tilespmem:$0x10570];
	v16 =	vadd.f32 v17, v16  }
0x3a4: {  	v22 =	vld [tilespmem:$0x107D0];
	v24 =	vadd.f32 v51, v26;
	v17 =	vadd.f32 v47, v50  }
0x3a5: {  	v11 =	vadd.f32 v42, v11;
	v54 =	vld [tilespmem:$0x10560];
	v16 =	vadd.f32 v18, v16  }
0x3a6: {  	v56 =	vld [tilespmem:$0x10580];
	v18 =	vadd.f32 v53, v24;
	v17 =	vadd.f32 v49, v17  }
0x3a7: {  	v11 =	vadd.f32 v20, v11;
	v59 =	vld [tilespmem:$0x105B0];
	v16 =	vadd.f32 v29, v16  }
0x3a8: {  	v58 =	vld [tilespmem:$0x105A0];
	v18 =	vadd.f32 v55, v18;
	v12 =	vadd.f32 v52, v17  }
0x3a9: {  	v61 =	vld [tilespmem:$0x105D0];
	v11 =	vadd.f32 v44, v11;
	v15 =	vadd.f32 v15, v16  }
0x3aa: {  	v60 =	vld [tilespmem:$0x105C0];
	v16 =	vadd.f32 v57, v18;
	v12 =	vadd.f32 v54, v12  }
0x3ab: {  	v63 =	vld [tilespmem:$0x105F0];
	v11 =	vadd.f32 v22, v11;
	v13 =	vadd.f32 v13, v15  }
0x3ac: {  	v19 =	vld [tilespmem:$0x107E0];
	v15 =	vadd.f32 v59, v16;
	v12 =	vadd.f32 v56, v12  }
0x3ad: {  	[tilespmem:$0x10830] =	vst v10;
	v62 =	vld [tilespmem:$0x105E0];
	v10 =	vadd.f32 v45, v11;
	v13 =	vadd.f32 v23, v13  }
0x3ae: {  	[tilespmem:$0x10800] =	vst v25;
	v11 =	vadd.f32 v61, v15;
	v12 =	vadd.f32 v58, v12  }
0x3af: {  	[tilespmem:$0x10810] =	vst v30;
	v13 =	vadd.f32 v21, v13  }
0x3b0: {  	[tilespmem:$0x10850] =	vst v10;
	v10 =	vadd.f32 v63, v11;
	v12 =	vadd.f32 v60, v12  }
0x3b1: {  	[tilespmem:$0x10820] =	vst v27;
	v13 =	vadd.f32 v19, v13  }
0x3b2: {  	[tilespmem:$0x10870] =	vst v10;
	v12 =	vadd.f32 v62, v12  }
0x3b3: {  	[tilespmem:$0x10840] =	vst v13  }
0x3b4: {  	s2 =	simm.s32 $0x10800;
	s0 =	rddreg [dreg:$0xc];
	[tilespmem:$0x10860] =	vst v12  }
0x3b5: {  	[hbm4b:s0+s3] =	stream.linear.scatter [tilespmem:s2], [sflag:$0x2], $0x80, $0x38;
	[tilespmem:$0x15480] =	vst v63  }
0x3b6: {  	_ =	swait.ge [sflag:s17], $0x80  }
0x3b7: {  	s30 =	rddreg [dreg:$0xe]  }
0x3b8: {  	s31 =	rddreg [dreg:$0xd];
	s2 =	sadd.s32 $0x1, s30  }
0x3b9: {  	p0 =	sne.s32 s2, s31  }
.Ltmp13:
0x3ba: {  	_ = 	snop;
	(pc) =	sbr.rel @p0 .LBB2_1-.Ltmp13, $3  }
0x3bb: {  	_ =	sdelay $0x1  }
0x3bc: {  	[sflag:s17] =	ssyncset.done $0x0  }
0x3bd: {  	[sflag:s17] =	ssyncadd.s32 $0xFFFFFF80  }
0x3be: {  	_ =	sfence.sel $0x180000  }
0x3bf: {  	[bflag:$0x0] =	sbarrier.arrive $0xFFFF  }
0x3c0: {  	_ =	strace $0x9000004D  }
0x3c1: {  	s0 =	stileid.u32;
	[bflag:$0x2] =	sbarrier.arrive $0xFFFF  }
0x3c2: {  	p0 =	sne.s32 s0, $0x0;
	s0 =	rddreg [dreg:$0x1]  }
0x3c3: {  	s0 =	sadd.s32 @!p0 $0x100000, s0  }
0x3c4: {  	[sflag:s0] =	ssyncadd.tile.s32 @!p0 $0x1;
	_ =	shalt  }
.Lfunc_end2:
_tile_overlayer_lowered:
.L_overlay_start_2:
0x3c5: {  	(tag) =	ssettag $0x2  }
0x3c6: {  	s0 =	rddreg [dreg:$0x0];
	s2 =	stileid.u32  }
0x3c7: {  	s1 =	rddreg [dreg:$0x1];
	p0 =	sne.s32 s2, $0x0  }
0x3c8: {  	s3 =	rddreg [dreg:$0x2];
	[bflag:$0x3] =	sbarrier.arrive $0xFFFF;
	s2 =	simm.s32 @!p0 $0x1C02  }
0x3c9: {  	[timem:s3], [sflag:s2] =	dma.local @!p0 [hbm:s0], s1  }
0x3ca: {  	s0 =	simm.s32 @!p0 $0x2  }
0x3cb: {  	_ =	swait.ge @!p0 [sflag:s0], s1  }
0x3cc: {  	s1 =	ssub.s32 @!p0 $0x0, s1;
	[sflag:s0] =	ssyncset.done @!p0 $0x0  }
0x3cd: {  	[sflag:s0] =	ssyncadd.s32 @!p0 s1  }
0x3ce: {  	[bflag:$0x3] =	sbarrier.arrive $0xFFFF  }
0x3cf: {  	_ =	shalt  }

// kernel: kernel.7.cloned.1.call-start
scs
__scs_entry_jumppad:
0x0: {  	(pc) =	sbr.rel $0x88, $3  }
0x1: {  	(tag) =	ssettag $0x0;
	lr =	simm.s32 $0x1  }
0x2: {  	[smem:$0x3F9F] =	sst lr;
	_ =	strace $0xD0000000  }
0x3: {  	_ = 	snop  }
0x4: {  	_ = 	snop  }
0x5: {  	_ = 	snop  }
0x6: {  	_ = 	snop  }
0x7: {  	_ = 	snop  }
__scs_overlays_trampoline_lowered:
0x8: {  	[smem:$0x3FAE] =	sst s0  }
0x9: {  	[smem:$0x3FAF] =	sst s1  }
0xa: {  	[smem:$0x3FB0] =	sst s2  }
0xb: {  	[smem:$0x3FB1] =	sst s3  }
0xc: {  	[smem:$0x3FB2] =	sst s4  }
0xd: {  	[smem:$0x3FB3] =	sst s5  }
0xe: {  	[smem:$0x3FB4] =	sst s6  }
0xf: {  	[smem:$0x3FB5] =	sst s7  }
0x10: {  	[smem:$0x3FB6] =	sst s8  }
0x11: {  	[smem:$0x3FB7] =	sst s9;
	s0 =	simm.s32 @!p0 $0x0  }
0x12: {  	s1 =	sld [smem:$0x3F9D];
	s0 =	simm.s32 @p0 $0x1  }
0x13: {  	[smem:$0x3FB8] =	sst s0;
	s0 =	simm.s32 @!p1 $0x0  }
0x14: {  	s2 =	sld [smem:$0x3F9C];
	s0 =	simm.s32 @p1 $0x1  }
0x15: {  	[smem:$0x3FB9] =	sst s0;
	s0 =	simm.s32 @!p2 $0x0  }
0x16: {  	s3 =	sld [smem:$0x3FDB];
	s0 =	simm.s32 @p2 $0x1  }
0x17: {  	s4 =	simm.s32 $0x1BF5;
	[smem:$0x3FBB] =	sst s0  }
0x18: {  	s0 =	sld [smem:$0x3F9E];
	_ =	swait.ge [sflag:s4], $0x0  }
0x19: {  	s7 =	sld [smem:$0x3F9F]  }
0x1a: {  	s8 =	sadd.s32 $0xFFFFE003, lr  }
0x1b: {  	s9 =	sadd.s32 $0xFFFFFEF7, lr;
	s5 =	simm.s32 $0xFFFFFFFF;
	p2 =	slt.u32 s8, $0xFFFFF086  }
0x1c: {  	p1 =	slt.u32 s9, $0xF7A;
	s5 =	simm.s32 @!p2 $0x0  }
0x1d: {  	s5 =	simm.s32 @p1 $0x1;
	p0 =	seq.s32 s7, s2  }
0x1e: {  	s7 =	smul.u32 @!p0 $0xF7A, s2;
	p2 =	seq.s32 @!p0 s5, $0x0  }
0x1f: {  	s9 =	smul.u32 $0xF7A, s1;
	s8 =	simm.s32 @!p0 $0x1BF5;
	p2 =	por !p2, p0  }
0x20: {  	[sflag:s8] =	ssyncset.s32 @!p0 $0xFFFFF086;
	s6 =	sadd.s32 @!p0 s3, s7;
	s7 =	simm.s32 @!p0 $0x108  }
0x21: {  	s3 =	sadd.s32 s3, s9;
	s6 =	sadd.s32 @!p0 $0x88, s6;
	s7 =	simm.s32 @p2 $0x1082  }
0x22: {  	[simem:s7], [sflag:s8] =	dma.local @!p0 [hbm:s6], $0xF7A  }
0x23: {  	s9 =	sor.u32 $0xD0000000, s2;
	s6 =	simm.s32 $0x108;
	_ =	swait.ge @!p0 [sflag:s8], $0x0  }
0x24: {  	s3 =	sadd.s32 $0x88, s3;
	s6 =	simm.s32 @!p1 $0x1082;
	[sflag:s4] =	ssyncset.s32 $0xFFFFF086  }
0x25: {  	[simem:s6], [sflag:s4] =	dma.local [hbm:s3], $0xF7A  }
0x26: {  	[smem:$0x3F9F] =	sst s1;
	(tag) =	ssettag s2;
	_ =	strace s9  }
0x27: {  	s1 =	sld [smem:$0x3FAF]  }
0x28: {  	s2 =	sld [smem:$0x3FB0]  }
0x29: {  	s4 =	sld [smem:$0x3FB2]  }
0x2a: {  	p0 =	seq.s32 s5, $0x0;
	s5 =	sld [smem:$0x3FB3]  }
0x2b: {  	s6 =	sld [smem:$0x3FB4]  }
0x2c: {  	s7 =	sld [smem:$0x3FB5]  }
0x2d: {  	s3 =	simm.s32 $0x108;
	s8 =	sld [smem:$0x3FB6]  }
0x2e: {  	s3 =	simm.s32 @!p0 $0x1082;
	s9 =	sld [smem:$0x3FB7]  }
0x2f: {  	lr =	sadd.s32 s0, s3;
	s0 =	sld [smem:$0x3FAE]  }
0x30: {  	s3 =	sld [smem:$0x3FB1]  }
0x31: {  	[smem:$0x3FBA] =	sst s10  }
0x32: {  	s10 =	sld [smem:$0x3FB8];
	_ =	sdelay $0x3  }
0x33: {  	p0 =	seq.s32 s10, $0x1;
	s10 =	sld [smem:$0x3FBA];
	_ =	sdelay $0x3  }
0x34: {  	[smem:$0x3FBA] =	sst s10  }
0x35: {  	s10 =	sld [smem:$0x3FB9];
	_ =	sdelay $0x3  }
0x36: {  	p1 =	seq.s32 s10, $0x1;
	s10 =	sld [smem:$0x3FBA];
	_ =	sdelay $0x3  }
0x37: {  	[smem:$0x3FBA] =	sst s10  }
0x38: {  	s10 =	sld [smem:$0x3FBB]  }
0x39: {  	_ = 	snop;
	(pc) =	sbr.ind lr, $3  }
0x3a: {  	_ = 	snop  }
0x3b: {  	_ = 	snop  }
0x3c: {  	p2 =	seq.s32 s10, $0x1;
	s10 =	sld [smem:$0x3FBA]  }
0x3d: {  	_ =	shalt  }
0x3e: {  	_ =	shalt  }
0x3f: {  	_ =	shalt  }
0x40: {  	_ =	shalt  }
0x41: {  	_ =	shalt  }
0x42: {  	_ =	shalt  }
0x43: {  	_ =	shalt  }
0x44: {  	_ =	shalt  }
0x45: {  	_ =	shalt  }
0x46: {  	_ =	shalt  }
0x47: {  	_ =	shalt  }
0x48: {  	_ =	shalt  }
0x49: {  	_ =	shalt  }
0x4a: {  	_ =	shalt  }
0x4b: {  	_ =	shalt  }
0x4c: {  	_ =	shalt  }
0x4d: {  	_ =	shalt  }
0x4e: {  	_ =	shalt  }
0x4f: {  	_ =	shalt  }
0x50: {  	_ =	shalt  }
0x51: {  	_ =	shalt  }
0x52: {  	_ =	shalt  }
0x53: {  	_ =	shalt  }
0x54: {  	_ =	shalt  }
0x55: {  	_ =	shalt  }
0x56: {  	_ =	shalt  }
0x57: {  	_ =	shalt  }
0x58: {  	_ =	shalt  }
0x59: {  	_ =	shalt  }
0x5a: {  	_ =	shalt  }
0x5b: {  	_ =	shalt  }
0x5c: {  	_ =	shalt  }
0x5d: {  	_ =	shalt  }
0x5e: {  	_ =	shalt  }
0x5f: {  	_ =	shalt  }
0x60: {  	_ =	shalt  }
0x61: {  	_ =	shalt  }
0x62: {  	_ =	shalt  }
0x63: {  	_ =	shalt  }
0x64: {  	_ =	shalt  }
0x65: {  	_ =	shalt  }
0x66: {  	_ =	shalt  }
0x67: {  	_ =	shalt  }
0x68: {  	_ =	shalt  }
0x69: {  	_ =	shalt  }
0x6a: {  	_ =	shalt  }
0x6b: {  	_ =	shalt  }
0x6c: {  	_ =	shalt  }
0x6d: {  	_ =	shalt  }
0x6e: {  	_ =	shalt  }
0x6f: {  	_ =	shalt  }
0x70: {  	_ =	shalt  }
0x71: {  	_ =	shalt  }
0x72: {  	_ =	shalt  }
0x73: {  	_ =	shalt  }
0x74: {  	_ =	shalt  }
0x75: {  	_ =	shalt  }
0x76: {  	_ =	shalt  }
0x77: {  	_ =	shalt  }
0x78: {  	_ =	shalt  }
0x79: {  	_ =	shalt  }
0x7a: {  	_ =	shalt  }
0x7b: {  	_ =	shalt  }
0x7c: {  	_ =	shalt  }
0x7d: {  	_ =	shalt  }
0x7e: {  	_ =	shalt  }
0x7f: {  	_ =	shalt  }
0x80: {  	_ =	shalt  }
0x81: {  	_ =	shalt  }
0x82: {  	_ =	shalt  }
0x83: {  	_ =	shalt  }
0x84: {  	_ =	shalt  }
0x85: {  	_ =	shalt  }
0x86: {  	_ =	shalt  }
0x87: {  	_ =	shalt  }
.Lfunc_end0:
.L_simem_size_0:
called_computation_lowered:
.L_overlay_start_0:
0x88: {  	s2 =	sld [smem:$0x3FD9]  }
0x89: {  	s3 =	sld [smem:$0x3FFE];
	_ =	sdelay $0x1  }
0x8a: {  	s1 =	srdreg.scid  }
0x8b: {  	s0 =	sand.u32 $0x1, s1  }
0x8c: {  	s16 =	sshll.u32 s0, $0xA;
	s2 =	sadd.s32 s3, s2  }
0x8d: {  	s2 =	sadd.s32 s2, s16  }
0x8e: {  	[smem:$0x3FC6] =	sst s2  }
0x8f: {  	_ = 	snop  }
0x90: {  	(tm) =	ssettm $0x1  }
0x91: {  	s17 =	sld [smem:$0x3FFB];
	_ =	sdelay $0x3  }
0x92: {  	_ =	strace s17  }
0x93: {  	s2 =	sld [smem:$0x3FFC];
	_ =	sdelay $0x3  }
0x94: {  	_ =	strace s2  }
0x95: {  	s2 =	sld [smem:$0x3FFD];
	_ =	sdelay $0x3  }
0x96: {  	_ =	strace s2  }
0x97: {  	_ =	strace $0x8FFFFFFF  }
0x98: {  	s18 =	sld [smem:$0x3FDB];
	_ =	sdelay $0x1  }
0x99: {  	s19 =	simm.s32 $_scs_section_size  }
0x9a: {  	s4 =	simm.s32 $_size__tile_overlayer_lowered;
	s5 =	simm.s32 $_tile_overlayer_lowered  }
0x9b: {  	s22 =	simm.s32 $0x1BFF;
	s21 =	sshll.u32 s5, $0x1;
	s2 =	sadd.s32 s19, s18  }
0x9c: {  	s6 =	simm.s32 $0x0;
	s20 =	sshll.u32 s4, $0x1;
	s4 =	sadd.s32 s21, s2  }
0x9d: {  	[timem:s6], [sflag:s22] =	dma.local [hbm:s4], s20  }
0x9e: {  	_ =	swait.ge [sflag:s22], s20  }
0x9f: {  	s3 =	ssub.s32 $0x0, s20;
	[sflag:s22] =	ssyncset.done $0x0  }
0xa0: {  	[sflag:s22] =	ssyncadd.s32 s3;
	_ =	sdelay $0x1  }
0xa1: {  	s23 =	simm.s32 $0x1B8B  }
0xa2: {  	_ =	swait.ge [sflag:s23], $0x1  }
0xa3: {  	[sflag:s23] =	ssyncset.done $0x0  }
0xa4: {  	s25 =	simm.s32 $0x1B8E;
	s24 =	sld [smem:$0x3FFE];
	[sflag:s23] =	ssyncadd.s32 $0xFFFFFFFF  }
0xa5: {  	s26 =	simm.s32 $execute0_lowered;
	[smem:$0x3FD2] =	sst s25  }
0xa6: {  	s4 =	sshll.u32 s26, $0x1;
	_ =	strace $0x80000046;
	[dreg:$0x1] =	wrdreg $0xFFFFFFFF  }
0xa7: {  	s28 =	simm.s32 $_size_execute0_lowered;
	s2 =	sadd.s32 s2, s4;
	[dreg:$0x0] =	wrdreg $0x0  }
0xa8: {  	s4 =	sshll.u32 s28, $0x1;
	[dreg:$0x2] =	wrdreg s2  }
0xa9: {  	[dreg:$0x3] =	wrdreg s4  }
0xaa: {  	[dreg:$0x4] =	wrdreg $0xC0  }
0xab: {  	_ =	task [dreg:s6], $0x5FFFF  }
0xac: {  	[dreg:$0x1] =	wrdreg $0xFFFFFFFF  }
0xad: {  	[dreg:$0x0] =	wrdreg $0x60  }
0xae: {  	[dreg:$0x2] =	wrdreg s24  }
0xaf: {  	[dreg:$0x3] =	wrdreg $0x9  }
0xb0: {  	_ =	task.clear_ibuf [dreg:s6], $0x4FFFF;
	_ =	strace $0x90000046  }
0xb1: {  	s29 =	simm.s32 $0x9;
	_ =	strace $0x80000048  }
0xb2: {  	_ =	swait.ge [sflag:s29], $0x1  }
0xb3: {  	[sflag:s29] =	ssyncadd.s32 $0xFFFFFFFF  }
0xb4: {  	_ =	strace $0x90000048  }
0xb5: {  	_ =	sfence  }
0xb6: {  	s30 =	sld [smem:$0x0];
	_ =	sdelay $0x2  }
0xb7: {  	s31 =	sshll.u32 s1, $0xD;
	s1 =	sshrl.u32 s1, $0x2  }
0xb8: {  	s3 =	sand.u32 $0x4000, s31;
	s1 =	sadd.s32 s1, s30  }
0xb9: {  	s0 =	sor.u32 s3, s0;
	s1 =	sshll.u32 s1, $0x11  }
0xba: {  	s0 =	sor.u32 s1, s0  }
0xbb: {  	s0 =	sadd.s32 $0x8F2B, s0  }
0xbc: {  	[sflag:s0] =	ssyncadd.remote.s32 $0x1  }
0xbd: {  	_ =	sfence.sel $0xFFFF  }
0xbe: {  	[dreg:$0x0] =	wrdreg $0xFFFFFFFF;
	(pc) =	sbr.abs _section_cstart, $3  }
0xbf: {  	[dreg:$0x1] =	wrdreg $0xFFFFFFFF  }
0xc0: {  	_ =	task.clear_ibuf [dreg:s6], $0x2FFFF;
	_ =	strace $0x9FFFFFFF  }
0xc1: {  	(tm) =	ssettm $0x7FFFFFFF  }
tec
execute0_lowered:
.L_overlay_start_1:
0x0: {  	(tag) =	ssettag $0x1  }
0x1: {  	s3 =	rddreg [dreg:$0x0]  }
0x2: {  	s0 =	rddreg [dreg:$0x1];
	s2 =	simm.s32 $0x0;
	s4 =	srdreg.scid  }
0x3: {  	s1 =	stileid.u32;
	s8 =	simm.s32 $0x14000;
	s9 =	simm.s32 $0x2  }
0x4: {  	[smem:$0x7FF] =	sst s2;
	s4 =	sand.u32 $0x1, s4;
	s5 =	sshll.u32 s1, $0x1  }
0x5: {  	s10 =	simm.s32 $0x0;
	_ =	strace $0x80000047;
	s5 =	sor.u32 s4, s5  }
0x6: {  	s4 =	ssub.s32 $0x2, s4;
	s6 =	sshll.u32 s5, $0xD;
	s5 =	sshll.u32 s5, $0x7  }
0x7: {  	s31 =	sshrl.u32 s4, $0x1;
	s6 =	sadd.s32 s6, s3;
	s5 =	sadd.s32 s5, s3  }
0x8: {  	v1 =	vlaneseq.u32;
	s7 =	ssub.s32 s4, s31;
	s3 =	sadd.s32 $0x1400, s6;
	s4 =	sadd.s32 $0x81400, s5  }
0x9: {  	v0 =	vimm.s32 $0x0;
	v2 =	vimm.s32 $0x1;
	v1 =	vmul.u32 $0x400, v1;
	s5 =	smax.u32 s7, $0x1;
	s6 =	simm.s32 $0x1;
	s7 =	simm.s32 $0x10000  }
.LBB2_1:
0xa: {  	[tilespmem:s2], [sflag:$0x1] =	stream.linear.gather [hbm4b:s3+s2], $0x10000, $0x38;
	[tilespmem:$0x14400] =	vst v63  }
0xb: {  	s11 =	simm.s32 $0x10040  }
0xc: {  	[tilespmem:s11+$0xFFFFFFC0] =	vst v0  }
0xd: {  	[tilespmem:s11+$0x30] =	vst v0  }
0xe: {  	[tilespmem:s11+$0x20] =	vst v0  }
0xf: {  	[tilespmem:s11+$0x10] =	vst v0  }
0x10: {  	[tilespmem:s11+$0x0] =	vst v0  }
0x11: {  	[tilespmem:s11+$0xFFFFFFF0] =	vst v0  }
0x12: {  	s12 =	simm.s32 $0x0;
	[tilespmem:s11+$0xFFFFFFE0] =	vst v0  }
.LBB2_2:
0x13: {  	s12 =	sadd.s32 $0x8, s12;
	[tilespmem:s11+$0xFFFFFFD0] =	vst v0;
	s11 =	sadd.s32 $0x80, s11  }
0x14: {  	[tilespmem:s11+$0xFFFFFFC0] =	vst v0;
	p0 =	slt.u32 s12, $0x3F8  }
0x15: {  	[tilespmem:s11+$0x30] =	vst v0  }
.Ltmp0:
0x16: {  	[tilespmem:s11+$0x20] =	vst v0;
	(pc) =	sbr.rel @p0 .LBB2_2-.Ltmp0, $4  }
0x17: {  	[tilespmem:s11+$0x10] =	vst v0  }
0x18: {  	[tilespmem:s11+$0x0] =	vst v0  }
0x19: {  	[tilespmem:s11+$0xFFFFFFF0] =	vst v0  }
0x1a: {  	[tilespmem:s11+$0xFFFFFFE0] =	vst v0  }
0x1b: {  	[tilespmem:s11+$0xFFFFFFD0] =	vst v0  }
0x1c: {  	_ =	swait.ge [sflag:s6], $0x10000  }
0x1d: {  	[sflag:s6] =	ssyncset.done $0x0  }
0x1e: {  	s31 =	simm.s32 $0x40;
	[sflag:s6] =	ssyncadd.s32 $0xFFFF0000  }
0x1f: {  	v3 =	vld [tilespmem:s31+$0x30]  }
0x20: {  	v4 =	vld [tilespmem:s31+$0xFFFFFFD0]  }
0x21: {  	v5 =	vld [tilespmem:s31+$0xFFFFFFE0]  }
0x22: {  	v6 =	vld [tilespmem:s31+$0xFFFFFFF0]  }
0x23: {  	v7 =	vld [tilespmem:s31+$0x0]  }
0x24: {  	v3 =	vshra.s32 v3, $0x15  }
0x25: {  	v4 =	vshra.s32 v4, $0x15;
	v3 =	vadd.s32 v1, v3  }
0x26: {  	v5 =	vshra.s32 v5, $0x15;
	v4 =	vadd.s32 v1, v4  }
0x27: {  	v8 =	vld [tilespmem:s31+$0x10];
	v6 =	vshra.s32 v6, $0x15;
	v5 =	vadd.s32 v1, v5  }
0x28: {  	v9 =	vld [tilespmem:s31+$0x20];
	v7 =	vshra.s32 v7, $0x15;
	v6 =	vadd.s32 v1, v6  }
0x29: {  	v10 =	vld [tilespmem:s31+$0xFFFFFFC0];
	v7 =	vadd.s32 v1, v7  }
0x2a: {  	[tilespmem:v3+s7+$0x0] =	vst.idx.add.s32.msk $0xffff, v2  }
0x2b: {  	[tilespmem:v4+s7+$0x0] =	vst.idx.add.s32.msk $0xffff, v2  }
0x2c: {  	[tilespmem:v5+s7+$0x0] =	vst.idx.add.s32.msk $0xffff, v2  }
0x2d: {  	[tilespmem:v6+s7+$0x0] =	vst.idx.add.s32.msk $0xffff, v2  }
0x2e: {  	s12 =	simm.s32 $0x0;
	v3 =	vshra.s32 v8, $0x15;
	v4 =	vshra.s32 v9, $0x15;
	v5 =	vshra.s32 v10, $0x15;
	[tilespmem:v7+s7+$0x0] =	vst.idx.add.s32.msk $0xffff, v2  }
0x2f: {  	s11 =	simm.s32 $0x14020;
	s13 =	simm.s32 $0x12010;
	s14 =	simm.s32 $0xC0;
	v3 =	vadd.s32 v1, v3;
	v4 =	vadd.s32 v1, v4;
	v5 =	vadd.s32 v1, v5  }
.LBB2_4:
0x30: {  	v6 =	vld [tilespmem:s14+$0x30];
	s12 =	sadd.s32 $0x8, s12  }
0x31: {  	v7 =	vld [tilespmem:s14+$0xFFFFFFD0];
	p0 =	slt.u32 s12, $0xFF8  }
0x32: {  	v8 =	vld [tilespmem:s14+$0xFFFFFFE0]  }
0x33: {  	v9 =	vld [tilespmem:s14+$0xFFFFFFF0]  }
0x34: {  	v10 =	vld [tilespmem:s14+$0x0]  }
0x35: {  	v11 =	vld [tilespmem:s14+$0x10];
	v6 =	vshra.s32 v6, $0x15  }
0x36: {  	v7 =	vshra.s32 v7, $0x15;
	v12 =	vld [tilespmem:s14+$0x20];
	v6 =	vadd.s32 v1, v6  }
0x37: {  	v13 =	vld [tilespmem:s14+$0xFFFFFFC0];
	v7 =	vadd.s32 v1, v7;
	v8 =	vshra.s32 v8, $0x15  }
0x38: {  	v8 =	vadd.s32 v1, v8;
	v9 =	vshra.s32 v9, $0x15;
	[tilespmem:v5+s7+$0x0] =	vst.idx.add.s32.msk $0xffff, v2  }
0x39: {  	v9 =	vadd.s32 v1, v9;
	v5 =	vshra.s32 v10, $0x15;
	[tilespmem:v3+s7+$0x0] =	vst.idx.add.s32.msk $0xffff, v2  }
0x3a: {  	v10 =	vadd.s32 v1, v5;
	v3 =	vshra.s32 v11, $0x15;
	[tilespmem:v4+s7+$0x0] =	vst.idx.add.s32.msk $0xffff, v2  }
.Ltmp1:
0x3b: {  	s15 =	simm.s32 $0x0;
	v3 =	vadd.s32 v1, v3;
	v4 =	vshra.s32 v12, $0x15;
	[tilespmem:v6+s7+$0x0] =	vst.idx.add.s32.msk $0xffff, v2;
	(pc) =	sbr.rel @p0 .LBB2_4-.Ltmp1, $4  }
0x3c: {  	v5 =	vshra.s32 v13, $0x15;
	[tilespmem:v7+s7+$0x0] =	vst.idx.add.s32.msk $0xffff, v2;
	v4 =	vadd.s32 v1, v4  }
0x3d: {  	v5 =	vadd.s32 v1, v5;
	[tilespmem:v8+s7+$0x0] =	vst.idx.add.s32.msk $0xffff, v2  }
0x3e: {  	[tilespmem:v9+s7+$0x0] =	vst.idx.add.s32.msk $0xffff, v2  }
0x3f: {  	s14 =	sadd.s32 $0x80, s14;
	[tilespmem:v10+s7+$0x0] =	vst.idx.add.s32.msk $0xffff, v2  }
0x40: {  	_ =	sdelay $0x3  }
0x41: {  	[tilespmem:v5+s7+$0x0] =	vst.idx.add.s32.msk $0xffff, v2  }
0x42: {  	[tilespmem:v3+s7+$0x0] =	vst.idx.add.s32.msk $0xffff, v2  }
0x43: {  	[tilespmem:v4+s7+$0x0] =	vst.idx.add.s32.msk $0xffff, v2  }
0x44: {  	s12 =	sand.u32 $0x3C0, s15;
	v3 =	vld [tilespmem:s13+$0xFFFFDFF0]  }
0x45: {  	v4 =	vld [tilespmem:s12+$0x10400]  }
0x46: {  	v5 =	vld [tilespmem:s12+$0x10800]  }
0x47: {  	v6 =	vld [tilespmem:s12+$0x10C00]  }
0x48: {  	v7 =	vld [tilespmem:s12+$0x11000]  }
0x49: {  	v8 =	vld [tilespmem:s12+$0x11400]  }
0x4a: {  	v9 =	vld [tilespmem:s12+$0x11800]  }
0x4b: {  	v10 =	vld [tilespmem:s12+$0x11C00]  }
0x4c: {  	v11 =	vld [tilespmem:s12+$0x12000]  }
0x4d: {  	v12 =	vld [tilespmem:s12+$0x12400]  }
0x4e: {  	v13 =	vld [tilespmem:s12+$0x12800]  }
0x4f: {  	v14 =	vld [tilespmem:s12+$0x12C00]  }
0x50: {  	v15 =	vld [tilespmem:s12+$0x13000]  }
0x51: {  	v16 =	vld [tilespmem:s12+$0x13400]  }
0x52: {  	v17 =	vld [tilespmem:s12+$0x13800]  }
0x53: {  	v18 =	vld [tilespmem:s12+$0x13C00]  }
0x54: {  	v19 =	vld [tilespmem:s13+$0xFFFFE000]  }
0x55: {  	v20 =	vld [tilespmem:s13+$0xFFFFE400]  }
0x56: {  	v21 =	vld [tilespmem:s13+$0xFFFFE010]  }
0x57: {  	v22 =	vld [tilespmem:s13+$0xFFFFE410]  }
0x58: {  	v23 =	vld [tilespmem:s13+$0xFFFFE020]  }
0x59: {  	v24 =	vld [tilespmem:s13+$0xFFFFE420]  }
0x5a: {  	v25 =	vld [tilespmem:s13+$0xFFFFE800]  }
0x5b: {  	v26 =	vld [tilespmem:s13+$0xFFFFE810]  }
0x5c: {  	v27 =	vld [tilespmem:s13+$0xFFFFE820]  }
0x5d: {  	v28 =	vld [tilespmem:s13+$0xFFFFEC00]  }
0x5e: {  	v29 =	vld [tilespmem:s13+$0xFFFFEC10]  }
0x5f: {  	v30 =	vld [tilespmem:s13+$0xFFFFEC20]  }
0x60: {  	v31 =	vld [tilespmem:s13+$0xFFFFF000]  }
0x61: {  	v32 =	vld [tilespmem:s13+$0xFFFFF010]  }
0x62: {  	v33 =	vld [tilespmem:s13+$0xFFFFF020]  }
0x63: {  	v34 =	vld [tilespmem:s13+$0xFFFFF400]  }
0x64: {  	v35 =	vld [tilespmem:s13+$0xFFFFF410]  }
0x65: {  	v36 =	vld [tilespmem:s13+$0xFFFFF420]  }
0x66: {  	v37 =	vld [tilespmem:s13+$0xFFFFF800]  }
0x67: {  	v38 =	vld [tilespmem:s13+$0xFFFFF810]  }
0x68: {  	v49 =	vld [tilespmem:s13+$0x410];
	v3 =	vadd.s32 v3, v4  }
0x69: {  	v50 =	vld [tilespmem:s13+$0x420];
	v3 =	vadd.s32 v5, v3  }
0x6a: {  	v51 =	vld [tilespmem:s13+$0x800];
	v3 =	vadd.s32 v6, v3  }
0x6b: {  	v52 =	vld [tilespmem:s13+$0x810];
	v3 =	vadd.s32 v7, v3  }
0x6c: {  	v53 =	vld [tilespmem:s13+$0x820];
	v3 =	vadd.s32 v8, v3  }
0x6d: {  	v54 =	vld [tilespmem:s13+$0xC00];
	v3 =	vadd.s32 v9, v3  }
0x6e: {  	v55 =	vld [tilespmem:s13+$0xC10];
	v3 =	vadd.s32 v10, v3  }
0x6f: {  	v58 =	vld [tilespmem:s13+$0xC20];
	v3 =	vadd.s32 v11, v3  }
0x70: {  	v59 =	vld [tilespmem:s13+$0x1000];
	v3 =	vadd.s32 v12, v3  }
0x71: {  	v60 =	vld [tilespmem:s13+$0x1010];
	v3 =	vadd.s32 v13, v3  }
0x72: {  	v4 =	vld [tilespmem:s13+$0xFFFFF820];
	v3 =	vadd.s32 v14, v3  }
0x73: {  	v5 =	vld [tilespmem:s13+$0xFFFFFC00];
	v3 =	vadd.s32 v15, v3  }
0x74: {  	v6 =	vld [tilespmem:s13+$0xFFFFFC10];
	v3 =	vadd.s32 v16, v3  }
0x75: {  	v7 =	vld [tilespmem:s13+$0xFFFFFC20];
	v3 =	vadd.s32 v17, v3  }
0x76: {  	v8 =	vld [tilespmem:s13+$0x0];
	v18 =	vadd.s32 v18, v3;
	v3 =	vadd.s32 v19, v20  }
0x77: {  	v56 =	vadd.s32 v21, v22;
	v57 =	vadd.s32 v23, v24;
	v9 =	vld [tilespmem:s13+$0x10];
	v3 =	vadd.s32 v25, v3  }
0x78: {  	v21 =	vadd.s32 v27, v57;
	v10 =	vld [tilespmem:s13+$0x20];
	v20 =	vadd.s32 v26, v56;
	v3 =	vadd.s32 v28, v3  }
0x79: {  	v21 =	vadd.s32 v30, v21;
	v11 =	vld [tilespmem:s13+$0x400];
	v20 =	vadd.s32 v29, v20;
	v3 =	vadd.s32 v31, v3  }
0x7a: {  	v61 =	vld [tilespmem:s13+$0x1020];
	v21 =	vadd.s32 v33, v21;
	v20 =	vadd.s32 v32, v20;
	v3 =	vadd.s32 v34, v3  }
0x7b: {  	v62 =	vld [tilespmem:s13+$0x1400];
	v21 =	vadd.s32 v36, v21;
	v20 =	vadd.s32 v35, v20;
	v3 =	vadd.s32 v37, v3  }
0x7c: {  	v63 =	vld [tilespmem:s13+$0x1410];
	v4 =	vadd.s32 v4, v21;
	v20 =	vadd.s32 v38, v20;
	v3 =	vadd.s32 v5, v3  }
0x7d: {  	v4 =	vadd.s32 v7, v4;
	v7 =	vld [tilespmem:s13+$0x1420];
	v5 =	vadd.s32 v6, v20;
	v3 =	vadd.s32 v8, v3  }
0x7e: {  	v4 =	vadd.s32 v10, v4;
	v10 =	vld [tilespmem:s13+$0x1800];
	v5 =	vadd.s32 v9, v5;
	v3 =	vadd.s32 v11, v3  }
0x7f: {  	v4 =	vadd.s32 v50, v4;
	v5 =	vadd.s32 v49, v5;
	v6 =	vadd.s32 v51, v3;
	v3 =	vld [tilespmem:s13+$0x1810]  }
0x80: {  	v8 =	vadd.s32 v53, v4;
	v4 =	vld [tilespmem:s13+$0x1820];
	v5 =	vadd.s32 v52, v5;
	v6 =	vadd.s32 v54, v6  }
0x81: {  	v8 =	vadd.s32 v58, v8;
	v9 =	vadd.s32 v55, v5;
	v5 =	vld [tilespmem:s13+$0x1C00];
	v6 =	vadd.s32 v59, v6  }
0x82: {  	v8 =	vadd.s32 v61, v8;
	v9 =	vadd.s32 v60, v9;
	v11 =	vadd.s32 v62, v6;
	v6 =	vld [tilespmem:s13+$0x1C10]  }
0x83: {  	s14 =	simm.s32 $0x40;
	s12 =	simm.s32 $0x0;
	[tilespmem:s11+$0xFFFFFFE0] =	vst v18;
	v8 =	vadd.s32 v7, v8;
	v7 =	vld [tilespmem:s13+$0x1C20];
	v9 =	vadd.s32 v63, v9;
	s13 =	simm.s32 $0x12050;
	v10 =	vadd.s32 v10, v11  }
.LBB2_6:
0x84: {  	v11 =	vld [tilespmem:s13+$0xFFFFDFF0];
	s15 =	sand.u32 $0x3C0, s14;
	s12 =	sadd.s32 $0x4, s12;
	v3 =	vadd.s32 v3, v9  }
0x85: {  	v9 =	vld [tilespmem:s15+$0x10400];
	p0 =	slt.u32 s12, $0x3C;
	v4 =	vadd.s32 v4, v8  }
0x86: {  	v8 =	vld [tilespmem:s15+$0x10800];
	v5 =	vadd.s32 v5, v10  }
0x87: {  	v10 =	vld [tilespmem:s15+$0x10C00];
	[tilespmem:s11+$0xFFFFFFF0] =	vst v5;
	v3 =	vadd.s32 v6, v3  }
0x88: {  	v5 =	vld [tilespmem:s15+$0x11000];
	[tilespmem:s11+$0x0] =	vst v3;
	v3 =	vadd.s32 v7, v4  }
0x89: {  	v4 =	vld [tilespmem:s15+$0x11400];
	[tilespmem:s11+$0x10] =	vst v3  }
0x8a: {  	v3 =	vadd.s32 v11, v9;
	v6 =	vld [tilespmem:s15+$0x11800]  }
0x8b: {  	v3 =	vadd.s32 v8, v3;
	v7 =	vld [tilespmem:s15+$0x11C00]  }
0x8c: {  	v3 =	vadd.s32 v10, v3;
	v8 =	vld [tilespmem:s15+$0x12000]  }
0x8d: {  	v3 =	vadd.s32 v5, v3;
	v5 =	vld [tilespmem:s15+$0x12400]  }
0x8e: {  	v3 =	vadd.s32 v4, v3;
	v4 =	vld [tilespmem:s15+$0x12800]  }
0x8f: {  	v3 =	vadd.s32 v6, v3;
	v6 =	vld [tilespmem:s15+$0x12C00]  }
0x90: {  	v3 =	vadd.s32 v7, v3;
	v7 =	vld [tilespmem:s15+$0x13000]  }
0x91: {  	v3 =	vadd.s32 v8, v3;
	v8 =	vld [tilespmem:s15+$0x13400]  }
0x92: {  	v3 =	vadd.s32 v5, v3;
	v5 =	vld [tilespmem:s15+$0x13800]  }
0x93: {  	v3 =	vadd.s32 v4, v3;
	v4 =	vld [tilespmem:s15+$0x13C00]  }
0x94: {  	v3 =	vadd.s32 v6, v3;
	v6 =	vld [tilespmem:s13+$0xFFFFE000]  }
0x95: {  	v3 =	vadd.s32 v7, v3;
	v7 =	vld [tilespmem:s13+$0xFFFFE400]  }
0x96: {  	v3 =	vadd.s32 v8, v3;
	v8 =	vld [tilespmem:s13+$0xFFFFE010]  }
0x97: {  	v3 =	vadd.s32 v5, v3;
	v5 =	vld [tilespmem:s13+$0xFFFFE410]  }
0x98: {  	s11 =	sadd.s32 $0x40, s11;
	v3 =	vadd.s32 v4, v3;
	v4 =	vld [tilespmem:s13+$0xFFFFE020]  }
0x99: {  	[tilespmem:s11+$0xFFFFFFE0] =	vst v3;
	v3 =	vld [tilespmem:s13+$0xFFFFE420]  }
0x9a: {  	v6 =	vadd.s32 v6, v7;
	v7 =	vld [tilespmem:s13+$0xFFFFE800]  }
0x9b: {  	v9 =	vld [tilespmem:s13+$0xFFFFE810]  }
0x9c: {  	v5 =	vadd.s32 v8, v5;
	v8 =	vld [tilespmem:s13+$0xFFFFE820]  }
0x9d: {  	v10 =	vld [tilespmem:s13+$0xFFFFEC00]  }
0x9e: {  	v11 =	vld [tilespmem:s13+$0xFFFFEC10];
	v3 =	vadd.s32 v4, v3  }
0x9f: {  	v4 =	vadd.s32 v7, v6;
	v6 =	vld [tilespmem:s13+$0xFFFFEC20]  }
0xa0: {  	v7 =	vld [tilespmem:s13+$0xFFFFF000];
	v5 =	vadd.s32 v9, v5  }
0xa1: {  	v9 =	vld [tilespmem:s13+$0xFFFFF010];
	v3 =	vadd.s32 v8, v3  }
0xa2: {  	v4 =	vadd.s32 v10, v4;
	v8 =	vld [tilespmem:s13+$0xFFFFF020]  }
0xa3: {  	v10 =	vld [tilespmem:s13+$0xFFFFF400];
	v5 =	vadd.s32 v11, v5  }
0xa4: {  	v11 =	vld [tilespmem:s13+$0xFFFFF410];
	v3 =	vadd.s32 v6, v3  }
0xa5: {  	v4 =	vadd.s32 v7, v4;
	v6 =	vld [tilespmem:s13+$0xFFFFF420]  }
0xa6: {  	v7 =	vld [tilespmem:s13+$0xFFFFF800];
	v5 =	vadd.s32 v9, v5  }
0xa7: {  	v9 =	vld [tilespmem:s13+$0xFFFFF810];
	v3 =	vadd.s32 v8, v3  }
0xa8: {  	v4 =	vadd.s32 v10, v4;
	v8 =	vld [tilespmem:s13+$0xFFFFF820]  }
0xa9: {  	v10 =	vld [tilespmem:s13+$0xFFFFFC00];
	v5 =	vadd.s32 v11, v5  }
0xaa: {  	v11 =	vld [tilespmem:s13+$0xFFFFFC10];
	v3 =	vadd.s32 v6, v3  }
0xab: {  	v4 =	vadd.s32 v7, v4;
	v6 =	vld [tilespmem:s13+$0xFFFFFC20]  }
0xac: {  	v7 =	vld [tilespmem:s13+$0x0];
	v5 =	vadd.s32 v9, v5  }
0xad: {  	v9 =	vld [tilespmem:s13+$0x10];
	v3 =	vadd.s32 v8, v3  }
0xae: {  	v4 =	vadd.s32 v10, v4;
	v8 =	vld [tilespmem:s13+$0x20]  }
0xaf: {  	v10 =	vld [tilespmem:s13+$0x400];
	v5 =	vadd.s32 v11, v5  }
0xb0: {  	v11 =	vld [tilespmem:s13+$0x410];
	v3 =	vadd.s32 v6, v3  }
0xb1: {  	v4 =	vadd.s32 v7, v4;
	v6 =	vld [tilespmem:s13+$0x420]  }
0xb2: {  	v7 =	vld [tilespmem:s13+$0x800];
	v5 =	vadd.s32 v9, v5  }
0xb3: {  	v9 =	vld [tilespmem:s13+$0x810];
	v3 =	vadd.s32 v8, v3  }
0xb4: {  	v4 =	vadd.s32 v10, v4;
	v8 =	vld [tilespmem:s13+$0x820]  }
0xb5: {  	v10 =	vld [tilespmem:s13+$0xC00];
	v5 =	vadd.s32 v11, v5  }
0xb6: {  	v11 =	vld [tilespmem:s13+$0xC10];
	v3 =	vadd.s32 v6, v3  }
0xb7: {  	v4 =	vadd.s32 v7, v4;
	v6 =	vld [tilespmem:s13+$0xC20]  }
0xb8: {  	v7 =	vld [tilespmem:s13+$0x1000];
	v5 =	vadd.s32 v9, v5  }
0xb9: {  	v9 =	vld [tilespmem:s13+$0x1010];
	v3 =	vadd.s32 v8, v3  }
0xba: {  	v4 =	vadd.s32 v10, v4;
	v8 =	vld [tilespmem:s13+$0x1020]  }
0xbb: {  	v10 =	vld [tilespmem:s13+$0x1400];
	v5 =	vadd.s32 v11, v5  }
0xbc: {  	v11 =	vld [tilespmem:s13+$0x1410];
	v6 =	vadd.s32 v6, v3  }
0xbd: {  	v4 =	vadd.s32 v7, v4;
	v7 =	vld [tilespmem:s13+$0x1420]  }
0xbe: {  	v12 =	vld [tilespmem:s13+$0x1800];
	v9 =	vadd.s32 v9, v5  }
.Ltmp2:
0xbf: {  	v3 =	vld [tilespmem:s13+$0x1810];
	v8 =	vadd.s32 v8, v6;
	(pc) =	sbr.rel @p0 .LBB2_6-.Ltmp2, $4  }
0xc0: {  	v10 =	vadd.s32 v10, v4;
	v4 =	vld [tilespmem:s13+$0x1820]  }
0xc1: {  	v5 =	vld [tilespmem:s13+$0x1C00];
	v9 =	vadd.s32 v11, v9  }
0xc2: {  	v6 =	vld [tilespmem:s13+$0x1C10];
	v8 =	vadd.s32 v7, v8  }
0xc3: {  	s14 =	sadd.s32 $0x40, s14;
	v10 =	vadd.s32 v12, v10;
	v7 =	vld [tilespmem:s13+$0x1C20];
	s13 =	sadd.s32 $0x40, s13  }
0xc4: {  	_ =	sdelay $0x1  }
0xc5: {  	v3 =	vadd.s32 v3, v9;
	v5 =	vadd.s32 v5, v10  }
0xc6: {  	s10 =	sadd.s32 $0x1, s10;
	v4 =	vadd.s32 v4, v8;
	[tilespmem:s11+$0xFFFFFFF0] =	vst v5;
	v3 =	vadd.s32 v6, v3  }
0xc7: {  	p0 =	sne.s32 s10, s5;
	[tilespmem:s11+$0x0] =	vst v3;
	v3 =	vadd.s32 v7, v4  }
.Ltmp3:
0xc8: {  	[tilespmem:s11+$0x10] =	vst v3;
	(pc) =	sbr.rel @p0 .LBB2_1-.Ltmp3, $4  }
0xc9: {  	[hbm4b:s4+s2] =	stream.linear.scatter [tilespmem:s8], [sflag:$0x2], $0x400, $0x38;
	[tilespmem:$0x14400] =	vst v63  }
0xca: {  	_ =	swait.ge [sflag:s9], $0x400  }
0xcb: {  	[sflag:s9] =	ssyncset.done $0x0  }
0xcc: {  	[sflag:s9] =	ssyncadd.s32 $0xFFFFFC00  }
0xcd: {  	_ =	sfence.sel $0x180000  }
0xce: {  	[bflag:$0x0] =	sbarrier.arrive $0xFFFF  }
0xcf: {  	p0 =	sne.s32 s1, $0x0;
	_ =	strace $0x90000047  }
0xd0: {  	s0 =	sadd.s32 @!p0 $0x100000, s0;
	[bflag:$0x2] =	sbarrier.arrive $0xFFFF  }
0xd1: {  	[sflag:s0] =	ssyncadd.tile.s32 @!p0 $0x1;
	_ =	shalt  }
.Lfunc_end2:
_tile_overlayer_lowered:
.L_overlay_start_2:
0xd2: {  	(tag) =	ssettag $0x2  }
0xd3: {  	s0 =	rddreg [dreg:$0x0];
	s2 =	stileid.u32  }
0xd4: {  	s1 =	rddreg [dreg:$0x1];
	p0 =	sne.s32 s2, $0x0  }
0xd5: {  	s3 =	rddreg [dreg:$0x2];
	[bflag:$0x3] =	sbarrier.arrive $0xFFFF;
	s2 =	simm.s32 @!p0 $0x1C02  }
0xd6: {  	[timem:s3], [sflag:s2] =	dma.local @!p0 [hbm:s0], s1  }
0xd7: {  	s0 =	simm.s32 @!p0 $0x2  }
0xd8: {  	_ =	swait.ge @!p0 [sflag:s0], s1  }
0xd9: {  	s1 =	ssub.s32 @!p0 $0x0, s1;
	[sflag:s0] =	ssyncset.done @!p0 $0x0  }
0xda: {  	[sflag:s0] =	ssyncadd.s32 @!p0 s1  }
0xdb: {  	[bflag:$0x3] =	sbarrier.arrive $0xFFFF  }
0xdc: {  	_ =	shalt  }

</sc_bundles>
